<compile_context>
chip_gen: v7x
topology: tpu7x:2x2x1
jax: 0.10.2.dev20260603
libtpu: 0.0.44.dev20260713+nightly
codegen_flags: <defaults>
</compile_context>

<pallas_src>
import functools

import jax
import jax.numpy as jnp
from jax import lax
from jax.experimental import pallas as pl
from jax.experimental.pallas import tpu as pltpu
from jax.experimental.pallas import tpu_sc as plsc

NUM_NODES = 1000000
D = 64
B = 16384
K = 5
NC = 2
NS = 16
NW = NC * NS
BT = B // NW
CB = 128
NCHUNK = BT // CB
L = 16


def _sc_scores_body(vert_hbm, ctx_hbm, tgt_hbm, ctxn_hbm, negt_hbm,
                    pos_out, neg_out,
                    tidx_v, cidx_v, nidx_v, vrows_v, crows_v, nrows_v,
                    psc_v, nsc_v, sem):
    wid = lax.axis_index("s") * NC + lax.axis_index("c")
    base0 = wid * BT
    lane = lax.iota(jnp.int32, L)

    for chunk in range(NCHUNK):
        base = base0 + chunk * CB
        pltpu.sync_copy(tgt_hbm.at[pl.ds(base, CB)], tidx_v)
        pltpu.sync_copy(ctxn_hbm.at[pl.ds(base, CB)], cidx_v)
        for k in range(K):
            pltpu.sync_copy(negt_hbm.at[pl.ds(k * B + base, CB)], nidx_v[k])
        cps = [pltpu.async_copy(vert_hbm.at[tidx_v], vrows_v, sem),
               pltpu.async_copy(ctx_hbm.at[cidx_v], crows_v, sem)]
        for k in range(K):
            cps.append(pltpu.async_copy(ctx_hbm.at[nidx_v[k]], nrows_v[k], sem))
        for cp in cps:
            cp.wait()

        for g in range(CB // L):
            row = g * L + lane

            def jbody(j, accs, row=row):
                col = jnp.full((L,), j, jnp.int32)
                vg = plsc.load_gather(vrows_v, [row, col])
                cg = plsc.load_gather(crows_v, [row, col])
                out = [accs[0] + vg * cg]
                for k in range(K):
                    ng = plsc.load_gather(nrows_v[k], [row, col])
                    out.append(accs[1 + k] + vg * ng)
                return tuple(out)

            zero = jnp.zeros((L,), jnp.float32)
            accs = lax.fori_loop(0, D, jbody, (zero,) * (K + 1))
            psc_v[pl.ds(g * L, L)] = accs[0]
            for k in range(K):
                nsc_v[k][pl.ds(g * L, L)] = accs[1 + k]

        pltpu.sync_copy(psc_v, pos_out.at[pl.ds(base, CB)])
        for k in range(K):
            pltpu.sync_copy(nsc_v[k], neg_out.at[pl.ds(k * B + base, CB)])


def _sc_scores(vertex_emb, context_emb, target_nodes, context_nodes, neg_t):
    mesh = plsc.VectorSubcoreMesh(core_axis_name="c", subcore_axis_name="s",
                                  num_cores=NC, num_subcores=NS)
    return pl.kernel(
        _sc_scores_body,
        out_type=(jax.ShapeDtypeStruct((B,), jnp.float32),
                  jax.ShapeDtypeStruct((K * B,), jnp.float32)),
        mesh=mesh,
        compiler_params=pltpu.CompilerParams(use_tc_tiling_on_sc=False,
                                             needs_layout_passes=False),
        scratch_types=(
            pltpu.VMEM((CB,), jnp.int32),
            pltpu.VMEM((CB,), jnp.int32),
            [pltpu.VMEM((CB,), jnp.int32) for _ in range(K)],
            pltpu.VMEM((CB, D), jnp.float32),
            pltpu.VMEM((CB, D), jnp.float32),
            [pltpu.VMEM((CB, D), jnp.float32) for _ in range(K)],
            pltpu.VMEM((CB,), jnp.float32),
            [pltpu.VMEM((CB,), jnp.float32) for _ in range(K)],
            pltpu.SemaphoreType.DMA,
        ),
    )(vertex_emb, context_emb, target_nodes, context_nodes, neg_t)


def _loss_body(pos_ref, neg_ref, out_ref):
    def logsig(x):
        return jnp.minimum(x, 0.0) - jnp.log(1.0 + jnp.exp(-jnp.abs(x)))

    total = jnp.sum(logsig(pos_ref[...])) + jnp.sum(logsig(-neg_ref[...]))
    out_ref[0, 0] = -total / B


def _tc_loss(pos_s, neg_s):
    out = pl.pallas_call(
        _loss_body,
        out_shape=jax.ShapeDtypeStruct((1, 1), jnp.float32),
        in_specs=[pl.BlockSpec(memory_space=pltpu.VMEM),
                  pl.BlockSpec(memory_space=pltpu.VMEM)],
        out_specs=pl.BlockSpec(memory_space=pltpu.SMEM),
    )(pos_s.reshape(B // 128, 128), neg_s.reshape(K * B // 128, 128))
    return out[0, 0]


@jax.jit
def kernel(vertex_emb, context_emb, target_nodes, context_nodes, neg_nodes):
    neg_t = neg_nodes.astype(jnp.int32).T.reshape(K * B)
    pos_s, neg_s = _sc_scores(vertex_emb, context_emb,
                              target_nodes.astype(jnp.int32),
                              context_nodes.astype(jnp.int32), neg_t)
    return _tc_loss(pos_s, neg_s)

# --- scband reference (transcript-rebuilt; emitter-appended) ---
"""Pipeline reference for scband-linemodel-63625645523505 (READ-ONLY COPY).

The authoritative reference and input builder live on the scoring server;
editing this copy changes nothing except your own understanding.
"""

import jax, jax.numpy as jnp
import numpy as np

NUM_NODES = 1000000
EMBED_DIM = 64
BATCH = 16384
NEG = 5

def setup_inputs(seed: int = 0) -> dict:
    key = jax.random.key(seed)
    k1, k2, k3, k4, k5 = jax.random.split(key, 5)
    vertex_emb = jax.random.normal(k1, (NUM_NODES, EMBED_DIM), dtype=jnp.float32) * 0.01
    context_emb = jax.random.normal(k2, (NUM_NODES, EMBED_DIM), dtype=jnp.float32) * 0.01
    target_nodes = jax.random.randint(k3, (BATCH,), 0, NUM_NODES)
    context_nodes = jax.random.randint(k4, (BATCH,), 0, NUM_NODES)
    neg_nodes = jax.random.randint(k5, (BATCH, NEG), 0, NUM_NODES)
    return {
        "vertex_emb": vertex_emb,
        "context_emb": context_emb,
        "target_nodes": target_nodes,
        "context_nodes": context_nodes,
        "neg_nodes": neg_nodes,
    }

def reference(vertex_emb, context_emb, target_nodes, context_nodes, neg_nodes):
    # v = vertex_embeddings(target_nodes)
    v = jnp.take(vertex_emb, target_nodes, axis=0)            # [B, D]
    # u_pos = context_embeddings(context_nodes)
    u_pos = jnp.take(context_emb, context_nodes, axis=0)       # [B, D]
    # u_neg = context_embeddings(neg_nodes)
    u_neg = jnp.take(context_emb, neg_nodes, axis=0)           # [B, K, D]
    pos_score = jnp.sum(v * u_pos, axis=1)                     # [B]
    pos_loss = jax.nn.log_sigmoid(pos_score)                   # [B]
    v_unsqueezed = v[:, None, :]                               # [B, 1, D]
    neg_score = jnp.sum(v_unsqueezed * u_neg, axis=2)          # [B, K]
    neg_loss = jnp.sum(jax.nn.log_sigmoid(-neg_score), axis=1) # [B]
    return -jnp.mean(pos_loss + neg_loss)

if __name__ == "__main__":
    import jax
    _d = setup_inputs()
    print(jax.jit(kernel)(*tuple(_d.values())))

</pallas_src>

<mosaic_0001>
#map = affine_map<(d0, d1) -> (0, 0)>
#map1 = affine_map<(d0, d1) -> (0)>
module attributes {stable_mosaic.version = 14 : i64} {
  func.func @_sc_scores_body(%arg0: i32, %arg1: i32, %arg2: memref<1000000x64xf32, #tpu.memory_space<hbm>>, %arg3: memref<1000000x64xf32, #tpu.memory_space<hbm>>, %arg4: memref<16384xi32, #tpu.memory_space<hbm>>, %arg5: memref<16384xi32, #tpu.memory_space<hbm>>, %arg6: memref<81920xi32, #tpu.memory_space<hbm>>, %arg7: memref<16384xf32, #tpu.memory_space<hbm>>, %arg8: memref<81920xf32, #tpu.memory_space<hbm>>, %arg9: memref<128xi32, #tpu.memory_space<vmem>>, %arg10: memref<128xi32, #tpu.memory_space<vmem>>, %arg11: memref<128xi32, #tpu.memory_space<vmem>>, %arg12: memref<128xi32, #tpu.memory_space<vmem>>, %arg13: memref<128xi32, #tpu.memory_space<vmem>>, %arg14: memref<128xi32, #tpu.memory_space<vmem>>, %arg15: memref<128xi32, #tpu.memory_space<vmem>>, %arg16: memref<128x64xf32, #tpu.memory_space<vmem>>, %arg17: memref<128x64xf32, #tpu.memory_space<vmem>>, %arg18: memref<128x64xf32, #tpu.memory_space<vmem>>, %arg19: memref<128x64xf32, #tpu.memory_space<vmem>>, %arg20: memref<128x64xf32, #tpu.memory_space<vmem>>, %arg21: memref<128x64xf32, #tpu.memory_space<vmem>>, %arg22: memref<128x64xf32, #tpu.memory_space<vmem>>, %arg23: memref<128xf32, #tpu.memory_space<vmem>>, %arg24: memref<128xf32, #tpu.memory_space<vmem>>, %arg25: memref<128xf32, #tpu.memory_space<vmem>>, %arg26: memref<128xf32, #tpu.memory_space<vmem>>, %arg27: memref<128xf32, #tpu.memory_space<vmem>>, %arg28: memref<128xf32, #tpu.memory_space<vmem>>, %arg29: memref<!tpu.dma_semaphore, #tpu.memory_space<semaphore_mem>>) attributes {dimension_semantics = [#tpu.dimension_semantics<core_parallel>, #tpu.dimension_semantics<subcore_parallel>], iteration_bounds = array<i64: 2, 16>, scalar_prefetch = 0 : i64, scratch_operands = 21 : i64, tpu.core_type = #tpu.core_type<sc_vector_subcore>, window_params = [{transform_indices = #map}, {transform_indices = #map}, {transform_indices = #map1}, {transform_indices = #map1}, {transform_indices = #map1}, {transform_indices = #map1}, {transform_indices = #map1}]} {
    %mul3A = arith.constant 2 : i32
    %mul3A_0 = arith.muli %arg1, %mul3A : i32
    %add3A = arith.addi %mul3A_0, %arg0 : i32
    %mul3A_1 = arith.constant 512 : i32
    %mul3A_2 = arith.muli %add3A, %mul3A_1 : i32
    %iota3A = tpu.iota {dimensions = array<i32: 0>} : vector<16xi32>
    %add3A_3 = arith.constant 0 : i32
    %add3A_4 = arith.addi %mul3A_2, %add3A_3 : i32
    "tpu.region"() ({
      %run_scoped3A = tpu.sem_alloc : memref<!tpu.dma_semaphore, #tpu.memory_space<semaphore_mem>>
      %dma_start3A_990 = tpu.memref_slice %arg4[%add3A_4] : memref<16384xi32, #tpu.memory_space<hbm>> -> memref<128xi32, #tpu.memory_space<hbm>>
      %dma_start3A_991 = tpu.memref_slice %arg4[%add3A_4] : memref<16384xi32, #tpu.memory_space<hbm>> -> memref<128xi32, #tpu.memory_space<hbm>>
      tpu.enqueue_dma source(%dma_start3A_991 : memref<128xi32, #tpu.memory_space<hbm>>) target(%arg9 : memref<128xi32, #tpu.memory_space<vmem>>) target_semaphore(%run_scoped3A : memref<!tpu.dma_semaphore, #tpu.memory_space<semaphore_mem>>)
      %dma_wait3A_992 = tpu.memref_slice %arg4[%add3A_4] : memref<16384xi32, #tpu.memory_space<hbm>> -> memref<128xi32, #tpu.memory_space<hbm>>
      %dma_wait3A_993 = tpu.memref_slice %arg4[%add3A_4] : memref<16384xi32, #tpu.memory_space<hbm>> -> memref<128xi32, #tpu.memory_space<hbm>>
      tpu.wait_dma2 semaphore(%run_scoped3A : memref<!tpu.dma_semaphore, #tpu.memory_space<semaphore_mem>>) src(%dma_wait3A_993 : memref<128xi32, #tpu.memory_space<hbm>>) dst(%arg9 : memref<128xi32, #tpu.memory_space<vmem>>)
      tpu.yield
    }) : () -> ()
    "tpu.region"() ({
      %run_scoped3A = tpu.sem_alloc : memref<!tpu.dma_semaphore, #tpu.memory_space<semaphore_mem>>
      %dma_start3A_990 = tpu.memref_slice %arg5[%add3A_4] : memref<16384xi32, #tpu.memory_space<hbm>> -> memref<128xi32, #tpu.memory_space<hbm>>
      %dma_start3A_991 = tpu.memref_slice %arg5[%add3A_4] : memref<16384xi32, #tpu.memory_space<hbm>> -> memref<128xi32, #tpu.memory_space<hbm>>
      tpu.enqueue_dma source(%dma_start3A_991 : memref<128xi32, #tpu.memory_space<hbm>>) target(%arg10 : memref<128xi32, #tpu.memory_space<vmem>>) target_semaphore(%run_scoped3A : memref<!tpu.dma_semaphore, #tpu.memory_space<semaphore_mem>>)
      %dma_wait3A_992 = tpu.memref_slice %arg5[%add3A_4] : memref<16384xi32, #tpu.memory_space<hbm>> -> memref<128xi32, #tpu.memory_space<hbm>>
      %dma_wait3A_993 = tpu.memref_slice %arg5[%add3A_4] : memref<16384xi32, #tpu.memory_space<hbm>> -> memref<128xi32, #tpu.memory_space<hbm>>
      tpu.wait_dma2 semaphore(%run_scoped3A : memref<!tpu.dma_semaphore, #tpu.memory_space<semaphore_mem>>) src(%dma_wait3A_993 : memref<128xi32, #tpu.memory_space<hbm>>) dst(%arg10 : memref<128xi32, #tpu.memory_space<vmem>>)
      tpu.yield
    }) : () -> ()
    %add3A_5 = arith.constant 0 : i32
    %add3A_6 = arith.addi %add3A_5, %add3A_4 : i32
    "tpu.region"() ({
      %run_scoped3A = tpu.sem_alloc : memref<!tpu.dma_semaphore, #tpu.memory_space<semaphore_mem>>
      %dma_start3A_990 = tpu.memref_slice %arg6[%add3A_6] : memref<81920xi32, #tpu.memory_space<hbm>> -> memref<128xi32, #tpu.memory_space<hbm>>
      %dma_start3A_991 = tpu.memref_slice %arg6[%add3A_6] : memref<81920xi32, #tpu.memory_space<hbm>> -> memref<128xi32, #tpu.memory_space<hbm>>
      tpu.enqueue_dma source(%dma_start3A_991 : memref<128xi32, #tpu.memory_space<hbm>>) target(%arg11 : memref<128xi32, #tpu.memory_space<vmem>>) target_semaphore(%run_scoped3A : memref<!tpu.dma_semaphore, #tpu.memory_space<semaphore_mem>>)
      %dma_wait3A_992 = tpu.memref_slice %arg6[%add3A_6] : memref<81920xi32, #tpu.memory_space<hbm>> -> memref<128xi32, #tpu.memory_space<hbm>>
      %dma_wait3A_993 = tpu.memref_slice %arg6[%add3A_6] : memref<81920xi32, #tpu.memory_space<hbm>> -> memref<128xi32, #tpu.memory_space<hbm>>
      tpu.wait_dma2 semaphore(%run_scoped3A : memref<!tpu.dma_semaphore, #tpu.memory_space<semaphore_mem>>) src(%dma_wait3A_993 : memref<128xi32, #tpu.memory_space<hbm>>) dst(%arg11 : memref<128xi32, #tpu.memory_space<vmem>>)
      tpu.yield
    }) : () -> ()
    %add3A_7 = arith.constant 16384 : i32
    %add3A_8 = arith.addi %add3A_7, %add3A_4 : i32
    "tpu.region"() ({
      %run_scoped3A = tpu.sem_alloc : memref<!tpu.dma_semaphore, #tpu.memory_space<semaphore_mem>>
      %dma_start3A_990 = tpu.memref_slice %arg6[%add3A_8] : memref<81920xi32, #tpu.memory_space<hbm>> -> memref<128xi32, #tpu.memory_space<hbm>>
      %dma_start3A_991 = tpu.memref_slice %arg6[%add3A_8] : memref<81920xi32, #tpu.memory_space<hbm>> -> memref<128xi32, #tpu.memory_space<hbm>>
      tpu.enqueue_dma source(%dma_start3A_991 : memref<128xi32, #tpu.memory_space<hbm>>) target(%arg12 : memref<128xi32, #tpu.memory_space<vmem>>) target_semaphore(%run_scoped3A : memref<!tpu.dma_semaphore, #tpu.memory_space<semaphore_mem>>)
      %dma_wait3A_992 = tpu.memref_slice %arg6[%add3A_8] : memref<81920xi32, #tpu.memory_space<hbm>> -> memref<128xi32, #tpu.memory_space<hbm>>
      %dma_wait3A_993 = tpu.memref_slice %arg6[%add3A_8] : memref<81920xi32, #tpu.memory_space<hbm>> -> memref<128xi32, #tpu.memory_space<hbm>>
      tpu.wait_dma2 semaphore(%run_scoped3A : memref<!tpu.dma_semaphore, #tpu.memory_space<semaphore_mem>>) src(%dma_wait3A_993 : memref<128xi32, #tpu.memory_space<hbm>>) dst(%arg12 : memref<128xi32, #tpu.memory_space<vmem>>)
      tpu.yield
    }) : () -> ()
    %add3A_9 = arith.constant 32768 : i32
    %add3A_10 = arith.addi %add3A_9, %add3A_4 : i32
    "tpu.region"() ({
      %run_scoped3A = tpu.sem_alloc : memref<!tpu.dma_semaphore, #tpu.memory_space<semaphore_mem>>
      %dma_start3A_990 = tpu.memref_slice %arg6[%add3A_10] : memref<81920xi32, #tpu.memory_space<hbm>> -> memref<128xi32, #tpu.memory_space<hbm>>
      %dma_start3A_991 = tpu.memref_slice %arg6[%add3A_10] : memref<81920xi32, #tpu.memory_space<hbm>> -> memref<128xi32, #tpu.memory_space<hbm>>
      tpu.enqueue_dma source(%dma_start3A_991 : memref<128xi32, #tpu.memory_space<hbm>>) target(%arg13 : memref<128xi32, #tpu.memory_space<vmem>>) target_semaphore(%run_scoped3A : memref<!tpu.dma_semaphore, #tpu.memory_space<semaphore_mem>>)
      %dma_wait3A_992 = tpu.memref_slice %arg6[%add3A_10] : memref<81920xi32, #tpu.memory_space<hbm>> -> memref<128xi32, #tpu.memory_space<hbm>>
      %dma_wait3A_993 = tpu.memref_slice %arg6[%add3A_10] : memref<81920xi32, #tpu.memory_space<hbm>> -> memref<128xi32, #tpu.memory_space<hbm>>
      tpu.wait_dma2 semaphore(%run_scoped3A : memref<!tpu.dma_semaphore, #tpu.memory_space<semaphore_mem>>) src(%dma_wait3A_993 : memref<128xi32, #tpu.memory_space<hbm>>) dst(%arg13 : memref<128xi32, #tpu.memory_space<vmem>>)
      tpu.yield
    }) : () -> ()
    %add3A_11 = arith.constant 49152 : i32
    %add3A_12 = arith.addi %add3A_11, %add3A_4 : i32
    "tpu.region"() ({
      %run_scoped3A = tpu.sem_alloc : memref<!tpu.dma_semaphore, #tpu.memory_space<semaphore_mem>>
      %dma_start3A_990 = tpu.memref_slice %arg6[%add3A_12] : memref<81920xi32, #tpu.memory_space<hbm>> -> memref<128xi32, #tpu.memory_space<hbm>>
      %dma_start3A_991 = tpu.memref_slice %arg6[%add3A_12] : memref<81920xi32, #tpu.memory_space<hbm>> -> memref<128xi32, #tpu.memory_space<hbm>>
      tpu.enqueue_dma source(%dma_start3A_991 : memref<128xi32, #tpu.memory_space<hbm>>) target(%arg14 : memref<128xi32, #tpu.memory_space<vmem>>) target_semaphore(%run_scoped3A : memref<!tpu.dma_semaphore, #tpu.memory_space<semaphore_mem>>)
      %dma_wait3A_992 = tpu.memref_slice %arg6[%add3A_12] : memref<81920xi32, #tpu.memory_space<hbm>> -> memref<128xi32, #tpu.memory_space<hbm>>
      %dma_wait3A_993 = tpu.memref_slice %arg6[%add3A_12] : memref<81920xi32, #tpu.memory_space<hbm>> -> memref<128xi32, #tpu.memory_space<hbm>>
      tpu.wait_dma2 semaphore(%run_scoped3A : memref<!tpu.dma_semaphore, #tpu.memory_space<semaphore_mem>>) src(%dma_wait3A_993 : memref<128xi32, #tpu.memory_space<hbm>>) dst(%arg14 : memref<128xi32, #tpu.memory_space<vmem>>)
      tpu.yield
    }) : () -> ()
    %add3A_13 = arith.constant 65536 : i32
    %add3A_14 = arith.addi %add3A_13, %add3A_4 : i32
    "tpu.region"() ({
      %run_scoped3A = tpu.sem_alloc : memref<!tpu.dma_semaphore, #tpu.memory_space<semaphore_mem>>
      %dma_start3A_990 = tpu.memref_slice %arg6[%add3A_14] : memref<81920xi32, #tpu.memory_space<hbm>> -> memref<128xi32, #tpu.memory_space<hbm>>
      %dma_start3A_991 = tpu.memref_slice %arg6[%add3A_14] : memref<81920xi32, #tpu.memory_space<hbm>> -> memref<128xi32, #tpu.memory_space<hbm>>
      tpu.enqueue_dma source(%dma_start3A_991 : memref<128xi32, #tpu.memory_space<hbm>>) target(%arg15 : memref<128xi32, #tpu.memory_space<vmem>>) target_semaphore(%run_scoped3A : memref<!tpu.dma_semaphore, #tpu.memory_space<semaphore_mem>>)
      %dma_wait3A_992 = tpu.memref_slice %arg6[%add3A_14] : memref<81920xi32, #tpu.memory_space<hbm>> -> memref<128xi32, #tpu.memory_space<hbm>>
      %dma_wait3A_993 = tpu.memref_slice %arg6[%add3A_14] : memref<81920xi32, #tpu.memory_space<hbm>> -> memref<128xi32, #tpu.memory_space<hbm>>
      tpu.wait_dma2 semaphore(%run_scoped3A : memref<!tpu.dma_semaphore, #tpu.memory_space<semaphore_mem>>) src(%dma_wait3A_993 : memref<128xi32, #tpu.memory_space<hbm>>) dst(%arg15 : memref<128xi32, #tpu.memory_space<vmem>>)
      tpu.yield
    }) : () -> ()
    %dma_start3A = arith.constant 0 : i32
    %dma_start3A_15 = arith.constant 0 : i32
    %dma_start3A_16 = tpu.memref_slice %arg2[%dma_start3A, %dma_start3A_15] : memref<1000000x64xf32, #tpu.memory_space<hbm>> -> memref<1000000x64xf32, #tpu.memory_space<hbm>>
    tpu.enqueue_indirect_dma source(%dma_start3A_16 : memref<1000000x64xf32, #tpu.memory_space<hbm>>) target(%arg16 : memref<128x64xf32, #tpu.memory_space<vmem>>) offsets(%arg9 : memref<128xi32, #tpu.memory_space<vmem>>) semaphore(%arg29 : memref<!tpu.dma_semaphore, #tpu.memory_space<semaphore_mem>>)
    %dma_start3A_17 = arith.constant 0 : i32
    %dma_start3A_18 = arith.constant 0 : i32
    %dma_start3A_19 = tpu.memref_slice %arg3[%dma_start3A_17, %dma_start3A_18] : memref<1000000x64xf32, #tpu.memory_space<hbm>> -> memref<1000000x64xf32, #tpu.memory_space<hbm>>
    tpu.enqueue_indirect_dma source(%dma_start3A_19 : memref<1000000x64xf32, #tpu.memory_space<hbm>>) target(%arg17 : memref<128x64xf32, #tpu.memory_space<vmem>>) offsets(%arg10 : memref<128xi32, #tpu.memory_space<vmem>>) semaphore(%arg29 : memref<!tpu.dma_semaphore, #tpu.memory_space<semaphore_mem>>)
    %dma_start3A_20 = arith.constant 0 : i32
    %dma_start3A_21 = arith.constant 0 : i32
    %dma_start3A_22 = tpu.memref_slice %arg3[%dma_start3A_20, %dma_start3A_21] : memref<1000000x64xf32, #tpu.memory_space<hbm>> -> memref<1000000x64xf32, #tpu.memory_space<hbm>>
    tpu.enqueue_indirect_dma source(%dma_start3A_22 : memref<1000000x64xf32, #tpu.memory_space<hbm>>) target(%arg18 : memref<128x64xf32, #tpu.memory_space<vmem>>) offsets(%arg11 : memref<128xi32, #tpu.memory_space<vmem>>) semaphore(%arg29 : memref<!tpu.dma_semaphore, #tpu.memory_space<semaphore_mem>>)
    %dma_start3A_23 = arith.constant 0 : i32
    %dma_start3A_24 = arith.constant 0 : i32
    %dma_start3A_25 = tpu.memref_slice %arg3[%dma_start3A_23, %dma_start3A_24] : memref<1000000x64xf32, #tpu.memory_space<hbm>> -> memref<1000000x64xf32, #tpu.memory_space<hbm>>
    tpu.enqueue_indirect_dma source(%dma_start3A_25 : memref<1000000x64xf32, #tpu.memory_space<hbm>>) target(%arg19 : memref<128x64xf32, #tpu.memory_space<vmem>>) offsets(%arg12 : memref<128xi32, #tpu.memory_space<vmem>>) semaphore(%arg29 : memref<!tpu.dma_semaphore, #tpu.memory_space<semaphore_mem>>)
    %dma_start3A_26 = arith.constant 0 : i32
    %dma_start3A_27 = arith.constant 0 : i32
    %dma_start3A_28 = tpu.memref_slice %arg3[%dma_start3A_26, %dma_start3A_27] : memref<1000000x64xf32, #tpu.memory_space<hbm>> -> memref<1000000x64xf32, #tpu.memory_space<hbm>>
    tpu.enqueue_indirect_dma source(%dma_start3A_28 : memref<1000000x64xf32, #tpu.memory_space<hbm>>) target(%arg20 : memref<128x64xf32, #tpu.memory_space<vmem>>) offsets(%arg13 : memref<128xi32, #tpu.memory_space<vmem>>) semaphore(%arg29 : memref<!tpu.dma_semaphore, #tpu.memory_space<semaphore_mem>>)
    %dma_start3A_29 = arith.constant 0 : i32
    %dma_start3A_30 = arith.constant 0 : i32
    %dma_start3A_31 = tpu.memref_slice %arg3[%dma_start3A_29, %dma_start3A_30] : memref<1000000x64xf32, #tpu.memory_space<hbm>> -> memref<1000000x64xf32, #tpu.memory_space<hbm>>
    tpu.enqueue_indirect_dma source(%dma_start3A_31 : memref<1000000x64xf32, #tpu.memory_space<hbm>>) target(%arg21 : memref<128x64xf32, #tpu.memory_space<vmem>>) offsets(%arg14 : memref<128xi32, #tpu.memory_space<vmem>>) semaphore(%arg29 : memref<!tpu.dma_semaphore, #tpu.memory_space<semaphore_mem>>)
    %dma_start3A_32 = arith.constant 0 : i32
    %dma_start3A_33 = arith.constant 0 : i32
    %dma_start3A_34 = tpu.memref_slice %arg3[%dma_start3A_32, %dma_start3A_33] : memref<1000000x64xf32, #tpu.memory_space<hbm>> -> memref<1000000x64xf32, #tpu.memory_space<hbm>>
    tpu.enqueue_indirect_dma source(%dma_start3A_34 : memref<1000000x64xf32, #tpu.memory_space<hbm>>) target(%arg22 : memref<128x64xf32, #tpu.memory_space<vmem>>) offsets(%arg15 : memref<128xi32, #tpu.memory_space<vmem>>) semaphore(%arg29 : memref<!tpu.dma_semaphore, #tpu.memory_space<semaphore_mem>>)
    %dma_wait3A = arith.constant 0 : i32
    %dma_wait3A_35 = arith.constant 0 : i32
    %dma_wait3A_36 = tpu.memref_slice %arg2[%dma_wait3A, %dma_wait3A_35] : memref<1000000x64xf32, #tpu.memory_space<hbm>> -> memref<1000000x64xf32, #tpu.memory_space<hbm>>
    tpu.wait_indirect_dma semaphore(%arg29 : memref<!tpu.dma_semaphore, #tpu.memory_space<semaphore_mem>>) src(%dma_wait3A_36 : memref<1000000x64xf32, #tpu.memory_space<hbm>>) dst(%arg16 : memref<128x64xf32, #tpu.memory_space<vmem>>)
    %dma_wait3A_37 = arith.constant 0 : i32
    %dma_wait3A_38 = arith.constant 0 : i32
    %dma_wait3A_39 = tpu.memref_slice %arg3[%dma_wait3A_37, %dma_wait3A_38] : memref<1000000x64xf32, #tpu.memory_space<hbm>> -> memref<1000000x64xf32, #tpu.memory_space<hbm>>
    tpu.wait_indirect_dma semaphore(%arg29 : memref<!tpu.dma_semaphore, #tpu.memory_space<semaphore_mem>>) src(%dma_wait3A_39 : memref<1000000x64xf32, #tpu.memory_space<hbm>>) dst(%arg17 : memref<128x64xf32, #tpu.memory_space<vmem>>)
    %dma_wait3A_40 = arith.constant 0 : i32
    %dma_wait3A_41 = arith.constant 0 : i32
    %dma_wait3A_42 = tpu.memref_slice %arg3[%dma_wait3A_40, %dma_wait3A_41] : memref<1000000x64xf32, #tpu.memory_space<hbm>> -> memref<1000000x64xf32, #tpu.memory_space<hbm>>
    tpu.wait_indirect_dma semaphore(%arg29 : memref<!tpu.dma_semaphore, #tpu.memory_space<semaphore_mem>>) src(%dma_wait3A_42 : memref<1000000x64xf32, #tpu.memory_space<hbm>>) dst(%arg18 : memref<128x64xf32, #tpu.memory_space<vmem>>)
    %dma_wait3A_43 = arith.constant 0 : i32
    %dma_wait3A_44 = arith.constant 0 : i32
    %dma_wait3A_45 = tpu.memref_slice %arg3[%dma_wait3A_43, %dma_wait3A_44] : memref<1000000x64xf32, #tpu.memory_space<hbm>> -> memref<1000000x64xf32, #tpu.memory_space<hbm>>
    tpu.wait_indirect_dma semaphore(%arg29 : memref<!tpu.dma_semaphore, #tpu.memory_space<semaphore_mem>>) src(%dma_wait3A_45 : memref<1000000x64xf32, #tpu.memory_space<hbm>>) dst(%arg19 : memref<128x64xf32, #tpu.memory_space<vmem>>)
    %dma_wait3A_46 = arith.constant 0 : i32
    %dma_wait3A_47 = arith.constant 0 : i32
    %dma_wait3A_48 = tpu.memref_slice %arg3[%dma_wait3A_46, %dma_wait3A_47] : memref<1000000x64xf32, #tpu.memory_space<hbm>> -> memref<1000000x64xf32, #tpu.memory_space<hbm>>
    tpu.wait_indirect_dma semaphore(%arg29 : memref<!tpu.dma_semaphore, #tpu.memory_space<semaphore_mem>>) src(%dma_wait3A_48 : memref<1000000x64xf32, #tpu.memory_space<hbm>>) dst(%arg20 : memref<128x64xf32, #tpu.memory_space<vmem>>)
    %dma_wait3A_49 = arith.constant 0 : i32
    %dma_wait3A_50 = arith.constant 0 : i32
    %dma_wait3A_51 = tpu.memref_slice %arg3[%dma_wait3A_49, %dma_wait3A_50] : memref<1000000x64xf32, #tpu.memory_space<hbm>> -> memref<1000000x64xf32, #tpu.memory_space<hbm>>
    tpu.wait_indirect_dma semaphore(%arg29 : memref<!tpu.dma_semaphore, #tpu.memory_space<semaphore_mem>>) src(%dma_wait3A_51 : memref<1000000x64xf32, #tpu.memory_space<hbm>>) dst(%arg21 : memref<128x64xf32, #tpu.memory_space<vmem>>)
    %dma_wait3A_52 = arith.constant 0 : i32
    %dma_wait3A_53 = arith.constant 0 : i32
    %dma_wait3A_54 = tpu.memref_slice %arg3[%dma_wait3A_52, %dma_wait3A_53] : memref<1000000x64xf32, #tpu.memory_space<hbm>> -> memref<1000000x64xf32, #tpu.memory_space<hbm>>
    tpu.wait_indirect_dma semaphore(%arg29 : memref<!tpu.dma_semaphore, #tpu.memory_space<semaphore_mem>>) src(%dma_wait3A_54 : memref<1000000x64xf32, #tpu.memory_space<hbm>>) dst(%arg22 : memref<128x64xf32, #tpu.memory_space<vmem>>)
    %add3A_55 = arith.constant 0 : i32
    %add3A_56 = vector.broadcast %add3A_55 : i32 to vector<16xi32>
    %add3A_57 = arith.addi %add3A_56, %iota3A : vector<16xi32>
    %broadcast_in_dim3A = arith.constant 0.000000e+00 : f32
    %broadcast_in_dim3A_58 = vector.broadcast %broadcast_in_dim3A : f32 to vector<16xf32>
    %scan3A = arith.constant 0 : i32
    %scan3A_59 = arith.constant 64 : i32
    %scan3A_60 = arith.addi %scan3A, %scan3A_59 : i32
    %scan3A_61 = arith.constant 1 : i32
    %scan3A_62:6 = scf.for %scan3A_990 = %scan3A to %scan3A_60 step %scan3A_61 iter_args(%scan3A_991 = %broadcast_in_dim3A_58, %scan3A_992 = %broadcast_in_dim3A_58, %scan3A_993 = %broadcast_in_dim3A_58, %scan3A_994 = %broadcast_in_dim3A_58, %scan3A_995 = %broadcast_in_dim3A_58, %scan3A_996 = %broadcast_in_dim3A_58) -> (vector<16xf32>, vector<16xf32>, vector<16xf32>, vector<16xf32>, vector<16xf32>, vector<16xf32>)  : i32 {
      %broadcast_in_dim3A_997 = vector.broadcast %scan3A_990 : i32 to vector<16xi32>
      %gather3A = tpu.vector_load_idx %arg16[%add3A_57, %broadcast_in_dim3A_997] : memref<128x64xf32, #tpu.memory_space<vmem>>[vector<16xi32>, vector<16xi32>], vector<16xf32>,
      %gather3A_998 = tpu.vector_load_idx %arg17[%add3A_57, %broadcast_in_dim3A_997] : memref<128x64xf32, #tpu.memory_space<vmem>>[vector<16xi32>, vector<16xi32>], vector<16xf32>,
      %mul3A_999 = arith.mulf %gather3A, %gather3A_998 : vector<16xf32>
      %add3A_1000 = arith.addf %scan3A_991, %mul3A_999 : vector<16xf32>
      %gather3A_1001 = tpu.vector_load_idx %arg18[%add3A_57, %broadcast_in_dim3A_997] : memref<128x64xf32, #tpu.memory_space<vmem>>[vector<16xi32>, vector<16xi32>], vector<16xf32>,
      %mul3A_1002 = arith.mulf %gather3A, %gather3A_1001 : vector<16xf32>
      %add3A_1003 = arith.addf %scan3A_992, %mul3A_1002 : vector<16xf32>
      %gather3A_1004 = tpu.vector_load_idx %arg19[%add3A_57, %broadcast_in_dim3A_997] : memref<128x64xf32, #tpu.memory_space<vmem>>[vector<16xi32>, vector<16xi32>], vector<16xf32>,
      %mul3A_1005 = arith.mulf %gather3A, %gather3A_1004 : vector<16xf32>
      %add3A_1006 = arith.addf %scan3A_993, %mul3A_1005 : vector<16xf32>
      %gather3A_1007 = tpu.vector_load_idx %arg20[%add3A_57, %broadcast_in_dim3A_997] : memref<128x64xf32, #tpu.memory_space<vmem>>[vector<16xi32>, vector<16xi32>], vector<16xf32>,
      %mul3A_1008 = arith.mulf %gather3A, %gather3A_1007 : vector<16xf32>
      %add3A_1009 = arith.addf %scan3A_994, %mul3A_1008 : vector<16xf32>
      %gather3A_1010 = tpu.vector_load_idx %arg21[%add3A_57, %broadcast_in_dim3A_997] : memref<128x64xf32, #tpu.memory_space<vmem>>[vector<16xi32>, vector<16xi32>], vector<16xf32>,
      %mul3A_1011 = arith.mulf %gather3A, %gather3A_1010 : vector<16xf32>
      %add3A_1012 = arith.addf %scan3A_995, %mul3A_1011 : vector<16xf32>
      %gather3A_1013 = tpu.vector_load_idx %arg22[%add3A_57, %broadcast_in_dim3A_997] : memref<128x64xf32, #tpu.memory_space<vmem>>[vector<16xi32>, vector<16xi32>], vector<16xf32>,
      %mul3A_1014 = arith.mulf %gather3A, %gather3A_1013 : vector<16xf32>
      %add3A_1015 = arith.addf %scan3A_996, %mul3A_1014 : vector<16xf32>
      scf.yield %add3A_1000, %add3A_1003, %add3A_1006, %add3A_1009, %add3A_1012, %add3A_1015 : vector<16xf32>, vector<16xf32>, vector<16xf32>, vector<16xf32>, vector<16xf32>, vector<16xf32>
    }
    %scan3A_63 = arith.constant 64 : i32
    %swap3A = arith.constant 0 : index
    %swap3A_64 = tpu.vector_load %arg23[%swap3A] {strides = array<i32>} : memref<128xf32, #tpu.memory_space<vmem>>, vector<16xf32>,
    tpu.vector_store %arg23[%swap3A], %scan3A_62#0 {strides = array<i32>} : memref<128xf32, #tpu.memory_space<vmem>>, vector<16xf32>,
    %swap3A_65 = arith.constant 0 : index
    %swap3A_66 = tpu.vector_load %arg24[%swap3A_65] {strides = array<i32>} : memref<128xf32, #tpu.memory_space<vmem>>, vector<16xf32>,
    tpu.vector_store %arg24[%swap3A_65], %scan3A_62#1 {strides = array<i32>} : memref<128xf32, #tpu.memory_space<vmem>>, vector<16xf32>,
    %swap3A_67 = arith.constant 0 : index
    %swap3A_68 = tpu.vector_load %arg25[%swap3A_67] {strides = array<i32>} : memref<128xf32, #tpu.memory_space<vmem>>, vector<16xf32>,
    tpu.vector_store %arg25[%swap3A_67], %scan3A_62#2 {strides = array<i32>} : memref<128xf32, #tpu.memory_space<vmem>>, vector<16xf32>,
    %swap3A_69 = arith.constant 0 : index
    %swap3A_70 = tpu.vector_load %arg26[%swap3A_69] {strides = array<i32>} : memref<128xf32, #tpu.memory_space<vmem>>, vector<16xf32>,
    tpu.vector_store %arg26[%swap3A_69], %scan3A_62#3 {strides = array<i32>} : memref<128xf32, #tpu.memory_space<vmem>>, vector<16xf32>,
    %swap3A_71 = arith.constant 0 : index
    %swap3A_72 = tpu.vector_load %arg27[%swap3A_71] {strides = array<i32>} : memref<128xf32, #tpu.memory_space<vmem>>, vector<16xf32>,
    tpu.vector_store %arg27[%swap3A_71], %scan3A_62#4 {strides = array<i32>} : memref<128xf32, #tpu.memory_space<vmem>>, vector<16xf32>,
    %swap3A_73 = arith.constant 0 : index
    %swap3A_74 = tpu.vector_load %arg28[%swap3A_73] {strides = array<i32>} : memref<128xf32, #tpu.memory_space<vmem>>, vector<16xf32>,
    tpu.vector_store %arg28[%swap3A_73], %scan3A_62#5 {strides = array<i32>} : memref<128xf32, #tpu.memory_space<vmem>>, vector<16xf32>,
    %add3A_75 = arith.constant 16 : i32
    %add3A_76 = vector.broadcast %add3A_75 : i32 to vector<16xi32>
    %add3A_77 = arith.addi %add3A_76, %iota3A : vector<16xi32>
    %broadcast_in_dim3A_78 = arith.constant 0.000000e+00 : f32
    %broadcast_in_dim3A_79 = vector.broadcast %broadcast_in_dim3A_78 : f32 to vector<16xf32>
    %scan3A_80 = arith.constant 0 : i32
    %scan3A_81 = arith.constant 64 : i32
    %scan3A_82 = arith.addi %scan3A_80, %scan3A_81 : i32
    %scan3A_83 = arith.constant 1 : i32
    %scan3A_84:6 = scf.for %scan3A_990 = %scan3A_80 to %scan3A_82 step %scan3A_83 iter_args(%scan3A_991 = %broadcast_in_dim3A_79, %scan3A_992 = %broadcast_in_dim3A_79, %scan3A_993 = %broadcast_in_dim3A_79, %scan3A_994 = %broadcast_in_dim3A_79, %scan3A_995 = %broadcast_in_dim3A_79, %scan3A_996 = %broadcast_in_dim3A_79) -> (vector<16xf32>, vector<16xf32>, vector<16xf32>, vector<16xf32>, vector<16xf32>, vector<16xf32>)  : i32 {
      %broadcast_in_dim3A_997 = vector.broadcast %scan3A_990 : i32 to vector<16xi32>
      %gather3A = tpu.vector_load_idx %arg16[%add3A_77, %broadcast_in_dim3A_997] : memref<128x64xf32, #tpu.memory_space<vmem>>[vector<16xi32>, vector<16xi32>], vector<16xf32>,
      %gather3A_998 = tpu.vector_load_idx %arg17[%add3A_77, %broadcast_in_dim3A_997] : memref<128x64xf32, #tpu.memory_space<vmem>>[vector<16xi32>, vector<16xi32>], vector<16xf32>,
      %mul3A_999 = arith.mulf %gather3A, %gather3A_998 : vector<16xf32>
      %add3A_1000 = arith.addf %scan3A_991, %mul3A_999 : vector<16xf32>
      %gather3A_1001 = tpu.vector_load_idx %arg18[%add3A_77, %broadcast_in_dim3A_997] : memref<128x64xf32, #tpu.memory_space<vmem>>[vector<16xi32>, vector<16xi32>], vector<16xf32>,
      %mul3A_1002 = arith.mulf %gather3A, %gather3A_1001 : vector<16xf32>
      %add3A_1003 = arith.addf %scan3A_992, %mul3A_1002 : vector<16xf32>
      %gather3A_1004 = tpu.vector_load_idx %arg19[%add3A_77, %broadcast_in_dim3A_997] : memref<128x64xf32, #tpu.memory_space<vmem>>[vector<16xi32>, vector<16xi32>], vector<16xf32>,
      %mul3A_1005 = arith.mulf %gather3A, %gather3A_1004 : vector<16xf32>
      %add3A_1006 = arith.addf %scan3A_993, %mul3A_1005 : vector<16xf32>
      %gather3A_1007 = tpu.vector_load_idx %arg20[%add3A_77, %broadcast_in_dim3A_997] : memref<128x64xf32, #tpu.memory_space<vmem>>[vector<16xi32>, vector<16xi32>], vector<16xf32>,
      %mul3A_1008 = arith.mulf %gather3A, %gather3A_1007 : vector<16xf32>
      %add3A_1009 = arith.addf %scan3A_994, %mul3A_1008 : vector<16xf32>
      %gather3A_1010 = tpu.vector_load_idx %arg21[%add3A_77, %broadcast_in_dim3A_997] : memref<128x64xf32, #tpu.memory_space<vmem>>[vector<16xi32>, vector<16xi32>], vector<16xf32>,
      %mul3A_1011 = arith.mulf %gather3A, %gather3A_1010 : vector<16xf32>
      %add3A_1012 = arith.addf %scan3A_995, %mul3A_1011 : vector<16xf32>
      %gather3A_1013 = tpu.vector_load_idx %arg22[%add3A_77, %broadcast_in_dim3A_997] : memref<128x64xf32, #tpu.memory_space<vmem>>[vector<16xi32>, vector<16xi32>], vector<16xf32>,
      %mul3A_1014 = arith.mulf %gather3A, %gather3A_1013 : vector<16xf32>
      %add3A_1015 = arith.addf %scan3A_996, %mul3A_1014 : vector<16xf32>
      scf.yield %add3A_1000, %add3A_1003, %add3A_1006, %add3A_1009, %add3A_1012, %add3A_1015 : vector<16xf32>, vector<16xf32>, vector<16xf32>, vector<16xf32>, vector<16xf32>, vector<16xf32>
    }
    %scan3A_85 = arith.constant 64 : i32
    %swap3A_86 = arith.constant 16 : index
    %swap3A_87 = tpu.vector_load %arg23[%swap3A_86] {strides = array<i32>} : memref<128xf32, #tpu.memory_space<vmem>>, vector<16xf32>,
    tpu.vector_store %arg23[%swap3A_86], %scan3A_84#0 {strides = array<i32>} : memref<128xf32, #tpu.memory_space<vmem>>, vector<16xf32>,
    %swap3A_88 = arith.constant 16 : index
    %swap3A_89 = tpu.vector_load %arg24[%swap3A_88] {strides = array<i32>} : memref<128xf32, #tpu.memory_space<vmem>>, vector<16xf32>,
    tpu.vector_store %arg24[%swap3A_88], %scan3A_84#1 {strides = array<i32>} : memref<128xf32, #tpu.memory_space<vmem>>, vector<16xf32>,
    %swap3A_90 = arith.constant 16 : index
    %swap3A_91 = tpu.vector_load %arg25[%swap3A_90] {strides = array<i32>} : memref<128xf32, #tpu.memory_space<vmem>>, vector<16xf32>,
    tpu.vector_store %arg25[%swap3A_90], %scan3A_84#2 {strides = array<i32>} : memref<128xf32, #tpu.memory_space<vmem>>, vector<16xf32>,
    %swap3A_92 = arith.constant 16 : index
    %swap3A_93 = tpu.vector_load %arg26[%swap3A_92] {strides = array<i32>} : memref<128xf32, #tpu.memory_space<vmem>>, vector<16xf32>,
    tpu.vector_store %arg26[%swap3A_92], %scan3A_84#3 {strides = array<i32>} : memref<128xf32, #tpu.memory_space<vmem>>, vector<16xf32>,
    %swap3A_94 = arith.constant 16 : index
    %swap3A_95 = tpu.vector_load %arg27[%swap3A_94] {strides = array<i32>} : memref<128xf32, #tpu.memory_space<vmem>>, vector<16xf32>,
    tpu.vector_store %arg27[%swap3A_94], %scan3A_84#4 {strides = array<i32>} : memref<128xf32, #tpu.memory_space<vmem>>, vector<16xf32>,
    %swap3A_96 = arith.constant 16 : index
    %swap3A_97 = tpu.vector_load %arg28[%swap3A_96] {strides = array<i32>} : memref<128xf32, #tpu.memory_space<vmem>>, vector<16xf32>,
    tpu.vector_store %arg28[%swap3A_96], %scan3A_84#5 {strides = array<i32>} : memref<128xf32, #tpu.memory_space<vmem>>, vector<16xf32>,
    %add3A_98 = arith.constant 32 : i32
    %add3A_99 = vector.broadcast %add3A_98 : i32 to vector<16xi32>
    %add3A_100 = arith.addi %add3A_99, %iota3A : vector<16xi32>
    %broadcast_in_dim3A_101 = arith.constant 0.000000e+00 : f32
    %broadcast_in_dim3A_102 = vector.broadcast %broadcast_in_dim3A_101 : f32 to vector<16xf32>
    %scan3A_103 = arith.constant 0 : i32
    %scan3A_104 = arith.constant 64 : i32
    %scan3A_105 = arith.addi %scan3A_103, %scan3A_104 : i32
    %scan3A_106 = arith.constant 1 : i32
    %scan3A_107:6 = scf.for %scan3A_990 = %scan3A_103 to %scan3A_105 step %scan3A_106 iter_args(%scan3A_991 = %broadcast_in_dim3A_102, %scan3A_992 = %broadcast_in_dim3A_102, %scan3A_993 = %broadcast_in_dim3A_102, %scan3A_994 = %broadcast_in_dim3A_102, %scan3A_995 = %broadcast_in_dim3A_102, %scan3A_996 = %broadcast_in_dim3A_102) -> (vector<16xf32>, vector<16xf32>, vector<16xf32>, vector<16xf32>, vector<16xf32>, vector<16xf32>)  : i32 {
      %broadcast_in_dim3A_997 = vector.broadcast %scan3A_990 : i32 to vector<16xi32>
      %gather3A = tpu.vector_load_idx %arg16[%add3A_100, %broadcast_in_dim3A_997] : memref<128x64xf32, #tpu.memory_space<vmem>>[vector<16xi32>, vector<16xi32>], vector<16xf32>,
      %gather3A_998 = tpu.vector_load_idx %arg17[%add3A_100, %broadcast_in_dim3A_997] : memref<128x64xf32, #tpu.memory_space<vmem>>[vector<16xi32>, vector<16xi32>], vector<16xf32>,
      %mul3A_999 = arith.mulf %gather3A, %gather3A_998 : vector<16xf32>
      %add3A_1000 = arith.addf %scan3A_991, %mul3A_999 : vector<16xf32>
      %gather3A_1001 = tpu.vector_load_idx %arg18[%add3A_100, %broadcast_in_dim3A_997] : memref<128x64xf32, #tpu.memory_space<vmem>>[vector<16xi32>, vector<16xi32>], vector<16xf32>,
      %mul3A_1002 = arith.mulf %gather3A, %gather3A_1001 : vector<16xf32>
      %add3A_1003 = arith.addf %scan3A_992, %mul3A_1002 : vector<16xf32>
      %gather3A_1004 = tpu.vector_load_idx %arg19[%add3A_100, %broadcast_in_dim3A_997] : memref<128x64xf32, #tpu.memory_space<vmem>>[vector<16xi32>, vector<16xi32>], vector<16xf32>,
      %mul3A_1005 = arith.mulf %gather3A, %gather3A_1004 : vector<16xf32>
      %add3A_1006 = arith.addf %scan3A_993, %mul3A_1005 : vector<16xf32>
      %gather3A_1007 = tpu.vector_load_idx %arg20[%add3A_100, %broadcast_in_dim3A_997] : memref<128x64xf32, #tpu.memory_space<vmem>>[vector<16xi32>, vector<16xi32>], vector<16xf32>,
      %mul3A_1008 = arith.mulf %gather3A, %gather3A_1007 : vector<16xf32>
      %add3A_1009 = arith.addf %scan3A_994, %mul3A_1008 : vector<16xf32>
      %gather3A_1010 = tpu.vector_load_idx %arg21[%add3A_100, %broadcast_in_dim3A_997] : memref<128x64xf32, #tpu.memory_space<vmem>>[vector<16xi32>, vector<16xi32>], vector<16xf32>,
      %mul3A_1011 = arith.mulf %gather3A, %gather3A_1010 : vector<16xf32>
      %add3A_1012 = arith.addf %scan3A_995, %mul3A_1011 : vector<16xf32>
      %gather3A_1013 = tpu.vector_load_idx %arg22[%add3A_100, %broadcast_in_dim3A_997] : memref<128x64xf32, #tpu.memory_space<vmem>>[vector<16xi32>, vector<16xi32>], vector<16xf32>,
      %mul3A_1014 = arith.mulf %gather3A, %gather3A_1013 : vector<16xf32>
      %add3A_1015 = arith.addf %scan3A_996, %mul3A_1014 : vector<16xf32>
      scf.yield %add3A_1000, %add3A_1003, %add3A_1006, %add3A_1009, %add3A_1012, %add3A_1015 : vector<16xf32>, vector<16xf32>, vector<16xf32>, vector<16xf32>, vector<16xf32>, vector<16xf32>
    }
    %scan3A_108 = arith.constant 64 : i32
    %swap3A_109 = arith.constant 32 : index
    %swap3A_110 = tpu.vector_load %arg23[%swap3A_109] {strides = array<i32>} : memref<128xf32, #tpu.memory_space<vmem>>, vector<16xf32>,
    tpu.vector_store %arg23[%swap3A_109], %scan3A_107#0 {strides = array<i32>} : memref<128xf32, #tpu.memory_space<vmem>>, vector<16xf32>,
    %swap3A_111 = arith.constant 32 : index
    %swap3A_112 = tpu.vector_load %arg24[%swap3A_111] {strides = array<i32>} : memref<128xf32, #tpu.memory_space<vmem>>, vector<16xf32>,
    tpu.vector_store %arg24[%swap3A_111], %scan3A_107#1 {strides = array<i32>} : memref<128xf32, #tpu.memory_space<vmem>>, vector<16xf32>,
    %swap3A_113 = arith.constant 32 : index
    %swap3A_114 = tpu.vector_load %arg25[%swap3A_113] {strides = array<i32>} : memref<128xf32, #tpu.memory_space<vmem>>, vector<16xf32>,
    tpu.vector_store %arg25[%swap3A_113], %scan3A_107#2 {strides = array<i32>} : memref<128xf32, #tpu.memory_space<vmem>>, vector<16xf32>,
    %swap3A_115 = arith.constant 32 : index
    %swap3A_116 = tpu.vector_load %arg26[%swap3A_115] {strides = array<i32>} : memref<128xf32, #tpu.memory_space<vmem>>, vector<16xf32>,
    tpu.vector_store %arg26[%swap3A_115], %scan3A_107#3 {strides = array<i32>} : memref<128xf32, #tpu.memory_space<vmem>>, vector<16xf32>,
    %swap3A_117 = arith.constant 32 : index
    %swap3A_118 = tpu.vector_load %arg27[%swap3A_117] {strides = array<i32>} : memref<128xf32, #tpu.memory_space<vmem>>, vector<16xf32>,
    tpu.vector_store %arg27[%swap3A_117], %scan3A_107#4 {strides = array<i32>} : memref<128xf32, #tpu.memory_space<vmem>>, vector<16xf32>,
    %swap3A_119 = arith.constant 32 : index
    %swap3A_120 = tpu.vector_load %arg28[%swap3A_119] {strides = array<i32>} : memref<128xf32, #tpu.memory_space<vmem>>, vector<16xf32>,
    tpu.vector_store %arg28[%swap3A_119], %scan3A_107#5 {strides = array<i32>} : memref<128xf32, #tpu.memory_space<vmem>>, vector<16xf32>,
    %add3A_121 = arith.constant 48 : i32
    %add3A_122 = vector.broadcast %add3A_121 : i32 to vector<16xi32>
    %add3A_123 = arith.addi %add3A_122, %iota3A : vector<16xi32>
    %broadcast_in_dim3A_124 = arith.constant 0.000000e+00 : f32
    %broadcast_in_dim3A_125 = vector.broadcast %broadcast_in_dim3A_124 : f32 to vector<16xf32>
    %scan3A_126 = arith.constant 0 : i32
    %scan3A_127 = arith.constant 64 : i32
    %scan3A_128 = arith.addi %scan3A_126, %scan3A_127 : i32
    %scan3A_129 = arith.constant 1 : i32
    %scan3A_130:6 = scf.for %scan3A_990 = %scan3A_126 to %scan3A_128 step %scan3A_129 iter_args(%scan3A_991 = %broadcast_in_dim3A_125, %scan3A_992 = %broadcast_in_dim3A_125, %scan3A_993 = %broadcast_in_dim3A_125, %scan3A_994 = %broadcast_in_dim3A_125, %scan3A_995 = %broadcast_in_dim3A_125, %scan3A_996 = %broadcast_in_dim3A_125) -> (vector<16xf32>, vector<16xf32>, vector<16xf32>, vector<16xf32>, vector<16xf32>, vector<16xf32>)  : i32 {
      %broadcast_in_dim3A_997 = vector.broadcast %scan3A_990 : i32 to vector<16xi32>
      %gather3A = tpu.vector_load_idx %arg16[%add3A_123, %broadcast_in_dim3A_997] : memref<128x64xf32, #tpu.memory_space<vmem>>[vector<16xi32>, vector<16xi32>], vector<16xf32>,
      %gather3A_998 = tpu.vector_load_idx %arg17[%add3A_123, %broadcast_in_dim3A_997] : memref<128x64xf32, #tpu.memory_space<vmem>>[vector<16xi32>, vector<16xi32>], vector<16xf32>,
      %mul3A_999 = arith.mulf %gather3A, %gather3A_998 : vector<16xf32>
      %add3A_1000 = arith.addf %scan3A_991, %mul3A_999 : vector<16xf32>
      %gather3A_1001 = tpu.vector_load_idx %arg18[%add3A_123, %broadcast_in_dim3A_997] : memref<128x64xf32, #tpu.memory_space<vmem>>[vector<16xi32>, vector<16xi32>], vector<16xf32>,
      %mul3A_1002 = arith.mulf %gather3A, %gather3A_1001 : vector<16xf32>
      %add3A_1003 = arith.addf %scan3A_992, %mul3A_1002 : vector<16xf32>
      %gather3A_1004 = tpu.vector_load_idx %arg19[%add3A_123, %broadcast_in_dim3A_997] : memref<128x64xf32, #tpu.memory_space<vmem>>[vector<16xi32>, vector<16xi32>], vector<16xf32>,
      %mul3A_1005 = arith.mulf %gather3A, %gather3A_1004 : vector<16xf32>
      %add3A_1006 = arith.addf %scan3A_993, %mul3A_1005 : vector<16xf32>
      %gather3A_1007 = tpu.vector_load_idx %arg20[%add3A_123, %broadcast_in_dim3A_997] : memref<128x64xf32, #tpu.memory_space<vmem>>[vector<16xi32>, vector<16xi32>], vector<16xf32>,
      %mul3A_1008 = arith.mulf %gather3A, %gather3A_1007 : vector<16xf32>
      %add3A_1009 = arith.addf %scan3A_994, %mul3A_1008 : vector<16xf32>
      %gather3A_1010 = tpu.vector_load_idx %arg21[%add3A_123, %broadcast_in_dim3A_997] : memref<128x64xf32, #tpu.memory_space<vmem>>[vector<16xi32>, vector<16xi32>], vector<16xf32>,
      %mul3A_1011 = arith.mulf %gather3A, %gather3A_1010 : vector<16xf32>
      %add3A_1012 = arith.addf %scan3A_995, %mul3A_1011 : vector<16xf32>
      %gather3A_1013 = tpu.vector_load_idx %arg22[%add3A_123, %broadcast_in_dim3A_997] : memref<128x64xf32, #tpu.memory_space<vmem>>[vector<16xi32>, vector<16xi32>], vector<16xf32>,
      %mul3A_1014 = arith.mulf %gather3A, %gather3A_1013 : vector<16xf32>
      %add3A_1015 = arith.addf %scan3A_996, %mul3A_1014 : vector<16xf32>
      scf.yield %add3A_1000, %add3A_1003, %add3A_1006, %add3A_1009, %add3A_1012, %add3A_1015 : vector<16xf32>, vector<16xf32>, vector<16xf32>, vector<16xf32>, vector<16xf32>, vector<16xf32>
    }
    %scan3A_131 = arith.constant 64 : i32
    %swap3A_132 = arith.constant 48 : index
    %swap3A_133 = tpu.vector_load %arg23[%swap3A_132] {strides = array<i32>} : memref<128xf32, #tpu.memory_space<vmem>>, vector<16xf32>,
    tpu.vector_store %arg23[%swap3A_132], %scan3A_130#0 {strides = array<i32>} : memref<128xf32, #tpu.memory_space<vmem>>, vector<16xf32>,
    %swap3A_134 = arith.constant 48 : index
    %swap3A_135 = tpu.vector_load %arg24[%swap3A_134] {strides = array<i32>} : memref<128xf32, #tpu.memory_space<vmem>>, vector<16xf32>,
    tpu.vector_store %arg24[%swap3A_134], %scan3A_130#1 {strides = array<i32>} : memref<128xf32, #tpu.memory_space<vmem>>, vector<16xf32>,
    %swap3A_136 = arith.constant 48 : index
    %swap3A_137 = tpu.vector_load %arg25[%swap3A_136] {strides = array<i32>} : memref<128xf32, #tpu.memory_space<vmem>>, vector<16xf32>,
    tpu.vector_store %arg25[%swap3A_136], %scan3A_130#2 {strides = array<i32>} : memref<128xf32, #tpu.memory_space<vmem>>, vector<16xf32>,
    %swap3A_138 = arith.constant 48 : index
    %swap3A_139 = tpu.vector_load %arg26[%swap3A_138] {strides = array<i32>} : memref<128xf32, #tpu.memory_space<vmem>>, vector<16xf32>,
    tpu.vector_store %arg26[%swap3A_138], %scan3A_130#3 {strides = array<i32>} : memref<128xf32, #tpu.memory_space<vmem>>, vector<16xf32>,
    %swap3A_140 = arith.constant 48 : index
    %swap3A_141 = tpu.vector_load %arg27[%swap3A_140] {strides = array<i32>} : memref<128xf32, #tpu.memory_space<vmem>>, vector<16xf32>,
    tpu.vector_store %arg27[%swap3A_140], %scan3A_130#4 {strides = array<i32>} : memref<128xf32, #tpu.memory_space<vmem>>, vector<16xf32>,
    %swap3A_142 = arith.constant 48 : index
    %swap3A_143 = tpu.vector_load %arg28[%swap3A_142] {strides = array<i32>} : memref<128xf32, #tpu.memory_space<vmem>>, vector<16xf32>,
    tpu.vector_store %arg28[%swap3A_142], %scan3A_130#5 {strides = array<i32>} : memref<128xf32, #tpu.memory_space<vmem>>, vector<16xf32>,
    %add3A_144 = arith.constant 64 : i32
    %add3A_145 = vector.broadcast %add3A_144 : i32 to vector<16xi32>
    %add3A_146 = arith.addi %add3A_145, %iota3A : vector<16xi32>
    %broadcast_in_dim3A_147 = arith.constant 0.000000e+00 : f32
    %broadcast_in_dim3A_148 = vector.broadcast %broadcast_in_dim3A_147 : f32 to vector<16xf32>
    %scan3A_149 = arith.constant 0 : i32
    %scan3A_150 = arith.constant 64 : i32
    %scan3A_151 = arith.addi %scan3A_149, %scan3A_150 : i32
    %scan3A_152 = arith.constant 1 : i32
    %scan3A_153:6 = scf.for %scan3A_990 = %scan3A_149 to %scan3A_151 step %scan3A_152 iter_args(%scan3A_991 = %broadcast_in_dim3A_148, %scan3A_992 = %broadcast_in_dim3A_148, %scan3A_993 = %broadcast_in_dim3A_148, %scan3A_994 = %broadcast_in_dim3A_148, %scan3A_995 = %broadcast_in_dim3A_148, %scan3A_996 = %broadcast_in_dim3A_148) -> (vector<16xf32>, vector<16xf32>, vector<16xf32>, vector<16xf32>, vector<16xf32>, vector<16xf32>)  : i32 {
      %broadcast_in_dim3A_997 = vector.broadcast %scan3A_990 : i32 to vector<16xi32>
      %gather3A = tpu.vector_load_idx %arg16[%add3A_146, %broadcast_in_dim3A_997] : memref<128x64xf32, #tpu.memory_space<vmem>>[vector<16xi32>, vector<16xi32>], vector<16xf32>,
      %gather3A_998 = tpu.vector_load_idx %arg17[%add3A_146, %broadcast_in_dim3A_997] : memref<128x64xf32, #tpu.memory_space<vmem>>[vector<16xi32>, vector<16xi32>], vector<16xf32>,
      %mul3A_999 = arith.mulf %gather3A, %gather3A_998 : vector<16xf32>
      %add3A_1000 = arith.addf %scan3A_991, %mul3A_999 : vector<16xf32>
      %gather3A_1001 = tpu.vector_load_idx %arg18[%add3A_146, %broadcast_in_dim3A_997] : memref<128x64xf32, #tpu.memory_space<vmem>>[vector<16xi32>, vector<16xi32>], vector<16xf32>,
      %mul3A_1002 = arith.mulf %gather3A, %gather3A_1001 : vector<16xf32>
      %add3A_1003 = arith.addf %scan3A_992, %mul3A_1002 : vector<16xf32>
      %gather3A_1004 = tpu.vector_load_idx %arg19[%add3A_146, %broadcast_in_dim3A_997] : memref<128x64xf32, #tpu.memory_space<vmem>>[vector<16xi32>, vector<16xi32>], vector<16xf32>,
      %mul3A_1005 = arith.mulf %gather3A, %gather3A_1004 : vector<16xf32>
      %add3A_1006 = arith.addf %scan3A_993, %mul3A_1005 : vector<16xf32>
      %gather3A_1007 = tpu.vector_load_idx %arg20[%add3A_146, %broadcast_in_dim3A_997] : memref<128x64xf32, #tpu.memory_space<vmem>>[vector<16xi32>, vector<16xi32>], vector<16xf32>,
      %mul3A_1008 = arith.mulf %gather3A, %gather3A_1007 : vector<16xf32>
      %add3A_1009 = arith.addf %scan3A_994, %mul3A_1008 : vector<16xf32>
      %gather3A_1010 = tpu.vector_load_idx %arg21[%add3A_146, %broadcast_in_dim3A_997] : memref<128x64xf32, #tpu.memory_space<vmem>>[vector<16xi32>, vector<16xi32>], vector<16xf32>,
      %mul3A_1011 = arith.mulf %gather3A, %gather3A_1010 : vector<16xf32>
      %add3A_1012 = arith.addf %scan3A_995, %mul3A_1011 : vector<16xf32>
      %gather3A_1013 = tpu.vector_load_idx %arg22[%add3A_146, %broadcast_in_dim3A_997] : memref<128x64xf32, #tpu.memory_space<vmem>>[vector<16xi32>, vector<16xi32>], vector<16xf32>,
      %mul3A_1014 = arith.mulf %gather3A, %gather3A_1013 : vector<16xf32>
      %add3A_1015 = arith.addf %scan3A_996, %mul3A_1014 : vector<16xf32>
      scf.yield %add3A_1000, %add3A_1003, %add3A_1006, %add3A_1009, %add3A_1012, %add3A_1015 : vector<16xf32>, vector<16xf32>, vector<16xf32>, vector<16xf32>, vector<16xf32>, vector<16xf32>
    }
    %scan3A_154 = arith.constant 64 : i32
    %swap3A_155 = arith.constant 64 : index
    %swap3A_156 = tpu.vector_load %arg23[%swap3A_155] {strides = array<i32>} : memref<128xf32, #tpu.memory_space<vmem>>, vector<16xf32>,
    tpu.vector_store %arg23[%swap3A_155], %scan3A_153#0 {strides = array<i32>} : memref<128xf32, #tpu.memory_space<vmem>>, vector<16xf32>,
    %swap3A_157 = arith.constant 64 : index
    %swap3A_158 = tpu.vector_load %arg24[%swap3A_157] {strides = array<i32>} : memref<128xf32, #tpu.memory_space<vmem>>, vector<16xf32>,
    tpu.vector_store %arg24[%swap3A_157], %scan3A_153#1 {strides = array<i32>} : memref<128xf32, #tpu.memory_space<vmem>>, vector<16xf32>,
    %swap3A_159 = arith.constant 64 : index
    %swap3A_160 = tpu.vector_load %arg25[%swap3A_159] {strides = array<i32>} : memref<128xf32, #tpu.memory_space<vmem>>, vector<16xf32>,
    tpu.vector_store %arg25[%swap3A_159], %scan3A_153#2 {strides = array<i32>} : memref<128xf32, #tpu.memory_space<vmem>>, vector<16xf32>,
    %swap3A_161 = arith.constant 64 : index
    %swap3A_162 = tpu.vector_load %arg26[%swap3A_161] {strides = array<i32>} : memref<128xf32, #tpu.memory_space<vmem>>, vector<16xf32>,
    tpu.vector_store %arg26[%swap3A_161], %scan3A_153#3 {strides = array<i32>} : memref<128xf32, #tpu.memory_space<vmem>>, vector<16xf32>,
    %swap3A_163 = arith.constant 64 : index
    %swap3A_164 = tpu.vector_load %arg27[%swap3A_163] {strides = array<i32>} : memref<128xf32, #tpu.memory_space<vmem>>, vector<16xf32>,
    tpu.vector_store %arg27[%swap3A_163], %scan3A_153#4 {strides = array<i32>} : memref<128xf32, #tpu.memory_space<vmem>>, vector<16xf32>,
    %swap3A_165 = arith.constant 64 : index
    %swap3A_166 = tpu.vector_load %arg28[%swap3A_165] {strides = array<i32>} : memref<128xf32, #tpu.memory_space<vmem>>, vector<16xf32>,
    tpu.vector_store %arg28[%swap3A_165], %scan3A_153#5 {strides = array<i32>} : memref<128xf32, #tpu.memory_space<vmem>>, vector<16xf32>,
    %add3A_167 = arith.constant 80 : i32
    %add3A_168 = vector.broadcast %add3A_167 : i32 to vector<16xi32>
    %add3A_169 = arith.addi %add3A_168, %iota3A : vector<16xi32>
    %broadcast_in_dim3A_170 = arith.constant 0.000000e+00 : f32
    %broadcast_in_dim3A_171 = vector.broadcast %broadcast_in_dim3A_170 : f32 to vector<16xf32>
    %scan3A_172 = arith.constant 0 : i32
    %scan3A_173 = arith.constant 64 : i32
    %scan3A_174 = arith.addi %scan3A_172, %scan3A_173 : i32
    %scan3A_175 = arith.constant 1 : i32
    %scan3A_176:6 = scf.for %scan3A_990 = %scan3A_172 to %scan3A_174 step %scan3A_175 iter_args(%scan3A_991 = %broadcast_in_dim3A_171, %scan3A_992 = %broadcast_in_dim3A_171, %scan3A_993 = %broadcast_in_dim3A_171, %scan3A_994 = %broadcast_in_dim3A_171, %scan3A_995 = %broadcast_in_dim3A_171, %scan3A_996 = %broadcast_in_dim3A_171) -> (vector<16xf32>, vector<16xf32>, vector<16xf32>, vector<16xf32>, vector<16xf32>, vector<16xf32>)  : i32 {
      %broadcast_in_dim3A_997 = vector.broadcast %scan3A_990 : i32 to vector<16xi32>
      %gather3A = tpu.vector_load_idx %arg16[%add3A_169, %broadcast_in_dim3A_997] : memref<128x64xf32, #tpu.memory_space<vmem>>[vector<16xi32>, vector<16xi32>], vector<16xf32>,
      %gather3A_998 = tpu.vector_load_idx %arg17[%add3A_169, %broadcast_in_dim3A_997] : memref<128x64xf32, #tpu.memory_space<vmem>>[vector<16xi32>, vector<16xi32>], vector<16xf32>,
      %mul3A_999 = arith.mulf %gather3A, %gather3A_998 : vector<16xf32>
      %add3A_1000 = arith.addf %scan3A_991, %mul3A_999 : vector<16xf32>
      %gather3A_1001 = tpu.vector_load_idx %arg18[%add3A_169, %broadcast_in_dim3A_997] : memref<128x64xf32, #tpu.memory_space<vmem>>[vector<16xi32>, vector<16xi32>], vector<16xf32>,
      %mul3A_1002 = arith.mulf %gather3A, %gather3A_1001 : vector<16xf32>
      %add3A_1003 = arith.addf %scan3A_992, %mul3A_1002 : vector<16xf32>
      %gather3A_1004 = tpu.vector_load_idx %arg19[%add3A_169, %broadcast_in_dim3A_997] : memref<128x64xf32, #tpu.memory_space<vmem>>[vector<16xi32>, vector<16xi32>], vector<16xf32>,
      %mul3A_1005 = arith.mulf %gather3A, %gather3A_1004 : vector<16xf32>
      %add3A_1006 = arith.addf %scan3A_993, %mul3A_1005 : vector<16xf32>
      %gather3A_1007 = tpu.vector_load_idx %arg20[%add3A_169, %broadcast_in_dim3A_997] : memref<128x64xf32, #tpu.memory_space<vmem>>[vector<16xi32>, vector<16xi32>], vector<16xf32>,
      %mul3A_1008 = arith.mulf %gather3A, %gather3A_1007 : vector<16xf32>
      %add3A_1009 = arith.addf %scan3A_994, %mul3A_1008 : vector<16xf32>
      %gather3A_1010 = tpu.vector_load_idx %arg21[%add3A_169, %broadcast_in_dim3A_997] : memref<128x64xf32, #tpu.memory_space<vmem>>[vector<16xi32>, vector<16xi32>], vector<16xf32>,
      %mul3A_1011 = arith.mulf %gather3A, %gather3A_1010 : vector<16xf32>
      %add3A_1012 = arith.addf %scan3A_995, %mul3A_1011 : vector<16xf32>
      %gather3A_1013 = tpu.vector_load_idx %arg22[%add3A_169, %broadcast_in_dim3A_997] : memref<128x64xf32, #tpu.memory_space<vmem>>[vector<16xi32>, vector<16xi32>], vector<16xf32>,
      %mul3A_1014 = arith.mulf %gather3A, %gather3A_1013 : vector<16xf32>
      %add3A_1015 = arith.addf %scan3A_996, %mul3A_1014 : vector<16xf32>
      scf.yield %add3A_1000, %add3A_1003, %add3A_1006, %add3A_1009, %add3A_1012, %add3A_1015 : vector<16xf32>, vector<16xf32>, vector<16xf32>, vector<16xf32>, vector<16xf32>, vector<16xf32>
    }
    %scan3A_177 = arith.constant 64 : i32
    %swap3A_178 = arith.constant 80 : index
    %swap3A_179 = tpu.vector_load %arg23[%swap3A_178] {strides = array<i32>} : memref<128xf32, #tpu.memory_space<vmem>>, vector<16xf32>,
    tpu.vector_store %arg23[%swap3A_178], %scan3A_176#0 {strides = array<i32>} : memref<128xf32, #tpu.memory_space<vmem>>, vector<16xf32>,
    %swap3A_180 = arith.constant 80 : index
    %swap3A_181 = tpu.vector_load %arg24[%swap3A_180] {strides = array<i32>} : memref<128xf32, #tpu.memory_space<vmem>>, vector<16xf32>,
    tpu.vector_store %arg24[%swap3A_180], %scan3A_176#1 {strides = array<i32>} : memref<128xf32, #tpu.memory_space<vmem>>, vector<16xf32>,
    %swap3A_182 = arith.constant 80 : index
    %swap3A_183 = tpu.vector_load %arg25[%swap3A_182] {strides = array<i32>} : memref<128xf32, #tpu.memory_space<vmem>>, vector<16xf32>,
    tpu.vector_store %arg25[%swap3A_182], %scan3A_176#2 {strides = array<i32>} : memref<128xf32, #tpu.memory_space<vmem>>, vector<16xf32>,
    %swap3A_184 = arith.constant 80 : index
    %swap3A_185 = tpu.vector_load %arg26[%swap3A_184] {strides = array<i32>} : memref<128xf32, #tpu.memory_space<vmem>>, vector<16xf32>,
    tpu.vector_store %arg26[%swap3A_184], %scan3A_176#3 {strides = array<i32>} : memref<128xf32, #tpu.memory_space<vmem>>, vector<16xf32>,
    %swap3A_186 = arith.constant 80 : index
    %swap3A_187 = tpu.vector_load %arg27[%swap3A_186] {strides = array<i32>} : memref<128xf32, #tpu.memory_space<vmem>>, vector<16xf32>,
    tpu.vector_store %arg27[%swap3A_186], %scan3A_176#4 {strides = array<i32>} : memref<128xf32, #tpu.memory_space<vmem>>, vector<16xf32>,
    %swap3A_188 = arith.constant 80 : index
    %swap3A_189 = tpu.vector_load %arg28[%swap3A_188] {strides = array<i32>} : memref<128xf32, #tpu.memory_space<vmem>>, vector<16xf32>,
    tpu.vector_store %arg28[%swap3A_188], %scan3A_176#5 {strides = array<i32>} : memref<128xf32, #tpu.memory_space<vmem>>, vector<16xf32>,
    %add3A_190 = arith.constant 96 : i32
    %add3A_191 = vector.broadcast %add3A_190 : i32 to vector<16xi32>
    %add3A_192 = arith.addi %add3A_191, %iota3A : vector<16xi32>
    %broadcast_in_dim3A_193 = arith.constant 0.000000e+00 : f32
    %broadcast_in_dim3A_194 = vector.broadcast %broadcast_in_dim3A_193 : f32 to vector<16xf32>
    %scan3A_195 = arith.constant 0 : i32
    %scan3A_196 = arith.constant 64 : i32
    %scan3A_197 = arith.addi %scan3A_195, %scan3A_196 : i32
    %scan3A_198 = arith.constant 1 : i32
    %scan3A_199:6 = scf.for %scan3A_990 = %scan3A_195 to %scan3A_197 step %scan3A_198 iter_args(%scan3A_991 = %broadcast_in_dim3A_194, %scan3A_992 = %broadcast_in_dim3A_194, %scan3A_993 = %broadcast_in_dim3A_194, %scan3A_994 = %broadcast_in_dim3A_194, %scan3A_995 = %broadcast_in_dim3A_194, %scan3A_996 = %broadcast_in_dim3A_194) -> (vector<16xf32>, vector<16xf32>, vector<16xf32>, vector<16xf32>, vector<16xf32>, vector<16xf32>)  : i32 {
      %broadcast_in_dim3A_997 = vector.broadcast %scan3A_990 : i32 to vector<16xi32>
      %gather3A = tpu.vector_load_idx %arg16[%add3A_192, %broadcast_in_dim3A_997] : memref<128x64xf32, #tpu.memory_space<vmem>>[vector<16xi32>, vector<16xi32>], vector<16xf32>,
      %gather3A_998 = tpu.vector_load_idx %arg17[%add3A_192, %broadcast_in_dim3A_997] : memref<128x64xf32, #tpu.memory_space<vmem>>[vector<16xi32>, vector<16xi32>], vector<16xf32>,
      %mul3A_999 = arith.mulf %gather3A, %gather3A_998 : vector<16xf32>
      %add3A_1000 = arith.addf %scan3A_991, %mul3A_999 : vector<16xf32>
      %gather3A_1001 = tpu.vector_load_idx %arg18[%add3A_192, %broadcast_in_dim3A_997] : memref<128x64xf32, #tpu.memory_space<vmem>>[vector<16xi32>, vector<16xi32>], vector<16xf32>,
      %mul3A_1002 = arith.mulf %gather3A, %gather3A_1001 : vector<16xf32>
      %add3A_1003 = arith.addf %scan3A_992, %mul3A_1002 : vector<16xf32>
      %gather3A_1004 = tpu.vector_load_idx %arg19[%add3A_192, %broadcast_in_dim3A_997] : memref<128x64xf32, #tpu.memory_space<vmem>>[vector<16xi32>, vector<16xi32>], vector<16xf32>,
      %mul3A_1005 = arith.mulf %gather3A, %gather3A_1004 : vector<16xf32>
      %add3A_1006 = arith.addf %scan3A_993, %mul3A_1005 : vector<16xf32>
      %gather3A_1007 = tpu.vector_load_idx %arg20[%add3A_192, %broadcast_in_dim3A_997] : memref<128x64xf32, #tpu.memory_space<vmem>>[vector<16xi32>, vector<16xi32>], vector<16xf32>,
      %mul3A_1008 = arith.mulf %gather3A, %gather3A_1007 : vector<16xf32>
      %add3A_1009 = arith.addf %scan3A_994, %mul3A_1008 : vector<16xf32>
      %gather3A_1010 = tpu.vector_load_idx %arg21[%add3A_192, %broadcast_in_dim3A_997] : memref<128x64xf32, #tpu.memory_space<vmem>>[vector<16xi32>, vector<16xi32>], vector<16xf32>,
      %mul3A_1011 = arith.mulf %gather3A, %gather3A_1010 : vector<16xf32>
      %add3A_1012 = arith.addf %scan3A_995, %mul3A_1011 : vector<16xf32>
      %gather3A_1013 = tpu.vector_load_idx %arg22[%add3A_192, %broadcast_in_dim3A_997] : memref<128x64xf32, #tpu.memory_space<vmem>>[vector<16xi32>, vector<16xi32>], vector<16xf32>,
      %mul3A_1014 = arith.mulf %gather3A, %gather3A_1013 : vector<16xf32>
      %add3A_1015 = arith.addf %scan3A_996, %mul3A_1014 : vector<16xf32>
      scf.yield %add3A_1000, %add3A_1003, %add3A_1006, %add3A_1009, %add3A_1012, %add3A_1015 : vector<16xf32>, vector<16xf32>, vector<16xf32>, vector<16xf32>, vector<16xf32>, vector<16xf32>
    }
    %scan3A_200 = arith.constant 64 : i32
    %swap3A_201 = arith.constant 96 : index
    %swap3A_202 = tpu.vector_load %arg23[%swap3A_201] {strides = array<i32>} : memref<128xf32, #tpu.memory_space<vmem>>, vector<16xf32>,
    tpu.vector_store %arg23[%swap3A_201], %scan3A_199#0 {strides = array<i32>} : memref<128xf32, #tpu.memory_space<vmem>>, vector<16xf32>,
    %swap3A_203 = arith.constant 96 : index
    %swap3A_204 = tpu.vector_load %arg24[%swap3A_203] {strides = array<i32>} : memref<128xf32, #tpu.memory_space<vmem>>, vector<16xf32>,
    tpu.vector_store %arg24[%swap3A_203], %scan3A_199#1 {strides = array<i32>} : memref<128xf32, #tpu.memory_space<vmem>>, vector<16xf32>,
    %swap3A_205 = arith.constant 96 : index
    %swap3A_206 = tpu.vector_load %arg25[%swap3A_205] {strides = array<i32>} : memref<128xf32, #tpu.memory_space<vmem>>, vector<16xf32>,
    tpu.vector_store %arg25[%swap3A_205], %scan3A_199#2 {strides = array<i32>} : memref<128xf32, #tpu.memory_space<vmem>>, vector<16xf32>,
    %swap3A_207 = arith.constant 96 : index
    %swap3A_208 = tpu.vector_load %arg26[%swap3A_207] {strides = array<i32>} : memref<128xf32, #tpu.memory_space<vmem>>, vector<16xf32>,
    tpu.vector_store %arg26[%swap3A_207], %scan3A_199#3 {strides = array<i32>} : memref<128xf32, #tpu.memory_space<vmem>>, vector<16xf32>,
    %swap3A_209 = arith.constant 96 : index
    %swap3A_210 = tpu.vector_load %arg27[%swap3A_209] {strides = array<i32>} : memref<128xf32, #tpu.memory_space<vmem>>, vector<16xf32>,
    tpu.vector_store %arg27[%swap3A_209], %scan3A_199#4 {strides = array<i32>} : memref<128xf32, #tpu.memory_space<vmem>>, vector<16xf32>,
    %swap3A_211 = arith.constant 96 : index
    %swap3A_212 = tpu.vector_load %arg28[%swap3A_211] {strides = array<i32>} : memref<128xf32, #tpu.memory_space<vmem>>, vector<16xf32>,
    tpu.vector_store %arg28[%swap3A_211], %scan3A_199#5 {strides = array<i32>} : memref<128xf32, #tpu.memory_space<vmem>>, vector<16xf32>,
    %add3A_213 = arith.constant 112 : i32
    %add3A_214 = vector.broadcast %add3A_213 : i32 to vector<16xi32>
    %add3A_215 = arith.addi %add3A_214, %iota3A : vector<16xi32>
    %broadcast_in_dim3A_216 = arith.constant 0.000000e+00 : f32
    %broadcast_in_dim3A_217 = vector.broadcast %broadcast_in_dim3A_216 : f32 to vector<16xf32>
    %scan3A_218 = arith.constant 0 : i32
    %scan3A_219 = arith.constant 64 : i32
    %scan3A_220 = arith.addi %scan3A_218, %scan3A_219 : i32
    %scan3A_221 = arith.constant 1 : i32
    %scan3A_222:6 = scf.for %scan3A_990 = %scan3A_218 to %scan3A_220 step %scan3A_221 iter_args(%scan3A_991 = %broadcast_in_dim3A_217, %scan3A_992 = %broadcast_in_dim3A_217, %scan3A_993 = %broadcast_in_dim3A_217, %scan3A_994 = %broadcast_in_dim3A_217, %scan3A_995 = %broadcast_in_dim3A_217, %scan3A_996 = %broadcast_in_dim3A_217) -> (vector<16xf32>, vector<16xf32>, vector<16xf32>, vector<16xf32>, vector<16xf32>, vector<16xf32>)  : i32 {
      %broadcast_in_dim3A_997 = vector.broadcast %scan3A_990 : i32 to vector<16xi32>
      %gather3A = tpu.vector_load_idx %arg16[%add3A_215, %broadcast_in_dim3A_997] : memref<128x64xf32, #tpu.memory_space<vmem>>[vector<16xi32>, vector<16xi32>], vector<16xf32>,
      %gather3A_998 = tpu.vector_load_idx %arg17[%add3A_215, %broadcast_in_dim3A_997] : memref<128x64xf32, #tpu.memory_space<vmem>>[vector<16xi32>, vector<16xi32>], vector<16xf32>,
      %mul3A_999 = arith.mulf %gather3A, %gather3A_998 : vector<16xf32>
      %add3A_1000 = arith.addf %scan3A_991, %mul3A_999 : vector<16xf32>
      %gather3A_1001 = tpu.vector_load_idx %arg18[%add3A_215, %broadcast_in_dim3A_997] : memref<128x64xf32, #tpu.memory_space<vmem>>[vector<16xi32>, vector<16xi32>], vector<16xf32>,
      %mul3A_1002 = arith.mulf %gather3A, %gather3A_1001 : vector<16xf32>
      %add3A_1003 = arith.addf %scan3A_992, %mul3A_1002 : vector<16xf32>
      %gather3A_1004 = tpu.vector_load_idx %arg19[%add3A_215, %broadcast_in_dim3A_997] : memref<128x64xf32, #tpu.memory_space<vmem>>[vector<16xi32>, vector<16xi32>], vector<16xf32>,
      %mul3A_1005 = arith.mulf %gather3A, %gather3A_1004 : vector<16xf32>
      %add3A_1006 = arith.addf %scan3A_993, %mul3A_1005 : vector<16xf32>
      %gather3A_1007 = tpu.vector_load_idx %arg20[%add3A_215, %broadcast_in_dim3A_997] : memref<128x64xf32, #tpu.memory_space<vmem>>[vector<16xi32>, vector<16xi32>], vector<16xf32>,
      %mul3A_1008 = arith.mulf %gather3A, %gather3A_1007 : vector<16xf32>
      %add3A_1009 = arith.addf %scan3A_994, %mul3A_1008 : vector<16xf32>
      %gather3A_1010 = tpu.vector_load_idx %arg21[%add3A_215, %broadcast_in_dim3A_997] : memref<128x64xf32, #tpu.memory_space<vmem>>[vector<16xi32>, vector<16xi32>], vector<16xf32>,
      %mul3A_1011 = arith.mulf %gather3A, %gather3A_1010 : vector<16xf32>
      %add3A_1012 = arith.addf %scan3A_995, %mul3A_1011 : vector<16xf32>
      %gather3A_1013 = tpu.vector_load_idx %arg22[%add3A_215, %broadcast_in_dim3A_997] : memref<128x64xf32, #tpu.memory_space<vmem>>[vector<16xi32>, vector<16xi32>], vector<16xf32>,
      %mul3A_1014 = arith.mulf %gather3A, %gather3A_1013 : vector<16xf32>
      %add3A_1015 = arith.addf %scan3A_996, %mul3A_1014 : vector<16xf32>
      scf.yield %add3A_1000, %add3A_1003, %add3A_1006, %add3A_1009, %add3A_1012, %add3A_1015 : vector<16xf32>, vector<16xf32>, vector<16xf32>, vector<16xf32>, vector<16xf32>, vector<16xf32>
    }
    %scan3A_223 = arith.constant 64 : i32
    %swap3A_224 = arith.constant 112 : index
    %swap3A_225 = tpu.vector_load %arg23[%swap3A_224] {strides = array<i32>} : memref<128xf32, #tpu.memory_space<vmem>>, vector<16xf32>,
    tpu.vector_store %arg23[%swap3A_224], %scan3A_222#0 {strides = array<i32>} : memref<128xf32, #tpu.memory_space<vmem>>, vector<16xf32>,
    %swap3A_226 = arith.constant 112 : index
    %swap3A_227 = tpu.vector_load %arg24[%swap3A_226] {strides = array<i32>} : memref<128xf32, #tpu.memory_space<vmem>>, vector<16xf32>,
    tpu.vector_store %arg24[%swap3A_226], %scan3A_222#1 {strides = array<i32>} : memref<128xf32, #tpu.memory_space<vmem>>, vector<16xf32>,
    %swap3A_228 = arith.constant 112 : index
    %swap3A_229 = tpu.vector_load %arg25[%swap3A_228] {strides = array<i32>} : memref<128xf32, #tpu.memory_space<vmem>>, vector<16xf32>,
    tpu.vector_store %arg25[%swap3A_228], %scan3A_222#2 {strides = array<i32>} : memref<128xf32, #tpu.memory_space<vmem>>, vector<16xf32>,
    %swap3A_230 = arith.constant 112 : index
    %swap3A_231 = tpu.vector_load %arg26[%swap3A_230] {strides = array<i32>} : memref<128xf32, #tpu.memory_space<vmem>>, vector<16xf32>,
    tpu.vector_store %arg26[%swap3A_230], %scan3A_222#3 {strides = array<i32>} : memref<128xf32, #tpu.memory_space<vmem>>, vector<16xf32>,
    %swap3A_232 = arith.constant 112 : index
    %swap3A_233 = tpu.vector_load %arg27[%swap3A_232] {strides = array<i32>} : memref<128xf32, #tpu.memory_space<vmem>>, vector<16xf32>,
    tpu.vector_store %arg27[%swap3A_232], %scan3A_222#4 {strides = array<i32>} : memref<128xf32, #tpu.memory_space<vmem>>, vector<16xf32>,
    %swap3A_234 = arith.constant 112 : index
    %swap3A_235 = tpu.vector_load %arg28[%swap3A_234] {strides = array<i32>} : memref<128xf32, #tpu.memory_space<vmem>>, vector<16xf32>,
    tpu.vector_store %arg28[%swap3A_234], %scan3A_222#5 {strides = array<i32>} : memref<128xf32, #tpu.memory_space<vmem>>, vector<16xf32>,
    "tpu.region"() ({
      %run_scoped3A = tpu.sem_alloc : memref<!tpu.dma_semaphore, #tpu.memory_space<semaphore_mem>>
      %dma_start3A_990 = tpu.memref_slice %arg7[%add3A_4] : memref<16384xf32, #tpu.memory_space<hbm>> -> memref<128xf32, #tpu.memory_space<hbm>>
      %dma_start3A_991 = tpu.memref_slice %arg7[%add3A_4] : memref<16384xf32, #tpu.memory_space<hbm>> -> memref<128xf32, #tpu.memory_space<hbm>>
      tpu.enqueue_dma source(%arg23 : memref<128xf32, #tpu.memory_space<vmem>>) target(%dma_start3A_991 : memref<128xf32, #tpu.memory_space<hbm>>) target_semaphore(%run_scoped3A : memref<!tpu.dma_semaphore, #tpu.memory_space<semaphore_mem>>)
      %dma_wait3A_992 = tpu.memref_slice %arg7[%add3A_4] : memref<16384xf32, #tpu.memory_space<hbm>> -> memref<128xf32, #tpu.memory_space<hbm>>
      %dma_wait3A_993 = tpu.memref_slice %arg7[%add3A_4] : memref<16384xf32, #tpu.memory_space<hbm>> -> memref<128xf32, #tpu.memory_space<hbm>>
      tpu.wait_dma2 semaphore(%run_scoped3A : memref<!tpu.dma_semaphore, #tpu.memory_space<semaphore_mem>>) src(%arg23 : memref<128xf32, #tpu.memory_space<vmem>>) dst(%dma_wait3A_993 : memref<128xf32, #tpu.memory_space<hbm>>)
      tpu.yield
    }) : () -> ()
    %add3A_236 = arith.constant 0 : i32
    %add3A_237 = arith.addi %add3A_236, %add3A_4 : i32
    "tpu.region"() ({
      %run_scoped3A = tpu.sem_alloc : memref<!tpu.dma_semaphore, #tpu.memory_space<semaphore_mem>>
      %dma_start3A_990 = tpu.memref_slice %arg8[%add3A_237] : memref<81920xf32, #tpu.memory_space<hbm>> -> memref<128xf32, #tpu.memory_space<hbm>>
      %dma_start3A_991 = tpu.memref_slice %arg8[%add3A_237] : memref<81920xf32, #tpu.memory_space<hbm>> -> memref<128xf32, #tpu.memory_space<hbm>>
      tpu.enqueue_dma source(%arg24 : memref<128xf32, #tpu.memory_space<vmem>>) target(%dma_start3A_991 : memref<128xf32, #tpu.memory_space<hbm>>) target_semaphore(%run_scoped3A : memref<!tpu.dma_semaphore, #tpu.memory_space<semaphore_mem>>)
      %dma_wait3A_992 = tpu.memref_slice %arg8[%add3A_237] : memref<81920xf32, #tpu.memory_space<hbm>> -> memref<128xf32, #tpu.memory_space<hbm>>
      %dma_wait3A_993 = tpu.memref_slice %arg8[%add3A_237] : memref<81920xf32, #tpu.memory_space<hbm>> -> memref<128xf32, #tpu.memory_space<hbm>>
      tpu.wait_dma2 semaphore(%run_scoped3A : memref<!tpu.dma_semaphore, #tpu.memory_space<semaphore_mem>>) src(%arg24 : memref<128xf32, #tpu.memory_space<vmem>>) dst(%dma_wait3A_993 : memref<128xf32, #tpu.memory_space<hbm>>)
      tpu.yield
    }) : () -> ()
    %add3A_238 = arith.constant 16384 : i32
    %add3A_239 = arith.addi %add3A_238, %add3A_4 : i32
    "tpu.region"() ({
      %run_scoped3A = tpu.sem_alloc : memref<!tpu.dma_semaphore, #tpu.memory_space<semaphore_mem>>
      %dma_start3A_990 = tpu.memref_slice %arg8[%add3A_239] : memref<81920xf32, #tpu.memory_space<hbm>> -> memref<128xf32, #tpu.memory_space<hbm>>
      %dma_start3A_991 = tpu.memref_slice %arg8[%add3A_239] : memref<81920xf32, #tpu.memory_space<hbm>> -> memref<128xf32, #tpu.memory_space<hbm>>
      tpu.enqueue_dma source(%arg25 : memref<128xf32, #tpu.memory_space<vmem>>) target(%dma_start3A_991 : memref<128xf32, #tpu.memory_space<hbm>>) target_semaphore(%run_scoped3A : memref<!tpu.dma_semaphore, #tpu.memory_space<semaphore_mem>>)
      %dma_wait3A_992 = tpu.memref_slice %arg8[%add3A_239] : memref<81920xf32, #tpu.memory_space<hbm>> -> memref<128xf32, #tpu.memory_space<hbm>>
      %dma_wait3A_993 = tpu.memref_slice %arg8[%add3A_239] : memref<81920xf32, #tpu.memory_space<hbm>> -> memref<128xf32, #tpu.memory_space<hbm>>
      tpu.wait_dma2 semaphore(%run_scoped3A : memref<!tpu.dma_semaphore, #tpu.memory_space<semaphore_mem>>) src(%arg25 : memref<128xf32, #tpu.memory_space<vmem>>) dst(%dma_wait3A_993 : memref<128xf32, #tpu.memory_space<hbm>>)
      tpu.yield
    }) : () -> ()
    %add3A_240 = arith.constant 32768 : i32
    %add3A_241 = arith.addi %add3A_240, %add3A_4 : i32
    "tpu.region"() ({
      %run_scoped3A = tpu.sem_alloc : memref<!tpu.dma_semaphore, #tpu.memory_space<semaphore_mem>>
      %dma_start3A_990 = tpu.memref_slice %arg8[%add3A_241] : memref<81920xf32, #tpu.memory_space<hbm>> -> memref<128xf32, #tpu.memory_space<hbm>>
      %dma_start3A_991 = tpu.memref_slice %arg8[%add3A_241] : memref<81920xf32, #tpu.memory_space<hbm>> -> memref<128xf32, #tpu.memory_space<hbm>>
      tpu.enqueue_dma source(%arg26 : memref<128xf32, #tpu.memory_space<vmem>>) target(%dma_start3A_991 : memref<128xf32, #tpu.memory_space<hbm>>) target_semaphore(%run_scoped3A : memref<!tpu.dma_semaphore, #tpu.memory_space<semaphore_mem>>)
      %dma_wait3A_992 = tpu.memref_slice %arg8[%add3A_241] : memref<81920xf32, #tpu.memory_space<hbm>> -> memref<128xf32, #tpu.memory_space<hbm>>
      %dma_wait3A_993 = tpu.memref_slice %arg8[%add3A_241] : memref<81920xf32, #tpu.memory_space<hbm>> -> memref<128xf32, #tpu.memory_space<hbm>>
      tpu.wait_dma2 semaphore(%run_scoped3A : memref<!tpu.dma_semaphore, #tpu.memory_space<semaphore_mem>>) src(%arg26 : memref<128xf32, #tpu.memory_space<vmem>>) dst(%dma_wait3A_993 : memref<128xf32, #tpu.memory_space<hbm>>)
      tpu.yield
    }) : () -> ()
    %add3A_242 = arith.constant 49152 : i32
    %add3A_243 = arith.addi %add3A_242, %add3A_4 : i32
    "tpu.region"() ({
      %run_scoped3A = tpu.sem_alloc : memref<!tpu.dma_semaphore, #tpu.memory_space<semaphore_mem>>
      %dma_start3A_990 = tpu.memref_slice %arg8[%add3A_243] : memref<81920xf32, #tpu.memory_space<hbm>> -> memref<128xf32, #tpu.memory_space<hbm>>
      %dma_start3A_991 = tpu.memref_slice %arg8[%add3A_243] : memref<81920xf32, #tpu.memory_space<hbm>> -> memref<128xf32, #tpu.memory_space<hbm>>
      tpu.enqueue_dma source(%arg27 : memref<128xf32, #tpu.memory_space<vmem>>) target(%dma_start3A_991 : memref<128xf32, #tpu.memory_space<hbm>>) target_semaphore(%run_scoped3A : memref<!tpu.dma_semaphore, #tpu.memory_space<semaphore_mem>>)
      %dma_wait3A_992 = tpu.memref_slice %arg8[%add3A_243] : memref<81920xf32, #tpu.memory_space<hbm>> -> memref<128xf32, #tpu.memory_space<hbm>>
      %dma_wait3A_993 = tpu.memref_slice %arg8[%add3A_243] : memref<81920xf32, #tpu.memory_space<hbm>> -> memref<128xf32, #tpu.memory_space<hbm>>
      tpu.wait_dma2 semaphore(%run_scoped3A : memref<!tpu.dma_semaphore, #tpu.memory_space<semaphore_mem>>) src(%arg27 : memref<128xf32, #tpu.memory_space<vmem>>) dst(%dma_wait3A_993 : memref<128xf32, #tpu.memory_space<hbm>>)
      tpu.yield
    }) : () -> ()
    %add3A_244 = arith.constant 65536 : i32
    %add3A_245 = arith.addi %add3A_244, %add3A_4 : i32
    "tpu.region"() ({
      %run_scoped3A = tpu.sem_alloc : memref<!tpu.dma_semaphore, #tpu.memory_space<semaphore_mem>>
      %dma_start3A_990 = tpu.memref_slice %arg8[%add3A_245] : memref<81920xf32, #tpu.memory_space<hbm>> -> memref<128xf32, #tpu.memory_space<hbm>>
      %dma_start3A_991 = tpu.memref_slice %arg8[%add3A_245] : memref<81920xf32, #tpu.memory_space<hbm>> -> memref<128xf32, #tpu.memory_space<hbm>>
      tpu.enqueue_dma source(%arg28 : memref<128xf32, #tpu.memory_space<vmem>>) target(%dma_start3A_991 : memref<128xf32, #tpu.memory_space<hbm>>) target_semaphore(%run_scoped3A : memref<!tpu.dma_semaphore, #tpu.memory_space<semaphore_mem>>)
      %dma_wait3A_992 = tpu.memref_slice %arg8[%add3A_245] : memref<81920xf32, #tpu.memory_space<hbm>> -> memref<128xf32, #tpu.memory_space<hbm>>
      %dma_wait3A_993 = tpu.memref_slice %arg8[%add3A_245] : memref<81920xf32, #tpu.memory_space<hbm>> -> memref<128xf32, #tpu.memory_space<hbm>>
      tpu.wait_dma2 semaphore(%run_scoped3A : memref<!tpu.dma_semaphore, #tpu.memory_space<semaphore_mem>>) src(%arg28 : memref<128xf32, #tpu.memory_space<vmem>>) dst(%dma_wait3A_993 : memref<128xf32, #tpu.memory_space<hbm>>)
      tpu.yield
    }) : () -> ()
    %add3A_246 = arith.constant 128 : i32
    %add3A_247 = arith.addi %mul3A_2, %add3A_246 : i32
    "tpu.region"() ({
      %run_scoped3A = tpu.sem_alloc : memref<!tpu.dma_semaphore, #tpu.memory_space<semaphore_mem>>
      %dma_start3A_990 = tpu.memref_slice %arg4[%add3A_247] : memref<16384xi32, #tpu.memory_space<hbm>> -> memref<128xi32, #tpu.memory_space<hbm>>
      %dma_start3A_991 = tpu.memref_slice %arg4[%add3A_247] : memref<16384xi32, #tpu.memory_space<hbm>> -> memref<128xi32, #tpu.memory_space<hbm>>
      tpu.enqueue_dma source(%dma_start3A_991 : memref<128xi32, #tpu.memory_space<hbm>>) target(%arg9 : memref<128xi32, #tpu.memory_space<vmem>>) target_semaphore(%run_scoped3A : memref<!tpu.dma_semaphore, #tpu.memory_space<semaphore_mem>>)
      %dma_wait3A_992 = tpu.memref_slice %arg4[%add3A_247] : memref<16384xi32, #tpu.memory_space<hbm>> -> memref<128xi32, #tpu.memory_space<hbm>>
      %dma_wait3A_993 = tpu.memref_slice %arg4[%add3A_247] : memref<16384xi32, #tpu.memory_space<hbm>> -> memref<128xi32, #tpu.memory_space<hbm>>
      tpu.wait_dma2 semaphore(%run_scoped3A : memref<!tpu.dma_semaphore, #tpu.memory_space<semaphore_mem>>) src(%dma_wait3A_993 : memref<128xi32, #tpu.memory_space<hbm>>) dst(%arg9 : memref<128xi32, #tpu.memory_space<vmem>>)
      tpu.yield
    }) : () -> ()
    "tpu.region"() ({
      %run_scoped3A = tpu.sem_alloc : memref<!tpu.dma_semaphore, #tpu.memory_space<semaphore_mem>>
      %dma_start3A_990 = tpu.memref_slice %arg5[%add3A_247] : memref<16384xi32, #tpu.memory_space<hbm>> -> memref<128xi32, #tpu.memory_space<hbm>>
      %dma_start3A_991 = tpu.memref_slice %arg5[%add3A_247] : memref<16384xi32, #tpu.memory_space<hbm>> -> memref<128xi32, #tpu.memory_space<hbm>>
      tpu.enqueue_dma source(%dma_start3A_991 : memref<128xi32, #tpu.memory_space<hbm>>) target(%arg10 : memref<128xi32, #tpu.memory_space<vmem>>) target_semaphore(%run_scoped3A : memref<!tpu.dma_semaphore, #tpu.memory_space<semaphore_mem>>)
      %dma_wait3A_992 = tpu.memref_slice %arg5[%add3A_247] : memref<16384xi32, #tpu.memory_space<hbm>> -> memref<128xi32, #tpu.memory_space<hbm>>
      %dma_wait3A_993 = tpu.memref_slice %arg5[%add3A_247] : memref<16384xi32, #tpu.memory_space<hbm>> -> memref<128xi32, #tpu.memory_space<hbm>>
      tpu.wait_dma2 semaphore(%run_scoped3A : memref<!tpu.dma_semaphore, #tpu.memory_space<semaphore_mem>>) src(%dma_wait3A_993 : memref<128xi32, #tpu.memory_space<hbm>>) dst(%arg10 : memref<128xi32, #tpu.memory_space<vmem>>)
      tpu.yield
    }) : () -> ()
    %add3A_248 = arith.constant 0 : i32
    %add3A_249 = arith.addi %add3A_248, %add3A_247 : i32
    "tpu.region"() ({
      %run_scoped3A = tpu.sem_alloc : memref<!tpu.dma_semaphore, #tpu.memory_space<semaphore_mem>>
      %dma_start3A_990 = tpu.memref_slice %arg6[%add3A_249] : memref<81920xi32, #tpu.memory_space<hbm>> -> memref<128xi32, #tpu.memory_space<hbm>>
      %dma_start3A_991 = tpu.memref_slice %arg6[%add3A_249] : memref<81920xi32, #tpu.memory_space<hbm>> -> memref<128xi32, #tpu.memory_space<hbm>>
      tpu.enqueue_dma source(%dma_start3A_991 : memref<128xi32, #tpu.memory_space<hbm>>) target(%arg11 : memref<128xi32, #tpu.memory_space<vmem>>) target_semaphore(%run_scoped3A : memref<!tpu.dma_semaphore, #tpu.memory_space<semaphore_mem>>)
      %dma_wait3A_992 = tpu.memref_slice %arg6[%add3A_249] : memref<81920xi32, #tpu.memory_space<hbm>> -> memref<128xi32, #tpu.memory_space<hbm>>
      %dma_wait3A_993 = tpu.memref_slice %arg6[%add3A_249] : memref<81920xi32, #tpu.memory_space<hbm>> -> memref<128xi32, #tpu.memory_space<hbm>>
      tpu.wait_dma2 semaphore(%run_scoped3A : memref<!tpu.dma_semaphore, #tpu.memory_space<semaphore_mem>>) src(%dma_wait3A_993 : memref<128xi32, #tpu.memory_space<hbm>>) dst(%arg11 : memref<128xi32, #tpu.memory_space<vmem>>)
      tpu.yield
    }) : () -> ()
    %add3A_250 = arith.constant 16384 : i32
    %add3A_251 = arith.addi %add3A_250, %add3A_247 : i32
    "tpu.region"() ({
      %run_scoped3A = tpu.sem_alloc : memref<!tpu.dma_semaphore, #tpu.memory_space<semaphore_mem>>
      %dma_start3A_990 = tpu.memref_slice %arg6[%add3A_251] : memref<81920xi32, #tpu.memory_space<hbm>> -> memref<128xi32, #tpu.memory_space<hbm>>
      %dma_start3A_991 = tpu.memref_slice %arg6[%add3A_251] : memref<81920xi32, #tpu.memory_space<hbm>> -> memref<128xi32, #tpu.memory_space<hbm>>
      tpu.enqueue_dma source(%dma_start3A_991 : memref<128xi32, #tpu.memory_space<hbm>>) target(%arg12 : memref<128xi32, #tpu.memory_space<vmem>>) target_semaphore(%run_scoped3A : memref<!tpu.dma_semaphore, #tpu.memory_space<semaphore_mem>>)
      %dma_wait3A_992 = tpu.memref_slice %arg6[%add3A_251] : memref<81920xi32, #tpu.memory_space<hbm>> -> memref<128xi32, #tpu.memory_space<hbm>>
      %dma_wait3A_993 = tpu.memref_slice %arg6[%add3A_251] : memref<81920xi32, #tpu.memory_space<hbm>> -> memref<128xi32, #tpu.memory_space<hbm>>
      tpu.wait_dma2 semaphore(%run_scoped3A : memref<!tpu.dma_semaphore, #tpu.memory_space<semaphore_mem>>) src(%dma_wait3A_993 : memref<128xi32, #tpu.memory_space<hbm>>) dst(%arg12 : memref<128xi32, #tpu.memory_space<vmem>>)
      tpu.yield
    }) : () -> ()
    %add3A_252 = arith.constant 32768 : i32
    %add3A_253 = arith.addi %add3A_252, %add3A_247 : i32
    "tpu.region"() ({
      %run_scoped3A = tpu.sem_alloc : memref<!tpu.dma_semaphore, #tpu.memory_space<semaphore_mem>>
      %dma_start3A_990 = tpu.memref_slice %arg6[%add3A_253] : memref<81920xi32, #tpu.memory_space<hbm>> -> memref<128xi32, #tpu.memory_space<hbm>>
      %dma_start3A_991 = tpu.memref_slice %arg6[%add3A_253] : memref<81920xi32, #tpu.memory_space<hbm>> -> memref<128xi32, #tpu.memory_space<hbm>>
      tpu.enqueue_dma source(%dma_start3A_991 : memref<128xi32, #tpu.memory_space<hbm>>) target(%arg13 : memref<128xi32, #tpu.memory_space<vmem>>) target_semaphore(%run_scoped3A : memref<!tpu.dma_semaphore, #tpu.memory_space<semaphore_mem>>)
      %dma_wait3A_992 = tpu.memref_slice %arg6[%add3A_253] : memref<81920xi32, #tpu.memory_space<hbm>> -> memref<128xi32, #tpu.memory_space<hbm>>
      %dma_wait3A_993 = tpu.memref_slice %arg6[%add3A_253] : memref<81920xi32, #tpu.memory_space<hbm>> -> memref<128xi32, #tpu.memory_space<hbm>>
      tpu.wait_dma2 semaphore(%run_scoped3A : memref<!tpu.dma_semaphore, #tpu.memory_space<semaphore_mem>>) src(%dma_wait3A_993 : memref<128xi32, #tpu.memory_space<hbm>>) dst(%arg13 : memref<128xi32, #tpu.memory_space<vmem>>)
      tpu.yield
    }) : () -> ()
    %add3A_254 = arith.constant 49152 : i32
    %add3A_255 = arith.addi %add3A_254, %add3A_247 : i32
    "tpu.region"() ({
      %run_scoped3A = tpu.sem_alloc : memref<!tpu.dma_semaphore, #tpu.memory_space<semaphore_mem>>
      %dma_start3A_990 = tpu.memref_slice %arg6[%add3A_255] : memref<81920xi32, #tpu.memory_space<hbm>> -> memref<128xi32, #tpu.memory_space<hbm>>
      %dma_start3A_991 = tpu.memref_slice %arg6[%add3A_255] : memref<81920xi32, #tpu.memory_space<hbm>> -> memref<128xi32, #tpu.memory_space<hbm>>
      tpu.enqueue_dma source(%dma_start3A_991 : memref<128xi32, #tpu.memory_space<hbm>>) target(%arg14 : memref<128xi32, #tpu.memory_space<vmem>>) target_semaphore(%run_scoped3A : memref<!tpu.dma_semaphore, #tpu.memory_space<semaphore_mem>>)
      %dma_wait3A_992 = tpu.memref_slice %arg6[%add3A_255] : memref<81920xi32, #tpu.memory_space<hbm>> -> memref<128xi32, #tpu.memory_space<hbm>>
      %dma_wait3A_993 = tpu.memref_slice %arg6[%add3A_255] : memref<81920xi32, #tpu.memory_space<hbm>> -> memref<128xi32, #tpu.memory_space<hbm>>
      tpu.wait_dma2 semaphore(%run_scoped3A : memref<!tpu.dma_semaphore, #tpu.memory_space<semaphore_mem>>) src(%dma_wait3A_993 : memref<128xi32, #tpu.memory_space<hbm>>) dst(%arg14 : memref<128xi32, #tpu.memory_space<vmem>>)
      tpu.yield
    }) : () -> ()
    %add3A_256 = arith.constant 65536 : i32
    %add3A_257 = arith.addi %add3A_256, %add3A_247 : i32
    "tpu.region"() ({
      %run_scoped3A = tpu.sem_alloc : memref<!tpu.dma_semaphore, #tpu.memory_space<semaphore_mem>>
      %dma_start3A_990 = tpu.memref_slice %arg6[%add3A_257] : memref<81920xi32, #tpu.memory_space<hbm>> -> memref<128xi32, #tpu.memory_space<hbm>>
      %dma_start3A_991 = tpu.memref_slice %arg6[%add3A_257] : memref<81920xi32, #tpu.memory_space<hbm>> -> memref<128xi32, #tpu.memory_space<hbm>>
      tpu.enqueue_dma source(%dma_start3A_991 : memref<128xi32, #tpu.memory_space<hbm>>) target(%arg15 : memref<128xi32, #tpu.memory_space<vmem>>) target_semaphore(%run_scoped3A : memref<!tpu.dma_semaphore, #tpu.memory_space<semaphore_mem>>)
      %dma_wait3A_992 = tpu.memref_slice %arg6[%add3A_257] : memref<81920xi32, #tpu.memory_space<hbm>> -> memref<128xi32, #tpu.memory_space<hbm>>
      %dma_wait3A_993 = tpu.memref_slice %arg6[%add3A_257] : memref<81920xi32, #tpu.memory_space<hbm>> -> memref<128xi32, #tpu.memory_space<hbm>>
      tpu.wait_dma2 semaphore(%run_scoped3A : memref<!tpu.dma_semaphore, #tpu.memory_space<semaphore_mem>>) src(%dma_wait3A_993 : memref<128xi32, #tpu.memory_space<hbm>>) dst(%arg15 : memref<128xi32, #tpu.memory_space<vmem>>)
      tpu.yield
    }) : () -> ()
    %dma_start3A_258 = arith.constant 0 : i32
    %dma_start3A_259 = arith.constant 0 : i32
    %dma_start3A_260 = tpu.memref_slice %arg2[%dma_start3A_258, %dma_start3A_259] : memref<1000000x64xf32, #tpu.memory_space<hbm>> -> memref<1000000x64xf32, #tpu.memory_space<hbm>>
    tpu.enqueue_indirect_dma source(%dma_start3A_260 : memref<1000000x64xf32, #tpu.memory_space<hbm>>) target(%arg16 : memref<128x64xf32, #tpu.memory_space<vmem>>) offsets(%arg9 : memref<128xi32, #tpu.memory_space<vmem>>) semaphore(%arg29 : memref<!tpu.dma_semaphore, #tpu.memory_space<semaphore_mem>>)
    %dma_start3A_261 = arith.constant 0 : i32
    %dma_start3A_262 = arith.constant 0 : i32
    %dma_start3A_263 = tpu.memref_slice %arg3[%dma_start3A_261, %dma_start3A_262] : memref<1000000x64xf32, #tpu.memory_space<hbm>> -> memref<1000000x64xf32, #tpu.memory_space<hbm>>
    tpu.enqueue_indirect_dma source(%dma_start3A_263 : memref<1000000x64xf32, #tpu.memory_space<hbm>>) target(%arg17 : memref<128x64xf32, #tpu.memory_space<vmem>>) offsets(%arg10 : memref<128xi32, #tpu.memory_space<vmem>>) semaphore(%arg29 : memref<!tpu.dma_semaphore, #tpu.memory_space<semaphore_mem>>)
    %dma_start3A_264 = arith.constant 0 : i32
    %dma_start3A_265 = arith.constant 0 : i32
    %dma_start3A_266 = tpu.memref_slice %arg3[%dma_start3A_264, %dma_start3A_265] : memref<1000000x64xf32, #tpu.memory_space<hbm>> -> memref<1000000x64xf32, #tpu.memory_space<hbm>>
    tpu.enqueue_indirect_dma source(%dma_start3A_266 : memref<1000000x64xf32, #tpu.memory_space<hbm>>) target(%arg18 : memref<128x64xf32, #tpu.memory_space<vmem>>) offsets(%arg11 : memref<128xi32, #tpu.memory_space<vmem>>) semaphore(%arg29 : memref<!tpu.dma_semaphore, #tpu.memory_space<semaphore_mem>>)
    %dma_start3A_267 = arith.constant 0 : i32
    %dma_start3A_268 = arith.constant 0 : i32
    %dma_start3A_269 = tpu.memref_slice %arg3[%dma_start3A_267, %dma_start3A_268] : memref<1000000x64xf32, #tpu.memory_space<hbm>> -> memref<1000000x64xf32, #tpu.memory_space<hbm>>
    tpu.enqueue_indirect_dma source(%dma_start3A_269 : memref<1000000x64xf32, #tpu.memory_space<hbm>>) target(%arg19 : memref<128x64xf32, #tpu.memory_space<vmem>>) offsets(%arg12 : memref<128xi32, #tpu.memory_space<vmem>>) semaphore(%arg29 : memref<!tpu.dma_semaphore, #tpu.memory_space<semaphore_mem>>)
    %dma_start3A_270 = arith.constant 0 : i32
    %dma_start3A_271 = arith.constant 0 : i32
    %dma_start3A_272 = tpu.memref_slice %arg3[%dma_start3A_270, %dma_start3A_271] : memref<1000000x64xf32, #tpu.memory_space<hbm>> -> memref<1000000x64xf32, #tpu.memory_space<hbm>>
    tpu.enqueue_indirect_dma source(%dma_start3A_272 : memref<1000000x64xf32, #tpu.memory_space<hbm>>) target(%arg20 : memref<128x64xf32, #tpu.memory_space<vmem>>) offsets(%arg13 : memref<128xi32, #tpu.memory_space<vmem>>) semaphore(%arg29 : memref<!tpu.dma_semaphore, #tpu.memory_space<semaphore_mem>>)
    %dma_start3A_273 = arith.constant 0 : i32
    %dma_start3A_274 = arith.constant 0 : i32
    %dma_start3A_275 = tpu.memref_slice %arg3[%dma_start3A_273, %dma_start3A_274] : memref<1000000x64xf32, #tpu.memory_space<hbm>> -> memref<1000000x64xf32, #tpu.memory_space<hbm>>
    tpu.enqueue_indirect_dma source(%dma_start3A_275 : memref<1000000x64xf32, #tpu.memory_space<hbm>>) target(%arg21 : memref<128x64xf32, #tpu.memory_space<vmem>>) offsets(%arg14 : memref<128xi32, #tpu.memory_space<vmem>>) semaphore(%arg29 : memref<!tpu.dma_semaphore, #tpu.memory_space<semaphore_mem>>)
    %dma_start3A_276 = arith.constant 0 : i32
    %dma_start3A_277 = arith.constant 0 : i32
    %dma_start3A_278 = tpu.memref_slice %arg3[%dma_start3A_276, %dma_start3A_277] : memref<1000000x64xf32, #tpu.memory_space<hbm>> -> memref<1000000x64xf32, #tpu.memory_space<hbm>>
    tpu.enqueue_indirect_dma source(%dma_start3A_278 : memref<1000000x64xf32, #tpu.memory_space<hbm>>) target(%arg22 : memref<128x64xf32, #tpu.memory_space<vmem>>) offsets(%arg15 : memref<128xi32, #tpu.memory_space<vmem>>) semaphore(%arg29 : memref<!tpu.dma_semaphore, #tpu.memory_space<semaphore_mem>>)
    %dma_wait3A_279 = arith.constant 0 : i32
    %dma_wait3A_280 = arith.constant 0 : i32
    %dma_wait3A_281 = tpu.memref_slice %arg2[%dma_wait3A_279, %dma_wait3A_280] : memref<1000000x64xf32, #tpu.memory_space<hbm>> -> memref<1000000x64xf32, #tpu.memory_space<hbm>>
    tpu.wait_indirect_dma semaphore(%arg29 : memref<!tpu.dma_semaphore, #tpu.memory_space<semaphore_mem>>) src(%dma_wait3A_281 : memref<1000000x64xf32, #tpu.memory_space<hbm>>) dst(%arg16 : memref<128x64xf32, #tpu.memory_space<vmem>>)
    %dma_wait3A_282 = arith.constant 0 : i32
    %dma_wait3A_283 = arith.constant 0 : i32
    %dma_wait3A_284 = tpu.memref_slice %arg3[%dma_wait3A_282, %dma_wait3A_283] : memref<1000000x64xf32, #tpu.memory_space<hbm>> -> memref<1000000x64xf32, #tpu.memory_space<hbm>>
    tpu.wait_indirect_dma semaphore(%arg29 : memref<!tpu.dma_semaphore, #tpu.memory_space<semaphore_mem>>) src(%dma_wait3A_284 : memref<1000000x64xf32, #tpu.memory_space<hbm>>) dst(%arg17 : memref<128x64xf32, #tpu.memory_space<vmem>>)
    %dma_wait3A_285 = arith.constant 0 : i32
    %dma_wait3A_286 = arith.constant 0 : i32
    %dma_wait3A_287 = tpu.memref_slice %arg3[%dma_wait3A_285, %dma_wait3A_286] : memref<1000000x64xf32, #tpu.memory_space<hbm>> -> memref<1000000x64xf32, #tpu.memory_space<hbm>>
    tpu.wait_indirect_dma semaphore(%arg29 : memref<!tpu.dma_semaphore, #tpu.memory_space<semaphore_mem>>) src(%dma_wait3A_287 : memref<1000000x64xf32, #tpu.memory_space<hbm>>) dst(%arg18 : memref<128x64xf32, #tpu.memory_space<vmem>>)
    %dma_wait3A_288 = arith.constant 0 : i32
    %dma_wait3A_289 = arith.constant 0 : i32
    %dma_wait3A_290 = tpu.memref_slice %arg3[%dma_wait3A_288, %dma_wait3A_289] : memref<1000000x64xf32, #tpu.memory_space<hbm>> -> memref<1000000x64xf32, #tpu.memory_space<hbm>>
    tpu.wait_indirect_dma semaphore(%arg29 : memref<!tpu.dma_semaphore, #tpu.memory_space<semaphore_mem>>) src(%dma_wait3A_290 : memref<1000000x64xf32, #tpu.memory_space<hbm>>) dst(%arg19 : memref<128x64xf32, #tpu.memory_space<vmem>>)
    %dma_wait3A_291 = arith.constant 0 : i32
    %dma_wait3A_292 = arith.constant 0 : i32
    %dma_wait3A_293 = tpu.memref_slice %arg3[%dma_wait3A_291, %dma_wait3A_292] : memref<1000000x64xf32, #tpu.memory_space<hbm>> -> memref<1000000x64xf32, #tpu.memory_space<hbm>>
    tpu.wait_indirect_dma semaphore(%arg29 : memref<!tpu.dma_semaphore, #tpu.memory_space<semaphore_mem>>) src(%dma_wait3A_293 : memref<1000000x64xf32, #tpu.memory_space<hbm>>) dst(%arg20 : memref<128x64xf32, #tpu.memory_space<vmem>>)
    %dma_wait3A_294 = arith.constant 0 : i32
    %dma_wait3A_295 = arith.constant 0 : i32
    %dma_wait3A_296 = tpu.memref_slice %arg3[%dma_wait3A_294, %dma_wait3A_295] : memref<1000000x64xf32, #tpu.memory_space<hbm>> -> memref<1000000x64xf32, #tpu.memory_space<hbm>>
    tpu.wait_indirect_dma semaphore(%arg29 : memref<!tpu.dma_semaphore, #tpu.memory_space<semaphore_mem>>) src(%dma_wait3A_296 : memref<1000000x64xf32, #tpu.memory_space<hbm>>) dst(%arg21 : memref<128x64xf32, #tpu.memory_space<vmem>>)
    %dma_wait3A_297 = arith.constant 0 : i32
    %dma_wait3A_298 = arith.constant 0 : i32
    %dma_wait3A_299 = tpu.memref_slice %arg3[%dma_wait3A_297, %dma_wait3A_298] : memref<1000000x64xf32, #tpu.memory_space<hbm>> -> memref<1000000x64xf32, #tpu.memory_space<hbm>>
    tpu.wait_indirect_dma semaphore(%arg29 : memref<!tpu.dma_semaphore, #tpu.memory_space<semaphore_mem>>) src(%dma_wait3A_299 : memref<1000000x64xf32, #tpu.memory_space<hbm>>) dst(%arg22 : memref<128x64xf32, #tpu.memory_space<vmem>>)
    %add3A_300 = arith.constant 0 : i32
    %add3A_301 = vector.broadcast %add3A_300 : i32 to vector<16xi32>
    %add3A_302 = arith.addi %add3A_301, %iota3A : vector<16xi32>
    %broadcast_in_dim3A_303 = arith.constant 0.000000e+00 : f32
    %broadcast_in_dim3A_304 = vector.broadcast %broadcast_in_dim3A_303 : f32 to vector<16xf32>
    %scan3A_305 = arith.constant 0 : i32
    %scan3A_306 = arith.constant 64 : i32
    %scan3A_307 = arith.addi %scan3A_305, %scan3A_306 : i32
    %scan3A_308 = arith.constant 1 : i32
    %scan3A_309:6 = scf.for %scan3A_990 = %scan3A_305 to %scan3A_307 step %scan3A_308 iter_args(%scan3A_991 = %broadcast_in_dim3A_304, %scan3A_992 = %broadcast_in_dim3A_304, %scan3A_993 = %broadcast_in_dim3A_304, %scan3A_994 = %broadcast_in_dim3A_304, %scan3A_995 = %broadcast_in_dim3A_304, %scan3A_996 = %broadcast_in_dim3A_304) -> (vector<16xf32>, vector<16xf32>, vector<16xf32>, vector<16xf32>, vector<16xf32>, vector<16xf32>)  : i32 {
      %broadcast_in_dim3A_997 = vector.broadcast %scan3A_990 : i32 to vector<16xi32>
      %gather3A = tpu.vector_load_idx %arg16[%add3A_302, %broadcast_in_dim3A_997] : memref<128x64xf32, #tpu.memory_space<vmem>>[vector<16xi32>, vector<16xi32>], vector<16xf32>,
      %gather3A_998 = tpu.vector_load_idx %arg17[%add3A_302, %broadcast_in_dim3A_997] : memref<128x64xf32, #tpu.memory_space<vmem>>[vector<16xi32>, vector<16xi32>], vector<16xf32>,
      %mul3A_999 = arith.mulf %gather3A, %gather3A_998 : vector<16xf32>
      %add3A_1000 = arith.addf %scan3A_991, %mul3A_999 : vector<16xf32>
      %gather3A_1001 = tpu.vector_load_idx %arg18[%add3A_302, %broadcast_in_dim3A_997] : memref<128x64xf32, #tpu.memory_space<vmem>>[vector<16xi32>, vector<16xi32>], vector<16xf32>,
      %mul3A_1002 = arith.mulf %gather3A, %gather3A_1001 : vector<16xf32>
      %add3A_1003 = arith.addf %scan3A_992, %mul3A_1002 : vector<16xf32>
      %gather3A_1004 = tpu.vector_load_idx %arg19[%add3A_302, %broadcast_in_dim3A_997] : memref<128x64xf32, #tpu.memory_space<vmem>>[vector<16xi32>, vector<16xi32>], vector<16xf32>,
      %mul3A_1005 = arith.mulf %gather3A, %gather3A_1004 : vector<16xf32>
      %add3A_1006 = arith.addf %scan3A_993, %mul3A_1005 : vector<16xf32>
      %gather3A_1007 = tpu.vector_load_idx %arg20[%add3A_302, %broadcast_in_dim3A_997] : memref<128x64xf32, #tpu.memory_space<vmem>>[vector<16xi32>, vector<16xi32>], vector<16xf32>,
      %mul3A_1008 = arith.mulf %gather3A, %gather3A_1007 : vector<16xf32>
      %add3A_1009 = arith.addf %scan3A_994, %mul3A_1008 : vector<16xf32>
      %gather3A_1010 = tpu.vector_load_idx %arg21[%add3A_302, %broadcast_in_dim3A_997] : memref<128x64xf32, #tpu.memory_space<vmem>>[vector<16xi32>, vector<16xi32>], vector<16xf32>,
      %mul3A_1011 = arith.mulf %gather3A, %gather3A_1010 : vector<16xf32>
      %add3A_1012 = arith.addf %scan3A_995, %mul3A_1011 : vector<16xf32>
      %gather3A_1013 = tpu.vector_load_idx %arg22[%add3A_302, %broadcast_in_dim3A_997] : memref<128x64xf32, #tpu.memory_space<vmem>>[vector<16xi32>, vector<16xi32>], vector<16xf32>,
      %mul3A_1014 = arith.mulf %gather3A, %gather3A_1013 : vector<16xf32>
      %add3A_1015 = arith.addf %scan3A_996, %mul3A_1014 : vector<16xf32>
      scf.yield %add3A_1000, %add3A_1003, %add3A_1006, %add3A_1009, %add3A_1012, %add3A_1015 : vector<16xf32>, vector<16xf32>, vector<16xf32>, vector<16xf32>, vector<16xf32>, vector<16xf32>
    }
    %scan3A_310 = arith.constant 64 : i32
    %swap3A_311 = arith.constant 0 : index
    %swap3A_312 = tpu.vector_load %arg23[%swap3A_311] {strides = array<i32>} : memref<128xf32, #tpu.memory_space<vmem>>, vector<16xf32>,
    tpu.vector_store %arg23[%swap3A_311], %scan3A_309#0 {strides = array<i32>} : memref<128xf32, #tpu.memory_space<vmem>>, vector<16xf32>,
    %swap3A_313 = arith.constant 0 : index
    %swap3A_314 = tpu.vector_load %arg24[%swap3A_313] {strides = array<i32>} : memref<128xf32, #tpu.memory_space<vmem>>, vector<16xf32>,
    tpu.vector_store %arg24[%swap3A_313], %scan3A_309#1 {strides = array<i32>} : memref<128xf32, #tpu.memory_space<vmem>>, vector<16xf32>,
    %swap3A_315 = arith.constant 0 : index
    %swap3A_316 = tpu.vector_load %arg25[%swap3A_315] {strides = array<i32>} : memref<128xf32, #tpu.memory_space<vmem>>, vector<16xf32>,
    tpu.vector_store %arg25[%swap3A_315], %scan3A_309#2 {strides = array<i32>} : memref<128xf32, #tpu.memory_space<vmem>>, vector<16xf32>,
    %swap3A_317 = arith.constant 0 : index
    %swap3A_318 = tpu.vector_load %arg26[%swap3A_317] {strides = array<i32>} : memref<128xf32, #tpu.memory_space<vmem>>, vector<16xf32>,
    tpu.vector_store %arg26[%swap3A_317], %scan3A_309#3 {strides = array<i32>} : memref<128xf32, #tpu.memory_space<vmem>>, vector<16xf32>,
    %swap3A_319 = arith.constant 0 : index
    %swap3A_320 = tpu.vector_load %arg27[%swap3A_319] {strides = array<i32>} : memref<128xf32, #tpu.memory_space<vmem>>, vector<16xf32>,
    tpu.vector_store %arg27[%swap3A_319], %scan3A_309#4 {strides = array<i32>} : memref<128xf32, #tpu.memory_space<vmem>>, vector<16xf32>,
    %swap3A_321 = arith.constant 0 : index
    %swap3A_322 = tpu.vector_load %arg28[%swap3A_321] {strides = array<i32>} : memref<128xf32, #tpu.memory_space<vmem>>, vector<16xf32>,
    tpu.vector_store %arg28[%swap3A_321], %scan3A_309#5 {strides = array<i32>} : memref<128xf32, #tpu.memory_space<vmem>>, vector<16xf32>,
    %add3A_323 = arith.constant 16 : i32
    %add3A_324 = vector.broadcast %add3A_323 : i32 to vector<16xi32>
    %add3A_325 = arith.addi %add3A_324, %iota3A : vector<16xi32>
    %broadcast_in_dim3A_326 = arith.constant 0.000000e+00 : f32
    %broadcast_in_dim3A_327 = vector.broadcast %broadcast_in_dim3A_326 : f32 to vector<16xf32>
    %scan3A_328 = arith.constant 0 : i32
    %scan3A_329 = arith.constant 64 : i32
    %scan3A_330 = arith.addi %scan3A_328, %scan3A_329 : i32
    %scan3A_331 = arith.constant 1 : i32
    %scan3A_332:6 = scf.for %scan3A_990 = %scan3A_328 to %scan3A_330 step %scan3A_331 iter_args(%scan3A_991 = %broadcast_in_dim3A_327, %scan3A_992 = %broadcast_in_dim3A_327, %scan3A_993 = %broadcast_in_dim3A_327, %scan3A_994 = %broadcast_in_dim3A_327, %scan3A_995 = %broadcast_in_dim3A_327, %scan3A_996 = %broadcast_in_dim3A_327) -> (vector<16xf32>, vector<16xf32>, vector<16xf32>, vector<16xf32>, vector<16xf32>, vector<16xf32>)  : i32 {
      %broadcast_in_dim3A_997 = vector.broadcast %scan3A_990 : i32 to vector<16xi32>
      %gather3A = tpu.vector_load_idx %arg16[%add3A_325, %broadcast_in_dim3A_997] : memref<128x64xf32, #tpu.memory_space<vmem>>[vector<16xi32>, vector<16xi32>], vector<16xf32>,
      %gather3A_998 = tpu.vector_load_idx %arg17[%add3A_325, %broadcast_in_dim3A_997] : memref<128x64xf32, #tpu.memory_space<vmem>>[vector<16xi32>, vector<16xi32>], vector<16xf32>,
      %mul3A_999 = arith.mulf %gather3A, %gather3A_998 : vector<16xf32>
      %add3A_1000 = arith.addf %scan3A_991, %mul3A_999 : vector<16xf32>
      %gather3A_1001 = tpu.vector_load_idx %arg18[%add3A_325, %broadcast_in_dim3A_997] : memref<128x64xf32, #tpu.memory_space<vmem>>[vector<16xi32>, vector<16xi32>], vector<16xf32>,
      %mul3A_1002 = arith.mulf %gather3A, %gather3A_1001 : vector<16xf32>
      %add3A_1003 = arith.addf %scan3A_992, %mul3A_1002 : vector<16xf32>
      %gather3A_1004 = tpu.vector_load_idx %arg19[%add3A_325, %broadcast_in_dim3A_997] : memref<128x64xf32, #tpu.memory_space<vmem>>[vector<16xi32>, vector<16xi32>], vector<16xf32>,
      %mul3A_1005 = arith.mulf %gather3A, %gather3A_1004 : vector<16xf32>
      %add3A_1006 = arith.addf %scan3A_993, %mul3A_1005 : vector<16xf32>
      %gather3A_1007 = tpu.vector_load_idx %arg20[%add3A_325, %broadcast_in_dim3A_997] : memref<128x64xf32, #tpu.memory_space<vmem>>[vector<16xi32>, vector<16xi32>], vector<16xf32>,
      %mul3A_1008 = arith.mulf %gather3A, %gather3A_1007 : vector<16xf32>
      %add3A_1009 = arith.addf %scan3A_994, %mul3A_1008 : vector<16xf32>
      %gather3A_1010 = tpu.vector_load_idx %arg21[%add3A_325, %broadcast_in_dim3A_997] : memref<128x64xf32, #tpu.memory_space<vmem>>[vector<16xi32>, vector<16xi32>], vector<16xf32>,
      %mul3A_1011 = arith.mulf %gather3A, %gather3A_1010 : vector<16xf32>
      %add3A_1012 = arith.addf %scan3A_995, %mul3A_1011 : vector<16xf32>
      %gather3A_1013 = tpu.vector_load_idx %arg22[%add3A_325, %broadcast_in_dim3A_997] : memref<128x64xf32, #tpu.memory_space<vmem>>[vector<16xi32>, vector<16xi32>], vector<16xf32>,
      %mul3A_1014 = arith.mulf %gather3A, %gather3A_1013 : vector<16xf32>
      %add3A_1015 = arith.addf %scan3A_996, %mul3A_1014 : vector<16xf32>
      scf.yield %add3A_1000, %add3A_1003, %add3A_1006, %add3A_1009, %add3A_1012, %add3A_1015 : vector<16xf32>, vector<16xf32>, vector<16xf32>, vector<16xf32>, vector<16xf32>, vector<16xf32>
    }
    %scan3A_333 = arith.constant 64 : i32
    %swap3A_334 = arith.constant 16 : index
    %swap3A_335 = tpu.vector_load %arg23[%swap3A_334] {strides = array<i32>} : memref<128xf32, #tpu.memory_space<vmem>>, vector<16xf32>,
    tpu.vector_store %arg23[%swap3A_334], %scan3A_332#0 {strides = array<i32>} : memref<128xf32, #tpu.memory_space<vmem>>, vector<16xf32>,
    %swap3A_336 = arith.constant 16 : index
    %swap3A_337 = tpu.vector_load %arg24[%swap3A_336] {strides = array<i32>} : memref<128xf32, #tpu.memory_space<vmem>>, vector<16xf32>,
    tpu.vector_store %arg24[%swap3A_336], %scan3A_332#1 {strides = array<i32>} : memref<128xf32, #tpu.memory_space<vmem>>, vector<16xf32>,
    %swap3A_338 = arith.constant 16 : index
    %swap3A_339 = tpu.vector_load %arg25[%swap3A_338] {strides = array<i32>} : memref<128xf32, #tpu.memory_space<vmem>>, vector<16xf32>,
    tpu.vector_store %arg25[%swap3A_338], %scan3A_332#2 {strides = array<i32>} : memref<128xf32, #tpu.memory_space<vmem>>, vector<16xf32>,
    %swap3A_340 = arith.constant 16 : index
    %swap3A_341 = tpu.vector_load %arg26[%swap3A_340] {strides = array<i32>} : memref<128xf32, #tpu.memory_space<vmem>>, vector<16xf32>,
    tpu.vector_store %arg26[%swap3A_340], %scan3A_332#3 {strides = array<i32>} : memref<128xf32, #tpu.memory_space<vmem>>, vector<16xf32>,
    %swap3A_342 = arith.constant 16 : index
    %swap3A_343 = tpu.vector_load %arg27[%swap3A_342] {strides = array<i32>} : memref<128xf32, #tpu.memory_space<vmem>>, vector<16xf32>,
    tpu.vector_store %arg27[%swap3A_342], %scan3A_332#4 {strides = array<i32>} : memref<128xf32, #tpu.memory_space<vmem>>, vector<16xf32>,
    %swap3A_344 = arith.constant 16 : index
    %swap3A_345 = tpu.vector_load %arg28[%swap3A_344] {strides = array<i32>} : memref<128xf32, #tpu.memory_space<vmem>>, vector<16xf32>,
    tpu.vector_store %arg28[%swap3A_344], %scan3A_332#5 {strides = array<i32>} : memref<128xf32, #tpu.memory_space<vmem>>, vector<16xf32>,
    %add3A_346 = arith.constant 32 : i32
    %add3A_347 = vector.broadcast %add3A_346 : i32 to vector<16xi32>
    %add3A_348 = arith.addi %add3A_347, %iota3A : vector<16xi32>
    %broadcast_in_dim3A_349 = arith.constant 0.000000e+00 : f32
    %broadcast_in_dim3A_350 = vector.broadcast %broadcast_in_dim3A_349 : f32 to vector<16xf32>
    %scan3A_351 = arith.constant 0 : i32
    %scan3A_352 = arith.constant 64 : i32
    %scan3A_353 = arith.addi %scan3A_351, %scan3A_352 : i32
    %scan3A_354 = arith.constant 1 : i32
    %scan3A_355:6 = scf.for %scan3A_990 = %scan3A_351 to %scan3A_353 step %scan3A_354 iter_args(%scan3A_991 = %broadcast_in_dim3A_350, %scan3A_992 = %broadcast_in_dim3A_350, %scan3A_993 = %broadcast_in_dim3A_350, %scan3A_994 = %broadcast_in_dim3A_350, %scan3A_995 = %broadcast_in_dim3A_350, %scan3A_996 = %broadcast_in_dim3A_350) -> (vector<16xf32>, vector<16xf32>, vector<16xf32>, vector<16xf32>, vector<16xf32>, vector<16xf32>)  : i32 {
      %broadcast_in_dim3A_997 = vector.broadcast %scan3A_990 : i32 to vector<16xi32>
      %gather3A = tpu.vector_load_idx %arg16[%add3A_348, %broadcast_in_dim3A_997] : memref<128x64xf32, #tpu.memory_space<vmem>>[vector<16xi32>, vector<16xi32>], vector<16xf32>,
      %gather3A_998 = tpu.vector_load_idx %arg17[%add3A_348, %broadcast_in_dim3A_997] : memref<128x64xf32, #tpu.memory_space<vmem>>[vector<16xi32>, vector<16xi32>], vector<16xf32>,
      %mul3A_999 = arith.mulf %gather3A, %gather3A_998 : vector<16xf32>
      %add3A_1000 = arith.addf %scan3A_991, %mul3A_999 : vector<16xf32>
      %gather3A_1001 = tpu.vector_load_idx %arg18[%add3A_348, %broadcast_in_dim3A_997] : memref<128x64xf32, #tpu.memory_space<vmem>>[vector<16xi32>, vector<16xi32>], vector<16xf32>,
      %mul3A_1002 = arith.mulf %gather3A, %gather3A_1001 : vector<16xf32>
      %add3A_1003 = arith.addf %scan3A_992, %mul3A_1002 : vector<16xf32>
      %gather3A_1004 = tpu.vector_load_idx %arg19[%add3A_348, %broadcast_in_dim3A_997] : memref<128x64xf32, #tpu.memory_space<vmem>>[vector<16xi32>, vector<16xi32>], vector<16xf32>,
      %mul3A_1005 = arith.mulf %gather3A, %gather3A_1004 : vector<16xf32>
      %add3A_1006 = arith.addf %scan3A_993, %mul3A_1005 : vector<16xf32>
      %gather3A_1007 = tpu.vector_load_idx %arg20[%add3A_348, %broadcast_in_dim3A_997] : memref<128x64xf32, #tpu.memory_space<vmem>>[vector<16xi32>, vector<16xi32>], vector<16xf32>,
      %mul3A_1008 = arith.mulf %gather3A, %gather3A_1007 : vector<16xf32>
      %add3A_1009 = arith.addf %scan3A_994, %mul3A_1008 : vector<16xf32>
      %gather3A_1010 = tpu.vector_load_idx %arg21[%add3A_348, %broadcast_in_dim3A_997] : memref<128x64xf32, #tpu.memory_space<vmem>>[vector<16xi32>, vector<16xi32>], vector<16xf32>,
      %mul3A_1011 = arith.mulf %gather3A, %gather3A_1010 : vector<16xf32>
      %add3A_1012 = arith.addf %scan3A_995, %mul3A_1011 : vector<16xf32>
      %gather3A_1013 = tpu.vector_load_idx %arg22[%add3A_348, %broadcast_in_dim3A_997] : memref<128x64xf32, #tpu.memory_space<vmem>>[vector<16xi32>, vector<16xi32>], vector<16xf32>,
      %mul3A_1014 = arith.mulf %gather3A, %gather3A_1013 : vector<16xf32>
      %add3A_1015 = arith.addf %scan3A_996, %mul3A_1014 : vector<16xf32>
      scf.yield %add3A_1000, %add3A_1003, %add3A_1006, %add3A_1009, %add3A_1012, %add3A_1015 : vector<16xf32>, vector<16xf32>, vector<16xf32>, vector<16xf32>, vector<16xf32>, vector<16xf32>
    }
    %scan3A_356 = arith.constant 64 : i32
    %swap3A_357 = arith.constant 32 : index
    %swap3A_358 = tpu.vector_load %arg23[%swap3A_357] {strides = array<i32>} : memref<128xf32, #tpu.memory_space<vmem>>, vector<16xf32>,
    tpu.vector_store %arg23[%swap3A_357], %scan3A_355#0 {strides = array<i32>} : memref<128xf32, #tpu.memory_space<vmem>>, vector<16xf32>,
    %swap3A_359 = arith.constant 32 : index
    %swap3A_360 = tpu.vector_load %arg24[%swap3A_359] {strides = array<i32>} : memref<128xf32, #tpu.memory_space<vmem>>, vector<16xf32>,
    tpu.vector_store %arg24[%swap3A_359], %scan3A_355#1 {strides = array<i32>} : memref<128xf32, #tpu.memory_space<vmem>>, vector<16xf32>,
    %swap3A_361 = arith.constant 32 : index
    %swap3A_362 = tpu.vector_load %arg25[%swap3A_361] {strides = array<i32>} : memref<128xf32, #tpu.memory_space<vmem>>, vector<16xf32>,
    tpu.vector_store %arg25[%swap3A_361], %scan3A_355#2 {strides = array<i32>} : memref<128xf32, #tpu.memory_space<vmem>>, vector<16xf32>,
    %swap3A_363 = arith.constant 32 : index
    %swap3A_364 = tpu.vector_load %arg26[%swap3A_363] {strides = array<i32>} : memref<128xf32, #tpu.memory_space<vmem>>, vector<16xf32>,
    tpu.vector_store %arg26[%swap3A_363], %scan3A_355#3 {strides = array<i32>} : memref<128xf32, #tpu.memory_space<vmem>>, vector<16xf32>,
    %swap3A_365 = arith.constant 32 : index
    %swap3A_366 = tpu.vector_load %arg27[%swap3A_365] {strides = array<i32>} : memref<128xf32, #tpu.memory_space<vmem>>, vector<16xf32>,
    tpu.vector_store %arg27[%swap3A_365], %scan3A_355#4 {strides = array<i32>} : memref<128xf32, #tpu.memory_space<vmem>>, vector<16xf32>,
    %swap3A_367 = arith.constant 32 : index
    %swap3A_368 = tpu.vector_load %arg28[%swap3A_367] {strides = array<i32>} : memref<128xf32, #tpu.memory_space<vmem>>, vector<16xf32>,
    tpu.vector_store %arg28[%swap3A_367], %scan3A_355#5 {strides = array<i32>} : memref<128xf32, #tpu.memory_space<vmem>>, vector<16xf32>,
    %add3A_369 = arith.constant 48 : i32
    %add3A_370 = vector.broadcast %add3A_369 : i32 to vector<16xi32>
    %add3A_371 = arith.addi %add3A_370, %iota3A : vector<16xi32>
    %broadcast_in_dim3A_372 = arith.constant 0.000000e+00 : f32
    %broadcast_in_dim3A_373 = vector.broadcast %broadcast_in_dim3A_372 : f32 to vector<16xf32>
    %scan3A_374 = arith.constant 0 : i32
    %scan3A_375 = arith.constant 64 : i32
    %scan3A_376 = arith.addi %scan3A_374, %scan3A_375 : i32
    %scan3A_377 = arith.constant 1 : i32
    %scan3A_378:6 = scf.for %scan3A_990 = %scan3A_374 to %scan3A_376 step %scan3A_377 iter_args(%scan3A_991 = %broadcast_in_dim3A_373, %scan3A_992 = %broadcast_in_dim3A_373, %scan3A_993 = %broadcast_in_dim3A_373, %scan3A_994 = %broadcast_in_dim3A_373, %scan3A_995 = %broadcast_in_dim3A_373, %scan3A_996 = %broadcast_in_dim3A_373) -> (vector<16xf32>, vector<16xf32>, vector<16xf32>, vector<16xf32>, vector<16xf32>, vector<16xf32>)  : i32 {
      %broadcast_in_dim3A_997 = vector.broadcast %scan3A_990 : i32 to vector<16xi32>
      %gather3A = tpu.vector_load_idx %arg16[%add3A_371, %broadcast_in_dim3A_997] : memref<128x64xf32, #tpu.memory_space<vmem>>[vector<16xi32>, vector<16xi32>], vector<16xf32>,
      %gather3A_998 = tpu.vector_load_idx %arg17[%add3A_371, %broadcast_in_dim3A_997] : memref<128x64xf32, #tpu.memory_space<vmem>>[vector<16xi32>, vector<16xi32>], vector<16xf32>,
      %mul3A_999 = arith.mulf %gather3A, %gather3A_998 : vector<16xf32>
      %add3A_1000 = arith.addf %scan3A_991, %mul3A_999 : vector<16xf32>
      %gather3A_1001 = tpu.vector_load_idx %arg18[%add3A_371, %broadcast_in_dim3A_997] : memref<128x64xf32, #tpu.memory_space<vmem>>[vector<16xi32>, vector<16xi32>], vector<16xf32>,
      %mul3A_1002 = arith.mulf %gather3A, %gather3A_1001 : vector<16xf32>
      %add3A_1003 = arith.addf %scan3A_992, %mul3A_1002 : vector<16xf32>
      %gather3A_1004 = tpu.vector_load_idx %arg19[%add3A_371, %broadcast_in_dim3A_997] : memref<128x64xf32, #tpu.memory_space<vmem>>[vector<16xi32>, vector<16xi32>], vector<16xf32>,
      %mul3A_1005 = arith.mulf %gather3A, %gather3A_1004 : vector<16xf32>
      %add3A_1006 = arith.addf %scan3A_993, %mul3A_1005 : vector<16xf32>
      %gather3A_1007 = tpu.vector_load_idx %arg20[%add3A_371, %broadcast_in_dim3A_997] : memref<128x64xf32, #tpu.memory_space<vmem>>[vector<16xi32>, vector<16xi32>], vector<16xf32>,
      %mul3A_1008 = arith.mulf %gather3A, %gather3A_1007 : vector<16xf32>
      %add3A_1009 = arith.addf %scan3A_994, %mul3A_1008 : vector<16xf32>
      %gather3A_1010 = tpu.vector_load_idx %arg21[%add3A_371, %broadcast_in_dim3A_997] : memref<128x64xf32, #tpu.memory_space<vmem>>[vector<16xi32>, vector<16xi32>], vector<16xf32>,
      %mul3A_1011 = arith.mulf %gather3A, %gather3A_1010 : vector<16xf32>
      %add3A_1012 = arith.addf %scan3A_995, %mul3A_1011 : vector<16xf32>
      %gather3A_1013 = tpu.vector_load_idx %arg22[%add3A_371, %broadcast_in_dim3A_997] : memref<128x64xf32, #tpu.memory_space<vmem>>[vector<16xi32>, vector<16xi32>], vector<16xf32>,
      %mul3A_1014 = arith.mulf %gather3A, %gather3A_1013 : vector<16xf32>
      %add3A_1015 = arith.addf %scan3A_996, %mul3A_1014 : vector<16xf32>
      scf.yield %add3A_1000, %add3A_1003, %add3A_1006, %add3A_1009, %add3A_1012, %add3A_1015 : vector<16xf32>, vector<16xf32>, vector<16xf32>, vector<16xf32>, vector<16xf32>, vector<16xf32>
    }
    %scan3A_379 = arith.constant 64 : i32
    %swap3A_380 = arith.constant 48 : index
    %swap3A_381 = tpu.vector_load %arg23[%swap3A_380] {strides = array<i32>} : memref<128xf32, #tpu.memory_space<vmem>>, vector<16xf32>,
    tpu.vector_store %arg23[%swap3A_380], %scan3A_378#0 {strides = array<i32>} : memref<128xf32, #tpu.memory_space<vmem>>, vector<16xf32>,
    %swap3A_382 = arith.constant 48 : index
    %swap3A_383 = tpu.vector_load %arg24[%swap3A_382] {strides = array<i32>} : memref<128xf32, #tpu.memory_space<vmem>>, vector<16xf32>,
    tpu.vector_store %arg24[%swap3A_382], %scan3A_378#1 {strides = array<i32>} : memref<128xf32, #tpu.memory_space<vmem>>, vector<16xf32>,
    %swap3A_384 = arith.constant 48 : index
    %swap3A_385 = tpu.vector_load %arg25[%swap3A_384] {strides = array<i32>} : memref<128xf32, #tpu.memory_space<vmem>>, vector<16xf32>,
    tpu.vector_store %arg25[%swap3A_384], %scan3A_378#2 {strides = array<i32>} : memref<128xf32, #tpu.memory_space<vmem>>, vector<16xf32>,
    %swap3A_386 = arith.constant 48 : index
    %swap3A_387 = tpu.vector_load %arg26[%swap3A_386] {strides = array<i32>} : memref<128xf32, #tpu.memory_space<vmem>>, vector<16xf32>,
    tpu.vector_store %arg26[%swap3A_386], %scan3A_378#3 {strides = array<i32>} : memref<128xf32, #tpu.memory_space<vmem>>, vector<16xf32>,
    %swap3A_388 = arith.constant 48 : index
    %swap3A_389 = tpu.vector_load %arg27[%swap3A_388] {strides = array<i32>} : memref<128xf32, #tpu.memory_space<vmem>>, vector<16xf32>,
    tpu.vector_store %arg27[%swap3A_388], %scan3A_378#4 {strides = array<i32>} : memref<128xf32, #tpu.memory_space<vmem>>, vector<16xf32>,
    %swap3A_390 = arith.constant 48 : index
    %swap3A_391 = tpu.vector_load %arg28[%swap3A_390] {strides = array<i32>} : memref<128xf32, #tpu.memory_space<vmem>>, vector<16xf32>,
    tpu.vector_store %arg28[%swap3A_390], %scan3A_378#5 {strides = array<i32>} : memref<128xf32, #tpu.memory_space<vmem>>, vector<16xf32>,
    %add3A_392 = arith.constant 64 : i32
    %add3A_393 = vector.broadcast %add3A_392 : i32 to vector<16xi32>
    %add3A_394 = arith.addi %add3A_393, %iota3A : vector<16xi32>
    %broadcast_in_dim3A_395 = arith.constant 0.000000e+00 : f32
    %broadcast_in_dim3A_396 = vector.broadcast %broadcast_in_dim3A_395 : f32 to vector<16xf32>
    %scan3A_397 = arith.constant 0 : i32
    %scan3A_398 = arith.constant 64 : i32
    %scan3A_399 = arith.addi %scan3A_397, %scan3A_398 : i32
    %scan3A_400 = arith.constant 1 : i32
    %scan3A_401:6 = scf.for %scan3A_990 = %scan3A_397 to %scan3A_399 step %scan3A_400 iter_args(%scan3A_991 = %broadcast_in_dim3A_396, %scan3A_992 = %broadcast_in_dim3A_396, %scan3A_993 = %broadcast_in_dim3A_396, %scan3A_994 = %broadcast_in_dim3A_396, %scan3A_995 = %broadcast_in_dim3A_396, %scan3A_996 = %broadcast_in_dim3A_396) -> (vector<16xf32>, vector<16xf32>, vector<16xf32>, vector<16xf32>, vector<16xf32>, vector<16xf32>)  : i32 {
      %broadcast_in_dim3A_997 = vector.broadcast %scan3A_990 : i32 to vector<16xi32>
      %gather3A = tpu.vector_load_idx %arg16[%add3A_394, %broadcast_in_dim3A_997] : memref<128x64xf32, #tpu.memory_space<vmem>>[vector<16xi32>, vector<16xi32>], vector<16xf32>,
      %gather3A_998 = tpu.vector_load_idx %arg17[%add3A_394, %broadcast_in_dim3A_997] : memref<128x64xf32, #tpu.memory_space<vmem>>[vector<16xi32>, vector<16xi32>], vector<16xf32>,
      %mul3A_999 = arith.mulf %gather3A, %gather3A_998 : vector<16xf32>
      %add3A_1000 = arith.addf %scan3A_991, %mul3A_999 : vector<16xf32>
      %gather3A_1001 = tpu.vector_load_idx %arg18[%add3A_394, %broadcast_in_dim3A_997] : memref<128x64xf32, #tpu.memory_space<vmem>>[vector<16xi32>, vector<16xi32>], vector<16xf32>,
      %mul3A_1002 = arith.mulf %gather3A, %gather3A_1001 : vector<16xf32>
      %add3A_1003 = arith.addf %scan3A_992, %mul3A_1002 : vector<16xf32>
      %gather3A_1004 = tpu.vector_load_idx %arg19[%add3A_394, %broadcast_in_dim3A_997] : memref<128x64xf32, #tpu.memory_space<vmem>>[vector<16xi32>, vector<16xi32>], vector<16xf32>,
      %mul3A_1005 = arith.mulf %gather3A, %gather3A_1004 : vector<16xf32>
      %add3A_1006 = arith.addf %scan3A_993, %mul3A_1005 : vector<16xf32>
      %gather3A_1007 = tpu.vector_load_idx %arg20[%add3A_394, %broadcast_in_dim3A_997] : memref<128x64xf32, #tpu.memory_space<vmem>>[vector<16xi32>, vector<16xi32>], vector<16xf32>,
      %mul3A_1008 = arith.mulf %gather3A, %gather3A_1007 : vector<16xf32>
      %add3A_1009 = arith.addf %scan3A_994, %mul3A_1008 : vector<16xf32>
      %gather3A_1010 = tpu.vector_load_idx %arg21[%add3A_394, %broadcast_in_dim3A_997] : memref<128x64xf32, #tpu.memory_space<vmem>>[vector<16xi32>, vector<16xi32>], vector<16xf32>,
      %mul3A_1011 = arith.mulf %gather3A, %gather3A_1010 : vector<16xf32>
      %add3A_1012 = arith.addf %scan3A_995, %mul3A_1011 : vector<16xf32>
      %gather3A_1013 = tpu.vector_load_idx %arg22[%add3A_394, %broadcast_in_dim3A_997] : memref<128x64xf32, #tpu.memory_space<vmem>>[vector<16xi32>, vector<16xi32>], vector<16xf32>,
      %mul3A_1014 = arith.mulf %gather3A, %gather3A_1013 : vector<16xf32>
      %add3A_1015 = arith.addf %scan3A_996, %mul3A_1014 : vector<16xf32>
      scf.yield %add3A_1000, %add3A_1003, %add3A_1006, %add3A_1009, %add3A_1012, %add3A_1015 : vector<16xf32>, vector<16xf32>, vector<16xf32>, vector<16xf32>, vector<16xf32>, vector<16xf32>
    }
    %scan3A_402 = arith.constant 64 : i32
    %swap3A_403 = arith.constant 64 : index
    %swap3A_404 = tpu.vector_load %arg23[%swap3A_403] {strides = array<i32>} : memref<128xf32, #tpu.memory_space<vmem>>, vector<16xf32>,
    tpu.vector_store %arg23[%swap3A_403], %scan3A_401#0 {strides = array<i32>} : memref<128xf32, #tpu.memory_space<vmem>>, vector<16xf32>,
    %swap3A_405 = arith.constant 64 : index
    %swap3A_406 = tpu.vector_load %arg24[%swap3A_405] {strides = array<i32>} : memref<128xf32, #tpu.memory_space<vmem>>, vector<16xf32>,
    tpu.vector_store %arg24[%swap3A_405], %scan3A_401#1 {strides = array<i32>} : memref<128xf32, #tpu.memory_space<vmem>>, vector<16xf32>,
    %swap3A_407 = arith.constant 64 : index
    %swap3A_408 = tpu.vector_load %arg25[%swap3A_407] {strides = array<i32>} : memref<128xf32, #tpu.memory_space<vmem>>, vector<16xf32>,
    tpu.vector_store %arg25[%swap3A_407], %scan3A_401#2 {strides = array<i32>} : memref<128xf32, #tpu.memory_space<vmem>>, vector<16xf32>,
    %swap3A_409 = arith.constant 64 : index
    %swap3A_410 = tpu.vector_load %arg26[%swap3A_409] {strides = array<i32>} : memref<128xf32, #tpu.memory_space<vmem>>, vector<16xf32>,
    tpu.vector_store %arg26[%swap3A_409], %scan3A_401#3 {strides = array<i32>} : memref<128xf32, #tpu.memory_space<vmem>>, vector<16xf32>,
    %swap3A_411 = arith.constant 64 : index
    %swap3A_412 = tpu.vector_load %arg27[%swap3A_411] {strides = array<i32>} : memref<128xf32, #tpu.memory_space<vmem>>, vector<16xf32>,
    tpu.vector_store %arg27[%swap3A_411], %scan3A_401#4 {strides = array<i32>} : memref<128xf32, #tpu.memory_space<vmem>>, vector<16xf32>,
    %swap3A_413 = arith.constant 64 : index
    %swap3A_414 = tpu.vector_load %arg28[%swap3A_413] {strides = array<i32>} : memref<128xf32, #tpu.memory_space<vmem>>, vector<16xf32>,
    tpu.vector_store %arg28[%swap3A_413], %scan3A_401#5 {strides = array<i32>} : memref<128xf32, #tpu.memory_space<vmem>>, vector<16xf32>,
    %add3A_415 = arith.constant 80 : i32
    %add3A_416 = vector.broadcast %add3A_415 : i32 to vector<16xi32>
    %add3A_417 = arith.addi %add3A_416, %iota3A : vector<16xi32>
    %broadcast_in_dim3A_418 = arith.constant 0.000000e+00 : f32
    %broadcast_in_dim3A_419 = vector.broadcast %broadcast_in_dim3A_418 : f32 to vector<16xf32>
    %scan3A_420 = arith.constant 0 : i32
    %scan3A_421 = arith.constant 64 : i32
    %scan3A_422 = arith.addi %scan3A_420, %scan3A_421 : i32
    %scan3A_423 = arith.constant 1 : i32
    %scan3A_424:6 = scf.for %scan3A_990 = %scan3A_420 to %scan3A_422 step %scan3A_423 iter_args(%scan3A_991 = %broadcast_in_dim3A_419, %scan3A_992 = %broadcast_in_dim3A_419, %scan3A_993 = %broadcast_in_dim3A_419, %scan3A_994 = %broadcast_in_dim3A_419, %scan3A_995 = %broadcast_in_dim3A_419, %scan3A_996 = %broadcast_in_dim3A_419) -> (vector<16xf32>, vector<16xf32>, vector<16xf32>, vector<16xf32>, vector<16xf32>, vector<16xf32>)  : i32 {
      %broadcast_in_dim3A_997 = vector.broadcast %scan3A_990 : i32 to vector<16xi32>
      %gather3A = tpu.vector_load_idx %arg16[%add3A_417, %broadcast_in_dim3A_997] : memref<128x64xf32, #tpu.memory_space<vmem>>[vector<16xi32>, vector<16xi32>], vector<16xf32>,
      %gather3A_998 = tpu.vector_load_idx %arg17[%add3A_417, %broadcast_in_dim3A_997] : memref<128x64xf32, #tpu.memory_space<vmem>>[vector<16xi32>, vector<16xi32>], vector<16xf32>,
      %mul3A_999 = arith.mulf %gather3A, %gather3A_998 : vector<16xf32>
      %add3A_1000 = arith.addf %scan3A_991, %mul3A_999 : vector<16xf32>
      %gather3A_1001 = tpu.vector_load_idx %arg18[%add3A_417, %broadcast_in_dim3A_997] : memref<128x64xf32, #tpu.memory_space<vmem>>[vector<16xi32>, vector<16xi32>], vector<16xf32>,
      %mul3A_1002 = arith.mulf %gather3A, %gather3A_1001 : vector<16xf32>
      %add3A_1003 = arith.addf %scan3A_992, %mul3A_1002 : vector<16xf32>
      %gather3A_1004 = tpu.vector_load_idx %arg19[%add3A_417, %broadcast_in_dim3A_997] : memref<128x64xf32, #tpu.memory_space<vmem>>[vector<16xi32>, vector<16xi32>], vector<16xf32>,
      %mul3A_1005 = arith.mulf %gather3A, %gather3A_1004 : vector<16xf32>
      %add3A_1006 = arith.addf %scan3A_993, %mul3A_1005 : vector<16xf32>
      %gather3A_1007 = tpu.vector_load_idx %arg20[%add3A_417, %broadcast_in_dim3A_997] : memref<128x64xf32, #tpu.memory_space<vmem>>[vector<16xi32>, vector<16xi32>], vector<16xf32>,
      %mul3A_1008 = arith.mulf %gather3A, %gather3A_1007 : vector<16xf32>
      %add3A_1009 = arith.addf %scan3A_994, %mul3A_1008 : vector<16xf32>
      %gather3A_1010 = tpu.vector_load_idx %arg21[%add3A_417, %broadcast_in_dim3A_997] : memref<128x64xf32, #tpu.memory_space<vmem>>[vector<16xi32>, vector<16xi32>], vector<16xf32>,
      %mul3A_1011 = arith.mulf %gather3A, %gather3A_1010 : vector<16xf32>
      %add3A_1012 = arith.addf %scan3A_995, %mul3A_1011 : vector<16xf32>
      %gather3A_1013 = tpu.vector_load_idx %arg22[%add3A_417, %broadcast_in_dim3A_997] : memref<128x64xf32, #tpu.memory_space<vmem>>[vector<16xi32>, vector<16xi32>], vector<16xf32>,
      %mul3A_1014 = arith.mulf %gather3A, %gather3A_1013 : vector<16xf32>
      %add3A_1015 = arith.addf %scan3A_996, %mul3A_1014 : vector<16xf32>
      scf.yield %add3A_1000, %add3A_1003, %add3A_1006, %add3A_1009, %add3A_1012, %add3A_1015 : vector<16xf32>, vector<16xf32>, vector<16xf32>, vector<16xf32>, vector<16xf32>, vector<16xf32>
    }
    %scan3A_425 = arith.constant 64 : i32
    %swap3A_426 = arith.constant 80 : index
    %swap3A_427 = tpu.vector_load %arg23[%swap3A_426] {strides = array<i32>} : memref<128xf32, #tpu.memory_space<vmem>>, vector<16xf32>,
    tpu.vector_store %arg23[%swap3A_426], %scan3A_424#0 {strides = array<i32>} : memref<128xf32, #tpu.memory_space<vmem>>, vector<16xf32>,
    %swap3A_428 = arith.constant 80 : index
    %swap3A_429 = tpu.vector_load %arg24[%swap3A_428] {strides = array<i32>} : memref<128xf32, #tpu.memory_space<vmem>>, vector<16xf32>,
    tpu.vector_store %arg24[%swap3A_428], %scan3A_424#1 {strides = array<i32>} : memref<128xf32, #tpu.memory_space<vmem>>, vector<16xf32>,
    %swap3A_430 = arith.constant 80 : index
    %swap3A_431 = tpu.vector_load %arg25[%swap3A_430] {strides = array<i32>} : memref<128xf32, #tpu.memory_space<vmem>>, vector<16xf32>,
    tpu.vector_store %arg25[%swap3A_430], %scan3A_424#2 {strides = array<i32>} : memref<128xf32, #tpu.memory_space<vmem>>, vector<16xf32>,
    %swap3A_432 = arith.constant 80 : index
    %swap3A_433 = tpu.vector_load %arg26[%swap3A_432] {strides = array<i32>} : memref<128xf32, #tpu.memory_space<vmem>>, vector<16xf32>,
    tpu.vector_store %arg26[%swap3A_432], %scan3A_424#3 {strides = array<i32>} : memref<128xf32, #tpu.memory_space<vmem>>, vector<16xf32>,
    %swap3A_434 = arith.constant 80 : index
    %swap3A_435 = tpu.vector_load %arg27[%swap3A_434] {strides = array<i32>} : memref<128xf32, #tpu.memory_space<vmem>>, vector<16xf32>,
    tpu.vector_store %arg27[%swap3A_434], %scan3A_424#4 {strides = array<i32>} : memref<128xf32, #tpu.memory_space<vmem>>, vector<16xf32>,
    %swap3A_436 = arith.constant 80 : index
    %swap3A_437 = tpu.vector_load %arg28[%swap3A_436] {strides = array<i32>} : memref<128xf32, #tpu.memory_space<vmem>>, vector<16xf32>,
    tpu.vector_store %arg28[%swap3A_436], %scan3A_424#5 {strides = array<i32>} : memref<128xf32, #tpu.memory_space<vmem>>, vector<16xf32>,
    %add3A_438 = arith.constant 96 : i32
    %add3A_439 = vector.broadcast %add3A_438 : i32 to vector<16xi32>
    %add3A_440 = arith.addi %add3A_439, %iota3A : vector<16xi32>
    %broadcast_in_dim3A_441 = arith.constant 0.000000e+00 : f32
    %broadcast_in_dim3A_442 = vector.broadcast %broadcast_in_dim3A_441 : f32 to vector<16xf32>
    %scan3A_443 = arith.constant 0 : i32
    %scan3A_444 = arith.constant 64 : i32
    %scan3A_445 = arith.addi %scan3A_443, %scan3A_444 : i32
    %scan3A_446 = arith.constant 1 : i32
    %scan3A_447:6 = scf.for %scan3A_990 = %scan3A_443 to %scan3A_445 step %scan3A_446 iter_args(%scan3A_991 = %broadcast_in_dim3A_442, %scan3A_992 = %broadcast_in_dim3A_442, %scan3A_993 = %broadcast_in_dim3A_442, %scan3A_994 = %broadcast_in_dim3A_442, %scan3A_995 = %broadcast_in_dim3A_442, %scan3A_996 = %broadcast_in_dim3A_442) -> (vector<16xf32>, vector<16xf32>, vector<16xf32>, vector<16xf32>, vector<16xf32>, vector<16xf32>)  : i32 {
      %broadcast_in_dim3A_997 = vector.broadcast %scan3A_990 : i32 to vector<16xi32>
      %gather3A = tpu.vector_load_idx %arg16[%add3A_440, %broadcast_in_dim3A_997] : memref<128x64xf32, #tpu.memory_space<vmem>>[vector<16xi32>, vector<16xi32>], vector<16xf32>,
      %gather3A_998 = tpu.vector_load_idx %arg17[%add3A_440, %broadcast_in_dim3A_997] : memref<128x64xf32, #tpu.memory_space<vmem>>[vector<16xi32>, vector<16xi32>], vector<16xf32>,
      %mul3A_999 = arith.mulf %gather3A, %gather3A_998 : vector<16xf32>
      %add3A_1000 = arith.addf %scan3A_991, %mul3A_999 : vector<16xf32>
      %gather3A_1001 = tpu.vector_load_idx %arg18[%add3A_440, %broadcast_in_dim3A_997] : memref<128x64xf32, #tpu.memory_space<vmem>>[vector<16xi32>, vector<16xi32>], vector<16xf32>,
      %mul3A_1002 = arith.mulf %gather3A, %gather3A_1001 : vector<16xf32>
      %add3A_1003 = arith.addf %scan3A_992, %mul3A_1002 : vector<16xf32>
      %gather3A_1004 = tpu.vector_load_idx %arg19[%add3A_440, %broadcast_in_dim3A_997] : memref<128x64xf32, #tpu.memory_space<vmem>>[vector<16xi32>, vector<16xi32>], vector<16xf32>,
      %mul3A_1005 = arith.mulf %gather3A, %gather3A_1004 : vector<16xf32>
      %add3A_1006 = arith.addf %scan3A_993, %mul3A_1005 : vector<16xf32>
      %gather3A_1007 = tpu.vector_load_idx %arg20[%add3A_440, %broadcast_in_dim3A_997] : memref<128x64xf32, #tpu.memory_space<vmem>>[vector<16xi32>, vector<16xi32>], vector<16xf32>,
      %mul3A_1008 = arith.mulf %gather3A, %gather3A_1007 : vector<16xf32>
      %add3A_1009 = arith.addf %scan3A_994, %mul3A_1008 : vector<16xf32>
      %gather3A_1010 = tpu.vector_load_idx %arg21[%add3A_440, %broadcast_in_dim3A_997] : memref<128x64xf32, #tpu.memory_space<vmem>>[vector<16xi32>, vector<16xi32>], vector<16xf32>,
      %mul3A_1011 = arith.mulf %gather3A, %gather3A_1010 : vector<16xf32>
      %add3A_1012 = arith.addf %scan3A_995, %mul3A_1011 : vector<16xf32>
      %gather3A_1013 = tpu.vector_load_idx %arg22[%add3A_440, %broadcast_in_dim3A_997] : memref<128x64xf32, #tpu.memory_space<vmem>>[vector<16xi32>, vector<16xi32>], vector<16xf32>,
      %mul3A_1014 = arith.mulf %gather3A, %gather3A_1013 : vector<16xf32>
      %add3A_1015 = arith.addf %scan3A_996, %mul3A_1014 : vector<16xf32>
      scf.yield %add3A_1000, %add3A_1003, %add3A_1006, %add3A_1009, %add3A_1012, %add3A_1015 : vector<16xf32>, vector<16xf32>, vector<16xf32>, vector<16xf32>, vector<16xf32>, vector<16xf32>
    }
    %scan3A_448 = arith.constant 64 : i32
    %swap3A_449 = arith.constant 96 : index
    %swap3A_450 = tpu.vector_load %arg23[%swap3A_449] {strides = array<i32>} : memref<128xf32, #tpu.memory_space<vmem>>, vector<16xf32>,
    tpu.vector_store %arg23[%swap3A_449], %scan3A_447#0 {strides = array<i32>} : memref<128xf32, #tpu.memory_space<vmem>>, vector<16xf32>,
    %swap3A_451 = arith.constant 96 : index
    %swap3A_452 = tpu.vector_load %arg24[%swap3A_451] {strides = array<i32>} : memref<128xf32, #tpu.memory_space<vmem>>, vector<16xf32>,
    tpu.vector_store %arg24[%swap3A_451], %scan3A_447#1 {strides = array<i32>} : memref<128xf32, #tpu.memory_space<vmem>>, vector<16xf32>,
    %swap3A_453 = arith.constant 96 : index
    %swap3A_454 = tpu.vector_load %arg25[%swap3A_453] {strides = array<i32>} : memref<128xf32, #tpu.memory_space<vmem>>, vector<16xf32>,
    tpu.vector_store %arg25[%swap3A_453], %scan3A_447#2 {strides = array<i32>} : memref<128xf32, #tpu.memory_space<vmem>>, vector<16xf32>,
    %swap3A_455 = arith.constant 96 : index
    %swap3A_456 = tpu.vector_load %arg26[%swap3A_455] {strides = array<i32>} : memref<128xf32, #tpu.memory_space<vmem>>, vector<16xf32>,
    tpu.vector_store %arg26[%swap3A_455], %scan3A_447#3 {strides = array<i32>} : memref<128xf32, #tpu.memory_space<vmem>>, vector<16xf32>,
    %swap3A_457 = arith.constant 96 : index
    %swap3A_458 = tpu.vector_load %arg27[%swap3A_457] {strides = array<i32>} : memref<128xf32, #tpu.memory_space<vmem>>, vector<16xf32>,
    tpu.vector_store %arg27[%swap3A_457], %scan3A_447#4 {strides = array<i32>} : memref<128xf32, #tpu.memory_space<vmem>>, vector<16xf32>,
    %swap3A_459 = arith.constant 96 : index
    %swap3A_460 = tpu.vector_load %arg28[%swap3A_459] {strides = array<i32>} : memref<128xf32, #tpu.memory_space<vmem>>, vector<16xf32>,
    tpu.vector_store %arg28[%swap3A_459], %scan3A_447#5 {strides = array<i32>} : memref<128xf32, #tpu.memory_space<vmem>>, vector<16xf32>,
    %add3A_461 = arith.constant 112 : i32
    %add3A_462 = vector.broadcast %add3A_461 : i32 to vector<16xi32>
    %add3A_463 = arith.addi %add3A_462, %iota3A : vector<16xi32>
    %broadcast_in_dim3A_464 = arith.constant 0.000000e+00 : f32
    %broadcast_in_dim3A_465 = vector.broadcast %broadcast_in_dim3A_464 : f32 to vector<16xf32>
    %scan3A_466 = arith.constant 0 : i32
    %scan3A_467 = arith.constant 64 : i32
    %scan3A_468 = arith.addi %scan3A_466, %scan3A_467 : i32
    %scan3A_469 = arith.constant 1 : i32
    %scan3A_470:6 = scf.for %scan3A_990 = %scan3A_466 to %scan3A_468 step %scan3A_469 iter_args(%scan3A_991 = %broadcast_in_dim3A_465, %scan3A_992 = %broadcast_in_dim3A_465, %scan3A_993 = %broadcast_in_dim3A_465, %scan3A_994 = %broadcast_in_dim3A_465, %scan3A_995 = %broadcast_in_dim3A_465, %scan3A_996 = %broadcast_in_dim3A_465) -> (vector<16xf32>, vector<16xf32>, vector<16xf32>, vector<16xf32>, vector<16xf32>, vector<16xf32>)  : i32 {
      %broadcast_in_dim3A_997 = vector.broadcast %scan3A_990 : i32 to vector<16xi32>
      %gather3A = tpu.vector_load_idx %arg16[%add3A_463, %broadcast_in_dim3A_997] : memref<128x64xf32, #tpu.memory_space<vmem>>[vector<16xi32>, vector<16xi32>], vector<16xf32>,
      %gather3A_998 = tpu.vector_load_idx %arg17[%add3A_463, %broadcast_in_dim3A_997] : memref<128x64xf32, #tpu.memory_space<vmem>>[vector<16xi32>, vector<16xi32>], vector<16xf32>,
      %mul3A_999 = arith.mulf %gather3A, %gather3A_998 : vector<16xf32>
      %add3A_1000 = arith.addf %scan3A_991, %mul3A_999 : vector<16xf32>
      %gather3A_1001 = tpu.vector_load_idx %arg18[%add3A_463, %broadcast_in_dim3A_997] : memref<128x64xf32, #tpu.memory_space<vmem>>[vector<16xi32>, vector<16xi32>], vector<16xf32>,
      %mul3A_1002 = arith.mulf %gather3A, %gather3A_1001 : vector<16xf32>
      %add3A_1003 = arith.addf %scan3A_992, %mul3A_1002 : vector<16xf32>
      %gather3A_1004 = tpu.vector_load_idx %arg19[%add3A_463, %broadcast_in_dim3A_997] : memref<128x64xf32, #tpu.memory_space<vmem>>[vector<16xi32>, vector<16xi32>], vector<16xf32>,
      %mul3A_1005 = arith.mulf %gather3A, %gather3A_1004 : vector<16xf32>
      %add3A_1006 = arith.addf %scan3A_993, %mul3A_1005 : vector<16xf32>
      %gather3A_1007 = tpu.vector_load_idx %arg20[%add3A_463, %broadcast_in_dim3A_997] : memref<128x64xf32, #tpu.memory_space<vmem>>[vector<16xi32>, vector<16xi32>], vector<16xf32>,
      %mul3A_1008 = arith.mulf %gather3A, %gather3A_1007 : vector<16xf32>
      %add3A_1009 = arith.addf %scan3A_994, %mul3A_1008 : vector<16xf32>
      %gather3A_1010 = tpu.vector_load_idx %arg21[%add3A_463, %broadcast_in_dim3A_997] : memref<128x64xf32, #tpu.memory_space<vmem>>[vector<16xi32>, vector<16xi32>], vector<16xf32>,
      %mul3A_1011 = arith.mulf %gather3A, %gather3A_1010 : vector<16xf32>
      %add3A_1012 = arith.addf %scan3A_995, %mul3A_1011 : vector<16xf32>
      %gather3A_1013 = tpu.vector_load_idx %arg22[%add3A_463, %broadcast_in_dim3A_997] : memref<128x64xf32, #tpu.memory_space<vmem>>[vector<16xi32>, vector<16xi32>], vector<16xf32>,
      %mul3A_1014 = arith.mulf %gather3A, %gather3A_1013 : vector<16xf32>
      %add3A_1015 = arith.addf %scan3A_996, %mul3A_1014 : vector<16xf32>
      scf.yield %add3A_1000, %add3A_1003, %add3A_1006, %add3A_1009, %add3A_1012, %add3A_1015 : vector<16xf32>, vector<16xf32>, vector<16xf32>, vector<16xf32>, vector<16xf32>, vector<16xf32>
    }
    %scan3A_471 = arith.constant 64 : i32
    %swap3A_472 = arith.constant 112 : index
    %swap3A_473 = tpu.vector_load %arg23[%swap3A_472] {strides = array<i32>} : memref<128xf32, #tpu.memory_space<vmem>>, vector<16xf32>,
    tpu.vector_store %arg23[%swap3A_472], %scan3A_470#0 {strides = array<i32>} : memref<128xf32, #tpu.memory_space<vmem>>, vector<16xf32>,
    %swap3A_474 = arith.constant 112 : index
    %swap3A_475 = tpu.vector_load %arg24[%swap3A_474] {strides = array<i32>} : memref<128xf32, #tpu.memory_space<vmem>>, vector<16xf32>,
    tpu.vector_store %arg24[%swap3A_474], %scan3A_470#1 {strides = array<i32>} : memref<128xf32, #tpu.memory_space<vmem>>, vector<16xf32>,
    %swap3A_476 = arith.constant 112 : index
    %swap3A_477 = tpu.vector_load %arg25[%swap3A_476] {strides = array<i32>} : memref<128xf32, #tpu.memory_space<vmem>>, vector<16xf32>,
    tpu.vector_store %arg25[%swap3A_476], %scan3A_470#2 {strides = array<i32>} : memref<128xf32, #tpu.memory_space<vmem>>, vector<16xf32>,
    %swap3A_478 = arith.constant 112 : index
    %swap3A_479 = tpu.vector_load %arg26[%swap3A_478] {strides = array<i32>} : memref<128xf32, #tpu.memory_space<vmem>>, vector<16xf32>,
    tpu.vector_store %arg26[%swap3A_478], %scan3A_470#3 {strides = array<i32>} : memref<128xf32, #tpu.memory_space<vmem>>, vector<16xf32>,
    %swap3A_480 = arith.constant 112 : index
    %swap3A_481 = tpu.vector_load %arg27[%swap3A_480] {strides = array<i32>} : memref<128xf32, #tpu.memory_space<vmem>>, vector<16xf32>,
    tpu.vector_store %arg27[%swap3A_480], %scan3A_470#4 {strides = array<i32>} : memref<128xf32, #tpu.memory_space<vmem>>, vector<16xf32>,
    %swap3A_482 = arith.constant 112 : index
    %swap3A_483 = tpu.vector_load %arg28[%swap3A_482] {strides = array<i32>} : memref<128xf32, #tpu.memory_space<vmem>>, vector<16xf32>,
    tpu.vector_store %arg28[%swap3A_482], %scan3A_470#5 {strides = array<i32>} : memref<128xf32, #tpu.memory_space<vmem>>, vector<16xf32>,
    "tpu.region"() ({
      %run_scoped3A = tpu.sem_alloc : memref<!tpu.dma_semaphore, #tpu.memory_space<semaphore_mem>>
      %dma_start3A_990 = tpu.memref_slice %arg7[%add3A_247] : memref<16384xf32, #tpu.memory_space<hbm>> -> memref<128xf32, #tpu.memory_space<hbm>>
      %dma_start3A_991 = tpu.memref_slice %arg7[%add3A_247] : memref<16384xf32, #tpu.memory_space<hbm>> -> memref<128xf32, #tpu.memory_space<hbm>>
      tpu.enqueue_dma source(%arg23 : memref<128xf32, #tpu.memory_space<vmem>>) target(%dma_start3A_991 : memref<128xf32, #tpu.memory_space<hbm>>) target_semaphore(%run_scoped3A : memref<!tpu.dma_semaphore, #tpu.memory_space<semaphore_mem>>)
      %dma_wait3A_992 = tpu.memref_slice %arg7[%add3A_247] : memref<16384xf32, #tpu.memory_space<hbm>> -> memref<128xf32, #tpu.memory_space<hbm>>
      %dma_wait3A_993 = tpu.memref_slice %arg7[%add3A_247] : memref<16384xf32, #tpu.memory_space<hbm>> -> memref<128xf32, #tpu.memory_space<hbm>>
      tpu.wait_dma2 semaphore(%run_scoped3A : memref<!tpu.dma_semaphore, #tpu.memory_space<semaphore_mem>>) src(%arg23 : memref<128xf32, #tpu.memory_space<vmem>>) dst(%dma_wait3A_993 : memref<128xf32, #tpu.memory_space<hbm>>)
      tpu.yield
    }) : () -> ()
    %add3A_484 = arith.constant 0 : i32
    %add3A_485 = arith.addi %add3A_484, %add3A_247 : i32
    "tpu.region"() ({
      %run_scoped3A = tpu.sem_alloc : memref<!tpu.dma_semaphore, #tpu.memory_space<semaphore_mem>>
      %dma_start3A_990 = tpu.memref_slice %arg8[%add3A_485] : memref<81920xf32, #tpu.memory_space<hbm>> -> memref<128xf32, #tpu.memory_space<hbm>>
      %dma_start3A_991 = tpu.memref_slice %arg8[%add3A_485] : memref<81920xf32, #tpu.memory_space<hbm>> -> memref<128xf32, #tpu.memory_space<hbm>>
      tpu.enqueue_dma source(%arg24 : memref<128xf32, #tpu.memory_space<vmem>>) target(%dma_start3A_991 : memref<128xf32, #tpu.memory_space<hbm>>) target_semaphore(%run_scoped3A : memref<!tpu.dma_semaphore, #tpu.memory_space<semaphore_mem>>)
      %dma_wait3A_992 = tpu.memref_slice %arg8[%add3A_485] : memref<81920xf32, #tpu.memory_space<hbm>> -> memref<128xf32, #tpu.memory_space<hbm>>
      %dma_wait3A_993 = tpu.memref_slice %arg8[%add3A_485] : memref<81920xf32, #tpu.memory_space<hbm>> -> memref<128xf32, #tpu.memory_space<hbm>>
      tpu.wait_dma2 semaphore(%run_scoped3A : memref<!tpu.dma_semaphore, #tpu.memory_space<semaphore_mem>>) src(%arg24 : memref<128xf32, #tpu.memory_space<vmem>>) dst(%dma_wait3A_993 : memref<128xf32, #tpu.memory_space<hbm>>)
      tpu.yield
    }) : () -> ()
    %add3A_486 = arith.constant 16384 : i32
    %add3A_487 = arith.addi %add3A_486, %add3A_247 : i32
    "tpu.region"() ({
      %run_scoped3A = tpu.sem_alloc : memref<!tpu.dma_semaphore, #tpu.memory_space<semaphore_mem>>
      %dma_start3A_990 = tpu.memref_slice %arg8[%add3A_487] : memref<81920xf32, #tpu.memory_space<hbm>> -> memref<128xf32, #tpu.memory_space<hbm>>
      %dma_start3A_991 = tpu.memref_slice %arg8[%add3A_487] : memref<81920xf32, #tpu.memory_space<hbm>> -> memref<128xf32, #tpu.memory_space<hbm>>
      tpu.enqueue_dma source(%arg25 : memref<128xf32, #tpu.memory_space<vmem>>) target(%dma_start3A_991 : memref<128xf32, #tpu.memory_space<hbm>>) target_semaphore(%run_scoped3A : memref<!tpu.dma_semaphore, #tpu.memory_space<semaphore_mem>>)
      %dma_wait3A_992 = tpu.memref_slice %arg8[%add3A_487] : memref<81920xf32, #tpu.memory_space<hbm>> -> memref<128xf32, #tpu.memory_space<hbm>>
      %dma_wait3A_993 = tpu.memref_slice %arg8[%add3A_487] : memref<81920xf32, #tpu.memory_space<hbm>> -> memref<128xf32, #tpu.memory_space<hbm>>
      tpu.wait_dma2 semaphore(%run_scoped3A : memref<!tpu.dma_semaphore, #tpu.memory_space<semaphore_mem>>) src(%arg25 : memref<128xf32, #tpu.memory_space<vmem>>) dst(%dma_wait3A_993 : memref<128xf32, #tpu.memory_space<hbm>>)
      tpu.yield
    }) : () -> ()
    %add3A_488 = arith.constant 32768 : i32
    %add3A_489 = arith.addi %add3A_488, %add3A_247 : i32
    "tpu.region"() ({
      %run_scoped3A = tpu.sem_alloc : memref<!tpu.dma_semaphore, #tpu.memory_space<semaphore_mem>>
      %dma_start3A_990 = tpu.memref_slice %arg8[%add3A_489] : memref<81920xf32, #tpu.memory_space<hbm>> -> memref<128xf32, #tpu.memory_space<hbm>>
      %dma_start3A_991 = tpu.memref_slice %arg8[%add3A_489] : memref<81920xf32, #tpu.memory_space<hbm>> -> memref<128xf32, #tpu.memory_space<hbm>>
      tpu.enqueue_dma source(%arg26 : memref<128xf32, #tpu.memory_space<vmem>>) target(%dma_start3A_991 : memref<128xf32, #tpu.memory_space<hbm>>) target_semaphore(%run_scoped3A : memref<!tpu.dma_semaphore, #tpu.memory_space<semaphore_mem>>)
      %dma_wait3A_992 = tpu.memref_slice %arg8[%add3A_489] : memref<81920xf32, #tpu.memory_space<hbm>> -> memref<128xf32, #tpu.memory_space<hbm>>
      %dma_wait3A_993 = tpu.memref_slice %arg8[%add3A_489] : memref<81920xf32, #tpu.memory_space<hbm>> -> memref<128xf32, #tpu.memory_space<hbm>>
      tpu.wait_dma2 semaphore(%run_scoped3A : memref<!tpu.dma_semaphore, #tpu.memory_space<semaphore_mem>>) src(%arg26 : memref<128xf32, #tpu.memory_space<vmem>>) dst(%dma_wait3A_993 : memref<128xf32, #tpu.memory_space<hbm>>)
      tpu.yield
    }) : () -> ()
    %add3A_490 = arith.constant 49152 : i32
    %add3A_491 = arith.addi %add3A_490, %add3A_247 : i32
    "tpu.region"() ({
      %run_scoped3A = tpu.sem_alloc : memref<!tpu.dma_semaphore, #tpu.memory_space<semaphore_mem>>
      %dma_start3A_990 = tpu.memref_slice %arg8[%add3A_491] : memref<81920xf32, #tpu.memory_space<hbm>> -> memref<128xf32, #tpu.memory_space<hbm>>
      %dma_start3A_991 = tpu.memref_slice %arg8[%add3A_491] : memref<81920xf32, #tpu.memory_space<hbm>> -> memref<128xf32, #tpu.memory_space<hbm>>
      tpu.enqueue_dma source(%arg27 : memref<128xf32, #tpu.memory_space<vmem>>) target(%dma_start3A_991 : memref<128xf32, #tpu.memory_space<hbm>>) target_semaphore(%run_scoped3A : memref<!tpu.dma_semaphore, #tpu.memory_space<semaphore_mem>>)
      %dma_wait3A_992 = tpu.memref_slice %arg8[%add3A_491] : memref<81920xf32, #tpu.memory_space<hbm>> -> memref<128xf32, #tpu.memory_space<hbm>>
      %dma_wait3A_993 = tpu.memref_slice %arg8[%add3A_491] : memref<81920xf32, #tpu.memory_space<hbm>> -> memref<128xf32, #tpu.memory_space<hbm>>
      tpu.wait_dma2 semaphore(%run_scoped3A : memref<!tpu.dma_semaphore, #tpu.memory_space<semaphore_mem>>) src(%arg27 : memref<128xf32, #tpu.memory_space<vmem>>) dst(%dma_wait3A_993 : memref<128xf32, #tpu.memory_space<hbm>>)
      tpu.yield
    }) : () -> ()
    %add3A_492 = arith.constant 65536 : i32
    %add3A_493 = arith.addi %add3A_492, %add3A_247 : i32
    "tpu.region"() ({
      %run_scoped3A = tpu.sem_alloc : memref<!tpu.dma_semaphore, #tpu.memory_space<semaphore_mem>>
      %dma_start3A_990 = tpu.memref_slice %arg8[%add3A_493] : memref<81920xf32, #tpu.memory_space<hbm>> -> memref<128xf32, #tpu.memory_space<hbm>>
      %dma_start3A_991 = tpu.memref_slice %arg8[%add3A_493] : memref<81920xf32, #tpu.memory_space<hbm>> -> memref<128xf32, #tpu.memory_space<hbm>>
      tpu.enqueue_dma source(%arg28 : memref<128xf32, #tpu.memory_space<vmem>>) target(%dma_start3A_991 : memref<128xf32, #tpu.memory_space<hbm>>) target_semaphore(%run_scoped3A : memref<!tpu.dma_semaphore, #tpu.memory_space<semaphore_mem>>)
      %dma_wait3A_992 = tpu.memref_slice %arg8[%add3A_493] : memref<81920xf32, #tpu.memory_space<hbm>> -> memref<128xf32, #tpu.memory_space<hbm>>
      %dma_wait3A_993 = tpu.memref_slice %arg8[%add3A_493] : memref<81920xf32, #tpu.memory_space<hbm>> -> memref<128xf32, #tpu.memory_space<hbm>>
      tpu.wait_dma2 semaphore(%run_scoped3A : memref<!tpu.dma_semaphore, #tpu.memory_space<semaphore_mem>>) src(%arg28 : memref<128xf32, #tpu.memory_space<vmem>>) dst(%dma_wait3A_993 : memref<128xf32, #tpu.memory_space<hbm>>)
      tpu.yield
    }) : () -> ()
    %add3A_494 = arith.constant 256 : i32
    %add3A_495 = arith.addi %mul3A_2, %add3A_494 : i32
    "tpu.region"() ({
      %run_scoped3A = tpu.sem_alloc : memref<!tpu.dma_semaphore, #tpu.memory_space<semaphore_mem>>
      %dma_start3A_990 = tpu.memref_slice %arg4[%add3A_495] : memref<16384xi32, #tpu.memory_space<hbm>> -> memref<128xi32, #tpu.memory_space<hbm>>
      %dma_start3A_991 = tpu.memref_slice %arg4[%add3A_495] : memref<16384xi32, #tpu.memory_space<hbm>> -> memref<128xi32, #tpu.memory_space<hbm>>
      tpu.enqueue_dma source(%dma_start3A_991 : memref<128xi32, #tpu.memory_space<hbm>>) target(%arg9 : memref<128xi32, #tpu.memory_space<vmem>>) target_semaphore(%run_scoped3A : memref<!tpu.dma_semaphore, #tpu.memory_space<semaphore_mem>>)
      %dma_wait3A_992 = tpu.memref_slice %arg4[%add3A_495] : memref<16384xi32, #tpu.memory_space<hbm>> -> memref<128xi32, #tpu.memory_space<hbm>>
      %dma_wait3A_993 = tpu.memref_slice %arg4[%add3A_495] : memref<16384xi32, #tpu.memory_space<hbm>> -> memref<128xi32, #tpu.memory_space<hbm>>
      tpu.wait_dma2 semaphore(%run_scoped3A : memref<!tpu.dma_semaphore, #tpu.memory_space<semaphore_mem>>) src(%dma_wait3A_993 : memref<128xi32, #tpu.memory_space<hbm>>) dst(%arg9 : memref<128xi32, #tpu.memory_space<vmem>>)
      tpu.yield
    }) : () -> ()
    "tpu.region"() ({
      %run_scoped3A = tpu.sem_alloc : memref<!tpu.dma_semaphore, #tpu.memory_space<semaphore_mem>>
      %dma_start3A_990 = tpu.memref_slice %arg5[%add3A_495] : memref<16384xi32, #tpu.memory_space<hbm>> -> memref<128xi32, #tpu.memory_space<hbm>>
      %dma_start3A_991 = tpu.memref_slice %arg5[%add3A_495] : memref<16384xi32, #tpu.memory_space<hbm>> -> memref<128xi32, #tpu.memory_space<hbm>>
      tpu.enqueue_dma source(%dma_start3A_991 : memref<128xi32, #tpu.memory_space<hbm>>) target(%arg10 : memref<128xi32, #tpu.memory_space<vmem>>) target_semaphore(%run_scoped3A : memref<!tpu.dma_semaphore, #tpu.memory_space<semaphore_mem>>)
      %dma_wait3A_992 = tpu.memref_slice %arg5[%add3A_495] : memref<16384xi32, #tpu.memory_space<hbm>> -> memref<128xi32, #tpu.memory_space<hbm>>
      %dma_wait3A_993 = tpu.memref_slice %arg5[%add3A_495] : memref<16384xi32, #tpu.memory_space<hbm>> -> memref<128xi32, #tpu.memory_space<hbm>>
      tpu.wait_dma2 semaphore(%run_scoped3A : memref<!tpu.dma_semaphore, #tpu.memory_space<semaphore_mem>>) src(%dma_wait3A_993 : memref<128xi32, #tpu.memory_space<hbm>>) dst(%arg10 : memref<128xi32, #tpu.memory_space<vmem>>)
      tpu.yield
    }) : () -> ()
    %add3A_496 = arith.constant 0 : i32
    %add3A_497 = arith.addi %add3A_496, %add3A_495 : i32
    "tpu.region"() ({
      %run_scoped3A = tpu.sem_alloc : memref<!tpu.dma_semaphore, #tpu.memory_space<semaphore_mem>>
      %dma_start3A_990 = tpu.memref_slice %arg6[%add3A_497] : memref<81920xi32, #tpu.memory_space<hbm>> -> memref<128xi32, #tpu.memory_space<hbm>>
      %dma_start3A_991 = tpu.memref_slice %arg6[%add3A_497] : memref<81920xi32, #tpu.memory_space<hbm>> -> memref<128xi32, #tpu.memory_space<hbm>>
      tpu.enqueue_dma source(%dma_start3A_991 : memref<128xi32, #tpu.memory_space<hbm>>) target(%arg11 : memref<128xi32, #tpu.memory_space<vmem>>) target_semaphore(%run_scoped3A : memref<!tpu.dma_semaphore, #tpu.memory_space<semaphore_mem>>)
      %dma_wait3A_992 = tpu.memref_slice %arg6[%add3A_497] : memref<81920xi32, #tpu.memory_space<hbm>> -> memref<128xi32, #tpu.memory_space<hbm>>
      %dma_wait3A_993 = tpu.memref_slice %arg6[%add3A_497] : memref<81920xi32, #tpu.memory_space<hbm>> -> memref<128xi32, #tpu.memory_space<hbm>>
      tpu.wait_dma2 semaphore(%run_scoped3A : memref<!tpu.dma_semaphore, #tpu.memory_space<semaphore_mem>>) src(%dma_wait3A_993 : memref<128xi32, #tpu.memory_space<hbm>>) dst(%arg11 : memref<128xi32, #tpu.memory_space<vmem>>)
      tpu.yield
    }) : () -> ()
    %add3A_498 = arith.constant 16384 : i32
    %add3A_499 = arith.addi %add3A_498, %add3A_495 : i32
    "tpu.region"() ({
      %run_scoped3A = tpu.sem_alloc : memref<!tpu.dma_semaphore, #tpu.memory_space<semaphore_mem>>
      %dma_start3A_990 = tpu.memref_slice %arg6[%add3A_499] : memref<81920xi32, #tpu.memory_space<hbm>> -> memref<128xi32, #tpu.memory_space<hbm>>
      %dma_start3A_991 = tpu.memref_slice %arg6[%add3A_499] : memref<81920xi32, #tpu.memory_space<hbm>> -> memref<128xi32, #tpu.memory_space<hbm>>
      tpu.enqueue_dma source(%dma_start3A_991 : memref<128xi32, #tpu.memory_space<hbm>>) target(%arg12 : memref<128xi32, #tpu.memory_space<vmem>>) target_semaphore(%run_scoped3A : memref<!tpu.dma_semaphore, #tpu.memory_space<semaphore_mem>>)
      %dma_wait3A_992 = tpu.memref_slice %arg6[%add3A_499] : memref<81920xi32, #tpu.memory_space<hbm>> -> memref<128xi32, #tpu.memory_space<hbm>>
      %dma_wait3A_993 = tpu.memref_slice %arg6[%add3A_499] : memref<81920xi32, #tpu.memory_space<hbm>> -> memref<128xi32, #tpu.memory_space<hbm>>
      tpu.wait_dma2 semaphore(%run_scoped3A : memref<!tpu.dma_semaphore, #tpu.memory_space<semaphore_mem>>) src(%dma_wait3A_993 : memref<128xi32, #tpu.memory_space<hbm>>) dst(%arg12 : memref<128xi32, #tpu.memory_space<vmem>>)
      tpu.yield
    }) : () -> ()
    %add3A_500 = arith.constant 32768 : i32
    %add3A_501 = arith.addi %add3A_500, %add3A_495 : i32
    "tpu.region"() ({
      %run_scoped3A = tpu.sem_alloc : memref<!tpu.dma_semaphore, #tpu.memory_space<semaphore_mem>>
      %dma_start3A_990 = tpu.memref_slice %arg6[%add3A_501] : memref<81920xi32, #tpu.memory_space<hbm>> -> memref<128xi32, #tpu.memory_space<hbm>>
      %dma_start3A_991 = tpu.memref_slice %arg6[%add3A_501] : memref<81920xi32, #tpu.memory_space<hbm>> -> memref<128xi32, #tpu.memory_space<hbm>>
      tpu.enqueue_dma source(%dma_start3A_991 : memref<128xi32, #tpu.memory_space<hbm>>) target(%arg13 : memref<128xi32, #tpu.memory_space<vmem>>) target_semaphore(%run_scoped3A : memref<!tpu.dma_semaphore, #tpu.memory_space<semaphore_mem>>)
      %dma_wait3A_992 = tpu.memref_slice %arg6[%add3A_501] : memref<81920xi32, #tpu.memory_space<hbm>> -> memref<128xi32, #tpu.memory_space<hbm>>
      %dma_wait3A_993 = tpu.memref_slice %arg6[%add3A_501] : memref<81920xi32, #tpu.memory_space<hbm>> -> memref<128xi32, #tpu.memory_space<hbm>>
      tpu.wait_dma2 semaphore(%run_scoped3A : memref<!tpu.dma_semaphore, #tpu.memory_space<semaphore_mem>>) src(%dma_wait3A_993 : memref<128xi32, #tpu.memory_space<hbm>>) dst(%arg13 : memref<128xi32, #tpu.memory_space<vmem>>)
      tpu.yield
    }) : () -> ()
    %add3A_502 = arith.constant 49152 : i32
    %add3A_503 = arith.addi %add3A_502, %add3A_495 : i32
    "tpu.region"() ({
      %run_scoped3A = tpu.sem_alloc : memref<!tpu.dma_semaphore, #tpu.memory_space<semaphore_mem>>
      %dma_start3A_990 = tpu.memref_slice %arg6[%add3A_503] : memref<81920xi32, #tpu.memory_space<hbm>> -> memref<128xi32, #tpu.memory_space<hbm>>
      %dma_start3A_991 = tpu.memref_slice %arg6[%add3A_503] : memref<81920xi32, #tpu.memory_space<hbm>> -> memref<128xi32, #tpu.memory_space<hbm>>
      tpu.enqueue_dma source(%dma_start3A_991 : memref<128xi32, #tpu.memory_space<hbm>>) target(%arg14 : memref<128xi32, #tpu.memory_space<vmem>>) target_semaphore(%run_scoped3A : memref<!tpu.dma_semaphore, #tpu.memory_space<semaphore_mem>>)
      %dma_wait3A_992 = tpu.memref_slice %arg6[%add3A_503] : memref<81920xi32, #tpu.memory_space<hbm>> -> memref<128xi32, #tpu.memory_space<hbm>>
      %dma_wait3A_993 = tpu.memref_slice %arg6[%add3A_503] : memref<81920xi32, #tpu.memory_space<hbm>> -> memref<128xi32, #tpu.memory_space<hbm>>
      tpu.wait_dma2 semaphore(%run_scoped3A : memref<!tpu.dma_semaphore, #tpu.memory_space<semaphore_mem>>) src(%dma_wait3A_993 : memref<128xi32, #tpu.memory_space<hbm>>) dst(%arg14 : memref<128xi32, #tpu.memory_space<vmem>>)
      tpu.yield
    }) : () -> ()
    %add3A_504 = arith.constant 65536 : i32
    %add3A_505 = arith.addi %add3A_504, %add3A_495 : i32
    "tpu.region"() ({
      %run_scoped3A = tpu.sem_alloc : memref<!tpu.dma_semaphore, #tpu.memory_space<semaphore_mem>>
      %dma_start3A_990 = tpu.memref_slice %arg6[%add3A_505] : memref<81920xi32, #tpu.memory_space<hbm>> -> memref<128xi32, #tpu.memory_space<hbm>>
      %dma_start3A_991 = tpu.memref_slice %arg6[%add3A_505] : memref<81920xi32, #tpu.memory_space<hbm>> -> memref<128xi32, #tpu.memory_space<hbm>>
      tpu.enqueue_dma source(%dma_start3A_991 : memref<128xi32, #tpu.memory_space<hbm>>) target(%arg15 : memref<128xi32, #tpu.memory_space<vmem>>) target_semaphore(%run_scoped3A : memref<!tpu.dma_semaphore, #tpu.memory_space<semaphore_mem>>)
      %dma_wait3A_992 = tpu.memref_slice %arg6[%add3A_505] : memref<81920xi32, #tpu.memory_space<hbm>> -> memref<128xi32, #tpu.memory_space<hbm>>
      %dma_wait3A_993 = tpu.memref_slice %arg6[%add3A_505] : memref<81920xi32, #tpu.memory_space<hbm>> -> memref<128xi32, #tpu.memory_space<hbm>>
      tpu.wait_dma2 semaphore(%run_scoped3A : memref<!tpu.dma_semaphore, #tpu.memory_space<semaphore_mem>>) src(%dma_wait3A_993 : memref<128xi32, #tpu.memory_space<hbm>>) dst(%arg15 : memref<128xi32, #tpu.memory_space<vmem>>)
      tpu.yield
    }) : () -> ()
    %dma_start3A_506 = arith.constant 0 : i32
    %dma_start3A_507 = arith.constant 0 : i32
    %dma_start3A_508 = tpu.memref_slice %arg2[%dma_start3A_506, %dma_start3A_507] : memref<1000000x64xf32, #tpu.memory_space<hbm>> -> memref<1000000x64xf32, #tpu.memory_space<hbm>>
    tpu.enqueue_indirect_dma source(%dma_start3A_508 : memref<1000000x64xf32, #tpu.memory_space<hbm>>) target(%arg16 : memref<128x64xf32, #tpu.memory_space<vmem>>) offsets(%arg9 : memref<128xi32, #tpu.memory_space<vmem>>) semaphore(%arg29 : memref<!tpu.dma_semaphore, #tpu.memory_space<semaphore_mem>>)
    %dma_start3A_509 = arith.constant 0 : i32
    %dma_start3A_510 = arith.constant 0 : i32
    %dma_start3A_511 = tpu.memref_slice %arg3[%dma_start3A_509, %dma_start3A_510] : memref<1000000x64xf32, #tpu.memory_space<hbm>> -> memref<1000000x64xf32, #tpu.memory_space<hbm>>
    tpu.enqueue_indirect_dma source(%dma_start3A_511 : memref<1000000x64xf32, #tpu.memory_space<hbm>>) target(%arg17 : memref<128x64xf32, #tpu.memory_space<vmem>>) offsets(%arg10 : memref<128xi32, #tpu.memory_space<vmem>>) semaphore(%arg29 : memref<!tpu.dma_semaphore, #tpu.memory_space<semaphore_mem>>)
    %dma_start3A_512 = arith.constant 0 : i32
    %dma_start3A_513 = arith.constant 0 : i32
    %dma_start3A_514 = tpu.memref_slice %arg3[%dma_start3A_512, %dma_start3A_513] : memref<1000000x64xf32, #tpu.memory_space<hbm>> -> memref<1000000x64xf32, #tpu.memory_space<hbm>>
    tpu.enqueue_indirect_dma source(%dma_start3A_514 : memref<1000000x64xf32, #tpu.memory_space<hbm>>) target(%arg18 : memref<128x64xf32, #tpu.memory_space<vmem>>) offsets(%arg11 : memref<128xi32, #tpu.memory_space<vmem>>) semaphore(%arg29 : memref<!tpu.dma_semaphore, #tpu.memory_space<semaphore_mem>>)
    %dma_start3A_515 = arith.constant 0 : i32
    %dma_start3A_516 = arith.constant 0 : i32
    %dma_start3A_517 = tpu.memref_slice %arg3[%dma_start3A_515, %dma_start3A_516] : memref<1000000x64xf32, #tpu.memory_space<hbm>> -> memref<1000000x64xf32, #tpu.memory_space<hbm>>
    tpu.enqueue_indirect_dma source(%dma_start3A_517 : memref<1000000x64xf32, #tpu.memory_space<hbm>>) target(%arg19 : memref<128x64xf32, #tpu.memory_space<vmem>>) offsets(%arg12 : memref<128xi32, #tpu.memory_space<vmem>>) semaphore(%arg29 : memref<!tpu.dma_semaphore, #tpu.memory_space<semaphore_mem>>)
    %dma_start3A_518 = arith.constant 0 : i32
    %dma_start3A_519 = arith.constant 0 : i32
    %dma_start3A_520 = tpu.memref_slice %arg3[%dma_start3A_518, %dma_start3A_519] : memref<1000000x64xf32, #tpu.memory_space<hbm>> -> memref<1000000x64xf32, #tpu.memory_space<hbm>>
    tpu.enqueue_indirect_dma source(%dma_start3A_520 : memref<1000000x64xf32, #tpu.memory_space<hbm>>) target(%arg20 : memref<128x64xf32, #tpu.memory_space<vmem>>) offsets(%arg13 : memref<128xi32, #tpu.memory_space<vmem>>) semaphore(%arg29 : memref<!tpu.dma_semaphore, #tpu.memory_space<semaphore_mem>>)
    %dma_start3A_521 = arith.constant 0 : i32
    %dma_start3A_522 = arith.constant 0 : i32
    %dma_start3A_523 = tpu.memref_slice %arg3[%dma_start3A_521, %dma_start3A_522] : memref<1000000x64xf32, #tpu.memory_space<hbm>> -> memref<1000000x64xf32, #tpu.memory_space<hbm>>
    tpu.enqueue_indirect_dma source(%dma_start3A_523 : memref<1000000x64xf32, #tpu.memory_space<hbm>>) target(%arg21 : memref<128x64xf32, #tpu.memory_space<vmem>>) offsets(%arg14 : memref<128xi32, #tpu.memory_space<vmem>>) semaphore(%arg29 : memref<!tpu.dma_semaphore, #tpu.memory_space<semaphore_mem>>)
    %dma_start3A_524 = arith.constant 0 : i32
    %dma_start3A_525 = arith.constant 0 : i32
    %dma_start3A_526 = tpu.memref_slice %arg3[%dma_start3A_524, %dma_start3A_525] : memref<1000000x64xf32, #tpu.memory_space<hbm>> -> memref<1000000x64xf32, #tpu.memory_space<hbm>>
    tpu.enqueue_indirect_dma source(%dma_start3A_526 : memref<1000000x64xf32, #tpu.memory_space<hbm>>) target(%arg22 : memref<128x64xf32, #tpu.memory_space<vmem>>) offsets(%arg15 : memref<128xi32, #tpu.memory_space<vmem>>) semaphore(%arg29 : memref<!tpu.dma_semaphore, #tpu.memory_space<semaphore_mem>>)
    %dma_wait3A_527 = arith.constant 0 : i32
    %dma_wait3A_528 = arith.constant 0 : i32
    %dma_wait3A_529 = tpu.memref_slice %arg2[%dma_wait3A_527, %dma_wait3A_528] : memref<1000000x64xf32, #tpu.memory_space<hbm>> -> memref<1000000x64xf32, #tpu.memory_space<hbm>>
    tpu.wait_indirect_dma semaphore(%arg29 : memref<!tpu.dma_semaphore, #tpu.memory_space<semaphore_mem>>) src(%dma_wait3A_529 : memref<1000000x64xf32, #tpu.memory_space<hbm>>) dst(%arg16 : memref<128x64xf32, #tpu.memory_space<vmem>>)
    %dma_wait3A_530 = arith.constant 0 : i32
    %dma_wait3A_531 = arith.constant 0 : i32
    %dma_wait3A_532 = tpu.memref_slice %arg3[%dma_wait3A_530, %dma_wait3A_531] : memref<1000000x64xf32, #tpu.memory_space<hbm>> -> memref<1000000x64xf32, #tpu.memory_space<hbm>>
    tpu.wait_indirect_dma semaphore(%arg29 : memref<!tpu.dma_semaphore, #tpu.memory_space<semaphore_mem>>) src(%dma_wait3A_532 : memref<1000000x64xf32, #tpu.memory_space<hbm>>) dst(%arg17 : memref<128x64xf32, #tpu.memory_space<vmem>>)
    %dma_wait3A_533 = arith.constant 0 : i32
    %dma_wait3A_534 = arith.constant 0 : i32
    %dma_wait3A_535 = tpu.memref_slice %arg3[%dma_wait3A_533, %dma_wait3A_534] : memref<1000000x64xf32, #tpu.memory_space<hbm>> -> memref<1000000x64xf32, #tpu.memory_space<hbm>>
    tpu.wait_indirect_dma semaphore(%arg29 : memref<!tpu.dma_semaphore, #tpu.memory_space<semaphore_mem>>) src(%dma_wait3A_535 : memref<1000000x64xf32, #tpu.memory_space<hbm>>) dst(%arg18 : memref<128x64xf32, #tpu.memory_space<vmem>>)
    %dma_wait3A_536 = arith.constant 0 : i32
    %dma_wait3A_537 = arith.constant 0 : i32
    %dma_wait3A_538 = tpu.memref_slice %arg3[%dma_wait3A_536, %dma_wait3A_537] : memref<1000000x64xf32, #tpu.memory_space<hbm>> -> memref<1000000x64xf32, #tpu.memory_space<hbm>>
    tpu.wait_indirect_dma semaphore(%arg29 : memref<!tpu.dma_semaphore, #tpu.memory_space<semaphore_mem>>) src(%dma_wait3A_538 : memref<1000000x64xf32, #tpu.memory_space<hbm>>) dst(%arg19 : memref<128x64xf32, #tpu.memory_space<vmem>>)
    %dma_wait3A_539 = arith.constant 0 : i32
    %dma_wait3A_540 = arith.constant 0 : i32
    %dma_wait3A_541 = tpu.memref_slice %arg3[%dma_wait3A_539, %dma_wait3A_540] : memref<1000000x64xf32, #tpu.memory_space<hbm>> -> memref<1000000x64xf32, #tpu.memory_space<hbm>>
    tpu.wait_indirect_dma semaphore(%arg29 : memref<!tpu.dma_semaphore, #tpu.memory_space<semaphore_mem>>) src(%dma_wait3A_541 : memref<1000000x64xf32, #tpu.memory_space<hbm>>) dst(%arg20 : memref<128x64xf32, #tpu.memory_space<vmem>>)
    %dma_wait3A_542 = arith.constant 0 : i32
    %dma_wait3A_543 = arith.constant 0 : i32
    %dma_wait3A_544 = tpu.memref_slice %arg3[%dma_wait3A_542, %dma_wait3A_543] : memref<1000000x64xf32, #tpu.memory_space<hbm>> -> memref<1000000x64xf32, #tpu.memory_space<hbm>>
    tpu.wait_indirect_dma semaphore(%arg29 : memref<!tpu.dma_semaphore, #tpu.memory_space<semaphore_mem>>) src(%dma_wait3A_544 : memref<1000000x64xf32, #tpu.memory_space<hbm>>) dst(%arg21 : memref<128x64xf32, #tpu.memory_space<vmem>>)
    %dma_wait3A_545 = arith.constant 0 : i32
    %dma_wait3A_546 = arith.constant 0 : i32
    %dma_wait3A_547 = tpu.memref_slice %arg3[%dma_wait3A_545, %dma_wait3A_546] : memref<1000000x64xf32, #tpu.memory_space<hbm>> -> memref<1000000x64xf32, #tpu.memory_space<hbm>>
    tpu.wait_indirect_dma semaphore(%arg29 : memref<!tpu.dma_semaphore, #tpu.memory_space<semaphore_mem>>) src(%dma_wait3A_547 : memref<1000000x64xf32, #tpu.memory_space<hbm>>) dst(%arg22 : memref<128x64xf32, #tpu.memory_space<vmem>>)
    %add3A_548 = arith.constant 0 : i32
    %add3A_549 = vector.broadcast %add3A_548 : i32 to vector<16xi32>
    %add3A_550 = arith.addi %add3A_549, %iota3A : vector<16xi32>
    %broadcast_in_dim3A_551 = arith.constant 0.000000e+00 : f32
    %broadcast_in_dim3A_552 = vector.broadcast %broadcast_in_dim3A_551 : f32 to vector<16xf32>
    %scan3A_553 = arith.constant 0 : i32
    %scan3A_554 = arith.constant 64 : i32
    %scan3A_555 = arith.addi %scan3A_553, %scan3A_554 : i32
    %scan3A_556 = arith.constant 1 : i32
    %scan3A_557:6 = scf.for %scan3A_990 = %scan3A_553 to %scan3A_555 step %scan3A_556 iter_args(%scan3A_991 = %broadcast_in_dim3A_552, %scan3A_992 = %broadcast_in_dim3A_552, %scan3A_993 = %broadcast_in_dim3A_552, %scan3A_994 = %broadcast_in_dim3A_552, %scan3A_995 = %broadcast_in_dim3A_552, %scan3A_996 = %broadcast_in_dim3A_552) -> (vector<16xf32>, vector<16xf32>, vector<16xf32>, vector<16xf32>, vector<16xf32>, vector<16xf32>)  : i32 {
      %broadcast_in_dim3A_997 = vector.broadcast %scan3A_990 : i32 to vector<16xi32>
      %gather3A = tpu.vector_load_idx %arg16[%add3A_550, %broadcast_in_dim3A_997] : memref<128x64xf32, #tpu.memory_space<vmem>>[vector<16xi32>, vector<16xi32>], vector<16xf32>,
      %gather3A_998 = tpu.vector_load_idx %arg17[%add3A_550, %broadcast_in_dim3A_997] : memref<128x64xf32, #tpu.memory_space<vmem>>[vector<16xi32>, vector<16xi32>], vector<16xf32>,
      %mul3A_999 = arith.mulf %gather3A, %gather3A_998 : vector<16xf32>
      %add3A_1000 = arith.addf %scan3A_991, %mul3A_999 : vector<16xf32>
      %gather3A_1001 = tpu.vector_load_idx %arg18[%add3A_550, %broadcast_in_dim3A_997] : memref<128x64xf32, #tpu.memory_space<vmem>>[vector<16xi32>, vector<16xi32>], vector<16xf32>,
      %mul3A_1002 = arith.mulf %gather3A, %gather3A_1001 : vector<16xf32>
      %add3A_1003 = arith.addf %scan3A_992, %mul3A_1002 : vector<16xf32>
      %gather3A_1004 = tpu.vector_load_idx %arg19[%add3A_550, %broadcast_in_dim3A_997] : memref<128x64xf32, #tpu.memory_space<vmem>>[vector<16xi32>, vector<16xi32>], vector<16xf32>,
      %mul3A_1005 = arith.mulf %gather3A, %gather3A_1004 : vector<16xf32>
      %add3A_1006 = arith.addf %scan3A_993, %mul3A_1005 : vector<16xf32>
      %gather3A_1007 = tpu.vector_load_idx %arg20[%add3A_550, %broadcast_in_dim3A_997] : memref<128x64xf32, #tpu.memory_space<vmem>>[vector<16xi32>, vector<16xi32>], vector<16xf32>,
      %mul3A_1008 = arith.mulf %gather3A, %gather3A_1007 : vector<16xf32>
      %add3A_1009 = arith.addf %scan3A_994, %mul3A_1008 : vector<16xf32>
      %gather3A_1010 = tpu.vector_load_idx %arg21[%add3A_550, %broadcast_in_dim3A_997] : memref<128x64xf32, #tpu.memory_space<vmem>>[vector<16xi32>, vector<16xi32>], vector<16xf32>,
      %mul3A_1011 = arith.mulf %gather3A, %gather3A_1010 : vector<16xf32>
      %add3A_1012 = arith.addf %scan3A_995, %mul3A_1011 : vector<16xf32>
      %gather3A_1013 = tpu.vector_load_idx %arg22[%add3A_550, %broadcast_in_dim3A_997] : memref<128x64xf32, #tpu.memory_space<vmem>>[vector<16xi32>, vector<16xi32>], vector<16xf32>,
      %mul3A_1014 = arith.mulf %gather3A, %gather3A_1013 : vector<16xf32>
      %add3A_1015 = arith.addf %scan3A_996, %mul3A_1014 : vector<16xf32>
      scf.yield %add3A_1000, %add3A_1003, %add3A_1006, %add3A_1009, %add3A_1012, %add3A_1015 : vector<16xf32>, vector<16xf32>, vector<16xf32>, vector<16xf32>, vector<16xf32>, vector<16xf32>
    }
    %scan3A_558 = arith.constant 64 : i32
    %swap3A_559 = arith.constant 0 : index
    %swap3A_560 = tpu.vector_load %arg23[%swap3A_559] {strides = array<i32>} : memref<128xf32, #tpu.memory_space<vmem>>, vector<16xf32>,
    tpu.vector_store %arg23[%swap3A_559], %scan3A_557#0 {strides = array<i32>} : memref<128xf32, #tpu.memory_space<vmem>>, vector<16xf32>,
    %swap3A_561 = arith.constant 0 : index
    %swap3A_562 = tpu.vector_load %arg24[%swap3A_561] {strides = array<i32>} : memref<128xf32, #tpu.memory_space<vmem>>, vector<16xf32>,
    tpu.vector_store %arg24[%swap3A_561], %scan3A_557#1 {strides = array<i32>} : memref<128xf32, #tpu.memory_space<vmem>>, vector<16xf32>,
    %swap3A_563 = arith.constant 0 : index
    %swap3A_564 = tpu.vector_load %arg25[%swap3A_563] {strides = array<i32>} : memref<128xf32, #tpu.memory_space<vmem>>, vector<16xf32>,
    tpu.vector_store %arg25[%swap3A_563], %scan3A_557#2 {strides = array<i32>} : memref<128xf32, #tpu.memory_space<vmem>>, vector<16xf32>,
    %swap3A_565 = arith.constant 0 : index
    %swap3A_566 = tpu.vector_load %arg26[%swap3A_565] {strides = array<i32>} : memref<128xf32, #tpu.memory_space<vmem>>, vector<16xf32>,
    tpu.vector_store %arg26[%swap3A_565], %scan3A_557#3 {strides = array<i32>} : memref<128xf32, #tpu.memory_space<vmem>>, vector<16xf32>,
    %swap3A_567 = arith.constant 0 : index
    %swap3A_568 = tpu.vector_load %arg27[%swap3A_567] {strides = array<i32>} : memref<128xf32, #tpu.memory_space<vmem>>, vector<16xf32>,
    tpu.vector_store %arg27[%swap3A_567], %scan3A_557#4 {strides = array<i32>} : memref<128xf32, #tpu.memory_space<vmem>>, vector<16xf32>,
    %swap3A_569 = arith.constant 0 : index
    %swap3A_570 = tpu.vector_load %arg28[%swap3A_569] {strides = array<i32>} : memref<128xf32, #tpu.memory_space<vmem>>, vector<16xf32>,
    tpu.vector_store %arg28[%swap3A_569], %scan3A_557#5 {strides = array<i32>} : memref<128xf32, #tpu.memory_space<vmem>>, vector<16xf32>,
    %add3A_571 = arith.constant 16 : i32
    %add3A_572 = vector.broadcast %add3A_571 : i32 to vector<16xi32>
    %add3A_573 = arith.addi %add3A_572, %iota3A : vector<16xi32>
    %broadcast_in_dim3A_574 = arith.constant 0.000000e+00 : f32
    %broadcast_in_dim3A_575 = vector.broadcast %broadcast_in_dim3A_574 : f32 to vector<16xf32>
    %scan3A_576 = arith.constant 0 : i32
    %scan3A_577 = arith.constant 64 : i32
    %scan3A_578 = arith.addi %scan3A_576, %scan3A_577 : i32
    %scan3A_579 = arith.constant 1 : i32
    %scan3A_580:6 = scf.for %scan3A_990 = %scan3A_576 to %scan3A_578 step %scan3A_579 iter_args(%scan3A_991 = %broadcast_in_dim3A_575, %scan3A_992 = %broadcast_in_dim3A_575, %scan3A_993 = %broadcast_in_dim3A_575, %scan3A_994 = %broadcast_in_dim3A_575, %scan3A_995 = %broadcast_in_dim3A_575, %scan3A_996 = %broadcast_in_dim3A_575) -> (vector<16xf32>, vector<16xf32>, vector<16xf32>, vector<16xf32>, vector<16xf32>, vector<16xf32>)  : i32 {
      %broadcast_in_dim3A_997 = vector.broadcast %scan3A_990 : i32 to vector<16xi32>
      %gather3A = tpu.vector_load_idx %arg16[%add3A_573, %broadcast_in_dim3A_997] : memref<128x64xf32, #tpu.memory_space<vmem>>[vector<16xi32>, vector<16xi32>], vector<16xf32>,
      %gather3A_998 = tpu.vector_load_idx %arg17[%add3A_573, %broadcast_in_dim3A_997] : memref<128x64xf32, #tpu.memory_space<vmem>>[vector<16xi32>, vector<16xi32>], vector<16xf32>,
      %mul3A_999 = arith.mulf %gather3A, %gather3A_998 : vector<16xf32>
      %add3A_1000 = arith.addf %scan3A_991, %mul3A_999 : vector<16xf32>
      %gather3A_1001 = tpu.vector_load_idx %arg18[%add3A_573, %broadcast_in_dim3A_997] : memref<128x64xf32, #tpu.memory_space<vmem>>[vector<16xi32>, vector<16xi32>], vector<16xf32>,
      %mul3A_1002 = arith.mulf %gather3A, %gather3A_1001 : vector<16xf32>
      %add3A_1003 = arith.addf %scan3A_992, %mul3A_1002 : vector<16xf32>
      %gather3A_1004 = tpu.vector_load_idx %arg19[%add3A_573, %broadcast_in_dim3A_997] : memref<128x64xf32, #tpu.memory_space<vmem>>[vector<16xi32>, vector<16xi32>], vector<16xf32>,
      %mul3A_1005 = arith.mulf %gather3A, %gather3A_1004 : vector<16xf32>
      %add3A_1006 = arith.addf %scan3A_993, %mul3A_1005 : vector<16xf32>
      %gather3A_1007 = tpu.vector_load_idx %arg20[%add3A_573, %broadcast_in_dim3A_997] : memref<128x64xf32, #tpu.memory_space<vmem>>[vector<16xi32>, vector<16xi32>], vector<16xf32>,
      %mul3A_1008 = arith.mulf %gather3A, %gather3A_1007 : vector<16xf32>
      %add3A_1009 = arith.addf %scan3A_994, %mul3A_1008 : vector<16xf32>
      %gather3A_1010 = tpu.vector_load_idx %arg21[%add3A_573, %broadcast_in_dim3A_997] : memref<128x64xf32, #tpu.memory_space<vmem>>[vector<16xi32>, vector<16xi32>], vector<16xf32>,
      %mul3A_1011 = arith.mulf %gather3A, %gather3A_1010 : vector<16xf32>
      %add3A_1012 = arith.addf %scan3A_995, %mul3A_1011 : vector<16xf32>
      %gather3A_1013 = tpu.vector_load_idx %arg22[%add3A_573, %broadcast_in_dim3A_997] : memref<128x64xf32, #tpu.memory_space<vmem>>[vector<16xi32>, vector<16xi32>], vector<16xf32>,
      %mul3A_1014 = arith.mulf %gather3A, %gather3A_1013 : vector<16xf32>
      %add3A_1015 = arith.addf %scan3A_996, %mul3A_1014 : vector<16xf32>
      scf.yield %add3A_1000, %add3A_1003, %add3A_1006, %add3A_1009, %add3A_1012, %add3A_1015 : vector<16xf32>, vector<16xf32>, vector<16xf32>, vector<16xf32>, vector<16xf32>, vector<16xf32>
    }
    %scan3A_581 = arith.constant 64 : i32
    %swap3A_582 = arith.constant 16 : index
    %swap3A_583 = tpu.vector_load %arg23[%swap3A_582] {strides = array<i32>} : memref<128xf32, #tpu.memory_space<vmem>>, vector<16xf32>,
    tpu.vector_store %arg23[%swap3A_582], %scan3A_580#0 {strides = array<i32>} : memref<128xf32, #tpu.memory_space<vmem>>, vector<16xf32>,
    %swap3A_584 = arith.constant 16 : index
    %swap3A_585 = tpu.vector_load %arg24[%swap3A_584] {strides = array<i32>} : memref<128xf32, #tpu.memory_space<vmem>>, vector<16xf32>,
    tpu.vector_store %arg24[%swap3A_584], %scan3A_580#1 {strides = array<i32>} : memref<128xf32, #tpu.memory_space<vmem>>, vector<16xf32>,
    %swap3A_586 = arith.constant 16 : index
    %swap3A_587 = tpu.vector_load %arg25[%swap3A_586] {strides = array<i32>} : memref<128xf32, #tpu.memory_space<vmem>>, vector<16xf32>,
    tpu.vector_store %arg25[%swap3A_586], %scan3A_580#2 {strides = array<i32>} : memref<128xf32, #tpu.memory_space<vmem>>, vector<16xf32>,
    %swap3A_588 = arith.constant 16 : index
    %swap3A_589 = tpu.vector_load %arg26[%swap3A_588] {strides = array<i32>} : memref<128xf32, #tpu.memory_space<vmem>>, vector<16xf32>,
    tpu.vector_store %arg26[%swap3A_588], %scan3A_580#3 {strides = array<i32>} : memref<128xf32, #tpu.memory_space<vmem>>, vector<16xf32>,
    %swap3A_590 = arith.constant 16 : index
    %swap3A_591 = tpu.vector_load %arg27[%swap3A_590] {strides = array<i32>} : memref<128xf32, #tpu.memory_space<vmem>>, vector<16xf32>,
    tpu.vector_store %arg27[%swap3A_590], %scan3A_580#4 {strides = array<i32>} : memref<128xf32, #tpu.memory_space<vmem>>, vector<16xf32>,
    %swap3A_592 = arith.constant 16 : index
    %swap3A_593 = tpu.vector_load %arg28[%swap3A_592] {strides = array<i32>} : memref<128xf32, #tpu.memory_space<vmem>>, vector<16xf32>,
    tpu.vector_store %arg28[%swap3A_592], %scan3A_580#5 {strides = array<i32>} : memref<128xf32, #tpu.memory_space<vmem>>, vector<16xf32>,
    %add3A_594 = arith.constant 32 : i32
    %add3A_595 = vector.broadcast %add3A_594 : i32 to vector<16xi32>
    %add3A_596 = arith.addi %add3A_595, %iota3A : vector<16xi32>
    %broadcast_in_dim3A_597 = arith.constant 0.000000e+00 : f32
    %broadcast_in_dim3A_598 = vector.broadcast %broadcast_in_dim3A_597 : f32 to vector<16xf32>
    %scan3A_599 = arith.constant 0 : i32
    %scan3A_600 = arith.constant 64 : i32
    %scan3A_601 = arith.addi %scan3A_599, %scan3A_600 : i32
    %scan3A_602 = arith.constant 1 : i32
    %scan3A_603:6 = scf.for %scan3A_990 = %scan3A_599 to %scan3A_601 step %scan3A_602 iter_args(%scan3A_991 = %broadcast_in_dim3A_598, %scan3A_992 = %broadcast_in_dim3A_598, %scan3A_993 = %broadcast_in_dim3A_598, %scan3A_994 = %broadcast_in_dim3A_598, %scan3A_995 = %broadcast_in_dim3A_598, %scan3A_996 = %broadcast_in_dim3A_598) -> (vector<16xf32>, vector<16xf32>, vector<16xf32>, vector<16xf32>, vector<16xf32>, vector<16xf32>)  : i32 {
      %broadcast_in_dim3A_997 = vector.broadcast %scan3A_990 : i32 to vector<16xi32>
      %gather3A = tpu.vector_load_idx %arg16[%add3A_596, %broadcast_in_dim3A_997] : memref<128x64xf32, #tpu.memory_space<vmem>>[vector<16xi32>, vector<16xi32>], vector<16xf32>,
      %gather3A_998 = tpu.vector_load_idx %arg17[%add3A_596, %broadcast_in_dim3A_997] : memref<128x64xf32, #tpu.memory_space<vmem>>[vector<16xi32>, vector<16xi32>], vector<16xf32>,
      %mul3A_999 = arith.mulf %gather3A, %gather3A_998 : vector<16xf32>
      %add3A_1000 = arith.addf %scan3A_991, %mul3A_999 : vector<16xf32>
      %gather3A_1001 = tpu.vector_load_idx %arg18[%add3A_596, %broadcast_in_dim3A_997] : memref<128x64xf32, #tpu.memory_space<vmem>>[vector<16xi32>, vector<16xi32>], vector<16xf32>,
      %mul3A_1002 = arith.mulf %gather3A, %gather3A_1001 : vector<16xf32>
      %add3A_1003 = arith.addf %scan3A_992, %mul3A_1002 : vector<16xf32>
      %gather3A_1004 = tpu.vector_load_idx %arg19[%add3A_596, %broadcast_in_dim3A_997] : memref<128x64xf32, #tpu.memory_space<vmem>>[vector<16xi32>, vector<16xi32>], vector<16xf32>,
      %mul3A_1005 = arith.mulf %gather3A, %gather3A_1004 : vector<16xf32>
      %add3A_1006 = arith.addf %scan3A_993, %mul3A_1005 : vector<16xf32>
      %gather3A_1007 = tpu.vector_load_idx %arg20[%add3A_596, %broadcast_in_dim3A_997] : memref<128x64xf32, #tpu.memory_space<vmem>>[vector<16xi32>, vector<16xi32>], vector<16xf32>,
      %mul3A_1008 = arith.mulf %gather3A, %gather3A_1007 : vector<16xf32>
      %add3A_1009 = arith.addf %scan3A_994, %mul3A_1008 : vector<16xf32>
      %gather3A_1010 = tpu.vector_load_idx %arg21[%add3A_596, %broadcast_in_dim3A_997] : memref<128x64xf32, #tpu.memory_space<vmem>>[vector<16xi32>, vector<16xi32>], vector<16xf32>,
      %mul3A_1011 = arith.mulf %gather3A, %gather3A_1010 : vector<16xf32>
      %add3A_1012 = arith.addf %scan3A_995, %mul3A_1011 : vector<16xf32>
      %gather3A_1013 = tpu.vector_load_idx %arg22[%add3A_596, %broadcast_in_dim3A_997] : memref<128x64xf32, #tpu.memory_space<vmem>>[vector<16xi32>, vector<16xi32>], vector<16xf32>,
      %mul3A_1014 = arith.mulf %gather3A, %gather3A_1013 : vector<16xf32>
      %add3A_1015 = arith.addf %scan3A_996, %mul3A_1014 : vector<16xf32>
      scf.yield %add3A_1000, %add3A_1003, %add3A_1006, %add3A_1009, %add3A_1012, %add3A_1015 : vector<16xf32>, vector<16xf32>, vector<16xf32>, vector<16xf32>, vector<16xf32>, vector<16xf32>
    }
    %scan3A_604 = arith.constant 64 : i32
    %swap3A_605 = arith.constant 32 : index
    %swap3A_606 = tpu.vector_load %arg23[%swap3A_605] {strides = array<i32>} : memref<128xf32, #tpu.memory_space<vmem>>, vector<16xf32>,
    tpu.vector_store %arg23[%swap3A_605], %scan3A_603#0 {strides = array<i32>} : memref<128xf32, #tpu.memory_space<vmem>>, vector<16xf32>,
    %swap3A_607 = arith.constant 32 : index
    %swap3A_608 = tpu.vector_load %arg24[%swap3A_607] {strides = array<i32>} : memref<128xf32, #tpu.memory_space<vmem>>, vector<16xf32>,
    tpu.vector_store %arg24[%swap3A_607], %scan3A_603#1 {strides = array<i32>} : memref<128xf32, #tpu.memory_space<vmem>>, vector<16xf32>,
    %swap3A_609 = arith.constant 32 : index
    %swap3A_610 = tpu.vector_load %arg25[%swap3A_609] {strides = array<i32>} : memref<128xf32, #tpu.memory_space<vmem>>, vector<16xf32>,
    tpu.vector_store %arg25[%swap3A_609], %scan3A_603#2 {strides = array<i32>} : memref<128xf32, #tpu.memory_space<vmem>>, vector<16xf32>,
    %swap3A_611 = arith.constant 32 : index
    %swap3A_612 = tpu.vector_load %arg26[%swap3A_611] {strides = array<i32>} : memref<128xf32, #tpu.memory_space<vmem>>, vector<16xf32>,
    tpu.vector_store %arg26[%swap3A_611], %scan3A_603#3 {strides = array<i32>} : memref<128xf32, #tpu.memory_space<vmem>>, vector<16xf32>,
    %swap3A_613 = arith.constant 32 : index
    %swap3A_614 = tpu.vector_load %arg27[%swap3A_613] {strides = array<i32>} : memref<128xf32, #tpu.memory_space<vmem>>, vector<16xf32>,
    tpu.vector_store %arg27[%swap3A_613], %scan3A_603#4 {strides = array<i32>} : memref<128xf32, #tpu.memory_space<vmem>>, vector<16xf32>,
    %swap3A_615 = arith.constant 32 : index
    %swap3A_616 = tpu.vector_load %arg28[%swap3A_615] {strides = array<i32>} : memref<128xf32, #tpu.memory_space<vmem>>, vector<16xf32>,
    tpu.vector_store %arg28[%swap3A_615], %scan3A_603#5 {strides = array<i32>} : memref<128xf32, #tpu.memory_space<vmem>>, vector<16xf32>,
    %add3A_617 = arith.constant 48 : i32
    %add3A_618 = vector.broadcast %add3A_617 : i32 to vector<16xi32>
    %add3A_619 = arith.addi %add3A_618, %iota3A : vector<16xi32>
    %broadcast_in_dim3A_620 = arith.constant 0.000000e+00 : f32
    %broadcast_in_dim3A_621 = vector.broadcast %broadcast_in_dim3A_620 : f32 to vector<16xf32>
    %scan3A_622 = arith.constant 0 : i32
    %scan3A_623 = arith.constant 64 : i32
    %scan3A_624 = arith.addi %scan3A_622, %scan3A_623 : i32
    %scan3A_625 = arith.constant 1 : i32
    %scan3A_626:6 = scf.for %scan3A_990 = %scan3A_622 to %scan3A_624 step %scan3A_625 iter_args(%scan3A_991 = %broadcast_in_dim3A_621, %scan3A_992 = %broadcast_in_dim3A_621, %scan3A_993 = %broadcast_in_dim3A_621, %scan3A_994 = %broadcast_in_dim3A_621, %scan3A_995 = %broadcast_in_dim3A_621, %scan3A_996 = %broadcast_in_dim3A_621) -> (vector<16xf32>, vector<16xf32>, vector<16xf32>, vector<16xf32>, vector<16xf32>, vector<16xf32>)  : i32 {
      %broadcast_in_dim3A_997 = vector.broadcast %scan3A_990 : i32 to vector<16xi32>
      %gather3A = tpu.vector_load_idx %arg16[%add3A_619, %broadcast_in_dim3A_997] : memref<128x64xf32, #tpu.memory_space<vmem>>[vector<16xi32>, vector<16xi32>], vector<16xf32>,
      %gather3A_998 = tpu.vector_load_idx %arg17[%add3A_619, %broadcast_in_dim3A_997] : memref<128x64xf32, #tpu.memory_space<vmem>>[vector<16xi32>, vector<16xi32>], vector<16xf32>,
      %mul3A_999 = arith.mulf %gather3A, %gather3A_998 : vector<16xf32>
      %add3A_1000 = arith.addf %scan3A_991, %mul3A_999 : vector<16xf32>
      %gather3A_1001 = tpu.vector_load_idx %arg18[%add3A_619, %broadcast_in_dim3A_997] : memref<128x64xf32, #tpu.memory_space<vmem>>[vector<16xi32>, vector<16xi32>], vector<16xf32>,
      %mul3A_1002 = arith.mulf %gather3A, %gather3A_1001 : vector<16xf32>
      %add3A_1003 = arith.addf %scan3A_992, %mul3A_1002 : vector<16xf32>
      %gather3A_1004 = tpu.vector_load_idx %arg19[%add3A_619, %broadcast_in_dim3A_997] : memref<128x64xf32, #tpu.memory_space<vmem>>[vector<16xi32>, vector<16xi32>], vector<16xf32>,
      %mul3A_1005 = arith.mulf %gather3A, %gather3A_1004 : vector<16xf32>
      %add3A_1006 = arith.addf %scan3A_993, %mul3A_1005 : vector<16xf32>
      %gather3A_1007 = tpu.vector_load_idx %arg20[%add3A_619, %broadcast_in_dim3A_997] : memref<128x64xf32, #tpu.memory_space<vmem>>[vector<16xi32>, vector<16xi32>], vector<16xf32>,
      %mul3A_1008 = arith.mulf %gather3A, %gather3A_1007 : vector<16xf32>
      %add3A_1009 = arith.addf %scan3A_994, %mul3A_1008 : vector<16xf32>
      %gather3A_1010 = tpu.vector_load_idx %arg21[%add3A_619, %broadcast_in_dim3A_997] : memref<128x64xf32, #tpu.memory_space<vmem>>[vector<16xi32>, vector<16xi32>], vector<16xf32>,
      %mul3A_1011 = arith.mulf %gather3A, %gather3A_1010 : vector<16xf32>
      %add3A_1012 = arith.addf %scan3A_995, %mul3A_1011 : vector<16xf32>
      %gather3A_1013 = tpu.vector_load_idx %arg22[%add3A_619, %broadcast_in_dim3A_997] : memref<128x64xf32, #tpu.memory_space<vmem>>[vector<16xi32>, vector<16xi32>], vector<16xf32>,
      %mul3A_1014 = arith.mulf %gather3A, %gather3A_1013 : vector<16xf32>
      %add3A_1015 = arith.addf %scan3A_996, %mul3A_1014 : vector<16xf32>
      scf.yield %add3A_1000, %add3A_1003, %add3A_1006, %add3A_1009, %add3A_1012, %add3A_1015 : vector<16xf32>, vector<16xf32>, vector<16xf32>, vector<16xf32>, vector<16xf32>, vector<16xf32>
    }
    %scan3A_627 = arith.constant 64 : i32
    %swap3A_628 = arith.constant 48 : index
    %swap3A_629 = tpu.vector_load %arg23[%swap3A_628] {strides = array<i32>} : memref<128xf32, #tpu.memory_space<vmem>>, vector<16xf32>,
    tpu.vector_store %arg23[%swap3A_628], %scan3A_626#0 {strides = array<i32>} : memref<128xf32, #tpu.memory_space<vmem>>, vector<16xf32>,
    %swap3A_630 = arith.constant 48 : index
    %swap3A_631 = tpu.vector_load %arg24[%swap3A_630] {strides = array<i32>} : memref<128xf32, #tpu.memory_space<vmem>>, vector<16xf32>,
    tpu.vector_store %arg24[%swap3A_630], %scan3A_626#1 {strides = array<i32>} : memref<128xf32, #tpu.memory_space<vmem>>, vector<16xf32>,
    %swap3A_632 = arith.constant 48 : index
    %swap3A_633 = tpu.vector_load %arg25[%swap3A_632] {strides = array<i32>} : memref<128xf32, #tpu.memory_space<vmem>>, vector<16xf32>,
    tpu.vector_store %arg25[%swap3A_632], %scan3A_626#2 {strides = array<i32>} : memref<128xf32, #tpu.memory_space<vmem>>, vector<16xf32>,
    %swap3A_634 = arith.constant 48 : index
    %swap3A_635 = tpu.vector_load %arg26[%swap3A_634] {strides = array<i32>} : memref<128xf32, #tpu.memory_space<vmem>>, vector<16xf32>,
    tpu.vector_store %arg26[%swap3A_634], %scan3A_626#3 {strides = array<i32>} : memref<128xf32, #tpu.memory_space<vmem>>, vector<16xf32>,
    %swap3A_636 = arith.constant 48 : index
    %swap3A_637 = tpu.vector_load %arg27[%swap3A_636] {strides = array<i32>} : memref<128xf32, #tpu.memory_space<vmem>>, vector<16xf32>,
    tpu.vector_store %arg27[%swap3A_636], %scan3A_626#4 {strides = array<i32>} : memref<128xf32, #tpu.memory_space<vmem>>, vector<16xf32>,
    %swap3A_638 = arith.constant 48 : index
    %swap3A_639 = tpu.vector_load %arg28[%swap3A_638] {strides = array<i32>} : memref<128xf32, #tpu.memory_space<vmem>>, vector<16xf32>,
    tpu.vector_store %arg28[%swap3A_638], %scan3A_626#5 {strides = array<i32>} : memref<128xf32, #tpu.memory_space<vmem>>, vector<16xf32>,
    %add3A_640 = arith.constant 64 : i32
    %add3A_641 = vector.broadcast %add3A_640 : i32 to vector<16xi32>
    %add3A_642 = arith.addi %add3A_641, %iota3A : vector<16xi32>
    %broadcast_in_dim3A_643 = arith.constant 0.000000e+00 : f32
    %broadcast_in_dim3A_644 = vector.broadcast %broadcast_in_dim3A_643 : f32 to vector<16xf32>
    %scan3A_645 = arith.constant 0 : i32
    %scan3A_646 = arith.constant 64 : i32
    %scan3A_647 = arith.addi %scan3A_645, %scan3A_646 : i32
    %scan3A_648 = arith.constant 1 : i32
    %scan3A_649:6 = scf.for %scan3A_990 = %scan3A_645 to %scan3A_647 step %scan3A_648 iter_args(%scan3A_991 = %broadcast_in_dim3A_644, %scan3A_992 = %broadcast_in_dim3A_644, %scan3A_993 = %broadcast_in_dim3A_644, %scan3A_994 = %broadcast_in_dim3A_644, %scan3A_995 = %broadcast_in_dim3A_644, %scan3A_996 = %broadcast_in_dim3A_644) -> (vector<16xf32>, vector<16xf32>, vector<16xf32>, vector<16xf32>, vector<16xf32>, vector<16xf32>)  : i32 {
      %broadcast_in_dim3A_997 = vector.broadcast %scan3A_990 : i32 to vector<16xi32>
      %gather3A = tpu.vector_load_idx %arg16[%add3A_642, %broadcast_in_dim3A_997] : memref<128x64xf32, #tpu.memory_space<vmem>>[vector<16xi32>, vector<16xi32>], vector<16xf32>,
      %gather3A_998 = tpu.vector_load_idx %arg17[%add3A_642, %broadcast_in_dim3A_997] : memref<128x64xf32, #tpu.memory_space<vmem>>[vector<16xi32>, vector<16xi32>], vector<16xf32>,
      %mul3A_999 = arith.mulf %gather3A, %gather3A_998 : vector<16xf32>
      %add3A_1000 = arith.addf %scan3A_991, %mul3A_999 : vector<16xf32>
      %gather3A_1001 = tpu.vector_load_idx %arg18[%add3A_642, %broadcast_in_dim3A_997] : memref<128x64xf32, #tpu.memory_space<vmem>>[vector<16xi32>, vector<16xi32>], vector<16xf32>,
      %mul3A_1002 = arith.mulf %gather3A, %gather3A_1001 : vector<16xf32>
      %add3A_1003 = arith.addf %scan3A_992, %mul3A_1002 : vector<16xf32>
      %gather3A_1004 = tpu.vector_load_idx %arg19[%add3A_642, %broadcast_in_dim3A_997] : memref<128x64xf32, #tpu.memory_space<vmem>>[vector<16xi32>, vector<16xi32>], vector<16xf32>,
      %mul3A_1005 = arith.mulf %gather3A, %gather3A_1004 : vector<16xf32>
      %add3A_1006 = arith.addf %scan3A_993, %mul3A_1005 : vector<16xf32>
      %gather3A_1007 = tpu.vector_load_idx %arg20[%add3A_642, %broadcast_in_dim3A_997] : memref<128x64xf32, #tpu.memory_space<vmem>>[vector<16xi32>, vector<16xi32>], vector<16xf32>,
      %mul3A_1008 = arith.mulf %gather3A, %gather3A_1007 : vector<16xf32>
      %add3A_1009 = arith.addf %scan3A_994, %mul3A_1008 : vector<16xf32>
      %gather3A_1010 = tpu.vector_load_idx %arg21[%add3A_642, %broadcast_in_dim3A_997] : memref<128x64xf32, #tpu.memory_space<vmem>>[vector<16xi32>, vector<16xi32>], vector<16xf32>,
      %mul3A_1011 = arith.mulf %gather3A, %gather3A_1010 : vector<16xf32>
      %add3A_1012 = arith.addf %scan3A_995, %mul3A_1011 : vector<16xf32>
      %gather3A_1013 = tpu.vector_load_idx %arg22[%add3A_642, %broadcast_in_dim3A_997] : memref<128x64xf32, #tpu.memory_space<vmem>>[vector<16xi32>, vector<16xi32>], vector<16xf32>,
      %mul3A_1014 = arith.mulf %gather3A, %gather3A_1013 : vector<16xf32>
      %add3A_1015 = arith.addf %scan3A_996, %mul3A_1014 : vector<16xf32>
      scf.yield %add3A_1000, %add3A_1003, %add3A_1006, %add3A_1009, %add3A_1012, %add3A_1015 : vector<16xf32>, vector<16xf32>, vector<16xf32>, vector<16xf32>, vector<16xf32>, vector<16xf32>
    }
    %scan3A_650 = arith.constant 64 : i32
    %swap3A_651 = arith.constant 64 : index
    %swap3A_652 = tpu.vector_load %arg23[%swap3A_651] {strides = array<i32>} : memref<128xf32, #tpu.memory_space<vmem>>, vector<16xf32>,
    tpu.vector_store %arg23[%swap3A_651], %scan3A_649#0 {strides = array<i32>} : memref<128xf32, #tpu.memory_space<vmem>>, vector<16xf32>,
    %swap3A_653 = arith.constant 64 : index
    %swap3A_654 = tpu.vector_load %arg24[%swap3A_653] {strides = array<i32>} : memref<128xf32, #tpu.memory_space<vmem>>, vector<16xf32>,
    tpu.vector_store %arg24[%swap3A_653], %scan3A_649#1 {strides = array<i32>} : memref<128xf32, #tpu.memory_space<vmem>>, vector<16xf32>,
    %swap3A_655 = arith.constant 64 : index
    %swap3A_656 = tpu.vector_load %arg25[%swap3A_655] {strides = array<i32>} : memref<128xf32, #tpu.memory_space<vmem>>, vector<16xf32>,
    tpu.vector_store %arg25[%swap3A_655], %scan3A_649#2 {strides = array<i32>} : memref<128xf32, #tpu.memory_space<vmem>>, vector<16xf32>,
    %swap3A_657 = arith.constant 64 : index
    %swap3A_658 = tpu.vector_load %arg26[%swap3A_657] {strides = array<i32>} : memref<128xf32, #tpu.memory_space<vmem>>, vector<16xf32>,
    tpu.vector_store %arg26[%swap3A_657], %scan3A_649#3 {strides = array<i32>} : memref<128xf32, #tpu.memory_space<vmem>>, vector<16xf32>,
    %swap3A_659 = arith.constant 64 : index
    %swap3A_660 = tpu.vector_load %arg27[%swap3A_659] {strides = array<i32>} : memref<128xf32, #tpu.memory_space<vmem>>, vector<16xf32>,
    tpu.vector_store %arg27[%swap3A_659], %scan3A_649#4 {strides = array<i32>} : memref<128xf32, #tpu.memory_space<vmem>>, vector<16xf32>,
    %swap3A_661 = arith.constant 64 : index
    %swap3A_662 = tpu.vector_load %arg28[%swap3A_661] {strides = array<i32>} : memref<128xf32, #tpu.memory_space<vmem>>, vector<16xf32>,
    tpu.vector_store %arg28[%swap3A_661], %scan3A_649#5 {strides = array<i32>} : memref<128xf32, #tpu.memory_space<vmem>>, vector<16xf32>,
    %add3A_663 = arith.constant 80 : i32
    %add3A_664 = vector.broadcast %add3A_663 : i32 to vector<16xi32>
    %add3A_665 = arith.addi %add3A_664, %iota3A : vector<16xi32>
    %broadcast_in_dim3A_666 = arith.constant 0.000000e+00 : f32
    %broadcast_in_dim3A_667 = vector.broadcast %broadcast_in_dim3A_666 : f32 to vector<16xf32>
    %scan3A_668 = arith.constant 0 : i32
    %scan3A_669 = arith.constant 64 : i32
    %scan3A_670 = arith.addi %scan3A_668, %scan3A_669 : i32
    %scan3A_671 = arith.constant 1 : i32
    %scan3A_672:6 = scf.for %scan3A_990 = %scan3A_668 to %scan3A_670 step %scan3A_671 iter_args(%scan3A_991 = %broadcast_in_dim3A_667, %scan3A_992 = %broadcast_in_dim3A_667, %scan3A_993 = %broadcast_in_dim3A_667, %scan3A_994 = %broadcast_in_dim3A_667, %scan3A_995 = %broadcast_in_dim3A_667, %scan3A_996 = %broadcast_in_dim3A_667) -> (vector<16xf32>, vector<16xf32>, vector<16xf32>, vector<16xf32>, vector<16xf32>, vector<16xf32>)  : i32 {
      %broadcast_in_dim3A_997 = vector.broadcast %scan3A_990 : i32 to vector<16xi32>
      %gather3A = tpu.vector_load_idx %arg16[%add3A_665, %broadcast_in_dim3A_997] : memref<128x64xf32, #tpu.memory_space<vmem>>[vector<16xi32>, vector<16xi32>], vector<16xf32>,
      %gather3A_998 = tpu.vector_load_idx %arg17[%add3A_665, %broadcast_in_dim3A_997] : memref<128x64xf32, #tpu.memory_space<vmem>>[vector<16xi32>, vector<16xi32>], vector<16xf32>,
      %mul3A_999 = arith.mulf %gather3A, %gather3A_998 : vector<16xf32>
      %add3A_1000 = arith.addf %scan3A_991, %mul3A_999 : vector<16xf32>
      %gather3A_1001 = tpu.vector_load_idx %arg18[%add3A_665, %broadcast_in_dim3A_997] : memref<128x64xf32, #tpu.memory_space<vmem>>[vector<16xi32>, vector<16xi32>], vector<16xf32>,
      %mul3A_1002 = arith.mulf %gather3A, %gather3A_1001 : vector<16xf32>
      %add3A_1003 = arith.addf %scan3A_992, %mul3A_1002 : vector<16xf32>
      %gather3A_1004 = tpu.vector_load_idx %arg19[%add3A_665, %broadcast_in_dim3A_997] : memref<128x64xf32, #tpu.memory_space<vmem>>[vector<16xi32>, vector<16xi32>], vector<16xf32>,
      %mul3A_1005 = arith.mulf %gather3A, %gather3A_1004 : vector<16xf32>
      %add3A_1006 = arith.addf %scan3A_993, %mul3A_1005 : vector<16xf32>
      %gather3A_1007 = tpu.vector_load_idx %arg20[%add3A_665, %broadcast_in_dim3A_997] : memref<128x64xf32, #tpu.memory_space<vmem>>[vector<16xi32>, vector<16xi32>], vector<16xf32>,
      %mul3A_1008 = arith.mulf %gather3A, %gather3A_1007 : vector<16xf32>
      %add3A_1009 = arith.addf %scan3A_994, %mul3A_1008 : vector<16xf32>
      %gather3A_1010 = tpu.vector_load_idx %arg21[%add3A_665, %broadcast_in_dim3A_997] : memref<128x64xf32, #tpu.memory_space<vmem>>[vector<16xi32>, vector<16xi32>], vector<16xf32>,
      %mul3A_1011 = arith.mulf %gather3A, %gather3A_1010 : vector<16xf32>
      %add3A_1012 = arith.addf %scan3A_995, %mul3A_1011 : vector<16xf32>
      %gather3A_1013 = tpu.vector_load_idx %arg22[%add3A_665, %broadcast_in_dim3A_997] : memref<128x64xf32, #tpu.memory_space<vmem>>[vector<16xi32>, vector<16xi32>], vector<16xf32>,
      %mul3A_1014 = arith.mulf %gather3A, %gather3A_1013 : vector<16xf32>
      %add3A_1015 = arith.addf %scan3A_996, %mul3A_1014 : vector<16xf32>
      scf.yield %add3A_1000, %add3A_1003, %add3A_1006, %add3A_1009, %add3A_1012, %add3A_1015 : vector<16xf32>, vector<16xf32>, vector<16xf32>, vector<16xf32>, vector<16xf32>, vector<16xf32>
    }
    %scan3A_673 = arith.constant 64 : i32
    %swap3A_674 = arith.constant 80 : index
    %swap3A_675 = tpu.vector_load %arg23[%swap3A_674] {strides = array<i32>} : memref<128xf32, #tpu.memory_space<vmem>>, vector<16xf32>,
    tpu.vector_store %arg23[%swap3A_674], %scan3A_672#0 {strides = array<i32>} : memref<128xf32, #tpu.memory_space<vmem>>, vector<16xf32>,
    %swap3A_676 = arith.constant 80 : index
    %swap3A_677 = tpu.vector_load %arg24[%swap3A_676] {strides = array<i32>} : memref<128xf32, #tpu.memory_space<vmem>>, vector<16xf32>,
    tpu.vector_store %arg24[%swap3A_676], %scan3A_672#1 {strides = array<i32>} : memref<128xf32, #tpu.memory_space<vmem>>, vector<16xf32>,
    %swap3A_678 = arith.constant 80 : index
    %swap3A_679 = tpu.vector_load %arg25[%swap3A_678] {strides = array<i32>} : memref<128xf32, #tpu.memory_space<vmem>>, vector<16xf32>,
    tpu.vector_store %arg25[%swap3A_678], %scan3A_672#2 {strides = array<i32>} : memref<128xf32, #tpu.memory_space<vmem>>, vector<16xf32>,
    %swap3A_680 = arith.constant 80 : index
    %swap3A_681 = tpu.vector_load %arg26[%swap3A_680] {strides = array<i32>} : memref<128xf32, #tpu.memory_space<vmem>>, vector<16xf32>,
    tpu.vector_store %arg26[%swap3A_680], %scan3A_672#3 {strides = array<i32>} : memref<128xf32, #tpu.memory_space<vmem>>, vector<16xf32>,
    %swap3A_682 = arith.constant 80 : index
    %swap3A_683 = tpu.vector_load %arg27[%swap3A_682] {strides = array<i32>} : memref<128xf32, #tpu.memory_space<vmem>>, vector<16xf32>,
    tpu.vector_store %arg27[%swap3A_682], %scan3A_672#4 {strides = array<i32>} : memref<128xf32, #tpu.memory_space<vmem>>, vector<16xf32>,
    %swap3A_684 = arith.constant 80 : index
    %swap3A_685 = tpu.vector_load %arg28[%swap3A_684] {strides = array<i32>} : memref<128xf32, #tpu.memory_space<vmem>>, vector<16xf32>,
    tpu.vector_store %arg28[%swap3A_684], %scan3A_672#5 {strides = array<i32>} : memref<128xf32, #tpu.memory_space<vmem>>, vector<16xf32>,
    %add3A_686 = arith.constant 96 : i32
    %add3A_687 = vector.broadcast %add3A_686 : i32 to vector<16xi32>
    %add3A_688 = arith.addi %add3A_687, %iota3A : vector<16xi32>
    %broadcast_in_dim3A_689 = arith.constant 0.000000e+00 : f32
    %broadcast_in_dim3A_690 = vector.broadcast %broadcast_in_dim3A_689 : f32 to vector<16xf32>
    %scan3A_691 = arith.constant 0 : i32
    %scan3A_692 = arith.constant 64 : i32
    %scan3A_693 = arith.addi %scan3A_691, %scan3A_692 : i32
    %scan3A_694 = arith.constant 1 : i32
    %scan3A_695:6 = scf.for %scan3A_990 = %scan3A_691 to %scan3A_693 step %scan3A_694 iter_args(%scan3A_991 = %broadcast_in_dim3A_690, %scan3A_992 = %broadcast_in_dim3A_690, %scan3A_993 = %broadcast_in_dim3A_690, %scan3A_994 = %broadcast_in_dim3A_690, %scan3A_995 = %broadcast_in_dim3A_690, %scan3A_996 = %broadcast_in_dim3A_690) -> (vector<16xf32>, vector<16xf32>, vector<16xf32>, vector<16xf32>, vector<16xf32>, vector<16xf32>)  : i32 {
      %broadcast_in_dim3A_997 = vector.broadcast %scan3A_990 : i32 to vector<16xi32>
      %gather3A = tpu.vector_load_idx %arg16[%add3A_688, %broadcast_in_dim3A_997] : memref<128x64xf32, #tpu.memory_space<vmem>>[vector<16xi32>, vector<16xi32>], vector<16xf32>,
      %gather3A_998 = tpu.vector_load_idx %arg17[%add3A_688, %broadcast_in_dim3A_997] : memref<128x64xf32, #tpu.memory_space<vmem>>[vector<16xi32>, vector<16xi32>], vector<16xf32>,
      %mul3A_999 = arith.mulf %gather3A, %gather3A_998 : vector<16xf32>
      %add3A_1000 = arith.addf %scan3A_991, %mul3A_999 : vector<16xf32>
      %gather3A_1001 = tpu.vector_load_idx %arg18[%add3A_688, %broadcast_in_dim3A_997] : memref<128x64xf32, #tpu.memory_space<vmem>>[vector<16xi32>, vector<16xi32>], vector<16xf32>,
      %mul3A_1002 = arith.mulf %gather3A, %gather3A_1001 : vector<16xf32>
      %add3A_1003 = arith.addf %scan3A_992, %mul3A_1002 : vector<16xf32>
      %gather3A_1004 = tpu.vector_load_idx %arg19[%add3A_688, %broadcast_in_dim3A_997] : memref<128x64xf32, #tpu.memory_space<vmem>>[vector<16xi32>, vector<16xi32>], vector<16xf32>,
      %mul3A_1005 = arith.mulf %gather3A, %gather3A_1004 : vector<16xf32>
      %add3A_1006 = arith.addf %scan3A_993, %mul3A_1005 : vector<16xf32>
      %gather3A_1007 = tpu.vector_load_idx %arg20[%add3A_688, %broadcast_in_dim3A_997] : memref<128x64xf32, #tpu.memory_space<vmem>>[vector<16xi32>, vector<16xi32>], vector<16xf32>,
      %mul3A_1008 = arith.mulf %gather3A, %gather3A_1007 : vector<16xf32>
      %add3A_1009 = arith.addf %scan3A_994, %mul3A_1008 : vector<16xf32>
      %gather3A_1010 = tpu.vector_load_idx %arg21[%add3A_688, %broadcast_in_dim3A_997] : memref<128x64xf32, #tpu.memory_space<vmem>>[vector<16xi32>, vector<16xi32>], vector<16xf32>,
      %mul3A_1011 = arith.mulf %gather3A, %gather3A_1010 : vector<16xf32>
      %add3A_1012 = arith.addf %scan3A_995, %mul3A_1011 : vector<16xf32>
      %gather3A_1013 = tpu.vector_load_idx %arg22[%add3A_688, %broadcast_in_dim3A_997] : memref<128x64xf32, #tpu.memory_space<vmem>>[vector<16xi32>, vector<16xi32>], vector<16xf32>,
      %mul3A_1014 = arith.mulf %gather3A, %gather3A_1013 : vector<16xf32>
      %add3A_1015 = arith.addf %scan3A_996, %mul3A_1014 : vector<16xf32>
      scf.yield %add3A_1000, %add3A_1003, %add3A_1006, %add3A_1009, %add3A_1012, %add3A_1015 : vector<16xf32>, vector<16xf32>, vector<16xf32>, vector<16xf32>, vector<16xf32>, vector<16xf32>
    }
    %scan3A_696 = arith.constant 64 : i32
    %swap3A_697 = arith.constant 96 : index
    %swap3A_698 = tpu.vector_load %arg23[%swap3A_697] {strides = array<i32>} : memref<128xf32, #tpu.memory_space<vmem>>, vector<16xf32>,
    tpu.vector_store %arg23[%swap3A_697], %scan3A_695#0 {strides = array<i32>} : memref<128xf32, #tpu.memory_space<vmem>>, vector<16xf32>,
    %swap3A_699 = arith.constant 96 : index
    %swap3A_700 = tpu.vector_load %arg24[%swap3A_699] {strides = array<i32>} : memref<128xf32, #tpu.memory_space<vmem>>, vector<16xf32>,
    tpu.vector_store %arg24[%swap3A_699], %scan3A_695#1 {strides = array<i32>} : memref<128xf32, #tpu.memory_space<vmem>>, vector<16xf32>,
    %swap3A_701 = arith.constant 96 : index
    %swap3A_702 = tpu.vector_load %arg25[%swap3A_701] {strides = array<i32>} : memref<128xf32, #tpu.memory_space<vmem>>, vector<16xf32>,
    tpu.vector_store %arg25[%swap3A_701], %scan3A_695#2 {strides = array<i32>} : memref<128xf32, #tpu.memory_space<vmem>>, vector<16xf32>,
    %swap3A_703 = arith.constant 96 : index
    %swap3A_704 = tpu.vector_load %arg26[%swap3A_703] {strides = array<i32>} : memref<128xf32, #tpu.memory_space<vmem>>, vector<16xf32>,
    tpu.vector_store %arg26[%swap3A_703], %scan3A_695#3 {strides = array<i32>} : memref<128xf32, #tpu.memory_space<vmem>>, vector<16xf32>,
    %swap3A_705 = arith.constant 96 : index
    %swap3A_706 = tpu.vector_load %arg27[%swap3A_705] {strides = array<i32>} : memref<128xf32, #tpu.memory_space<vmem>>, vector<16xf32>,
    tpu.vector_store %arg27[%swap3A_705], %scan3A_695#4 {strides = array<i32>} : memref<128xf32, #tpu.memory_space<vmem>>, vector<16xf32>,
    %swap3A_707 = arith.constant 96 : index
    %swap3A_708 = tpu.vector_load %arg28[%swap3A_707] {strides = array<i32>} : memref<128xf32, #tpu.memory_space<vmem>>, vector<16xf32>,
    tpu.vector_store %arg28[%swap3A_707], %scan3A_695#5 {strides = array<i32>} : memref<128xf32, #tpu.memory_space<vmem>>, vector<16xf32>,
    %add3A_709 = arith.constant 112 : i32
    %add3A_710 = vector.broadcast %add3A_709 : i32 to vector<16xi32>
    %add3A_711 = arith.addi %add3A_710, %iota3A : vector<16xi32>
    %broadcast_in_dim3A_712 = arith.constant 0.000000e+00 : f32
    %broadcast_in_dim3A_713 = vector.broadcast %broadcast_in_dim3A_712 : f32 to vector<16xf32>
    %scan3A_714 = arith.constant 0 : i32
    %scan3A_715 = arith.constant 64 : i32
    %scan3A_716 = arith.addi %scan3A_714, %scan3A_715 : i32
    %scan3A_717 = arith.constant 1 : i32
    %scan3A_718:6 = scf.for %scan3A_990 = %scan3A_714 to %scan3A_716 step %scan3A_717 iter_args(%scan3A_991 = %broadcast_in_dim3A_713, %scan3A_992 = %broadcast_in_dim3A_713, %scan3A_993 = %broadcast_in_dim3A_713, %scan3A_994 = %broadcast_in_dim3A_713, %scan3A_995 = %broadcast_in_dim3A_713, %scan3A_996 = %broadcast_in_dim3A_713) -> (vector<16xf32>, vector<16xf32>, vector<16xf32>, vector<16xf32>, vector<16xf32>, vector<16xf32>)  : i32 {
      %broadcast_in_dim3A_997 = vector.broadcast %scan3A_990 : i32 to vector<16xi32>
      %gather3A = tpu.vector_load_idx %arg16[%add3A_711, %broadcast_in_dim3A_997] : memref<128x64xf32, #tpu.memory_space<vmem>>[vector<16xi32>, vector<16xi32>], vector<16xf32>,
      %gather3A_998 = tpu.vector_load_idx %arg17[%add3A_711, %broadcast_in_dim3A_997] : memref<128x64xf32, #tpu.memory_space<vmem>>[vector<16xi32>, vector<16xi32>], vector<16xf32>,
      %mul3A_999 = arith.mulf %gather3A, %gather3A_998 : vector<16xf32>
      %add3A_1000 = arith.addf %scan3A_991, %mul3A_999 : vector<16xf32>
      %gather3A_1001 = tpu.vector_load_idx %arg18[%add3A_711, %broadcast_in_dim3A_997] : memref<128x64xf32, #tpu.memory_space<vmem>>[vector<16xi32>, vector<16xi32>], vector<16xf32>,
      %mul3A_1002 = arith.mulf %gather3A, %gather3A_1001 : vector<16xf32>
      %add3A_1003 = arith.addf %scan3A_992, %mul3A_1002 : vector<16xf32>
      %gather3A_1004 = tpu.vector_load_idx %arg19[%add3A_711, %broadcast_in_dim3A_997] : memref<128x64xf32, #tpu.memory_space<vmem>>[vector<16xi32>, vector<16xi32>], vector<16xf32>,
      %mul3A_1005 = arith.mulf %gather3A, %gather3A_1004 : vector<16xf32>
      %add3A_1006 = arith.addf %scan3A_993, %mul3A_1005 : vector<16xf32>
      %gather3A_1007 = tpu.vector_load_idx %arg20[%add3A_711, %broadcast_in_dim3A_997] : memref<128x64xf32, #tpu.memory_space<vmem>>[vector<16xi32>, vector<16xi32>], vector<16xf32>,
      %mul3A_1008 = arith.mulf %gather3A, %gather3A_1007 : vector<16xf32>
      %add3A_1009 = arith.addf %scan3A_994, %mul3A_1008 : vector<16xf32>
      %gather3A_1010 = tpu.vector_load_idx %arg21[%add3A_711, %broadcast_in_dim3A_997] : memref<128x64xf32, #tpu.memory_space<vmem>>[vector<16xi32>, vector<16xi32>], vector<16xf32>,
      %mul3A_1011 = arith.mulf %gather3A, %gather3A_1010 : vector<16xf32>
      %add3A_1012 = arith.addf %scan3A_995, %mul3A_1011 : vector<16xf32>
      %gather3A_1013 = tpu.vector_load_idx %arg22[%add3A_711, %broadcast_in_dim3A_997] : memref<128x64xf32, #tpu.memory_space<vmem>>[vector<16xi32>, vector<16xi32>], vector<16xf32>,
      %mul3A_1014 = arith.mulf %gather3A, %gather3A_1013 : vector<16xf32>
      %add3A_1015 = arith.addf %scan3A_996, %mul3A_1014 : vector<16xf32>
      scf.yield %add3A_1000, %add3A_1003, %add3A_1006, %add3A_1009, %add3A_1012, %add3A_1015 : vector<16xf32>, vector<16xf32>, vector<16xf32>, vector<16xf32>, vector<16xf32>, vector<16xf32>
    }
    %scan3A_719 = arith.constant 64 : i32
    %swap3A_720 = arith.constant 112 : index
    %swap3A_721 = tpu.vector_load %arg23[%swap3A_720] {strides = array<i32>} : memref<128xf32, #tpu.memory_space<vmem>>, vector<16xf32>,
    tpu.vector_store %arg23[%swap3A_720], %scan3A_718#0 {strides = array<i32>} : memref<128xf32, #tpu.memory_space<vmem>>, vector<16xf32>,
    %swap3A_722 = arith.constant 112 : index
    %swap3A_723 = tpu.vector_load %arg24[%swap3A_722] {strides = array<i32>} : memref<128xf32, #tpu.memory_space<vmem>>, vector<16xf32>,
    tpu.vector_store %arg24[%swap3A_722], %scan3A_718#1 {strides = array<i32>} : memref<128xf32, #tpu.memory_space<vmem>>, vector<16xf32>,
    %swap3A_724 = arith.constant 112 : index
    %swap3A_725 = tpu.vector_load %arg25[%swap3A_724] {strides = array<i32>} : memref<128xf32, #tpu.memory_space<vmem>>, vector<16xf32>,
    tpu.vector_store %arg25[%swap3A_724], %scan3A_718#2 {strides = array<i32>} : memref<128xf32, #tpu.memory_space<vmem>>, vector<16xf32>,
    %swap3A_726 = arith.constant 112 : index
    %swap3A_727 = tpu.vector_load %arg26[%swap3A_726] {strides = array<i32>} : memref<128xf32, #tpu.memory_space<vmem>>, vector<16xf32>,
    tpu.vector_store %arg26[%swap3A_726], %scan3A_718#3 {strides = array<i32>} : memref<128xf32, #tpu.memory_space<vmem>>, vector<16xf32>,
    %swap3A_728 = arith.constant 112 : index
    %swap3A_729 = tpu.vector_load %arg27[%swap3A_728] {strides = array<i32>} : memref<128xf32, #tpu.memory_space<vmem>>, vector<16xf32>,
    tpu.vector_store %arg27[%swap3A_728], %scan3A_718#4 {strides = array<i32>} : memref<128xf32, #tpu.memory_space<vmem>>, vector<16xf32>,
    %swap3A_730 = arith.constant 112 : index
    %swap3A_731 = tpu.vector_load %arg28[%swap3A_730] {strides = array<i32>} : memref<128xf32, #tpu.memory_space<vmem>>, vector<16xf32>,
    tpu.vector_store %arg28[%swap3A_730], %scan3A_718#5 {strides = array<i32>} : memref<128xf32, #tpu.memory_space<vmem>>, vector<16xf32>,
    "tpu.region"() ({
      %run_scoped3A = tpu.sem_alloc : memref<!tpu.dma_semaphore, #tpu.memory_space<semaphore_mem>>
      %dma_start3A_990 = tpu.memref_slice %arg7[%add3A_495] : memref<16384xf32, #tpu.memory_space<hbm>> -> memref<128xf32, #tpu.memory_space<hbm>>
      %dma_start3A_991 = tpu.memref_slice %arg7[%add3A_495] : memref<16384xf32, #tpu.memory_space<hbm>> -> memref<128xf32, #tpu.memory_space<hbm>>
      tpu.enqueue_dma source(%arg23 : memref<128xf32, #tpu.memory_space<vmem>>) target(%dma_start3A_991 : memref<128xf32, #tpu.memory_space<hbm>>) target_semaphore(%run_scoped3A : memref<!tpu.dma_semaphore, #tpu.memory_space<semaphore_mem>>)
      %dma_wait3A_992 = tpu.memref_slice %arg7[%add3A_495] : memref<16384xf32, #tpu.memory_space<hbm>> -> memref<128xf32, #tpu.memory_space<hbm>>
      %dma_wait3A_993 = tpu.memref_slice %arg7[%add3A_495] : memref<16384xf32, #tpu.memory_space<hbm>> -> memref<128xf32, #tpu.memory_space<hbm>>
      tpu.wait_dma2 semaphore(%run_scoped3A : memref<!tpu.dma_semaphore, #tpu.memory_space<semaphore_mem>>) src(%arg23 : memref<128xf32, #tpu.memory_space<vmem>>) dst(%dma_wait3A_993 : memref<128xf32, #tpu.memory_space<hbm>>)
      tpu.yield
    }) : () -> ()
    %add3A_732 = arith.constant 0 : i32
    %add3A_733 = arith.addi %add3A_732, %add3A_495 : i32
    "tpu.region"() ({
      %run_scoped3A = tpu.sem_alloc : memref<!tpu.dma_semaphore, #tpu.memory_space<semaphore_mem>>
      %dma_start3A_990 = tpu.memref_slice %arg8[%add3A_733] : memref<81920xf32, #tpu.memory_space<hbm>> -> memref<128xf32, #tpu.memory_space<hbm>>
      %dma_start3A_991 = tpu.memref_slice %arg8[%add3A_733] : memref<81920xf32, #tpu.memory_space<hbm>> -> memref<128xf32, #tpu.memory_space<hbm>>
      tpu.enqueue_dma source(%arg24 : memref<128xf32, #tpu.memory_space<vmem>>) target(%dma_start3A_991 : memref<128xf32, #tpu.memory_space<hbm>>) target_semaphore(%run_scoped3A : memref<!tpu.dma_semaphore, #tpu.memory_space<semaphore_mem>>)
      %dma_wait3A_992 = tpu.memref_slice %arg8[%add3A_733] : memref<81920xf32, #tpu.memory_space<hbm>> -> memref<128xf32, #tpu.memory_space<hbm>>
      %dma_wait3A_993 = tpu.memref_slice %arg8[%add3A_733] : memref<81920xf32, #tpu.memory_space<hbm>> -> memref<128xf32, #tpu.memory_space<hbm>>
      tpu.wait_dma2 semaphore(%run_scoped3A : memref<!tpu.dma_semaphore, #tpu.memory_space<semaphore_mem>>) src(%arg24 : memref<128xf32, #tpu.memory_space<vmem>>) dst(%dma_wait3A_993 : memref<128xf32, #tpu.memory_space<hbm>>)
      tpu.yield
    }) : () -> ()
    %add3A_734 = arith.constant 16384 : i32
    %add3A_735 = arith.addi %add3A_734, %add3A_495 : i32
    "tpu.region"() ({
      %run_scoped3A = tpu.sem_alloc : memref<!tpu.dma_semaphore, #tpu.memory_space<semaphore_mem>>
      %dma_start3A_990 = tpu.memref_slice %arg8[%add3A_735] : memref<81920xf32, #tpu.memory_space<hbm>> -> memref<128xf32, #tpu.memory_space<hbm>>
      %dma_start3A_991 = tpu.memref_slice %arg8[%add3A_735] : memref<81920xf32, #tpu.memory_space<hbm>> -> memref<128xf32, #tpu.memory_space<hbm>>
      tpu.enqueue_dma source(%arg25 : memref<128xf32, #tpu.memory_space<vmem>>) target(%dma_start3A_991 : memref<128xf32, #tpu.memory_space<hbm>>) target_semaphore(%run_scoped3A : memref<!tpu.dma_semaphore, #tpu.memory_space<semaphore_mem>>)
      %dma_wait3A_992 = tpu.memref_slice %arg8[%add3A_735] : memref<81920xf32, #tpu.memory_space<hbm>> -> memref<128xf32, #tpu.memory_space<hbm>>
      %dma_wait3A_993 = tpu.memref_slice %arg8[%add3A_735] : memref<81920xf32, #tpu.memory_space<hbm>> -> memref<128xf32, #tpu.memory_space<hbm>>
      tpu.wait_dma2 semaphore(%run_scoped3A : memref<!tpu.dma_semaphore, #tpu.memory_space<semaphore_mem>>) src(%arg25 : memref<128xf32, #tpu.memory_space<vmem>>) dst(%dma_wait3A_993 : memref<128xf32, #tpu.memory_space<hbm>>)
      tpu.yield
    }) : () -> ()
    %add3A_736 = arith.constant 32768 : i32
    %add3A_737 = arith.addi %add3A_736, %add3A_495 : i32
    "tpu.region"() ({
      %run_scoped3A = tpu.sem_alloc : memref<!tpu.dma_semaphore, #tpu.memory_space<semaphore_mem>>
      %dma_start3A_990 = tpu.memref_slice %arg8[%add3A_737] : memref<81920xf32, #tpu.memory_space<hbm>> -> memref<128xf32, #tpu.memory_space<hbm>>
      %dma_start3A_991 = tpu.memref_slice %arg8[%add3A_737] : memref<81920xf32, #tpu.memory_space<hbm>> -> memref<128xf32, #tpu.memory_space<hbm>>
      tpu.enqueue_dma source(%arg26 : memref<128xf32, #tpu.memory_space<vmem>>) target(%dma_start3A_991 : memref<128xf32, #tpu.memory_space<hbm>>) target_semaphore(%run_scoped3A : memref<!tpu.dma_semaphore, #tpu.memory_space<semaphore_mem>>)
      %dma_wait3A_992 = tpu.memref_slice %arg8[%add3A_737] : memref<81920xf32, #tpu.memory_space<hbm>> -> memref<128xf32, #tpu.memory_space<hbm>>
      %dma_wait3A_993 = tpu.memref_slice %arg8[%add3A_737] : memref<81920xf32, #tpu.memory_space<hbm>> -> memref<128xf32, #tpu.memory_space<hbm>>
      tpu.wait_dma2 semaphore(%run_scoped3A : memref<!tpu.dma_semaphore, #tpu.memory_space<semaphore_mem>>) src(%arg26 : memref<128xf32, #tpu.memory_space<vmem>>) dst(%dma_wait3A_993 : memref<128xf32, #tpu.memory_space<hbm>>)
      tpu.yield
    }) : () -> ()
    %add3A_738 = arith.constant 49152 : i32
    %add3A_739 = arith.addi %add3A_738, %add3A_495 : i32
    "tpu.region"() ({
      %run_scoped3A = tpu.sem_alloc : memref<!tpu.dma_semaphore, #tpu.memory_space<semaphore_mem>>
      %dma_start3A_990 = tpu.memref_slice %arg8[%add3A_739] : memref<81920xf32, #tpu.memory_space<hbm>> -> memref<128xf32, #tpu.memory_space<hbm>>
      %dma_start3A_991 = tpu.memref_slice %arg8[%add3A_739] : memref<81920xf32, #tpu.memory_space<hbm>> -> memref<128xf32, #tpu.memory_space<hbm>>
      tpu.enqueue_dma source(%arg27 : memref<128xf32, #tpu.memory_space<vmem>>) target(%dma_start3A_991 : memref<128xf32, #tpu.memory_space<hbm>>) target_semaphore(%run_scoped3A : memref<!tpu.dma_semaphore, #tpu.memory_space<semaphore_mem>>)
      %dma_wait3A_992 = tpu.memref_slice %arg8[%add3A_739] : memref<81920xf32, #tpu.memory_space<hbm>> -> memref<128xf32, #tpu.memory_space<hbm>>
      %dma_wait3A_993 = tpu.memref_slice %arg8[%add3A_739] : memref<81920xf32, #tpu.memory_space<hbm>> -> memref<128xf32, #tpu.memory_space<hbm>>
      tpu.wait_dma2 semaphore(%run_scoped3A : memref<!tpu.dma_semaphore, #tpu.memory_space<semaphore_mem>>) src(%arg27 : memref<128xf32, #tpu.memory_space<vmem>>) dst(%dma_wait3A_993 : memref<128xf32, #tpu.memory_space<hbm>>)
      tpu.yield
    }) : () -> ()
    %add3A_740 = arith.constant 65536 : i32
    %add3A_741 = arith.addi %add3A_740, %add3A_495 : i32
    "tpu.region"() ({
      %run_scoped3A = tpu.sem_alloc : memref<!tpu.dma_semaphore, #tpu.memory_space<semaphore_mem>>
      %dma_start3A_990 = tpu.memref_slice %arg8[%add3A_741] : memref<81920xf32, #tpu.memory_space<hbm>> -> memref<128xf32, #tpu.memory_space<hbm>>
      %dma_start3A_991 = tpu.memref_slice %arg8[%add3A_741] : memref<81920xf32, #tpu.memory_space<hbm>> -> memref<128xf32, #tpu.memory_space<hbm>>
      tpu.enqueue_dma source(%arg28 : memref<128xf32, #tpu.memory_space<vmem>>) target(%dma_start3A_991 : memref<128xf32, #tpu.memory_space<hbm>>) target_semaphore(%run_scoped3A : memref<!tpu.dma_semaphore, #tpu.memory_space<semaphore_mem>>)
      %dma_wait3A_992 = tpu.memref_slice %arg8[%add3A_741] : memref<81920xf32, #tpu.memory_space<hbm>> -> memref<128xf32, #tpu.memory_space<hbm>>
      %dma_wait3A_993 = tpu.memref_slice %arg8[%add3A_741] : memref<81920xf32, #tpu.memory_space<hbm>> -> memref<128xf32, #tpu.memory_space<hbm>>
      tpu.wait_dma2 semaphore(%run_scoped3A : memref<!tpu.dma_semaphore, #tpu.memory_space<semaphore_mem>>) src(%arg28 : memref<128xf32, #tpu.memory_space<vmem>>) dst(%dma_wait3A_993 : memref<128xf32, #tpu.memory_space<hbm>>)
      tpu.yield
    }) : () -> ()
    %add3A_742 = arith.constant 384 : i32
    %add3A_743 = arith.addi %mul3A_2, %add3A_742 : i32
    "tpu.region"() ({
      %run_scoped3A = tpu.sem_alloc : memref<!tpu.dma_semaphore, #tpu.memory_space<semaphore_mem>>
      %dma_start3A_990 = tpu.memref_slice %arg4[%add3A_743] : memref<16384xi32, #tpu.memory_space<hbm>> -> memref<128xi32, #tpu.memory_space<hbm>>
      %dma_start3A_991 = tpu.memref_slice %arg4[%add3A_743] : memref<16384xi32, #tpu.memory_space<hbm>> -> memref<128xi32, #tpu.memory_space<hbm>>
      tpu.enqueue_dma source(%dma_start3A_991 : memref<128xi32, #tpu.memory_space<hbm>>) target(%arg9 : memref<128xi32, #tpu.memory_space<vmem>>) target_semaphore(%run_scoped3A : memref<!tpu.dma_semaphore, #tpu.memory_space<semaphore_mem>>)
      %dma_wait3A_992 = tpu.memref_slice %arg4[%add3A_743] : memref<16384xi32, #tpu.memory_space<hbm>> -> memref<128xi32, #tpu.memory_space<hbm>>
      %dma_wait3A_993 = tpu.memref_slice %arg4[%add3A_743] : memref<16384xi32, #tpu.memory_space<hbm>> -> memref<128xi32, #tpu.memory_space<hbm>>
      tpu.wait_dma2 semaphore(%run_scoped3A : memref<!tpu.dma_semaphore, #tpu.memory_space<semaphore_mem>>) src(%dma_wait3A_993 : memref<128xi32, #tpu.memory_space<hbm>>) dst(%arg9 : memref<128xi32, #tpu.memory_space<vmem>>)
      tpu.yield
    }) : () -> ()
    "tpu.region"() ({
      %run_scoped3A = tpu.sem_alloc : memref<!tpu.dma_semaphore, #tpu.memory_space<semaphore_mem>>
      %dma_start3A_990 = tpu.memref_slice %arg5[%add3A_743] : memref<16384xi32, #tpu.memory_space<hbm>> -> memref<128xi32, #tpu.memory_space<hbm>>
      %dma_start3A_991 = tpu.memref_slice %arg5[%add3A_743] : memref<16384xi32, #tpu.memory_space<hbm>> -> memref<128xi32, #tpu.memory_space<hbm>>
      tpu.enqueue_dma source(%dma_start3A_991 : memref<128xi32, #tpu.memory_space<hbm>>) target(%arg10 : memref<128xi32, #tpu.memory_space<vmem>>) target_semaphore(%run_scoped3A : memref<!tpu.dma_semaphore, #tpu.memory_space<semaphore_mem>>)
      %dma_wait3A_992 = tpu.memref_slice %arg5[%add3A_743] : memref<16384xi32, #tpu.memory_space<hbm>> -> memref<128xi32, #tpu.memory_space<hbm>>
      %dma_wait3A_993 = tpu.memref_slice %arg5[%add3A_743] : memref<16384xi32, #tpu.memory_space<hbm>> -> memref<128xi32, #tpu.memory_space<hbm>>
      tpu.wait_dma2 semaphore(%run_scoped3A : memref<!tpu.dma_semaphore, #tpu.memory_space<semaphore_mem>>) src(%dma_wait3A_993 : memref<128xi32, #tpu.memory_space<hbm>>) dst(%arg10 : memref<128xi32, #tpu.memory_space<vmem>>)
      tpu.yield
    }) : () -> ()
    %add3A_744 = arith.constant 0 : i32
    %add3A_745 = arith.addi %add3A_744, %add3A_743 : i32
    "tpu.region"() ({
      %run_scoped3A = tpu.sem_alloc : memref<!tpu.dma_semaphore, #tpu.memory_space<semaphore_mem>>
      %dma_start3A_990 = tpu.memref_slice %arg6[%add3A_745] : memref<81920xi32, #tpu.memory_space<hbm>> -> memref<128xi32, #tpu.memory_space<hbm>>
      %dma_start3A_991 = tpu.memref_slice %arg6[%add3A_745] : memref<81920xi32, #tpu.memory_space<hbm>> -> memref<128xi32, #tpu.memory_space<hbm>>
      tpu.enqueue_dma source(%dma_start3A_991 : memref<128xi32, #tpu.memory_space<hbm>>) target(%arg11 : memref<128xi32, #tpu.memory_space<vmem>>) target_semaphore(%run_scoped3A : memref<!tpu.dma_semaphore, #tpu.memory_space<semaphore_mem>>)
      %dma_wait3A_992 = tpu.memref_slice %arg6[%add3A_745] : memref<81920xi32, #tpu.memory_space<hbm>> -> memref<128xi32, #tpu.memory_space<hbm>>
      %dma_wait3A_993 = tpu.memref_slice %arg6[%add3A_745] : memref<81920xi32, #tpu.memory_space<hbm>> -> memref<128xi32, #tpu.memory_space<hbm>>
      tpu.wait_dma2 semaphore(%run_scoped3A : memref<!tpu.dma_semaphore, #tpu.memory_space<semaphore_mem>>) src(%dma_wait3A_993 : memref<128xi32, #tpu.memory_space<hbm>>) dst(%arg11 : memref<128xi32, #tpu.memory_space<vmem>>)
      tpu.yield
    }) : () -> ()
    %add3A_746 = arith.constant 16384 : i32
    %add3A_747 = arith.addi %add3A_746, %add3A_743 : i32
    "tpu.region"() ({
      %run_scoped3A = tpu.sem_alloc : memref<!tpu.dma_semaphore, #tpu.memory_space<semaphore_mem>>
      %dma_start3A_990 = tpu.memref_slice %arg6[%add3A_747] : memref<81920xi32, #tpu.memory_space<hbm>> -> memref<128xi32, #tpu.memory_space<hbm>>
      %dma_start3A_991 = tpu.memref_slice %arg6[%add3A_747] : memref<81920xi32, #tpu.memory_space<hbm>> -> memref<128xi32, #tpu.memory_space<hbm>>
      tpu.enqueue_dma source(%dma_start3A_991 : memref<128xi32, #tpu.memory_space<hbm>>) target(%arg12 : memref<128xi32, #tpu.memory_space<vmem>>) target_semaphore(%run_scoped3A : memref<!tpu.dma_semaphore, #tpu.memory_space<semaphore_mem>>)
      %dma_wait3A_992 = tpu.memref_slice %arg6[%add3A_747] : memref<81920xi32, #tpu.memory_space<hbm>> -> memref<128xi32, #tpu.memory_space<hbm>>
      %dma_wait3A_993 = tpu.memref_slice %arg6[%add3A_747] : memref<81920xi32, #tpu.memory_space<hbm>> -> memref<128xi32, #tpu.memory_space<hbm>>
      tpu.wait_dma2 semaphore(%run_scoped3A : memref<!tpu.dma_semaphore, #tpu.memory_space<semaphore_mem>>) src(%dma_wait3A_993 : memref<128xi32, #tpu.memory_space<hbm>>) dst(%arg12 : memref<128xi32, #tpu.memory_space<vmem>>)
      tpu.yield
    }) : () -> ()
    %add3A_748 = arith.constant 32768 : i32
    %add3A_749 = arith.addi %add3A_748, %add3A_743 : i32
    "tpu.region"() ({
      %run_scoped3A = tpu.sem_alloc : memref<!tpu.dma_semaphore, #tpu.memory_space<semaphore_mem>>
      %dma_start3A_990 = tpu.memref_slice %arg6[%add3A_749] : memref<81920xi32, #tpu.memory_space<hbm>> -> memref<128xi32, #tpu.memory_space<hbm>>
      %dma_start3A_991 = tpu.memref_slice %arg6[%add3A_749] : memref<81920xi32, #tpu.memory_space<hbm>> -> memref<128xi32, #tpu.memory_space<hbm>>
      tpu.enqueue_dma source(%dma_start3A_991 : memref<128xi32, #tpu.memory_space<hbm>>) target(%arg13 : memref<128xi32, #tpu.memory_space<vmem>>) target_semaphore(%run_scoped3A : memref<!tpu.dma_semaphore, #tpu.memory_space<semaphore_mem>>)
      %dma_wait3A_992 = tpu.memref_slice %arg6[%add3A_749] : memref<81920xi32, #tpu.memory_space<hbm>> -> memref<128xi32, #tpu.memory_space<hbm>>
      %dma_wait3A_993 = tpu.memref_slice %arg6[%add3A_749] : memref<81920xi32, #tpu.memory_space<hbm>> -> memref<128xi32, #tpu.memory_space<hbm>>
      tpu.wait_dma2 semaphore(%run_scoped3A : memref<!tpu.dma_semaphore, #tpu.memory_space<semaphore_mem>>) src(%dma_wait3A_993 : memref<128xi32, #tpu.memory_space<hbm>>) dst(%arg13 : memref<128xi32, #tpu.memory_space<vmem>>)
      tpu.yield
    }) : () -> ()
    %add3A_750 = arith.constant 49152 : i32
    %add3A_751 = arith.addi %add3A_750, %add3A_743 : i32
    "tpu.region"() ({
      %run_scoped3A = tpu.sem_alloc : memref<!tpu.dma_semaphore, #tpu.memory_space<semaphore_mem>>
      %dma_start3A_990 = tpu.memref_slice %arg6[%add3A_751] : memref<81920xi32, #tpu.memory_space<hbm>> -> memref<128xi32, #tpu.memory_space<hbm>>
      %dma_start3A_991 = tpu.memref_slice %arg6[%add3A_751] : memref<81920xi32, #tpu.memory_space<hbm>> -> memref<128xi32, #tpu.memory_space<hbm>>
      tpu.enqueue_dma source(%dma_start3A_991 : memref<128xi32, #tpu.memory_space<hbm>>) target(%arg14 : memref<128xi32, #tpu.memory_space<vmem>>) target_semaphore(%run_scoped3A : memref<!tpu.dma_semaphore, #tpu.memory_space<semaphore_mem>>)
      %dma_wait3A_992 = tpu.memref_slice %arg6[%add3A_751] : memref<81920xi32, #tpu.memory_space<hbm>> -> memref<128xi32, #tpu.memory_space<hbm>>
      %dma_wait3A_993 = tpu.memref_slice %arg6[%add3A_751] : memref<81920xi32, #tpu.memory_space<hbm>> -> memref<128xi32, #tpu.memory_space<hbm>>
      tpu.wait_dma2 semaphore(%run_scoped3A : memref<!tpu.dma_semaphore, #tpu.memory_space<semaphore_mem>>) src(%dma_wait3A_993 : memref<128xi32, #tpu.memory_space<hbm>>) dst(%arg14 : memref<128xi32, #tpu.memory_space<vmem>>)
      tpu.yield
    }) : () -> ()
    %add3A_752 = arith.constant 65536 : i32
    %add3A_753 = arith.addi %add3A_752, %add3A_743 : i32
    "tpu.region"() ({
      %run_scoped3A = tpu.sem_alloc : memref<!tpu.dma_semaphore, #tpu.memory_space<semaphore_mem>>
      %dma_start3A_990 = tpu.memref_slice %arg6[%add3A_753] : memref<81920xi32, #tpu.memory_space<hbm>> -> memref<128xi32, #tpu.memory_space<hbm>>
      %dma_start3A_991 = tpu.memref_slice %arg6[%add3A_753] : memref<81920xi32, #tpu.memory_space<hbm>> -> memref<128xi32, #tpu.memory_space<hbm>>
      tpu.enqueue_dma source(%dma_start3A_991 : memref<128xi32, #tpu.memory_space<hbm>>) target(%arg15 : memref<128xi32, #tpu.memory_space<vmem>>) target_semaphore(%run_scoped3A : memref<!tpu.dma_semaphore, #tpu.memory_space<semaphore_mem>>)
      %dma_wait3A_992 = tpu.memref_slice %arg6[%add3A_753] : memref<81920xi32, #tpu.memory_space<hbm>> -> memref<128xi32, #tpu.memory_space<hbm>>
      %dma_wait3A_993 = tpu.memref_slice %arg6[%add3A_753] : memref<81920xi32, #tpu.memory_space<hbm>> -> memref<128xi32, #tpu.memory_space<hbm>>
      tpu.wait_dma2 semaphore(%run_scoped3A : memref<!tpu.dma_semaphore, #tpu.memory_space<semaphore_mem>>) src(%dma_wait3A_993 : memref<128xi32, #tpu.memory_space<hbm>>) dst(%arg15 : memref<128xi32, #tpu.memory_space<vmem>>)
      tpu.yield
    }) : () -> ()
    %dma_start3A_754 = arith.constant 0 : i32
    %dma_start3A_755 = arith.constant 0 : i32
    %dma_start3A_756 = tpu.memref_slice %arg2[%dma_start3A_754, %dma_start3A_755] : memref<1000000x64xf32, #tpu.memory_space<hbm>> -> memref<1000000x64xf32, #tpu.memory_space<hbm>>
    tpu.enqueue_indirect_dma source(%dma_start3A_756 : memref<1000000x64xf32, #tpu.memory_space<hbm>>) target(%arg16 : memref<128x64xf32, #tpu.memory_space<vmem>>) offsets(%arg9 : memref<128xi32, #tpu.memory_space<vmem>>) semaphore(%arg29 : memref<!tpu.dma_semaphore, #tpu.memory_space<semaphore_mem>>)
    %dma_start3A_757 = arith.constant 0 : i32
    %dma_start3A_758 = arith.constant 0 : i32
    %dma_start3A_759 = tpu.memref_slice %arg3[%dma_start3A_757, %dma_start3A_758] : memref<1000000x64xf32, #tpu.memory_space<hbm>> -> memref<1000000x64xf32, #tpu.memory_space<hbm>>
    tpu.enqueue_indirect_dma source(%dma_start3A_759 : memref<1000000x64xf32, #tpu.memory_space<hbm>>) target(%arg17 : memref<128x64xf32, #tpu.memory_space<vmem>>) offsets(%arg10 : memref<128xi32, #tpu.memory_space<vmem>>) semaphore(%arg29 : memref<!tpu.dma_semaphore, #tpu.memory_space<semaphore_mem>>)
    %dma_start3A_760 = arith.constant 0 : i32
    %dma_start3A_761 = arith.constant 0 : i32
    %dma_start3A_762 = tpu.memref_slice %arg3[%dma_start3A_760, %dma_start3A_761] : memref<1000000x64xf32, #tpu.memory_space<hbm>> -> memref<1000000x64xf32, #tpu.memory_space<hbm>>
    tpu.enqueue_indirect_dma source(%dma_start3A_762 : memref<1000000x64xf32, #tpu.memory_space<hbm>>) target(%arg18 : memref<128x64xf32, #tpu.memory_space<vmem>>) offsets(%arg11 : memref<128xi32, #tpu.memory_space<vmem>>) semaphore(%arg29 : memref<!tpu.dma_semaphore, #tpu.memory_space<semaphore_mem>>)
    %dma_start3A_763 = arith.constant 0 : i32
    %dma_start3A_764 = arith.constant 0 : i32
    %dma_start3A_765 = tpu.memref_slice %arg3[%dma_start3A_763, %dma_start3A_764] : memref<1000000x64xf32, #tpu.memory_space<hbm>> -> memref<1000000x64xf32, #tpu.memory_space<hbm>>
    tpu.enqueue_indirect_dma source(%dma_start3A_765 : memref<1000000x64xf32, #tpu.memory_space<hbm>>) target(%arg19 : memref<128x64xf32, #tpu.memory_space<vmem>>) offsets(%arg12 : memref<128xi32, #tpu.memory_space<vmem>>) semaphore(%arg29 : memref<!tpu.dma_semaphore, #tpu.memory_space<semaphore_mem>>)
    %dma_start3A_766 = arith.constant 0 : i32
    %dma_start3A_767 = arith.constant 0 : i32
    %dma_start3A_768 = tpu.memref_slice %arg3[%dma_start3A_766, %dma_start3A_767] : memref<1000000x64xf32, #tpu.memory_space<hbm>> -> memref<1000000x64xf32, #tpu.memory_space<hbm>>
    tpu.enqueue_indirect_dma source(%dma_start3A_768 : memref<1000000x64xf32, #tpu.memory_space<hbm>>) target(%arg20 : memref<128x64xf32, #tpu.memory_space<vmem>>) offsets(%arg13 : memref<128xi32, #tpu.memory_space<vmem>>) semaphore(%arg29 : memref<!tpu.dma_semaphore, #tpu.memory_space<semaphore_mem>>)
    %dma_start3A_769 = arith.constant 0 : i32
    %dma_start3A_770 = arith.constant 0 : i32
    %dma_start3A_771 = tpu.memref_slice %arg3[%dma_start3A_769, %dma_start3A_770] : memref<1000000x64xf32, #tpu.memory_space<hbm>> -> memref<1000000x64xf32, #tpu.memory_space<hbm>>
    tpu.enqueue_indirect_dma source(%dma_start3A_771 : memref<1000000x64xf32, #tpu.memory_space<hbm>>) target(%arg21 : memref<128x64xf32, #tpu.memory_space<vmem>>) offsets(%arg14 : memref<128xi32, #tpu.memory_space<vmem>>) semaphore(%arg29 : memref<!tpu.dma_semaphore, #tpu.memory_space<semaphore_mem>>)
    %dma_start3A_772 = arith.constant 0 : i32
    %dma_start3A_773 = arith.constant 0 : i32
    %dma_start3A_774 = tpu.memref_slice %arg3[%dma_start3A_772, %dma_start3A_773] : memref<1000000x64xf32, #tpu.memory_space<hbm>> -> memref<1000000x64xf32, #tpu.memory_space<hbm>>
    tpu.enqueue_indirect_dma source(%dma_start3A_774 : memref<1000000x64xf32, #tpu.memory_space<hbm>>) target(%arg22 : memref<128x64xf32, #tpu.memory_space<vmem>>) offsets(%arg15 : memref<128xi32, #tpu.memory_space<vmem>>) semaphore(%arg29 : memref<!tpu.dma_semaphore, #tpu.memory_space<semaphore_mem>>)
    %dma_wait3A_775 = arith.constant 0 : i32
    %dma_wait3A_776 = arith.constant 0 : i32
    %dma_wait3A_777 = tpu.memref_slice %arg2[%dma_wait3A_775, %dma_wait3A_776] : memref<1000000x64xf32, #tpu.memory_space<hbm>> -> memref<1000000x64xf32, #tpu.memory_space<hbm>>
    tpu.wait_indirect_dma semaphore(%arg29 : memref<!tpu.dma_semaphore, #tpu.memory_space<semaphore_mem>>) src(%dma_wait3A_777 : memref<1000000x64xf32, #tpu.memory_space<hbm>>) dst(%arg16 : memref<128x64xf32, #tpu.memory_space<vmem>>)
    %dma_wait3A_778 = arith.constant 0 : i32
    %dma_wait3A_779 = arith.constant 0 : i32
    %dma_wait3A_780 = tpu.memref_slice %arg3[%dma_wait3A_778, %dma_wait3A_779] : memref<1000000x64xf32, #tpu.memory_space<hbm>> -> memref<1000000x64xf32, #tpu.memory_space<hbm>>
    tpu.wait_indirect_dma semaphore(%arg29 : memref<!tpu.dma_semaphore, #tpu.memory_space<semaphore_mem>>) src(%dma_wait3A_780 : memref<1000000x64xf32, #tpu.memory_space<hbm>>) dst(%arg17 : memref<128x64xf32, #tpu.memory_space<vmem>>)
    %dma_wait3A_781 = arith.constant 0 : i32
    %dma_wait3A_782 = arith.constant 0 : i32
    %dma_wait3A_783 = tpu.memref_slice %arg3[%dma_wait3A_781, %dma_wait3A_782] : memref<1000000x64xf32, #tpu.memory_space<hbm>> -> memref<1000000x64xf32, #tpu.memory_space<hbm>>
    tpu.wait_indirect_dma semaphore(%arg29 : memref<!tpu.dma_semaphore, #tpu.memory_space<semaphore_mem>>) src(%dma_wait3A_783 : memref<1000000x64xf32, #tpu.memory_space<hbm>>) dst(%arg18 : memref<128x64xf32, #tpu.memory_space<vmem>>)
    %dma_wait3A_784 = arith.constant 0 : i32
    %dma_wait3A_785 = arith.constant 0 : i32
    %dma_wait3A_786 = tpu.memref_slice %arg3[%dma_wait3A_784, %dma_wait3A_785] : memref<1000000x64xf32, #tpu.memory_space<hbm>> -> memref<1000000x64xf32, #tpu.memory_space<hbm>>
    tpu.wait_indirect_dma semaphore(%arg29 : memref<!tpu.dma_semaphore, #tpu.memory_space<semaphore_mem>>) src(%dma_wait3A_786 : memref<1000000x64xf32, #tpu.memory_space<hbm>>) dst(%arg19 : memref<128x64xf32, #tpu.memory_space<vmem>>)
    %dma_wait3A_787 = arith.constant 0 : i32
    %dma_wait3A_788 = arith.constant 0 : i32
    %dma_wait3A_789 = tpu.memref_slice %arg3[%dma_wait3A_787, %dma_wait3A_788] : memref<1000000x64xf32, #tpu.memory_space<hbm>> -> memref<1000000x64xf32, #tpu.memory_space<hbm>>
    tpu.wait_indirect_dma semaphore(%arg29 : memref<!tpu.dma_semaphore, #tpu.memory_space<semaphore_mem>>) src(%dma_wait3A_789 : memref<1000000x64xf32, #tpu.memory_space<hbm>>) dst(%arg20 : memref<128x64xf32, #tpu.memory_space<vmem>>)
    %dma_wait3A_790 = arith.constant 0 : i32
    %dma_wait3A_791 = arith.constant 0 : i32
    %dma_wait3A_792 = tpu.memref_slice %arg3[%dma_wait3A_790, %dma_wait3A_791] : memref<1000000x64xf32, #tpu.memory_space<hbm>> -> memref<1000000x64xf32, #tpu.memory_space<hbm>>
    tpu.wait_indirect_dma semaphore(%arg29 : memref<!tpu.dma_semaphore, #tpu.memory_space<semaphore_mem>>) src(%dma_wait3A_792 : memref<1000000x64xf32, #tpu.memory_space<hbm>>) dst(%arg21 : memref<128x64xf32, #tpu.memory_space<vmem>>)
    %dma_wait3A_793 = arith.constant 0 : i32
    %dma_wait3A_794 = arith.constant 0 : i32
    %dma_wait3A_795 = tpu.memref_slice %arg3[%dma_wait3A_793, %dma_wait3A_794] : memref<1000000x64xf32, #tpu.memory_space<hbm>> -> memref<1000000x64xf32, #tpu.memory_space<hbm>>
    tpu.wait_indirect_dma semaphore(%arg29 : memref<!tpu.dma_semaphore, #tpu.memory_space<semaphore_mem>>) src(%dma_wait3A_795 : memref<1000000x64xf32, #tpu.memory_space<hbm>>) dst(%arg22 : memref<128x64xf32, #tpu.memory_space<vmem>>)
    %add3A_796 = arith.constant 0 : i32
    %add3A_797 = vector.broadcast %add3A_796 : i32 to vector<16xi32>
    %add3A_798 = arith.addi %add3A_797, %iota3A : vector<16xi32>
    %broadcast_in_dim3A_799 = arith.constant 0.000000e+00 : f32
    %broadcast_in_dim3A_800 = vector.broadcast %broadcast_in_dim3A_799 : f32 to vector<16xf32>
    %scan3A_801 = arith.constant 0 : i32
    %scan3A_802 = arith.constant 64 : i32
    %scan3A_803 = arith.addi %scan3A_801, %scan3A_802 : i32
    %scan3A_804 = arith.constant 1 : i32
    %scan3A_805:6 = scf.for %scan3A_990 = %scan3A_801 to %scan3A_803 step %scan3A_804 iter_args(%scan3A_991 = %broadcast_in_dim3A_800, %scan3A_992 = %broadcast_in_dim3A_800, %scan3A_993 = %broadcast_in_dim3A_800, %scan3A_994 = %broadcast_in_dim3A_800, %scan3A_995 = %broadcast_in_dim3A_800, %scan3A_996 = %broadcast_in_dim3A_800) -> (vector<16xf32>, vector<16xf32>, vector<16xf32>, vector<16xf32>, vector<16xf32>, vector<16xf32>)  : i32 {
      %broadcast_in_dim3A_997 = vector.broadcast %scan3A_990 : i32 to vector<16xi32>
      %gather3A = tpu.vector_load_idx %arg16[%add3A_798, %broadcast_in_dim3A_997] : memref<128x64xf32, #tpu.memory_space<vmem>>[vector<16xi32>, vector<16xi32>], vector<16xf32>,
      %gather3A_998 = tpu.vector_load_idx %arg17[%add3A_798, %broadcast_in_dim3A_997] : memref<128x64xf32, #tpu.memory_space<vmem>>[vector<16xi32>, vector<16xi32>], vector<16xf32>,
      %mul3A_999 = arith.mulf %gather3A, %gather3A_998 : vector<16xf32>
      %add3A_1000 = arith.addf %scan3A_991, %mul3A_999 : vector<16xf32>
      %gather3A_1001 = tpu.vector_load_idx %arg18[%add3A_798, %broadcast_in_dim3A_997] : memref<128x64xf32, #tpu.memory_space<vmem>>[vector<16xi32>, vector<16xi32>], vector<16xf32>,
      %mul3A_1002 = arith.mulf %gather3A, %gather3A_1001 : vector<16xf32>
      %add3A_1003 = arith.addf %scan3A_992, %mul3A_1002 : vector<16xf32>
      %gather3A_1004 = tpu.vector_load_idx %arg19[%add3A_798, %broadcast_in_dim3A_997] : memref<128x64xf32, #tpu.memory_space<vmem>>[vector<16xi32>, vector<16xi32>], vector<16xf32>,
      %mul3A_1005 = arith.mulf %gather3A, %gather3A_1004 : vector<16xf32>
      %add3A_1006 = arith.addf %scan3A_993, %mul3A_1005 : vector<16xf32>
      %gather3A_1007 = tpu.vector_load_idx %arg20[%add3A_798, %broadcast_in_dim3A_997] : memref<128x64xf32, #tpu.memory_space<vmem>>[vector<16xi32>, vector<16xi32>], vector<16xf32>,
      %mul3A_1008 = arith.mulf %gather3A, %gather3A_1007 : vector<16xf32>
      %add3A_1009 = arith.addf %scan3A_994, %mul3A_1008 : vector<16xf32>
      %gather3A_1010 = tpu.vector_load_idx %arg21[%add3A_798, %broadcast_in_dim3A_997] : memref<128x64xf32, #tpu.memory_space<vmem>>[vector<16xi32>, vector<16xi32>], vector<16xf32>,
      %mul3A_1011 = arith.mulf %gather3A, %gather3A_1010 : vector<16xf32>
      %add3A_1012 = arith.addf %scan3A_995, %mul3A_1011 : vector<16xf32>
      %gather3A_1013 = tpu.vector_load_idx %arg22[%add3A_798, %broadcast_in_dim3A_997] : memref<128x64xf32, #tpu.memory_space<vmem>>[vector<16xi32>, vector<16xi32>], vector<16xf32>,
      %mul3A_1014 = arith.mulf %gather3A, %gather3A_1013 : vector<16xf32>
      %add3A_1015 = arith.addf %scan3A_996, %mul3A_1014 : vector<16xf32>
      scf.yield %add3A_1000, %add3A_1003, %add3A_1006, %add3A_1009, %add3A_1012, %add3A_1015 : vector<16xf32>, vector<16xf32>, vector<16xf32>, vector<16xf32>, vector<16xf32>, vector<16xf32>
    }
    %scan3A_806 = arith.constant 64 : i32
    %swap3A_807 = arith.constant 0 : index
    %swap3A_808 = tpu.vector_load %arg23[%swap3A_807] {strides = array<i32>} : memref<128xf32, #tpu.memory_space<vmem>>, vector<16xf32>,
    tpu.vector_store %arg23[%swap3A_807], %scan3A_805#0 {strides = array<i32>} : memref<128xf32, #tpu.memory_space<vmem>>, vector<16xf32>,
    %swap3A_809 = arith.constant 0 : index
    %swap3A_810 = tpu.vector_load %arg24[%swap3A_809] {strides = array<i32>} : memref<128xf32, #tpu.memory_space<vmem>>, vector<16xf32>,
    tpu.vector_store %arg24[%swap3A_809], %scan3A_805#1 {strides = array<i32>} : memref<128xf32, #tpu.memory_space<vmem>>, vector<16xf32>,
    %swap3A_811 = arith.constant 0 : index
    %swap3A_812 = tpu.vector_load %arg25[%swap3A_811] {strides = array<i32>} : memref<128xf32, #tpu.memory_space<vmem>>, vector<16xf32>,
    tpu.vector_store %arg25[%swap3A_811], %scan3A_805#2 {strides = array<i32>} : memref<128xf32, #tpu.memory_space<vmem>>, vector<16xf32>,
    %swap3A_813 = arith.constant 0 : index
    %swap3A_814 = tpu.vector_load %arg26[%swap3A_813] {strides = array<i32>} : memref<128xf32, #tpu.memory_space<vmem>>, vector<16xf32>,
    tpu.vector_store %arg26[%swap3A_813], %scan3A_805#3 {strides = array<i32>} : memref<128xf32, #tpu.memory_space<vmem>>, vector<16xf32>,
    %swap3A_815 = arith.constant 0 : index
    %swap3A_816 = tpu.vector_load %arg27[%swap3A_815] {strides = array<i32>} : memref<128xf32, #tpu.memory_space<vmem>>, vector<16xf32>,
    tpu.vector_store %arg27[%swap3A_815], %scan3A_805#4 {strides = array<i32>} : memref<128xf32, #tpu.memory_space<vmem>>, vector<16xf32>,
    %swap3A_817 = arith.constant 0 : index
    %swap3A_818 = tpu.vector_load %arg28[%swap3A_817] {strides = array<i32>} : memref<128xf32, #tpu.memory_space<vmem>>, vector<16xf32>,
    tpu.vector_store %arg28[%swap3A_817], %scan3A_805#5 {strides = array<i32>} : memref<128xf32, #tpu.memory_space<vmem>>, vector<16xf32>,
    %add3A_819 = arith.constant 16 : i32
    %add3A_820 = vector.broadcast %add3A_819 : i32 to vector<16xi32>
    %add3A_821 = arith.addi %add3A_820, %iota3A : vector<16xi32>
    %broadcast_in_dim3A_822 = arith.constant 0.000000e+00 : f32
    %broadcast_in_dim3A_823 = vector.broadcast %broadcast_in_dim3A_822 : f32 to vector<16xf32>
    %scan3A_824 = arith.constant 0 : i32
    %scan3A_825 = arith.constant 64 : i32
    %scan3A_826 = arith.addi %scan3A_824, %scan3A_825 : i32
    %scan3A_827 = arith.constant 1 : i32
    %scan3A_828:6 = scf.for %scan3A_990 = %scan3A_824 to %scan3A_826 step %scan3A_827 iter_args(%scan3A_991 = %broadcast_in_dim3A_823, %scan3A_992 = %broadcast_in_dim3A_823, %scan3A_993 = %broadcast_in_dim3A_823, %scan3A_994 = %broadcast_in_dim3A_823, %scan3A_995 = %broadcast_in_dim3A_823, %scan3A_996 = %broadcast_in_dim3A_823) -> (vector<16xf32>, vector<16xf32>, vector<16xf32>, vector<16xf32>, vector<16xf32>, vector<16xf32>)  : i32 {
      %broadcast_in_dim3A_997 = vector.broadcast %scan3A_990 : i32 to vector<16xi32>
      %gather3A = tpu.vector_load_idx %arg16[%add3A_821, %broadcast_in_dim3A_997] : memref<128x64xf32, #tpu.memory_space<vmem>>[vector<16xi32>, vector<16xi32>], vector<16xf32>,
      %gather3A_998 = tpu.vector_load_idx %arg17[%add3A_821, %broadcast_in_dim3A_997] : memref<128x64xf32, #tpu.memory_space<vmem>>[vector<16xi32>, vector<16xi32>], vector<16xf32>,
      %mul3A_999 = arith.mulf %gather3A, %gather3A_998 : vector<16xf32>
      %add3A_1000 = arith.addf %scan3A_991, %mul3A_999 : vector<16xf32>
      %gather3A_1001 = tpu.vector_load_idx %arg18[%add3A_821, %broadcast_in_dim3A_997] : memref<128x64xf32, #tpu.memory_space<vmem>>[vector<16xi32>, vector<16xi32>], vector<16xf32>,
      %mul3A_1002 = arith.mulf %gather3A, %gather3A_1001 : vector<16xf32>
      %add3A_1003 = arith.addf %scan3A_992, %mul3A_1002 : vector<16xf32>
      %gather3A_1004 = tpu.vector_load_idx %arg19[%add3A_821, %broadcast_in_dim3A_997] : memref<128x64xf32, #tpu.memory_space<vmem>>[vector<16xi32>, vector<16xi32>], vector<16xf32>,
      %mul3A_1005 = arith.mulf %gather3A, %gather3A_1004 : vector<16xf32>
      %add3A_1006 = arith.addf %scan3A_993, %mul3A_1005 : vector<16xf32>
      %gather3A_1007 = tpu.vector_load_idx %arg20[%add3A_821, %broadcast_in_dim3A_997] : memref<128x64xf32, #tpu.memory_space<vmem>>[vector<16xi32>, vector<16xi32>], vector<16xf32>,
      %mul3A_1008 = arith.mulf %gather3A, %gather3A_1007 : vector<16xf32>
      %add3A_1009 = arith.addf %scan3A_994, %mul3A_1008 : vector<16xf32>
      %gather3A_1010 = tpu.vector_load_idx %arg21[%add3A_821, %broadcast_in_dim3A_997] : memref<128x64xf32, #tpu.memory_space<vmem>>[vector<16xi32>, vector<16xi32>], vector<16xf32>,
      %mul3A_1011 = arith.mulf %gather3A, %gather3A_1010 : vector<16xf32>
      %add3A_1012 = arith.addf %scan3A_995, %mul3A_1011 : vector<16xf32>
      %gather3A_1013 = tpu.vector_load_idx %arg22[%add3A_821, %broadcast_in_dim3A_997] : memref<128x64xf32, #tpu.memory_space<vmem>>[vector<16xi32>, vector<16xi32>], vector<16xf32>,
      %mul3A_1014 = arith.mulf %gather3A, %gather3A_1013 : vector<16xf32>
      %add3A_1015 = arith.addf %scan3A_996, %mul3A_1014 : vector<16xf32>
      scf.yield %add3A_1000, %add3A_1003, %add3A_1006, %add3A_1009, %add3A_1012, %add3A_1015 : vector<16xf32>, vector<16xf32>, vector<16xf32>, vector<16xf32>, vector<16xf32>, vector<16xf32>
    }
    %scan3A_829 = arith.constant 64 : i32
    %swap3A_830 = arith.constant 16 : index
    %swap3A_831 = tpu.vector_load %arg23[%swap3A_830] {strides = array<i32>} : memref<128xf32, #tpu.memory_space<vmem>>, vector<16xf32>,
    tpu.vector_store %arg23[%swap3A_830], %scan3A_828#0 {strides = array<i32>} : memref<128xf32, #tpu.memory_space<vmem>>, vector<16xf32>,
    %swap3A_832 = arith.constant 16 : index
    %swap3A_833 = tpu.vector_load %arg24[%swap3A_832] {strides = array<i32>} : memref<128xf32, #tpu.memory_space<vmem>>, vector<16xf32>,
    tpu.vector_store %arg24[%swap3A_832], %scan3A_828#1 {strides = array<i32>} : memref<128xf32, #tpu.memory_space<vmem>>, vector<16xf32>,
    %swap3A_834 = arith.constant 16 : index
    %swap3A_835 = tpu.vector_load %arg25[%swap3A_834] {strides = array<i32>} : memref<128xf32, #tpu.memory_space<vmem>>, vector<16xf32>,
    tpu.vector_store %arg25[%swap3A_834], %scan3A_828#2 {strides = array<i32>} : memref<128xf32, #tpu.memory_space<vmem>>, vector<16xf32>,
    %swap3A_836 = arith.constant 16 : index
    %swap3A_837 = tpu.vector_load %arg26[%swap3A_836] {strides = array<i32>} : memref<128xf32, #tpu.memory_space<vmem>>, vector<16xf32>,
    tpu.vector_store %arg26[%swap3A_836], %scan3A_828#3 {strides = array<i32>} : memref<128xf32, #tpu.memory_space<vmem>>, vector<16xf32>,
    %swap3A_838 = arith.constant 16 : index
    %swap3A_839 = tpu.vector_load %arg27[%swap3A_838] {strides = array<i32>} : memref<128xf32, #tpu.memory_space<vmem>>, vector<16xf32>,
    tpu.vector_store %arg27[%swap3A_838], %scan3A_828#4 {strides = array<i32>} : memref<128xf32, #tpu.memory_space<vmem>>, vector<16xf32>,
    %swap3A_840 = arith.constant 16 : index
    %swap3A_841 = tpu.vector_load %arg28[%swap3A_840] {strides = array<i32>} : memref<128xf32, #tpu.memory_space<vmem>>, vector<16xf32>,
    tpu.vector_store %arg28[%swap3A_840], %scan3A_828#5 {strides = array<i32>} : memref<128xf32, #tpu.memory_space<vmem>>, vector<16xf32>,
    %add3A_842 = arith.constant 32 : i32
    %add3A_843 = vector.broadcast %add3A_842 : i32 to vector<16xi32>
    %add3A_844 = arith.addi %add3A_843, %iota3A : vector<16xi32>
    %broadcast_in_dim3A_845 = arith.constant 0.000000e+00 : f32
    %broadcast_in_dim3A_846 = vector.broadcast %broadcast_in_dim3A_845 : f32 to vector<16xf32>
    %scan3A_847 = arith.constant 0 : i32
    %scan3A_848 = arith.constant 64 : i32
    %scan3A_849 = arith.addi %scan3A_847, %scan3A_848 : i32
    %scan3A_850 = arith.constant 1 : i32
    %scan3A_851:6 = scf.for %scan3A_990 = %scan3A_847 to %scan3A_849 step %scan3A_850 iter_args(%scan3A_991 = %broadcast_in_dim3A_846, %scan3A_992 = %broadcast_in_dim3A_846, %scan3A_993 = %broadcast_in_dim3A_846, %scan3A_994 = %broadcast_in_dim3A_846, %scan3A_995 = %broadcast_in_dim3A_846, %scan3A_996 = %broadcast_in_dim3A_846) -> (vector<16xf32>, vector<16xf32>, vector<16xf32>, vector<16xf32>, vector<16xf32>, vector<16xf32>)  : i32 {
      %broadcast_in_dim3A_997 = vector.broadcast %scan3A_990 : i32 to vector<16xi32>
      %gather3A = tpu.vector_load_idx %arg16[%add3A_844, %broadcast_in_dim3A_997] : memref<128x64xf32, #tpu.memory_space<vmem>>[vector<16xi32>, vector<16xi32>], vector<16xf32>,
      %gather3A_998 = tpu.vector_load_idx %arg17[%add3A_844, %broadcast_in_dim3A_997] : memref<128x64xf32, #tpu.memory_space<vmem>>[vector<16xi32>, vector<16xi32>], vector<16xf32>,
      %mul3A_999 = arith.mulf %gather3A, %gather3A_998 : vector<16xf32>
      %add3A_1000 = arith.addf %scan3A_991, %mul3A_999 : vector<16xf32>
      %gather3A_1001 = tpu.vector_load_idx %arg18[%add3A_844, %broadcast_in_dim3A_997] : memref<128x64xf32, #tpu.memory_space<vmem>>[vector<16xi32>, vector<16xi32>], vector<16xf32>,
      %mul3A_1002 = arith.mulf %gather3A, %gather3A_1001 : vector<16xf32>
      %add3A_1003 = arith.addf %scan3A_992, %mul3A_1002 : vector<16xf32>
      %gather3A_1004 = tpu.vector_load_idx %arg19[%add3A_844, %broadcast_in_dim3A_997] : memref<128x64xf32, #tpu.memory_space<vmem>>[vector<16xi32>, vector<16xi32>], vector<16xf32>,
      %mul3A_1005 = arith.mulf %gather3A, %gather3A_1004 : vector<16xf32>
      %add3A_1006 = arith.addf %scan3A_993, %mul3A_1005 : vector<16xf32>
      %gather3A_1007 = tpu.vector_load_idx %arg20[%add3A_844, %broadcast_in_dim3A_997] : memref<128x64xf32, #tpu.memory_space<vmem>>[vector<16xi32>, vector<16xi32>], vector<16xf32>,
      %mul3A_1008 = arith.mulf %gather3A, %gather3A_1007 : vector<16xf32>
      %add3A_1009 = arith.addf %scan3A_994, %mul3A_1008 : vector<16xf32>
      %gather3A_1010 = tpu.vector_load_idx %arg21[%add3A_844, %broadcast_in_dim3A_997] : memref<128x64xf32, #tpu.memory_space<vmem>>[vector<16xi32>, vector<16xi32>], vector<16xf32>,
      %mul3A_1011 = arith.mulf %gather3A, %gather3A_1010 : vector<16xf32>
      %add3A_1012 = arith.addf %scan3A_995, %mul3A_1011 : vector<16xf32>
      %gather3A_1013 = tpu.vector_load_idx %arg22[%add3A_844, %broadcast_in_dim3A_997] : memref<128x64xf32, #tpu.memory_space<vmem>>[vector<16xi32>, vector<16xi32>], vector<16xf32>,
      %mul3A_1014 = arith.mulf %gather3A, %gather3A_1013 : vector<16xf32>
      %add3A_1015 = arith.addf %scan3A_996, %mul3A_1014 : vector<16xf32>
      scf.yield %add3A_1000, %add3A_1003, %add3A_1006, %add3A_1009, %add3A_1012, %add3A_1015 : vector<16xf32>, vector<16xf32>, vector<16xf32>, vector<16xf32>, vector<16xf32>, vector<16xf32>
    }
    %scan3A_852 = arith.constant 64 : i32
    %swap3A_853 = arith.constant 32 : index
    %swap3A_854 = tpu.vector_load %arg23[%swap3A_853] {strides = array<i32>} : memref<128xf32, #tpu.memory_space<vmem>>, vector<16xf32>,
    tpu.vector_store %arg23[%swap3A_853], %scan3A_851#0 {strides = array<i32>} : memref<128xf32, #tpu.memory_space<vmem>>, vector<16xf32>,
    %swap3A_855 = arith.constant 32 : index
    %swap3A_856 = tpu.vector_load %arg24[%swap3A_855] {strides = array<i32>} : memref<128xf32, #tpu.memory_space<vmem>>, vector<16xf32>,
    tpu.vector_store %arg24[%swap3A_855], %scan3A_851#1 {strides = array<i32>} : memref<128xf32, #tpu.memory_space<vmem>>, vector<16xf32>,
    %swap3A_857 = arith.constant 32 : index
    %swap3A_858 = tpu.vector_load %arg25[%swap3A_857] {strides = array<i32>} : memref<128xf32, #tpu.memory_space<vmem>>, vector<16xf32>,
    tpu.vector_store %arg25[%swap3A_857], %scan3A_851#2 {strides = array<i32>} : memref<128xf32, #tpu.memory_space<vmem>>, vector<16xf32>,
    %swap3A_859 = arith.constant 32 : index
    %swap3A_860 = tpu.vector_load %arg26[%swap3A_859] {strides = array<i32>} : memref<128xf32, #tpu.memory_space<vmem>>, vector<16xf32>,
    tpu.vector_store %arg26[%swap3A_859], %scan3A_851#3 {strides = array<i32>} : memref<128xf32, #tpu.memory_space<vmem>>, vector<16xf32>,
    %swap3A_861 = arith.constant 32 : index
    %swap3A_862 = tpu.vector_load %arg27[%swap3A_861] {strides = array<i32>} : memref<128xf32, #tpu.memory_space<vmem>>, vector<16xf32>,
    tpu.vector_store %arg27[%swap3A_861], %scan3A_851#4 {strides = array<i32>} : memref<128xf32, #tpu.memory_space<vmem>>, vector<16xf32>,
    %swap3A_863 = arith.constant 32 : index
    %swap3A_864 = tpu.vector_load %arg28[%swap3A_863] {strides = array<i32>} : memref<128xf32, #tpu.memory_space<vmem>>, vector<16xf32>,
    tpu.vector_store %arg28[%swap3A_863], %scan3A_851#5 {strides = array<i32>} : memref<128xf32, #tpu.memory_space<vmem>>, vector<16xf32>,
    %add3A_865 = arith.constant 48 : i32
    %add3A_866 = vector.broadcast %add3A_865 : i32 to vector<16xi32>
    %add3A_867 = arith.addi %add3A_866, %iota3A : vector<16xi32>
    %broadcast_in_dim3A_868 = arith.constant 0.000000e+00 : f32
    %broadcast_in_dim3A_869 = vector.broadcast %broadcast_in_dim3A_868 : f32 to vector<16xf32>
    %scan3A_870 = arith.constant 0 : i32
    %scan3A_871 = arith.constant 64 : i32
    %scan3A_872 = arith.addi %scan3A_870, %scan3A_871 : i32
    %scan3A_873 = arith.constant 1 : i32
    %scan3A_874:6 = scf.for %scan3A_990 = %scan3A_870 to %scan3A_872 step %scan3A_873 iter_args(%scan3A_991 = %broadcast_in_dim3A_869, %scan3A_992 = %broadcast_in_dim3A_869, %scan3A_993 = %broadcast_in_dim3A_869, %scan3A_994 = %broadcast_in_dim3A_869, %scan3A_995 = %broadcast_in_dim3A_869, %scan3A_996 = %broadcast_in_dim3A_869) -> (vector<16xf32>, vector<16xf32>, vector<16xf32>, vector<16xf32>, vector<16xf32>, vector<16xf32>)  : i32 {
      %broadcast_in_dim3A_997 = vector.broadcast %scan3A_990 : i32 to vector<16xi32>
      %gather3A = tpu.vector_load_idx %arg16[%add3A_867, %broadcast_in_dim3A_997] : memref<128x64xf32, #tpu.memory_space<vmem>>[vector<16xi32>, vector<16xi32>], vector<16xf32>,
      %gather3A_998 = tpu.vector_load_idx %arg17[%add3A_867, %broadcast_in_dim3A_997] : memref<128x64xf32, #tpu.memory_space<vmem>>[vector<16xi32>, vector<16xi32>], vector<16xf32>,
      %mul3A_999 = arith.mulf %gather3A, %gather3A_998 : vector<16xf32>
      %add3A_1000 = arith.addf %scan3A_991, %mul3A_999 : vector<16xf32>
      %gather3A_1001 = tpu.vector_load_idx %arg18[%add3A_867, %broadcast_in_dim3A_997] : memref<128x64xf32, #tpu.memory_space<vmem>>[vector<16xi32>, vector<16xi32>], vector<16xf32>,
      %mul3A_1002 = arith.mulf %gather3A, %gather3A_1001 : vector<16xf32>
      %add3A_1003 = arith.addf %scan3A_992, %mul3A_1002 : vector<16xf32>
      %gather3A_1004 = tpu.vector_load_idx %arg19[%add3A_867, %broadcast_in_dim3A_997] : memref<128x64xf32, #tpu.memory_space<vmem>>[vector<16xi32>, vector<16xi32>], vector<16xf32>,
      %mul3A_1005 = arith.mulf %gather3A, %gather3A_1004 : vector<16xf32>
      %add3A_1006 = arith.addf %scan3A_993, %mul3A_1005 : vector<16xf32>
      %gather3A_1007 = tpu.vector_load_idx %arg20[%add3A_867, %broadcast_in_dim3A_997] : memref<128x64xf32, #tpu.memory_space<vmem>>[vector<16xi32>, vector<16xi32>], vector<16xf32>,
      %mul3A_1008 = arith.mulf %gather3A, %gather3A_1007 : vector<16xf32>
      %add3A_1009 = arith.addf %scan3A_994, %mul3A_1008 : vector<16xf32>
      %gather3A_1010 = tpu.vector_load_idx %arg21[%add3A_867, %broadcast_in_dim3A_997] : memref<128x64xf32, #tpu.memory_space<vmem>>[vector<16xi32>, vector<16xi32>], vector<16xf32>,
      %mul3A_1011 = arith.mulf %gather3A, %gather3A_1010 : vector<16xf32>
      %add3A_1012 = arith.addf %scan3A_995, %mul3A_1011 : vector<16xf32>
      %gather3A_1013 = tpu.vector_load_idx %arg22[%add3A_867, %broadcast_in_dim3A_997] : memref<128x64xf32, #tpu.memory_space<vmem>>[vector<16xi32>, vector<16xi32>], vector<16xf32>,
      %mul3A_1014 = arith.mulf %gather3A, %gather3A_1013 : vector<16xf32>
      %add3A_1015 = arith.addf %scan3A_996, %mul3A_1014 : vector<16xf32>
      scf.yield %add3A_1000, %add3A_1003, %add3A_1006, %add3A_1009, %add3A_1012, %add3A_1015 : vector<16xf32>, vector<16xf32>, vector<16xf32>, vector<16xf32>, vector<16xf32>, vector<16xf32>
    }
    %scan3A_875 = arith.constant 64 : i32
    %swap3A_876 = arith.constant 48 : index
    %swap3A_877 = tpu.vector_load %arg23[%swap3A_876] {strides = array<i32>} : memref<128xf32, #tpu.memory_space<vmem>>, vector<16xf32>,
    tpu.vector_store %arg23[%swap3A_876], %scan3A_874#0 {strides = array<i32>} : memref<128xf32, #tpu.memory_space<vmem>>, vector<16xf32>,
    %swap3A_878 = arith.constant 48 : index
    %swap3A_879 = tpu.vector_load %arg24[%swap3A_878] {strides = array<i32>} : memref<128xf32, #tpu.memory_space<vmem>>, vector<16xf32>,
    tpu.vector_store %arg24[%swap3A_878], %scan3A_874#1 {strides = array<i32>} : memref<128xf32, #tpu.memory_space<vmem>>, vector<16xf32>,
    %swap3A_880 = arith.constant 48 : index
    %swap3A_881 = tpu.vector_load %arg25[%swap3A_880] {strides = array<i32>} : memref<128xf32, #tpu.memory_space<vmem>>, vector<16xf32>,
    tpu.vector_store %arg25[%swap3A_880], %scan3A_874#2 {strides = array<i32>} : memref<128xf32, #tpu.memory_space<vmem>>, vector<16xf32>,
    %swap3A_882 = arith.constant 48 : index
    %swap3A_883 = tpu.vector_load %arg26[%swap3A_882] {strides = array<i32>} : memref<128xf32, #tpu.memory_space<vmem>>, vector<16xf32>,
    tpu.vector_store %arg26[%swap3A_882], %scan3A_874#3 {strides = array<i32>} : memref<128xf32, #tpu.memory_space<vmem>>, vector<16xf32>,
    %swap3A_884 = arith.constant 48 : index
    %swap3A_885 = tpu.vector_load %arg27[%swap3A_884] {strides = array<i32>} : memref<128xf32, #tpu.memory_space<vmem>>, vector<16xf32>,
    tpu.vector_store %arg27[%swap3A_884], %scan3A_874#4 {strides = array<i32>} : memref<128xf32, #tpu.memory_space<vmem>>, vector<16xf32>,
    %swap3A_886 = arith.constant 48 : index
    %swap3A_887 = tpu.vector_load %arg28[%swap3A_886] {strides = array<i32>} : memref<128xf32, #tpu.memory_space<vmem>>, vector<16xf32>,
    tpu.vector_store %arg28[%swap3A_886], %scan3A_874#5 {strides = array<i32>} : memref<128xf32, #tpu.memory_space<vmem>>, vector<16xf32>,
    %add3A_888 = arith.constant 64 : i32
    %add3A_889 = vector.broadcast %add3A_888 : i32 to vector<16xi32>
    %add3A_890 = arith.addi %add3A_889, %iota3A : vector<16xi32>
    %broadcast_in_dim3A_891 = arith.constant 0.000000e+00 : f32
    %broadcast_in_dim3A_892 = vector.broadcast %broadcast_in_dim3A_891 : f32 to vector<16xf32>
    %scan3A_893 = arith.constant 0 : i32
    %scan3A_894 = arith.constant 64 : i32
    %scan3A_895 = arith.addi %scan3A_893, %scan3A_894 : i32
    %scan3A_896 = arith.constant 1 : i32
    %scan3A_897:6 = scf.for %scan3A_990 = %scan3A_893 to %scan3A_895 step %scan3A_896 iter_args(%scan3A_991 = %broadcast_in_dim3A_892, %scan3A_992 = %broadcast_in_dim3A_892, %scan3A_993 = %broadcast_in_dim3A_892, %scan3A_994 = %broadcast_in_dim3A_892, %scan3A_995 = %broadcast_in_dim3A_892, %scan3A_996 = %broadcast_in_dim3A_892) -> (vector<16xf32>, vector<16xf32>, vector<16xf32>, vector<16xf32>, vector<16xf32>, vector<16xf32>)  : i32 {
      %broadcast_in_dim3A_997 = vector.broadcast %scan3A_990 : i32 to vector<16xi32>
      %gather3A = tpu.vector_load_idx %arg16[%add3A_890, %broadcast_in_dim3A_997] : memref<128x64xf32, #tpu.memory_space<vmem>>[vector<16xi32>, vector<16xi32>], vector<16xf32>,
      %gather3A_998 = tpu.vector_load_idx %arg17[%add3A_890, %broadcast_in_dim3A_997] : memref<128x64xf32, #tpu.memory_space<vmem>>[vector<16xi32>, vector<16xi32>], vector<16xf32>,
      %mul3A_999 = arith.mulf %gather3A, %gather3A_998 : vector<16xf32>
      %add3A_1000 = arith.addf %scan3A_991, %mul3A_999 : vector<16xf32>
      %gather3A_1001 = tpu.vector_load_idx %arg18[%add3A_890, %broadcast_in_dim3A_997] : memref<128x64xf32, #tpu.memory_space<vmem>>[vector<16xi32>, vector<16xi32>], vector<16xf32>,
      %mul3A_1002 = arith.mulf %gather3A, %gather3A_1001 : vector<16xf32>
      %add3A_1003 = arith.addf %scan3A_992, %mul3A_1002 : vector<16xf32>
      %gather3A_1004 = tpu.vector_load_idx %arg19[%add3A_890, %broadcast_in_dim3A_997] : memref<128x64xf32, #tpu.memory_space<vmem>>[vector<16xi32>, vector<16xi32>], vector<16xf32>,
      %mul3A_1005 = arith.mulf %gather3A, %gather3A_1004 : vector<16xf32>
      %add3A_1006 = arith.addf %scan3A_993, %mul3A_1005 : vector<16xf32>
      %gather3A_1007 = tpu.vector_load_idx %arg20[%add3A_890, %broadcast_in_dim3A_997] : memref<128x64xf32, #tpu.memory_space<vmem>>[vector<16xi32>, vector<16xi32>], vector<16xf32>,
      %mul3A_1008 = arith.mulf %gather3A, %gather3A_1007 : vector<16xf32>
      %add3A_1009 = arith.addf %scan3A_994, %mul3A_1008 : vector<16xf32>
      %gather3A_1010 = tpu.vector_load_idx %arg21[%add3A_890, %broadcast_in_dim3A_997] : memref<128x64xf32, #tpu.memory_space<vmem>>[vector<16xi32>, vector<16xi32>], vector<16xf32>,
      %mul3A_1011 = arith.mulf %gather3A, %gather3A_1010 : vector<16xf32>
      %add3A_1012 = arith.addf %scan3A_995, %mul3A_1011 : vector<16xf32>
      %gather3A_1013 = tpu.vector_load_idx %arg22[%add3A_890, %broadcast_in_dim3A_997] : memref<128x64xf32, #tpu.memory_space<vmem>>[vector<16xi32>, vector<16xi32>], vector<16xf32>,
      %mul3A_1014 = arith.mulf %gather3A, %gather3A_1013 : vector<16xf32>
      %add3A_1015 = arith.addf %scan3A_996, %mul3A_1014 : vector<16xf32>
      scf.yield %add3A_1000, %add3A_1003, %add3A_1006, %add3A_1009, %add3A_1012, %add3A_1015 : vector<16xf32>, vector<16xf32>, vector<16xf32>, vector<16xf32>, vector<16xf32>, vector<16xf32>
    }
    %scan3A_898 = arith.constant 64 : i32
    %swap3A_899 = arith.constant 64 : index
    %swap3A_900 = tpu.vector_load %arg23[%swap3A_899] {strides = array<i32>} : memref<128xf32, #tpu.memory_space<vmem>>, vector<16xf32>,
    tpu.vector_store %arg23[%swap3A_899], %scan3A_897#0 {strides = array<i32>} : memref<128xf32, #tpu.memory_space<vmem>>, vector<16xf32>,
    %swap3A_901 = arith.constant 64 : index
    %swap3A_902 = tpu.vector_load %arg24[%swap3A_901] {strides = array<i32>} : memref<128xf32, #tpu.memory_space<vmem>>, vector<16xf32>,
    tpu.vector_store %arg24[%swap3A_901], %scan3A_897#1 {strides = array<i32>} : memref<128xf32, #tpu.memory_space<vmem>>, vector<16xf32>,
    %swap3A_903 = arith.constant 64 : index
    %swap3A_904 = tpu.vector_load %arg25[%swap3A_903] {strides = array<i32>} : memref<128xf32, #tpu.memory_space<vmem>>, vector<16xf32>,
    tpu.vector_store %arg25[%swap3A_903], %scan3A_897#2 {strides = array<i32>} : memref<128xf32, #tpu.memory_space<vmem>>, vector<16xf32>,
    %swap3A_905 = arith.constant 64 : index
    %swap3A_906 = tpu.vector_load %arg26[%swap3A_905] {strides = array<i32>} : memref<128xf32, #tpu.memory_space<vmem>>, vector<16xf32>,
    tpu.vector_store %arg26[%swap3A_905], %scan3A_897#3 {strides = array<i32>} : memref<128xf32, #tpu.memory_space<vmem>>, vector<16xf32>,
    %swap3A_907 = arith.constant 64 : index
    %swap3A_908 = tpu.vector_load %arg27[%swap3A_907] {strides = array<i32>} : memref<128xf32, #tpu.memory_space<vmem>>, vector<16xf32>,
    tpu.vector_store %arg27[%swap3A_907], %scan3A_897#4 {strides = array<i32>} : memref<128xf32, #tpu.memory_space<vmem>>, vector<16xf32>,
    %swap3A_909 = arith.constant 64 : index
    %swap3A_910 = tpu.vector_load %arg28[%swap3A_909] {strides = array<i32>} : memref<128xf32, #tpu.memory_space<vmem>>, vector<16xf32>,
    tpu.vector_store %arg28[%swap3A_909], %scan3A_897#5 {strides = array<i32>} : memref<128xf32, #tpu.memory_space<vmem>>, vector<16xf32>,
    %add3A_911 = arith.constant 80 : i32
    %add3A_912 = vector.broadcast %add3A_911 : i32 to vector<16xi32>
    %add3A_913 = arith.addi %add3A_912, %iota3A : vector<16xi32>
    %broadcast_in_dim3A_914 = arith.constant 0.000000e+00 : f32
    %broadcast_in_dim3A_915 = vector.broadcast %broadcast_in_dim3A_914 : f32 to vector<16xf32>
    %scan3A_916 = arith.constant 0 : i32
    %scan3A_917 = arith.constant 64 : i32
    %scan3A_918 = arith.addi %scan3A_916, %scan3A_917 : i32
    %scan3A_919 = arith.constant 1 : i32
    %scan3A_920:6 = scf.for %scan3A_990 = %scan3A_916 to %scan3A_918 step %scan3A_919 iter_args(%scan3A_991 = %broadcast_in_dim3A_915, %scan3A_992 = %broadcast_in_dim3A_915, %scan3A_993 = %broadcast_in_dim3A_915, %scan3A_994 = %broadcast_in_dim3A_915, %scan3A_995 = %broadcast_in_dim3A_915, %scan3A_996 = %broadcast_in_dim3A_915) -> (vector<16xf32>, vector<16xf32>, vector<16xf32>, vector<16xf32>, vector<16xf32>, vector<16xf32>)  : i32 {
      %broadcast_in_dim3A_997 = vector.broadcast %scan3A_990 : i32 to vector<16xi32>
      %gather3A = tpu.vector_load_idx %arg16[%add3A_913, %broadcast_in_dim3A_997] : memref<128x64xf32, #tpu.memory_space<vmem>>[vector<16xi32>, vector<16xi32>], vector<16xf32>,
      %gather3A_998 = tpu.vector_load_idx %arg17[%add3A_913, %broadcast_in_dim3A_997] : memref<128x64xf32, #tpu.memory_space<vmem>>[vector<16xi32>, vector<16xi32>], vector<16xf32>,
      %mul3A_999 = arith.mulf %gather3A, %gather3A_998 : vector<16xf32>
      %add3A_1000 = arith.addf %scan3A_991, %mul3A_999 : vector<16xf32>
      %gather3A_1001 = tpu.vector_load_idx %arg18[%add3A_913, %broadcast_in_dim3A_997] : memref<128x64xf32, #tpu.memory_space<vmem>>[vector<16xi32>, vector<16xi32>], vector<16xf32>,
      %mul3A_1002 = arith.mulf %gather3A, %gather3A_1001 : vector<16xf32>
      %add3A_1003 = arith.addf %scan3A_992, %mul3A_1002 : vector<16xf32>
      %gather3A_1004 = tpu.vector_load_idx %arg19[%add3A_913, %broadcast_in_dim3A_997] : memref<128x64xf32, #tpu.memory_space<vmem>>[vector<16xi32>, vector<16xi32>], vector<16xf32>,
      %mul3A_1005 = arith.mulf %gather3A, %gather3A_1004 : vector<16xf32>
      %add3A_1006 = arith.addf %scan3A_993, %mul3A_1005 : vector<16xf32>
      %gather3A_1007 = tpu.vector_load_idx %arg20[%add3A_913, %broadcast_in_dim3A_997] : memref<128x64xf32, #tpu.memory_space<vmem>>[vector<16xi32>, vector<16xi32>], vector<16xf32>,
      %mul3A_1008 = arith.mulf %gather3A, %gather3A_1007 : vector<16xf32>
      %add3A_1009 = arith.addf %scan3A_994, %mul3A_1008 : vector<16xf32>
      %gather3A_1010 = tpu.vector_load_idx %arg21[%add3A_913, %broadcast_in_dim3A_997] : memref<128x64xf32, #tpu.memory_space<vmem>>[vector<16xi32>, vector<16xi32>], vector<16xf32>,
      %mul3A_1011 = arith.mulf %gather3A, %gather3A_1010 : vector<16xf32>
      %add3A_1012 = arith.addf %scan3A_995, %mul3A_1011 : vector<16xf32>
      %gather3A_1013 = tpu.vector_load_idx %arg22[%add3A_913, %broadcast_in_dim3A_997] : memref<128x64xf32, #tpu.memory_space<vmem>>[vector<16xi32>, vector<16xi32>], vector<16xf32>,
      %mul3A_1014 = arith.mulf %gather3A, %gather3A_1013 : vector<16xf32>
      %add3A_1015 = arith.addf %scan3A_996, %mul3A_1014 : vector<16xf32>
      scf.yield %add3A_1000, %add3A_1003, %add3A_1006, %add3A_1009, %add3A_1012, %add3A_1015 : vector<16xf32>, vector<16xf32>, vector<16xf32>, vector<16xf32>, vector<16xf32>, vector<16xf32>
    }
    %scan3A_921 = arith.constant 64 : i32
    %swap3A_922 = arith.constant 80 : index
    %swap3A_923 = tpu.vector_load %arg23[%swap3A_922] {strides = array<i32>} : memref<128xf32, #tpu.memory_space<vmem>>, vector<16xf32>,
    tpu.vector_store %arg23[%swap3A_922], %scan3A_920#0 {strides = array<i32>} : memref<128xf32, #tpu.memory_space<vmem>>, vector<16xf32>,
    %swap3A_924 = arith.constant 80 : index
    %swap3A_925 = tpu.vector_load %arg24[%swap3A_924] {strides = array<i32>} : memref<128xf32, #tpu.memory_space<vmem>>, vector<16xf32>,
    tpu.vector_store %arg24[%swap3A_924], %scan3A_920#1 {strides = array<i32>} : memref<128xf32, #tpu.memory_space<vmem>>, vector<16xf32>,
    %swap3A_926 = arith.constant 80 : index
    %swap3A_927 = tpu.vector_load %arg25[%swap3A_926] {strides = array<i32>} : memref<128xf32, #tpu.memory_space<vmem>>, vector<16xf32>,
    tpu.vector_store %arg25[%swap3A_926], %scan3A_920#2 {strides = array<i32>} : memref<128xf32, #tpu.memory_space<vmem>>, vector<16xf32>,
    %swap3A_928 = arith.constant 80 : index
    %swap3A_929 = tpu.vector_load %arg26[%swap3A_928] {strides = array<i32>} : memref<128xf32, #tpu.memory_space<vmem>>, vector<16xf32>,
    tpu.vector_store %arg26[%swap3A_928], %scan3A_920#3 {strides = array<i32>} : memref<128xf32, #tpu.memory_space<vmem>>, vector<16xf32>,
    %swap3A_930 = arith.constant 80 : index
    %swap3A_931 = tpu.vector_load %arg27[%swap3A_930] {strides = array<i32>} : memref<128xf32, #tpu.memory_space<vmem>>, vector<16xf32>,
    tpu.vector_store %arg27[%swap3A_930], %scan3A_920#4 {strides = array<i32>} : memref<128xf32, #tpu.memory_space<vmem>>, vector<16xf32>,
    %swap3A_932 = arith.constant 80 : index
    %swap3A_933 = tpu.vector_load %arg28[%swap3A_932] {strides = array<i32>} : memref<128xf32, #tpu.memory_space<vmem>>, vector<16xf32>,
    tpu.vector_store %arg28[%swap3A_932], %scan3A_920#5 {strides = array<i32>} : memref<128xf32, #tpu.memory_space<vmem>>, vector<16xf32>,
    %add3A_934 = arith.constant 96 : i32
    %add3A_935 = vector.broadcast %add3A_934 : i32 to vector<16xi32>
    %add3A_936 = arith.addi %add3A_935, %iota3A : vector<16xi32>
    %broadcast_in_dim3A_937 = arith.constant 0.000000e+00 : f32
    %broadcast_in_dim3A_938 = vector.broadcast %broadcast_in_dim3A_937 : f32 to vector<16xf32>
    %scan3A_939 = arith.constant 0 : i32
    %scan3A_940 = arith.constant 64 : i32
    %scan3A_941 = arith.addi %scan3A_939, %scan3A_940 : i32
    %scan3A_942 = arith.constant 1 : i32
    %scan3A_943:6 = scf.for %scan3A_990 = %scan3A_939 to %scan3A_941 step %scan3A_942 iter_args(%scan3A_991 = %broadcast_in_dim3A_938, %scan3A_992 = %broadcast_in_dim3A_938, %scan3A_993 = %broadcast_in_dim3A_938, %scan3A_994 = %broadcast_in_dim3A_938, %scan3A_995 = %broadcast_in_dim3A_938, %scan3A_996 = %broadcast_in_dim3A_938) -> (vector<16xf32>, vector<16xf32>, vector<16xf32>, vector<16xf32>, vector<16xf32>, vector<16xf32>)  : i32 {
      %broadcast_in_dim3A_997 = vector.broadcast %scan3A_990 : i32 to vector<16xi32>
      %gather3A = tpu.vector_load_idx %arg16[%add3A_936, %broadcast_in_dim3A_997] : memref<128x64xf32, #tpu.memory_space<vmem>>[vector<16xi32>, vector<16xi32>], vector<16xf32>,
      %gather3A_998 = tpu.vector_load_idx %arg17[%add3A_936, %broadcast_in_dim3A_997] : memref<128x64xf32, #tpu.memory_space<vmem>>[vector<16xi32>, vector<16xi32>], vector<16xf32>,
      %mul3A_999 = arith.mulf %gather3A, %gather3A_998 : vector<16xf32>
      %add3A_1000 = arith.addf %scan3A_991, %mul3A_999 : vector<16xf32>
      %gather3A_1001 = tpu.vector_load_idx %arg18[%add3A_936, %broadcast_in_dim3A_997] : memref<128x64xf32, #tpu.memory_space<vmem>>[vector<16xi32>, vector<16xi32>], vector<16xf32>,
      %mul3A_1002 = arith.mulf %gather3A, %gather3A_1001 : vector<16xf32>
      %add3A_1003 = arith.addf %scan3A_992, %mul3A_1002 : vector<16xf32>
      %gather3A_1004 = tpu.vector_load_idx %arg19[%add3A_936, %broadcast_in_dim3A_997] : memref<128x64xf32, #tpu.memory_space<vmem>>[vector<16xi32>, vector<16xi32>], vector<16xf32>,
      %mul3A_1005 = arith.mulf %gather3A, %gather3A_1004 : vector<16xf32>
      %add3A_1006 = arith.addf %scan3A_993, %mul3A_1005 : vector<16xf32>
      %gather3A_1007 = tpu.vector_load_idx %arg20[%add3A_936, %broadcast_in_dim3A_997] : memref<128x64xf32, #tpu.memory_space<vmem>>[vector<16xi32>, vector<16xi32>], vector<16xf32>,
      %mul3A_1008 = arith.mulf %gather3A, %gather3A_1007 : vector<16xf32>
      %add3A_1009 = arith.addf %scan3A_994, %mul3A_1008 : vector<16xf32>
      %gather3A_1010 = tpu.vector_load_idx %arg21[%add3A_936, %broadcast_in_dim3A_997] : memref<128x64xf32, #tpu.memory_space<vmem>>[vector<16xi32>, vector<16xi32>], vector<16xf32>,
      %mul3A_1011 = arith.mulf %gather3A, %gather3A_1010 : vector<16xf32>
      %add3A_1012 = arith.addf %scan3A_995, %mul3A_1011 : vector<16xf32>
      %gather3A_1013 = tpu.vector_load_idx %arg22[%add3A_936, %broadcast_in_dim3A_997] : memref<128x64xf32, #tpu.memory_space<vmem>>[vector<16xi32>, vector<16xi32>], vector<16xf32>,
      %mul3A_1014 = arith.mulf %gather3A, %gather3A_1013 : vector<16xf32>
      %add3A_1015 = arith.addf %scan3A_996, %mul3A_1014 : vector<16xf32>
      scf.yield %add3A_1000, %add3A_1003, %add3A_1006, %add3A_1009, %add3A_1012, %add3A_1015 : vector<16xf32>, vector<16xf32>, vector<16xf32>, vector<16xf32>, vector<16xf32>, vector<16xf32>
    }
    %scan3A_944 = arith.constant 64 : i32
    %swap3A_945 = arith.constant 96 : index
    %swap3A_946 = tpu.vector_load %arg23[%swap3A_945] {strides = array<i32>} : memref<128xf32, #tpu.memory_space<vmem>>, vector<16xf32>,
    tpu.vector_store %arg23[%swap3A_945], %scan3A_943#0 {strides = array<i32>} : memref<128xf32, #tpu.memory_space<vmem>>, vector<16xf32>,
    %swap3A_947 = arith.constant 96 : index
    %swap3A_948 = tpu.vector_load %arg24[%swap3A_947] {strides = array<i32>} : memref<128xf32, #tpu.memory_space<vmem>>, vector<16xf32>,
    tpu.vector_store %arg24[%swap3A_947], %scan3A_943#1 {strides = array<i32>} : memref<128xf32, #tpu.memory_space<vmem>>, vector<16xf32>,
    %swap3A_949 = arith.constant 96 : index
    %swap3A_950 = tpu.vector_load %arg25[%swap3A_949] {strides = array<i32>} : memref<128xf32, #tpu.memory_space<vmem>>, vector<16xf32>,
    tpu.vector_store %arg25[%swap3A_949], %scan3A_943#2 {strides = array<i32>} : memref<128xf32, #tpu.memory_space<vmem>>, vector<16xf32>,
    %swap3A_951 = arith.constant 96 : index
    %swap3A_952 = tpu.vector_load %arg26[%swap3A_951] {strides = array<i32>} : memref<128xf32, #tpu.memory_space<vmem>>, vector<16xf32>,
    tpu.vector_store %arg26[%swap3A_951], %scan3A_943#3 {strides = array<i32>} : memref<128xf32, #tpu.memory_space<vmem>>, vector<16xf32>,
    %swap3A_953 = arith.constant 96 : index
    %swap3A_954 = tpu.vector_load %arg27[%swap3A_953] {strides = array<i32>} : memref<128xf32, #tpu.memory_space<vmem>>, vector<16xf32>,
    tpu.vector_store %arg27[%swap3A_953], %scan3A_943#4 {strides = array<i32>} : memref<128xf32, #tpu.memory_space<vmem>>, vector<16xf32>,
    %swap3A_955 = arith.constant 96 : index
    %swap3A_956 = tpu.vector_load %arg28[%swap3A_955] {strides = array<i32>} : memref<128xf32, #tpu.memory_space<vmem>>, vector<16xf32>,
    tpu.vector_store %arg28[%swap3A_955], %scan3A_943#5 {strides = array<i32>} : memref<128xf32, #tpu.memory_space<vmem>>, vector<16xf32>,
    %add3A_957 = arith.constant 112 : i32
    %add3A_958 = vector.broadcast %add3A_957 : i32 to vector<16xi32>
    %add3A_959 = arith.addi %add3A_958, %iota3A : vector<16xi32>
    %broadcast_in_dim3A_960 = arith.constant 0.000000e+00 : f32
    %broadcast_in_dim3A_961 = vector.broadcast %broadcast_in_dim3A_960 : f32 to vector<16xf32>
    %scan3A_962 = arith.constant 0 : i32
    %scan3A_963 = arith.constant 64 : i32
    %scan3A_964 = arith.addi %scan3A_962, %scan3A_963 : i32
    %scan3A_965 = arith.constant 1 : i32
    %scan3A_966:6 = scf.for %scan3A_990 = %scan3A_962 to %scan3A_964 step %scan3A_965 iter_args(%scan3A_991 = %broadcast_in_dim3A_961, %scan3A_992 = %broadcast_in_dim3A_961, %scan3A_993 = %broadcast_in_dim3A_961, %scan3A_994 = %broadcast_in_dim3A_961, %scan3A_995 = %broadcast_in_dim3A_961, %scan3A_996 = %broadcast_in_dim3A_961) -> (vector<16xf32>, vector<16xf32>, vector<16xf32>, vector<16xf32>, vector<16xf32>, vector<16xf32>)  : i32 {
      %broadcast_in_dim3A_997 = vector.broadcast %scan3A_990 : i32 to vector<16xi32>
      %gather3A = tpu.vector_load_idx %arg16[%add3A_959, %broadcast_in_dim3A_997] : memref<128x64xf32, #tpu.memory_space<vmem>>[vector<16xi32>, vector<16xi32>], vector<16xf32>,
      %gather3A_998 = tpu.vector_load_idx %arg17[%add3A_959, %broadcast_in_dim3A_997] : memref<128x64xf32, #tpu.memory_space<vmem>>[vector<16xi32>, vector<16xi32>], vector<16xf32>,
      %mul3A_999 = arith.mulf %gather3A, %gather3A_998 : vector<16xf32>
      %add3A_1000 = arith.addf %scan3A_991, %mul3A_999 : vector<16xf32>
      %gather3A_1001 = tpu.vector_load_idx %arg18[%add3A_959, %broadcast_in_dim3A_997] : memref<128x64xf32, #tpu.memory_space<vmem>>[vector<16xi32>, vector<16xi32>], vector<16xf32>,
      %mul3A_1002 = arith.mulf %gather3A, %gather3A_1001 : vector<16xf32>
      %add3A_1003 = arith.addf %scan3A_992, %mul3A_1002 : vector<16xf32>
      %gather3A_1004 = tpu.vector_load_idx %arg19[%add3A_959, %broadcast_in_dim3A_997] : memref<128x64xf32, #tpu.memory_space<vmem>>[vector<16xi32>, vector<16xi32>], vector<16xf32>,
      %mul3A_1005 = arith.mulf %gather3A, %gather3A_1004 : vector<16xf32>
      %add3A_1006 = arith.addf %scan3A_993, %mul3A_1005 : vector<16xf32>
      %gather3A_1007 = tpu.vector_load_idx %arg20[%add3A_959, %broadcast_in_dim3A_997] : memref<128x64xf32, #tpu.memory_space<vmem>>[vector<16xi32>, vector<16xi32>], vector<16xf32>,
      %mul3A_1008 = arith.mulf %gather3A, %gather3A_1007 : vector<16xf32>
      %add3A_1009 = arith.addf %scan3A_994, %mul3A_1008 : vector<16xf32>
      %gather3A_1010 = tpu.vector_load_idx %arg21[%add3A_959, %broadcast_in_dim3A_997] : memref<128x64xf32, #tpu.memory_space<vmem>>[vector<16xi32>, vector<16xi32>], vector<16xf32>,
      %mul3A_1011 = arith.mulf %gather3A, %gather3A_1010 : vector<16xf32>
      %add3A_1012 = arith.addf %scan3A_995, %mul3A_1011 : vector<16xf32>
      %gather3A_1013 = tpu.vector_load_idx %arg22[%add3A_959, %broadcast_in_dim3A_997] : memref<128x64xf32, #tpu.memory_space<vmem>>[vector<16xi32>, vector<16xi32>], vector<16xf32>,
      %mul3A_1014 = arith.mulf %gather3A, %gather3A_1013 : vector<16xf32>
      %add3A_1015 = arith.addf %scan3A_996, %mul3A_1014 : vector<16xf32>
      scf.yield %add3A_1000, %add3A_1003, %add3A_1006, %add3A_1009, %add3A_1012, %add3A_1015 : vector<16xf32>, vector<16xf32>, vector<16xf32>, vector<16xf32>, vector<16xf32>, vector<16xf32>
    }
    %scan3A_967 = arith.constant 64 : i32
    %swap3A_968 = arith.constant 112 : index
    %swap3A_969 = tpu.vector_load %arg23[%swap3A_968] {strides = array<i32>} : memref<128xf32, #tpu.memory_space<vmem>>, vector<16xf32>,
    tpu.vector_store %arg23[%swap3A_968], %scan3A_966#0 {strides = array<i32>} : memref<128xf32, #tpu.memory_space<vmem>>, vector<16xf32>,
    %swap3A_970 = arith.constant 112 : index
    %swap3A_971 = tpu.vector_load %arg24[%swap3A_970] {strides = array<i32>} : memref<128xf32, #tpu.memory_space<vmem>>, vector<16xf32>,
    tpu.vector_store %arg24[%swap3A_970], %scan3A_966#1 {strides = array<i32>} : memref<128xf32, #tpu.memory_space<vmem>>, vector<16xf32>,
    %swap3A_972 = arith.constant 112 : index
    %swap3A_973 = tpu.vector_load %arg25[%swap3A_972] {strides = array<i32>} : memref<128xf32, #tpu.memory_space<vmem>>, vector<16xf32>,
    tpu.vector_store %arg25[%swap3A_972], %scan3A_966#2 {strides = array<i32>} : memref<128xf32, #tpu.memory_space<vmem>>, vector<16xf32>,
    %swap3A_974 = arith.constant 112 : index
    %swap3A_975 = tpu.vector_load %arg26[%swap3A_974] {strides = array<i32>} : memref<128xf32, #tpu.memory_space<vmem>>, vector<16xf32>,
    tpu.vector_store %arg26[%swap3A_974], %scan3A_966#3 {strides = array<i32>} : memref<128xf32, #tpu.memory_space<vmem>>, vector<16xf32>,
    %swap3A_976 = arith.constant 112 : index
    %swap3A_977 = tpu.vector_load %arg27[%swap3A_976] {strides = array<i32>} : memref<128xf32, #tpu.memory_space<vmem>>, vector<16xf32>,
    tpu.vector_store %arg27[%swap3A_976], %scan3A_966#4 {strides = array<i32>} : memref<128xf32, #tpu.memory_space<vmem>>, vector<16xf32>,
    %swap3A_978 = arith.constant 112 : index
    %swap3A_979 = tpu.vector_load %arg28[%swap3A_978] {strides = array<i32>} : memref<128xf32, #tpu.memory_space<vmem>>, vector<16xf32>,
    tpu.vector_store %arg28[%swap3A_978], %scan3A_966#5 {strides = array<i32>} : memref<128xf32, #tpu.memory_space<vmem>>, vector<16xf32>,
    "tpu.region"() ({
      %run_scoped3A = tpu.sem_alloc : memref<!tpu.dma_semaphore, #tpu.memory_space<semaphore_mem>>
      %dma_start3A_990 = tpu.memref_slice %arg7[%add3A_743] : memref<16384xf32, #tpu.memory_space<hbm>> -> memref<128xf32, #tpu.memory_space<hbm>>
      %dma_start3A_991 = tpu.memref_slice %arg7[%add3A_743] : memref<16384xf32, #tpu.memory_space<hbm>> -> memref<128xf32, #tpu.memory_space<hbm>>
      tpu.enqueue_dma source(%arg23 : memref<128xf32, #tpu.memory_space<vmem>>) target(%dma_start3A_991 : memref<128xf32, #tpu.memory_space<hbm>>) target_semaphore(%run_scoped3A : memref<!tpu.dma_semaphore, #tpu.memory_space<semaphore_mem>>)
      %dma_wait3A_992 = tpu.memref_slice %arg7[%add3A_743] : memref<16384xf32, #tpu.memory_space<hbm>> -> memref<128xf32, #tpu.memory_space<hbm>>
      %dma_wait3A_993 = tpu.memref_slice %arg7[%add3A_743] : memref<16384xf32, #tpu.memory_space<hbm>> -> memref<128xf32, #tpu.memory_space<hbm>>
      tpu.wait_dma2 semaphore(%run_scoped3A : memref<!tpu.dma_semaphore, #tpu.memory_space<semaphore_mem>>) src(%arg23 : memref<128xf32, #tpu.memory_space<vmem>>) dst(%dma_wait3A_993 : memref<128xf32, #tpu.memory_space<hbm>>)
      tpu.yield
    }) : () -> ()
    %add3A_980 = arith.constant 0 : i32
    %add3A_981 = arith.addi %add3A_980, %add3A_743 : i32
    "tpu.region"() ({
      %run_scoped3A = tpu.sem_alloc : memref<!tpu.dma_semaphore, #tpu.memory_space<semaphore_mem>>
      %dma_start3A_990 = tpu.memref_slice %arg8[%add3A_981] : memref<81920xf32, #tpu.memory_space<hbm>> -> memref<128xf32, #tpu.memory_space<hbm>>
      %dma_start3A_991 = tpu.memref_slice %arg8[%add3A_981] : memref<81920xf32, #tpu.memory_space<hbm>> -> memref<128xf32, #tpu.memory_space<hbm>>
      tpu.enqueue_dma source(%arg24 : memref<128xf32, #tpu.memory_space<vmem>>) target(%dma_start3A_991 : memref<128xf32, #tpu.memory_space<hbm>>) target_semaphore(%run_scoped3A : memref<!tpu.dma_semaphore, #tpu.memory_space<semaphore_mem>>)
      %dma_wait3A_992 = tpu.memref_slice %arg8[%add3A_981] : memref<81920xf32, #tpu.memory_space<hbm>> -> memref<128xf32, #tpu.memory_space<hbm>>
      %dma_wait3A_993 = tpu.memref_slice %arg8[%add3A_981] : memref<81920xf32, #tpu.memory_space<hbm>> -> memref<128xf32, #tpu.memory_space<hbm>>
      tpu.wait_dma2 semaphore(%run_scoped3A : memref<!tpu.dma_semaphore, #tpu.memory_space<semaphore_mem>>) src(%arg24 : memref<128xf32, #tpu.memory_space<vmem>>) dst(%dma_wait3A_993 : memref<128xf32, #tpu.memory_space<hbm>>)
      tpu.yield
    }) : () -> ()
    %add3A_982 = arith.constant 16384 : i32
    %add3A_983 = arith.addi %add3A_982, %add3A_743 : i32
    "tpu.region"() ({
      %run_scoped3A = tpu.sem_alloc : memref<!tpu.dma_semaphore, #tpu.memory_space<semaphore_mem>>
      %dma_start3A_990 = tpu.memref_slice %arg8[%add3A_983] : memref<81920xf32, #tpu.memory_space<hbm>> -> memref<128xf32, #tpu.memory_space<hbm>>
      %dma_start3A_991 = tpu.memref_slice %arg8[%add3A_983] : memref<81920xf32, #tpu.memory_space<hbm>> -> memref<128xf32, #tpu.memory_space<hbm>>
      tpu.enqueue_dma source(%arg25 : memref<128xf32, #tpu.memory_space<vmem>>) target(%dma_start3A_991 : memref<128xf32, #tpu.memory_space<hbm>>) target_semaphore(%run_scoped3A : memref<!tpu.dma_semaphore, #tpu.memory_space<semaphore_mem>>)
      %dma_wait3A_992 = tpu.memref_slice %arg8[%add3A_983] : memref<81920xf32, #tpu.memory_space<hbm>> -> memref<128xf32, #tpu.memory_space<hbm>>
      %dma_wait3A_993 = tpu.memref_slice %arg8[%add3A_983] : memref<81920xf32, #tpu.memory_space<hbm>> -> memref<128xf32, #tpu.memory_space<hbm>>
      tpu.wait_dma2 semaphore(%run_scoped3A : memref<!tpu.dma_semaphore, #tpu.memory_space<semaphore_mem>>) src(%arg25 : memref<128xf32, #tpu.memory_space<vmem>>) dst(%dma_wait3A_993 : memref<128xf32, #tpu.memory_space<hbm>>)
      tpu.yield
    }) : () -> ()
    %add3A_984 = arith.constant 32768 : i32
    %add3A_985 = arith.addi %add3A_984, %add3A_743 : i32
    "tpu.region"() ({
      %run_scoped3A = tpu.sem_alloc : memref<!tpu.dma_semaphore, #tpu.memory_space<semaphore_mem>>
      %dma_start3A_990 = tpu.memref_slice %arg8[%add3A_985] : memref<81920xf32, #tpu.memory_space<hbm>> -> memref<128xf32, #tpu.memory_space<hbm>>
      %dma_start3A_991 = tpu.memref_slice %arg8[%add3A_985] : memref<81920xf32, #tpu.memory_space<hbm>> -> memref<128xf32, #tpu.memory_space<hbm>>
      tpu.enqueue_dma source(%arg26 : memref<128xf32, #tpu.memory_space<vmem>>) target(%dma_start3A_991 : memref<128xf32, #tpu.memory_space<hbm>>) target_semaphore(%run_scoped3A : memref<!tpu.dma_semaphore, #tpu.memory_space<semaphore_mem>>)
      %dma_wait3A_992 = tpu.memref_slice %arg8[%add3A_985] : memref<81920xf32, #tpu.memory_space<hbm>> -> memref<128xf32, #tpu.memory_space<hbm>>
      %dma_wait3A_993 = tpu.memref_slice %arg8[%add3A_985] : memref<81920xf32, #tpu.memory_space<hbm>> -> memref<128xf32, #tpu.memory_space<hbm>>
      tpu.wait_dma2 semaphore(%run_scoped3A : memref<!tpu.dma_semaphore, #tpu.memory_space<semaphore_mem>>) src(%arg26 : memref<128xf32, #tpu.memory_space<vmem>>) dst(%dma_wait3A_993 : memref<128xf32, #tpu.memory_space<hbm>>)
      tpu.yield
    }) : () -> ()
    %add3A_986 = arith.constant 49152 : i32
    %add3A_987 = arith.addi %add3A_986, %add3A_743 : i32
    "tpu.region"() ({
      %run_scoped3A = tpu.sem_alloc : memref<!tpu.dma_semaphore, #tpu.memory_space<semaphore_mem>>
      %dma_start3A_990 = tpu.memref_slice %arg8[%add3A_987] : memref<81920xf32, #tpu.memory_space<hbm>> -> memref<128xf32, #tpu.memory_space<hbm>>
      %dma_start3A_991 = tpu.memref_slice %arg8[%add3A_987] : memref<81920xf32, #tpu.memory_space<hbm>> -> memref<128xf32, #tpu.memory_space<hbm>>
      tpu.enqueue_dma source(%arg27 : memref<128xf32, #tpu.memory_space<vmem>>) target(%dma_start3A_991 : memref<128xf32, #tpu.memory_space<hbm>>) target_semaphore(%run_scoped3A : memref<!tpu.dma_semaphore, #tpu.memory_space<semaphore_mem>>)
      %dma_wait3A_992 = tpu.memref_slice %arg8[%add3A_987] : memref<81920xf32, #tpu.memory_space<hbm>> -> memref<128xf32, #tpu.memory_space<hbm>>
      %dma_wait3A_993 = tpu.memref_slice %arg8[%add3A_987] : memref<81920xf32, #tpu.memory_space<hbm>> -> memref<128xf32, #tpu.memory_space<hbm>>
      tpu.wait_dma2 semaphore(%run_scoped3A : memref<!tpu.dma_semaphore, #tpu.memory_space<semaphore_mem>>) src(%arg27 : memref<128xf32, #tpu.memory_space<vmem>>) dst(%dma_wait3A_993 : memref<128xf32, #tpu.memory_space<hbm>>)
      tpu.yield
    }) : () -> ()
    %add3A_988 = arith.constant 65536 : i32
    %add3A_989 = arith.addi %add3A_988, %add3A_743 : i32
    "tpu.region"() ({
      %run_scoped3A = tpu.sem_alloc : memref<!tpu.dma_semaphore, #tpu.memory_space<semaphore_mem>>
      %dma_start3A_990 = tpu.memref_slice %arg8[%add3A_989] : memref<81920xf32, #tpu.memory_space<hbm>> -> memref<128xf32, #tpu.memory_space<hbm>>
      %dma_start3A_991 = tpu.memref_slice %arg8[%add3A_989] : memref<81920xf32, #tpu.memory_space<hbm>> -> memref<128xf32, #tpu.memory_space<hbm>>
      tpu.enqueue_dma source(%arg28 : memref<128xf32, #tpu.memory_space<vmem>>) target(%dma_start3A_991 : memref<128xf32, #tpu.memory_space<hbm>>) target_semaphore(%run_scoped3A : memref<!tpu.dma_semaphore, #tpu.memory_space<semaphore_mem>>)
      %dma_wait3A_992 = tpu.memref_slice %arg8[%add3A_989] : memref<81920xf32, #tpu.memory_space<hbm>> -> memref<128xf32, #tpu.memory_space<hbm>>
      %dma_wait3A_993 = tpu.memref_slice %arg8[%add3A_989] : memref<81920xf32, #tpu.memory_space<hbm>> -> memref<128xf32, #tpu.memory_space<hbm>>
      tpu.wait_dma2 semaphore(%run_scoped3A : memref<!tpu.dma_semaphore, #tpu.memory_space<semaphore_mem>>) src(%arg28 : memref<128xf32, #tpu.memory_space<vmem>>) dst(%dma_wait3A_993 : memref<128xf32, #tpu.memory_space<hbm>>)
      tpu.yield
    }) : () -> ()
    return
  }
}

module attributes {stable_mosaic.version = 14 : i64} {
  func.func @_loss_body(%arg0: memref<128x128xf32, #tpu.memory_space<vmem>>, %arg1: memref<640x128xf32, #tpu.memory_space<vmem>>, %arg2: memref<1x1xf32, #tpu.memory_space<smem>>) attributes {dimension_semantics = [], scalar_prefetch = 0 : i64, scratch_operands = 0 : i64, tpu.core_type = #tpu.core_type<tc>} {
    %get3A = arith.constant 0 : index
    %get3A_0 = arith.constant 0 : index
    %get3A_1 = vector.load %arg0[%get3A, %get3A_0] : memref<128x128xf32, #tpu.memory_space<vmem>>, vector<128x128xf32>
    %min3A = arith.constant 0.000000e+00 : f32
    %min3A_2 = vector.broadcast %min3A : f32 to vector<128x128xf32>
    %min3A_3 = arith.minimumf %get3A_1, %min3A_2 : vector<128x128xf32>
    %abs3A = math.absf %get3A_1 : vector<128x128xf32>
    %neg3A = arith.constant 0.000000e+00 : f32
    %neg3A_4 = vector.broadcast %neg3A : f32 to vector<128x128xf32>
    %neg3A_5 = arith.subf %neg3A_4, %abs3A : vector<128x128xf32>
    %exp3A = math.exp %neg3A_5 : vector<128x128xf32>
    %add3A = arith.constant 1.000000e+00 : f32
    %add3A_6 = vector.broadcast %add3A : f32 to vector<128x128xf32>
    %add3A_7 = arith.addf %add3A_6, %exp3A : vector<128x128xf32>
    %log3A = math.log %add3A_7 : vector<128x128xf32>
    %sub3A = arith.subf %min3A_3, %log3A : vector<128x128xf32>
    %reduce_sum3A = vector.shape_cast %sub3A : vector<128x128xf32> to vector<1x128x128xf32>
    %reduce_sum3A_8 = arith.constant dense<0.000000e+00> : vector<1xf32>
    %reduce_sum3A_9 = vector.multi_reduction <add>, %reduce_sum3A, %reduce_sum3A_8 [1, 2] : vector<1x128x128xf32> to vector<1xf32>
    %reduce_sum3A_10 = vector.shape_cast %reduce_sum3A_9 : vector<1xf32> to vector<1x1x1xf32>
    %reduce_sum3A_11 = vector.extract %reduce_sum3A_10[0, 0, 0] : f32 from vector<1x1x1xf32>
    %get3A_12 = arith.constant 0 : index
    %get3A_13 = arith.constant 0 : index
    %get3A_14 = vector.load %arg1[%get3A_12, %get3A_13] : memref<640x128xf32, #tpu.memory_space<vmem>>, vector<640x128xf32>
    %neg3A_15 = arith.constant 0.000000e+00 : f32
    %neg3A_16 = vector.broadcast %neg3A_15 : f32 to vector<640x128xf32>
    %neg3A_17 = arith.subf %neg3A_16, %get3A_14 : vector<640x128xf32>
    %min3A_18 = arith.constant 0.000000e+00 : f32
    %min3A_19 = vector.broadcast %min3A_18 : f32 to vector<640x128xf32>
    %min3A_20 = arith.minimumf %neg3A_17, %min3A_19 : vector<640x128xf32>
    %abs3A_21 = math.absf %neg3A_17 : vector<640x128xf32>
    %neg3A_22 = arith.constant 0.000000e+00 : f32
    %neg3A_23 = vector.broadcast %neg3A_22 : f32 to vector<640x128xf32>
    %neg3A_24 = arith.subf %neg3A_23, %abs3A_21 : vector<640x128xf32>
    %exp3A_25 = math.exp %neg3A_24 : vector<640x128xf32>
    %add3A_26 = arith.constant 1.000000e+00 : f32
    %add3A_27 = vector.broadcast %add3A_26 : f32 to vector<640x128xf32>
    %add3A_28 = arith.addf %add3A_27, %exp3A_25 : vector<640x128xf32>
    %log3A_29 = math.log %add3A_28 : vector<640x128xf32>
    %sub3A_30 = arith.subf %min3A_20, %log3A_29 : vector<640x128xf32>
    %reduce_sum3A_31 = vector.shape_cast %sub3A_30 : vector<640x128xf32> to vector<1x640x128xf32>
    %reduce_sum3A_32 = arith.constant dense<0.000000e+00> : vector<1xf32>
    %reduce_sum3A_33 = vector.multi_reduction <add>, %reduce_sum3A_31, %reduce_sum3A_32 [1, 2] : vector<1x640x128xf32> to vector<1xf32>
    %reduce_sum3A_34 = vector.shape_cast %reduce_sum3A_33 : vector<1xf32> to vector<1x1x1xf32>
    %reduce_sum3A_35 = vector.extract %reduce_sum3A_34[0, 0, 0] : f32 from vector<1x1x1xf32>
    %add3A_36 = arith.addf %reduce_sum3A_11, %reduce_sum3A_35 : f32
    %neg3A_37 = arith.constant 0.000000e+00 : f32
    %neg3A_38 = arith.subf %neg3A_37, %add3A_36 : f32
    %div3A = arith.constant 1.638400e+04 : f32
    %div3A_39 = arith.divf %neg3A_38, %div3A : f32
    %swap3A = arith.constant 0 : index
    %swap3A_40 = arith.constant 0 : index
    %swap3A_41 = memref.load %arg2[%swap3A, %swap3A_40] : memref<1x1xf32, #tpu.memory_space<smem>>
    memref.store %div3A_39, %arg2[%swap3A, %swap3A_40] : memref<1x1xf32, #tpu.memory_space<smem>>
    return
  }
}

</mosaic_0001>

<sc_bundles>
// kernel: kernel.4.cloned.1.call-start
scs
__scs_entry_jumppad:
0x0: {  	(pc) =	sbr.rel $0x88, $3  }
0x1: {  	(tag) =	ssettag $0x0;
	lr =	simm.s32 $0x1  }
0x2: {  	[smem:$0x3F9C] =	sst lr;
	_ =	strace $0xD0000000  }
0x3: {  	_ = 	snop  }
0x4: {  	_ = 	snop  }
0x5: {  	_ = 	snop  }
0x6: {  	_ = 	snop  }
0x7: {  	_ = 	snop  }
__scs_overlays_trampoline_lowered:
0x8: {  	[smem:$0x3FAB] =	sst s0  }
0x9: {  	[smem:$0x3FAC] =	sst s1  }
0xa: {  	[smem:$0x3FAD] =	sst s2  }
0xb: {  	[smem:$0x3FAE] =	sst s3  }
0xc: {  	[smem:$0x3FAF] =	sst s4  }
0xd: {  	[smem:$0x3FB0] =	sst s5  }
0xe: {  	[smem:$0x3FB1] =	sst s6  }
0xf: {  	[smem:$0x3FB2] =	sst s7  }
0x10: {  	[smem:$0x3FB3] =	sst s8  }
0x11: {  	[smem:$0x3FB4] =	sst s9;
	s0 =	simm.s32 @!p0 $0x0  }
0x12: {  	s1 =	sld [smem:$0x3F9A];
	s0 =	simm.s32 @p0 $0x1  }
0x13: {  	[smem:$0x3FB5] =	sst s0;
	s0 =	simm.s32 @!p1 $0x0  }
0x14: {  	s2 =	sld [smem:$0x3F99];
	s0 =	simm.s32 @p1 $0x1  }
0x15: {  	[smem:$0x3FB6] =	sst s0;
	s0 =	simm.s32 @!p2 $0x0  }
0x16: {  	s3 =	sld [smem:$0x3FDB];
	s0 =	simm.s32 @p2 $0x1  }
0x17: {  	s4 =	simm.s32 $0x1BF5;
	[smem:$0x3FB8] =	sst s0  }
0x18: {  	s0 =	sld [smem:$0x3F9B];
	_ =	swait.ge [sflag:s4], $0x0  }
0x19: {  	s7 =	sld [smem:$0x3F9C]  }
0x1a: {  	s8 =	sadd.s32 $0xFFFFE003, lr  }
0x1b: {  	s9 =	sadd.s32 $0xFFFFFEF7, lr;
	s5 =	simm.s32 $0xFFFFFFFF;
	p2 =	slt.u32 s8, $0xFFFFF086  }
0x1c: {  	p1 =	slt.u32 s9, $0xF7A;
	s5 =	simm.s32 @!p2 $0x0  }
0x1d: {  	s5 =	simm.s32 @p1 $0x1;
	p0 =	seq.s32 s7, s2  }
0x1e: {  	s7 =	smul.u32 @!p0 $0xF7A, s2;
	p2 =	seq.s32 @!p0 s5, $0x0  }
0x1f: {  	s9 =	smul.u32 $0xF7A, s1;
	s8 =	simm.s32 @!p0 $0x1BF5;
	p2 =	por !p2, p0  }
0x20: {  	[sflag:s8] =	ssyncset.s32 @!p0 $0xFFFFF086;
	s6 =	sadd.s32 @!p0 s3, s7;
	s7 =	simm.s32 @!p0 $0x108  }
0x21: {  	s3 =	sadd.s32 s3, s9;
	s6 =	sadd.s32 @!p0 $0x88, s6;
	s7 =	simm.s32 @p2 $0x1082  }
0x22: {  	[simem:s7], [sflag:s8] =	dma.local @!p0 [hbm:s6], $0xF7A  }
0x23: {  	s9 =	sor.u32 $0xD0000000, s2;
	s6 =	simm.s32 $0x108;
	_ =	swait.ge @!p0 [sflag:s8], $0x0  }
0x24: {  	s3 =	sadd.s32 $0x88, s3;
	s6 =	simm.s32 @!p1 $0x1082;
	[sflag:s4] =	ssyncset.s32 $0xFFFFF086  }
0x25: {  	[simem:s6], [sflag:s4] =	dma.local [hbm:s3], $0xF7A  }
0x26: {  	[smem:$0x3F9C] =	sst s1;
	(tag) =	ssettag s2;
	_ =	strace s9  }
0x27: {  	s1 =	sld [smem:$0x3FAC]  }
0x28: {  	s2 =	sld [smem:$0x3FAD]  }
0x29: {  	s4 =	sld [smem:$0x3FAF]  }
0x2a: {  	p0 =	seq.s32 s5, $0x0;
	s5 =	sld [smem:$0x3FB0]  }
0x2b: {  	s6 =	sld [smem:$0x3FB1]  }
0x2c: {  	s7 =	sld [smem:$0x3FB2]  }
0x2d: {  	s3 =	simm.s32 $0x108;
	s8 =	sld [smem:$0x3FB3]  }
0x2e: {  	s3 =	simm.s32 @!p0 $0x1082;
	s9 =	sld [smem:$0x3FB4]  }
0x2f: {  	lr =	sadd.s32 s0, s3;
	s0 =	sld [smem:$0x3FAB]  }
0x30: {  	s3 =	sld [smem:$0x3FAE]  }
0x31: {  	[smem:$0x3FB7] =	sst s10  }
0x32: {  	s10 =	sld [smem:$0x3FB5];
	_ =	sdelay $0x3  }
0x33: {  	p0 =	seq.s32 s10, $0x1;
	s10 =	sld [smem:$0x3FB7];
	_ =	sdelay $0x3  }
0x34: {  	[smem:$0x3FB7] =	sst s10  }
0x35: {  	s10 =	sld [smem:$0x3FB6];
	_ =	sdelay $0x3  }
0x36: {  	p1 =	seq.s32 s10, $0x1;
	s10 =	sld [smem:$0x3FB7];
	_ =	sdelay $0x3  }
0x37: {  	[smem:$0x3FB7] =	sst s10  }
0x38: {  	s10 =	sld [smem:$0x3FB8]  }
0x39: {  	_ = 	snop;
	(pc) =	sbr.ind lr, $3  }
0x3a: {  	_ = 	snop  }
0x3b: {  	_ = 	snop  }
0x3c: {  	p2 =	seq.s32 s10, $0x1;
	s10 =	sld [smem:$0x3FB7]  }
0x3d: {  	_ =	shalt  }
0x3e: {  	_ =	shalt  }
0x3f: {  	_ =	shalt  }
0x40: {  	_ =	shalt  }
0x41: {  	_ =	shalt  }
0x42: {  	_ =	shalt  }
0x43: {  	_ =	shalt  }
0x44: {  	_ =	shalt  }
0x45: {  	_ =	shalt  }
0x46: {  	_ =	shalt  }
0x47: {  	_ =	shalt  }
0x48: {  	_ =	shalt  }
0x49: {  	_ =	shalt  }
0x4a: {  	_ =	shalt  }
0x4b: {  	_ =	shalt  }
0x4c: {  	_ =	shalt  }
0x4d: {  	_ =	shalt  }
0x4e: {  	_ =	shalt  }
0x4f: {  	_ =	shalt  }
0x50: {  	_ =	shalt  }
0x51: {  	_ =	shalt  }
0x52: {  	_ =	shalt  }
0x53: {  	_ =	shalt  }
0x54: {  	_ =	shalt  }
0x55: {  	_ =	shalt  }
0x56: {  	_ =	shalt  }
0x57: {  	_ =	shalt  }
0x58: {  	_ =	shalt  }
0x59: {  	_ =	shalt  }
0x5a: {  	_ =	shalt  }
0x5b: {  	_ =	shalt  }
0x5c: {  	_ =	shalt  }
0x5d: {  	_ =	shalt  }
0x5e: {  	_ =	shalt  }
0x5f: {  	_ =	shalt  }
0x60: {  	_ =	shalt  }
0x61: {  	_ =	shalt  }
0x62: {  	_ =	shalt  }
0x63: {  	_ =	shalt  }
0x64: {  	_ =	shalt  }
0x65: {  	_ =	shalt  }
0x66: {  	_ =	shalt  }
0x67: {  	_ =	shalt  }
0x68: {  	_ =	shalt  }
0x69: {  	_ =	shalt  }
0x6a: {  	_ =	shalt  }
0x6b: {  	_ =	shalt  }
0x6c: {  	_ =	shalt  }
0x6d: {  	_ =	shalt  }
0x6e: {  	_ =	shalt  }
0x6f: {  	_ =	shalt  }
0x70: {  	_ =	shalt  }
0x71: {  	_ =	shalt  }
0x72: {  	_ =	shalt  }
0x73: {  	_ =	shalt  }
0x74: {  	_ =	shalt  }
0x75: {  	_ =	shalt  }
0x76: {  	_ =	shalt  }
0x77: {  	_ =	shalt  }
0x78: {  	_ =	shalt  }
0x79: {  	_ =	shalt  }
0x7a: {  	_ =	shalt  }
0x7b: {  	_ =	shalt  }
0x7c: {  	_ =	shalt  }
0x7d: {  	_ =	shalt  }
0x7e: {  	_ =	shalt  }
0x7f: {  	_ =	shalt  }
0x80: {  	_ =	shalt  }
0x81: {  	_ =	shalt  }
0x82: {  	_ =	shalt  }
0x83: {  	_ =	shalt  }
0x84: {  	_ =	shalt  }
0x85: {  	_ =	shalt  }
0x86: {  	_ =	shalt  }
0x87: {  	_ =	shalt  }
.Lfunc_end0:
.L_simem_size_0:
called_computation_lowered:
.L_overlay_start_0:
0x88: {  	s2 =	sld [smem:$0x3FD9]  }
0x89: {  	s3 =	sld [smem:$0x3FFE];
	_ =	sdelay $0x1  }
0x8a: {  	s1 =	srdreg.scid  }
0x8b: {  	s0 =	sand.u32 $0x1, s1  }
0x8c: {  	s17 =	sshll.u32 s0, $0xA;
	s2 =	sadd.s32 s3, s2  }
0x8d: {  	s2 =	sadd.s32 s2, s17  }
0x8e: {  	[smem:$0x3FC3] =	sst s2  }
0x8f: {  	_ = 	snop  }
0x90: {  	s2 =	sld [smem:$0x3FC7]  }
0x91: {  	s18 =	sld [smem:$0x3FC6];
	(tm) =	ssettm $0x1  }
0x92: {  	s4 =	sld [smem:$0x3FFB];
	_ =	sdelay $0x3  }
0x93: {  	_ =	strace s4  }
0x94: {  	s4 =	sld [smem:$0x3FFC];
	_ =	sdelay $0x3  }
0x95: {  	_ =	strace s4  }
0x96: {  	s4 =	sld [smem:$0x3FFD];
	_ =	sdelay $0x3  }
0x97: {  	_ =	strace s4  }
0x98: {  	_ =	strace $0x8FFFFFFF  }
0x99: {  	s19 =	sld [smem:$0x3FDB];
	_ =	sdelay $0x1  }
0x9a: {  	s5 =	simm.s32 $_scs_section_size  }
0x9b: {  	s6 =	simm.s32 $_size__tile_overlayer_lowered;
	s7 =	simm.s32 $_tile_overlayer_lowered  }
0x9c: {  	s22 =	simm.s32 $0x1BFF;
	s21 =	sshll.u32 s7, $0x1;
	s4 =	sadd.s32 s5, s19  }
0x9d: {  	s8 =	simm.s32 $0x0;
	s20 =	sshll.u32 s6, $0x1;
	s6 =	sadd.s32 s21, s4  }
0x9e: {  	[timem:s8], [sflag:s22] =	dma.local [hbm:s6], s20  }
0x9f: {  	_ =	swait.ge [sflag:s22], s20  }
0xa0: {  	s5 =	ssub.s32 $0x0, s20;
	[sflag:s22] =	ssyncset.done $0x0  }
0xa1: {  	[sflag:s22] =	ssyncadd.s32 s5;
	_ =	sdelay $0x1  }
0xa2: {  	s23 =	simm.s32 $0x1B8B  }
0xa3: {  	_ =	swait.ge [sflag:s23], $0x1  }
0xa4: {  	[sflag:s23] =	ssyncset.done $0x0  }
0xa5: {  	s25 =	simm.s32 $0x1B8E;
	s24 =	sld [smem:$0x3FFE];
	[sflag:s23] =	ssyncadd.s32 $0xFFFFFFFF  }
0xa6: {  	s26 =	simm.s32 $execute0_lowered;
	[smem:$0x3FD2] =	sst s25  }
0xa7: {  	s6 =	sshll.u32 s26, $0x1;
	_ =	strace $0x80000046;
	[dreg:$0x1] =	wrdreg $0xFFFFFFFF  }
0xa8: {  	s28 =	simm.s32 $_size_execute0_lowered;
	s4 =	sadd.s32 s4, s6;
	[dreg:$0x0] =	wrdreg $0x0  }
0xa9: {  	s6 =	sshll.u32 s28, $0x1;
	[dreg:$0x2] =	wrdreg s4  }
0xaa: {  	[dreg:$0x3] =	wrdreg s6  }
0xab: {  	[dreg:$0x4] =	wrdreg $0xC0  }
0xac: {  	_ =	task [dreg:s8], $0x5FFFF  }
0xad: {  	[dreg:$0x1] =	wrdreg $0xFFFFFFFF  }
0xae: {  	[dreg:$0x0] =	wrdreg $0x60  }
0xaf: {  	[dreg:$0x2] =	wrdreg s24  }
0xb0: {  	[dreg:$0x3] =	wrdreg s2  }
0xb1: {  	[dreg:$0x4] =	wrdreg s18  }
0xb2: {  	[dreg:$0x5] =	wrdreg $0x9  }
0xb3: {  	_ =	task.clear_ibuf [dreg:s8], $0x6FFFF;
	_ =	strace $0x90000046  }
0xb4: {  	s29 =	simm.s32 $0x9;
	_ =	strace $0x80000048  }
0xb5: {  	_ =	swait.ge [sflag:s29], $0x1  }
0xb6: {  	[sflag:s29] =	ssyncadd.s32 $0xFFFFFFFF  }
0xb7: {  	_ =	strace $0x90000048  }
0xb8: {  	_ =	sfence  }
0xb9: {  	s30 =	sld [smem:$0x0];
	_ =	sdelay $0x2  }
0xba: {  	s31 =	sshll.u32 s1, $0xD;
	s1 =	sshrl.u32 s1, $0x2  }
0xbb: {  	s3 =	sand.u32 $0x4000, s31;
	s1 =	sadd.s32 s1, s30  }
0xbc: {  	s0 =	sor.u32 s3, s0;
	s1 =	sshll.u32 s1, $0x11  }
0xbd: {  	s0 =	sor.u32 s1, s0  }
0xbe: {  	s0 =	sadd.s32 $0x8F2B, s0  }
0xbf: {  	[sflag:s0] =	ssyncadd.remote.s32 $0x1  }
0xc0: {  	_ =	sfence.sel $0xFFFF  }
0xc1: {  	[dreg:$0x0] =	wrdreg $0xFFFFFFFF;
	(pc) =	sbr.abs _section_cstart, $3  }
0xc2: {  	[dreg:$0x1] =	wrdreg $0xFFFFFFFF  }
0xc3: {  	_ =	task.clear_ibuf [dreg:s8], $0x2FFFF;
	_ =	strace $0x9FFFFFFF  }
0xc4: {  	(tm) =	ssettm $0x7FFFFFFF  }
0xc5: {  	_ =	shalt  }
tec
execute0_lowered:
.L_overlay_start_1:
0x0: {  	(tag) =	ssettag $0x1  }
0x1: {  	s2 =	srdreg.scid  }
0x2: {  	s0 =	rddreg [dreg:$0x0];
	s3 =	stileid.u32;
	s2 =	sand.u32 $0x1, s2  }
0x3: {  	s7 =	rddreg [dreg:$0x1];
	s3 =	sshll.u32 s3, $0x7;
	s5 =	sshll.u32 s2, $0x6  }
0x4: {  	s6 =	rddreg [dreg:$0x2];
	s1 =	simm.s32 $0x0;
	s8 =	sor.u32 s5, s3  }
0x5: {  	[smem:$0x7FF] =	sst s1;
	s4 =	sadd.s32 $0xE00, s0;
	s10 =	sor.u32 $0x800, s8  }
0x6: {  	s2 =	ssub.s32 $0x2, s2;
	s23 =	sor.u32 $0x1000, s8;
	s22 =	sadd.s32 s4, s10  }
0x7: {  	s11 =	sor.u32 $0x1800, s8;
	s13 =	sadd.s32 s4, s23;
	[dreg:$0x4] =	wrdreg s22  }
0x8: {  	s12 =	sor.u32 $0x2000, s8;
	s24 =	sadd.s32 s4, s11;
	[dreg:$0x5] =	wrdreg s13  }
0x9: {  	s3 =	sadd.s32 $0x3600, s0;
	s25 =	sadd.s32 s4, s12;
	[dreg:$0x6] =	wrdreg s24  }
0xa: {  	s9 =	sshrl.u32 s2, $0x1;
	s10 =	sadd.s32 s3, s10;
	[dreg:$0x7] =	wrdreg s25  }
0xb: {  	s2 =	ssub.s32 s2, s9;
	s9 =	sadd.s32 s3, s23;
	[dreg:$0x8] =	wrdreg s10  }
0xc: {  	s11 =	sadd.s32 s3, s11;
	[dreg:$0x9] =	wrdreg s9  }
0xd: {  	s26 =	sor.u32 $0x10, s8;
	s12 =	sadd.s32 s3, s12;
	[dreg:$0xa] =	wrdreg s11  }
0xe: {  	s14 =	sadd.s32 s6, s26;
	[dreg:$0xb] =	wrdreg s12  }
0xf: {  	s16 =	sor.u32 $0x810, s8;
	s15 =	sadd.s32 s4, s26;
	[dreg:$0xd] =	wrdreg s14  }
0x10: {  	s5 =	sadd.s32 $0x5E00, s0;
	s17 =	sadd.s32 s4, s16;
	[dreg:$0xe] =	wrdreg s15  }
0x11: {  	s19 =	sadd.s32 s5, s26;
	[dreg:$0xf] =	wrdreg s17  }
0x12: {  	s18 =	sor.u32 $0x1010, s8;
	s20 =	sadd.s32 s3, s16;
	[dreg:$0x10] =	wrdreg s19  }
0x13: {  	s23 =	sadd.s32 s3, s18;
	[dreg:$0x12] =	wrdreg s20  }
0x14: {  	s13 =	sadd.s32 s7, s26;
	[dreg:$0x14] =	wrdreg s23  }
0x15: {  	s9 =	sadd.s32 s3, s26;
	[dreg:$0xc] =	wrdreg s13  }
0x16: {  	s21 =	sor.u32 $0x1810, s8;
	s22 =	sadd.s32 s4, s18;
	[dreg:$0x11] =	wrdreg s9  }
0x17: {  	s24 =	sadd.s32 s4, s21;
	[dreg:$0x13] =	wrdreg s22  }
0x18: {  	s11 =	sadd.s32 s7, s8;
	[dreg:$0x15] =	wrdreg s24  }
0x19: {  	s25 =	sor.u32 $0x2010, s8;
	s9 =	sadd.s32 s3, s21;
	[smem:$0x7EF] =	sst s11  }
0x1a: {  	s26 =	sor.u32 $0x20, s8;
	s12 =	sadd.s32 s4, s25;
	[dreg:$0x16] =	wrdreg s9  }
0x1b: {  	s13 =	sadd.s32 s7, s26;
	[dreg:$0x17] =	wrdreg s12  }
0x1c: {  	s28 =	simm.s32 $0x2;
	s14 =	sadd.s32 s6, s26;
	[dreg:$0x19] =	wrdreg s13  }
0x1d: {  	s29 =	simm.s32 $0x80;
	s15 =	sadd.s32 s4, s26;
	[dreg:$0x1a] =	wrdreg s14  }
0x1e: {  	s30 =	simm.s32 $0x100;
	s16 =	sadd.s32 s5, s26;
	[dreg:$0x1b] =	wrdreg s15  }
0x1f: {  	s18 =	sor.u32 $0x820, s8;
	s17 =	sadd.s32 s3, s26;
	[dreg:$0x1c] =	wrdreg s16  }
0x20: {  	s19 =	sor.u32 $0x1020, s8;
	s20 =	sadd.s32 s4, s18;
	[dreg:$0x1d] =	wrdreg s17  }
0x21: {  	s31 =	simm.s32 $0x180;
	s21 =	sadd.s32 s4, s19;
	[dreg:$0x1e] =	wrdreg s20  }
0x22: {  	s23 =	sor.u32 $0x1820, s8;
	s22 =	sadd.s32 s3, s19;
	[smem:$0x7E9] =	sst s21  }
0x23: {  	s24 =	sor.u32 $0x2020, s8;
	s9 =	sadd.s32 s3, s25;
	[smem:$0x7EA] =	sst s22  }
0x24: {  	s19 =	sor.u32 $0x1830, s8;
	s25 =	sadd.s32 s4, s23;
	[dreg:$0x18] =	wrdreg s9  }
0x25: {  	s11 =	simm.s32 $0x1;
	s26 =	sadd.s32 s4, s24;
	[smem:$0x7EB] =	sst s25  }
0x26: {  	s10 =	sadd.s32 s3, s24;
	s12 =	sor.u32 $0x30, s8;
	[smem:$0x7ED] =	sst s26  }
0x27: {  	s13 =	sadd.s32 s6, s8;
	s14 =	sadd.s32 s4, s8;
	[smem:$0x7EE] =	sst s10  }
0x28: {  	s15 =	sadd.s32 s5, s8;
	s16 =	sadd.s32 s3, s8;
	[smem:$0x7F1] =	sst s13  }
0x29: {  	s17 =	sor.u32 $0x830, s8;
	s9 =	sadd.s32 s3, s18;
	[smem:$0x7F3] =	sst s14  }
0x2a: {  	s7 =	sadd.s32 s7, s12;
	s6 =	sadd.s32 s6, s12;
	[smem:$0x7F4] =	sst s15  }
0x2b: {  	[smem:$0x7F5] =	sst s16;
	s18 =	sor.u32 $0x1030, s8;
	s8 =	sor.u32 $0x2030, s8  }
0x2c: {  	s20 =	sadd.s32 s4, s12;
	s21 =	sadd.s32 s4, s17;
	s24 =	sadd.s32 s5, s12  }
0x2d: {  	s25 =	sadd.s32 s3, s12;
	s26 =	sadd.s32 s3, s17;
	[dreg:$0x1f] =	wrdreg s9  }
0x2e: {  	s5 =	simm.s32 $0x2380;
	s10 =	simm.s32 $0xC380;
	[smem:$0x7F0] =	sst s7  }
0x2f: {  	s12 =	simm.s32 $0xE380;
	s13 =	simm.s32 $0xE400;
	[smem:$0x7F2] =	sst s6  }
0x30: {  	s14 =	simm.s32 $0xE480;
	s15 =	simm.s32 $0xE500;
	[smem:$0x7F6] =	sst s20  }
0x31: {  	s16 =	simm.s32 $0xE580;
	s17 =	simm.s32 $0xE600;
	[smem:$0x7F7] =	sst s21  }
0x32: {  	s9 =	sadd.s32 s3, s23;
	s22 =	sadd.s32 s4, s18;
	[smem:$0x7FB] =	sst s24  }
0x33: {  	s23 =	sadd.s32 s4, s19;
	s4 =	sadd.s32 s4, s8;
	[smem:$0x7FC] =	sst s25  }
0x34: {  	[smem:$0x7FD] =	sst s26;
	s21 =	sadd.s32 s3, s18;
	s24 =	sadd.s32 $0x16E4400, s0  }
0x35: {  	v0 =	vlaneseq.u32;
	s25 =	sadd.s32 $0xF43200, s0;
	s26 =	smax.u32 s2, $0x1;
	[smem:$0x7EC] =	sst s9  }
0x36: {  	v0 =	vmul.u32 $0x40, v0;
	s0 =	simm.s32 $0x200;
	s2 =	simm.s32 $0x280;
	[smem:$0x7F8] =	sst s22  }
0x37: {  	s6 =	simm.s32 $0x4380;
	s7 =	simm.s32 $0x6380;
	[smem:$0x7F9] =	sst s23  }
0x38: {  	v1 =	vor.u32 $0x400, v0;
	s18 =	simm.s32 $0x0;
	[smem:$0x7FA] =	sst s4;
	s22 =	sadd.s32 s3, s19  }
0x39: {  	v2 =	vor.u32 $0x800, v0;
	v3 =	vor.u32 $0xC00, v0;
	v4 =	vor.u32 $0x1000, v0;
	s23 =	sadd.s32 s3, s8;
	s3 =	simm.s32 $0x300;
	s4 =	simm.s32 $0x380  }
0x3a: {  	v5 =	vor.u32 $0x1400, v0;
	v6 =	vor.u32 $0x1800, v0;
	s8 =	simm.s32 $0x8380;
	s9 =	simm.s32 $0xA380;
	_ =	strace $0x80000047  }
.LBB2_1:
0x3b: {  	s19 =	sld [smem:$0x7EF];
	_ =	sdelay $0x2  }
0x3c: {  	[tilespmem:s1], [sflag:$0x2] =	stream.linear.gather [hbm4b:s19+s1], $0x80, $0x38;
	[tilespmem:$0xE680] =	vst v63  }
0x3d: {  	_ =	swait.ge [sflag:s28], $0x80  }
0x3e: {  	s20 =	sld [smem:$0x7F1]  }
0x3f: {  	[sflag:s28] =	ssyncset.done $0x0  }
0x40: {  	[sflag:s28] =	ssyncadd.s32 $0xFFFFFF80  }
0x41: {  	[tilespmem:s29], [sflag:$0x2] =	stream.linear.gather [hbm4b:s20+s1], $0x80, $0x38;
	[tilespmem:$0xE680] =	vst v63  }
0x42: {  	_ =	swait.ge [sflag:s28], $0x80  }
0x43: {  	s20 =	sld [smem:$0x7F3]  }
0x44: {  	[sflag:s28] =	ssyncset.done $0x0  }
0x45: {  	[sflag:s28] =	ssyncadd.s32 $0xFFFFFF80  }
0x46: {  	[tilespmem:s30], [sflag:$0x2] =	stream.linear.gather [hbm4b:s20+s1], $0x80, $0x38;
	[tilespmem:$0xE680] =	vst v63  }
0x47: {  	_ =	swait.ge [sflag:s28], $0x80  }
0x48: {  	[sflag:s28] =	ssyncset.done $0x0  }
0x49: {  	s20 =	rddreg [dreg:$0x4];
	[sflag:s28] =	ssyncadd.s32 $0xFFFFFF80  }
0x4a: {  	[tilespmem:s31], [sflag:$0x2] =	stream.linear.gather [hbm4b:s20+s1], $0x80, $0x38;
	[tilespmem:$0xE680] =	vst v63  }
0x4b: {  	_ =	swait.ge [sflag:s28], $0x80  }
0x4c: {  	[sflag:s28] =	ssyncset.done $0x0  }
0x4d: {  	s20 =	rddreg [dreg:$0x5];
	[sflag:s28] =	ssyncadd.s32 $0xFFFFFF80  }
0x4e: {  	[tilespmem:s0], [sflag:$0x2] =	stream.linear.gather [hbm4b:s20+s1], $0x80, $0x38;
	[tilespmem:$0xE680] =	vst v63  }
0x4f: {  	_ =	swait.ge [sflag:s28], $0x80  }
0x50: {  	[sflag:s28] =	ssyncset.done $0x0  }
0x51: {  	s20 =	rddreg [dreg:$0x6];
	[sflag:s28] =	ssyncadd.s32 $0xFFFFFF80  }
0x52: {  	[tilespmem:s2], [sflag:$0x2] =	stream.linear.gather [hbm4b:s20+s1], $0x80, $0x38;
	[tilespmem:$0xE680] =	vst v63  }
0x53: {  	_ =	swait.ge [sflag:s28], $0x80  }
0x54: {  	[sflag:s28] =	ssyncset.done $0x0  }
0x55: {  	s20 =	rddreg [dreg:$0x7];
	[sflag:s28] =	ssyncadd.s32 $0xFFFFFF80  }
0x56: {  	[tilespmem:s3], [sflag:$0x2] =	stream.linear.gather [hbm4b:s20+s1], $0x80, $0x38;
	[tilespmem:$0xE680] =	vst v63  }
0x57: {  	_ =	swait.ge [sflag:s28], $0x80  }
0x58: {  	[sflag:s28] =	ssyncset.done $0x0  }
0x59: {  	[sflag:s28] =	ssyncadd.s32 $0xFFFFFF80  }
0x5a: {  	[tilespmem:s4], [sflag:$0x1] =	stream.indirect.gather [hbm4b:s24+s29], $0x40, s1, s29, $0xb8;
	[tilespmem:$0xE680] =	vst v63  }
0x5b: {  	_ = 	snop  }
0x5c: {  	[tilespmem:s5], [sflag:$0x1] =	stream.indirect.gather [hbm4b:s25+s29], $0x40, s29, s29, $0xb8;
	[tilespmem:$0xE680] =	vst v63  }
0x5d: {  	_ = 	snop  }
0x5e: {  	[tilespmem:s6], [sflag:$0x1] =	stream.indirect.gather [hbm4b:s25+s29], $0x40, s30, s29, $0xb8;
	[tilespmem:$0xE680] =	vst v63  }
0x5f: {  	_ = 	snop  }
0x60: {  	[tilespmem:s7], [sflag:$0x1] =	stream.indirect.gather [hbm4b:s25+s29], $0x40, s31, s29, $0xb8;
	[tilespmem:$0xE680] =	vst v63  }
0x61: {  	_ = 	snop  }
0x62: {  	[tilespmem:s8], [sflag:$0x1] =	stream.indirect.gather [hbm4b:s25+s29], $0x40, s0, s29, $0xb8;
	[tilespmem:$0xE680] =	vst v63  }
0x63: {  	_ = 	snop  }
0x64: {  	[tilespmem:s9], [sflag:$0x1] =	stream.indirect.gather [hbm4b:s25+s29], $0x40, s2, s29, $0xb8;
	[tilespmem:$0xE680] =	vst v63  }
0x65: {  	_ = 	snop  }
0x66: {  	[tilespmem:s10], [sflag:$0x1] =	stream.indirect.gather [hbm4b:s25+s29], $0x40, s3, s29, $0xb8;
	[tilespmem:$0xE680] =	vst v63  }
0x67: {  	_ =	swait.ge [sflag:s11], $0x2000  }
0x68: {  	[sflag:s11] =	ssyncset.done $0x0  }
0x69: {  	[sflag:s11] =	ssyncadd.s32 $0xFFFFE000  }
0x6a: {  	_ =	swait.ge [sflag:s11], $0x2000  }
0x6b: {  	[sflag:s11] =	ssyncset.done $0x0  }
0x6c: {  	[sflag:s11] =	ssyncadd.s32 $0xFFFFE000  }
0x6d: {  	_ =	swait.ge [sflag:s11], $0x2000  }
0x6e: {  	[sflag:s11] =	ssyncset.done $0x0  }
0x6f: {  	[sflag:s11] =	ssyncadd.s32 $0xFFFFE000  }
0x70: {  	_ =	swait.ge [sflag:s11], $0x2000  }
0x71: {  	[sflag:s11] =	ssyncset.done $0x0  }
0x72: {  	[sflag:s11] =	ssyncadd.s32 $0xFFFFE000  }
0x73: {  	v7 =	vmov s1;
	_ =	swait.ge [sflag:s11], $0x2000  }
0x74: {  	v7 =	vand.u32 $0x3F, v7;
	[sflag:s11] =	ssyncset.done $0x0  }
0x75: {  	v7 =	vbroadcast v7, $0x0;
	[sflag:s11] =	ssyncadd.s32 $0xFFFFE000  }
0x76: {  	_ =	swait.ge [sflag:s11], $0x2000  }
0x77: {  	v7 =	vor.u32 v0, v7;
	[sflag:s11] =	ssyncset.done $0x0  }
0x78: {  	[sflag:s11] =	ssyncadd.s32 $0xFFFFE000  }
0x79: {  	s20 =	simm.s32 $0x1;
	_ =	swait.ge [sflag:s11], $0x2000  }
0x7a: {  	v8 =	vmov s20;
	[sflag:s11] =	ssyncset.done $0x0  }
0x7b: {  	v8 =	vand.u32 $0x3F, v8;
	[sflag:s11] =	ssyncadd.s32 $0xFFFFE000  }
0x7c: {  	v8 =	vbroadcast v8, $0x0;
	v15 =	vld.idx.msk [tilespmem:v7+s4+$0x0], $0xffff  }
0x7d: {  	v9 =	vld.idx.msk [tilespmem:v7+s10+$0x0], $0xffff  }
0x7e: {  	v20 =	vor.u32 v0, v8;
	v11 =	vld.idx.msk [tilespmem:v7+s5+$0x0], $0xffff  }
0x7f: {  	v13 =	vld.idx.msk [tilespmem:v7+s7+$0x0], $0xffff  }
0x80: {  	s20 =	simm.s32 $0x2;
	v12 =	vld.idx.msk [tilespmem:v7+s6+$0x0], $0xffff  }
0x81: {  	v8 =	vmov s20;
	v14 =	vld.idx.msk [tilespmem:v7+s8+$0x0], $0xffff  }
0x82: {  	v8 =	vand.u32 $0x3F, v8;
	v21 =	vld.idx.msk [tilespmem:v7+s9+$0x0], $0xffff  }
0x83: {  	v16 =	vbroadcast v8, $0x0;
	v7 =	vld.idx.msk [tilespmem:v20+s4+$0x0], $0xffff  }
0x84: {  	v10 =	vld.idx.msk [tilespmem:v20+s10+$0x0], $0xffff;
	v22 =	vmul.f32 v13, v15  }
0x85: {  	v19 =	vor.u32 v0, v16;
	v16 =	vld.idx.msk [tilespmem:v20+s6+$0x0], $0xffff;
	v9 =	vmul.f32 v9, v15;
	v17 =	vmul.f32 v11, v15  }
0x86: {  	v8 =	vimm.f32 $0.0e+00;
	v11 =	vld.idx.msk [tilespmem:v20+s5+$0x0], $0xffff;
	v18 =	vmul.f32 v12, v15;
	v25 =	vmul.f32 v14, v15  }
0x87: {  	s20 =	simm.s32 $0x3;
	v23 =	vmul.f32 v21, v15;
	v12 =	vadd.f32 v9, v8;
	v9 =	vadd.f32 v17, v8;
	v17 =	vld.idx.msk [tilespmem:v20+s7+$0x0], $0xffff  }
0x88: {  	v24 =	vmov s20;
	v13 =	vadd.f32 v18, v8;
	v18 =	vld.idx.msk [tilespmem:v20+s8+$0x0], $0xffff;
	v14 =	vadd.f32 v22, v8;
	v22 =	vmovc v19  }
0x89: {  	s19 =	simm.s32 $0x4;
	v24 =	vand.u32 $0x3F, v24;
	v21 =	vmov v19;
	v20 =	vld.idx.msk [tilespmem:v20+s9+$0x0], $0xffff;
	v15 =	vadd.f32 v25, v8  }
.LBB2_2:
0x8a: {  	p0 =	sne.s32 s19, $0x3F;
	v24 =	vbroadcast v24, $0x0;
	v25 =	vld.idx.msk [tilespmem:v19+s4+$0x0], $0xffff;
	v26 =	vmul.f32 v10, v7;
	v8 =	vadd.f32 v23, v8  }
0x8b: {  	v23 =	vmul.f32 v11, v7;
	v10 =	vld.idx.msk [tilespmem:v19+s10+$0x0], $0xffff  }
.Ltmp0:
0x8c: {  	v11 =	vld.idx.msk [tilespmem:v19+s5+$0x0], $0xffff;
	v19 =	vor.u32 v0, v24;
	v24 =	vmul.f32 v16, v7;
	v12 =	vadd.f32 v26, v12;
	(pc) =	sbr.rel @p0 .LBB2_2-.Ltmp0, $4  }
0x8d: {  	v9 =	vadd.f32 v23, v9;
	v23 =	vmul.f32 v17, v7;
	v16 =	vld.idx.msk [tilespmem:v22+s6+$0x0], $0xffff;
	v22 =	vmov v19  }
0x8e: {  	v26 =	vmul.f32 v18, v7;
	v17 =	vld.idx.msk [tilespmem:v21+s7+$0x0], $0xffff;
	v13 =	vadd.f32 v24, v13  }
0x8f: {  	v24 =	vmov s19;
	v14 =	vadd.f32 v23, v14;
	v23 =	vmul.f32 v20, v7;
	v18 =	vld.idx.msk [tilespmem:v21+s8+$0x0], $0xffff  }
0x90: {  	s19 =	sadd.s32 $0x1, s19;
	v24 =	vand.u32 $0x3F, v24;
	v15 =	vadd.f32 v26, v15;
	v7 =	vmovc v25;
	v20 =	vld.idx.msk [tilespmem:v21+s9+$0x0], $0xffff;
	v21 =	vmov v19  }
0x91: {  	_ =	sdelay $0x3  }
0x92: {  	v24 =	vbroadcast v24, $0x0;
	v25 =	vld.idx.msk [tilespmem:v19+s4+$0x0], $0xffff  }
0x93: {  	v26 =	vld.idx.msk [tilespmem:v19+s10+$0x0], $0xffff  }
0x94: {  	v19 =	vld.idx.msk [tilespmem:v19+s5+$0x0], $0xffff;
	v24 =	vor.u32 v0, v24  }
0x95: {  	v22 =	vld.idx.msk [tilespmem:v22+s6+$0x0], $0xffff  }
0x96: {  	v27 =	vld.idx.msk [tilespmem:v21+s7+$0x0], $0xffff;
	v10 =	vmul.f32 v10, v7  }
0x97: {  	v28 =	vld.idx.msk [tilespmem:v21+s8+$0x0], $0xffff;
	v11 =	vmul.f32 v11, v7;
	v16 =	vmul.f32 v16, v7  }
0x98: {  	v21 =	vld.idx.msk [tilespmem:v21+s9+$0x0], $0xffff;
	v8 =	vadd.f32 v23, v8;
	v10 =	vadd.f32 v10, v12;
	v12 =	vmul.f32 v17, v7  }
0x99: {  	v9 =	vadd.f32 v11, v9;
	v11 =	vadd.f32 v16, v13;
	v13 =	vmul.f32 v18, v7;
	v17 =	vld.idx.msk [tilespmem:v24+s4+$0x0], $0xffff  }
0x9a: {  	v12 =	vadd.f32 v12, v14;
	v7 =	vmul.f32 v20, v7;
	v14 =	vmul.f32 v26, v25;
	v16 =	vld.idx.msk [tilespmem:v24+s5+$0x0], $0xffff  }
0x9b: {  	v13 =	vadd.f32 v13, v15;
	v15 =	vmul.f32 v19, v25;
	v19 =	vmul.f32 v22, v25;
	v18 =	vld.idx.msk [tilespmem:v24+s6+$0x0], $0xffff  }
0x9c: {  	v7 =	vadd.f32 v7, v8;
	v8 =	vadd.f32 v14, v10;
	v10 =	vmul.f32 v27, v25;
	v14 =	vld.idx.msk [tilespmem:v24+s8+$0x0], $0xffff  }
0x9d: {  	v9 =	vadd.f32 v15, v9;
	v11 =	vadd.f32 v19, v11;
	v15 =	vmul.f32 v28, v25;
	v19 =	vld.idx.msk [tilespmem:v24+s9+$0x0], $0xffff  }
0x9e: {  	v20 =	vld.idx.msk [tilespmem:v24+s7+$0x0], $0xffff;
	v10 =	vadd.f32 v10, v12;
	v12 =	vmul.f32 v21, v25  }
0x9f: {  	s19 =	simm.s32 $0x0;
	v22 =	vld.idx.msk [tilespmem:v24+s10+$0x0], $0xffff;
	v13 =	vadd.f32 v15, v13;
	v16 =	vmul.f32 v16, v17  }
0xa0: {  	v7 =	vadd.f32 v12, v7;
	v15 =	vmul.f32 v18, v17;
	v18 =	vmov s19  }
0xa1: {  	v14 =	vmul.f32 v14, v17;
	v18 =	vand.u32 $0x3F, v18;
	v9 =	vadd.f32 v16, v9  }
0xa2: {  	v12 =	vmul.f32 v19, v17;
	v11 =	vadd.f32 v15, v11;
	v15 =	vbroadcast v18, $0x0  }
0xa3: {  	v16 =	vmul.f32 v20, v17;
	v13 =	vadd.f32 v14, v13;
	[tilespmem:$0xE380] =	vst v9  }
0xa4: {  	v7 =	vadd.f32 v12, v7;
	v9 =	vmul.f32 v22, v17;
	[tilespmem:$0xE400] =	vst v11;
	v11 =	vor.u32 v1, v15  }
0xa5: {  	v10 =	vadd.f32 v16, v10;
	[tilespmem:$0xE500] =	vst v13  }
0xa6: {  	s20 =	simm.s32 $0x1;
	[tilespmem:$0xE580] =	vst v7;
	v8 =	vadd.f32 v9, v8  }
0xa7: {  	v7 =	vmov s20;
	[tilespmem:$0xE480] =	vst v10  }
0xa8: {  	v7 =	vand.u32 $0x3F, v7;
	[tilespmem:$0xE600] =	vst v8  }
0xa9: {  	v7 =	vbroadcast v7, $0x0;
	v15 =	vld.idx.msk [tilespmem:v11+s4+$0x0], $0xffff  }
0xaa: {  	v9 =	vld.idx.msk [tilespmem:v11+s10+$0x0], $0xffff  }
0xab: {  	v20 =	vor.u32 v1, v7;
	v12 =	vld.idx.msk [tilespmem:v11+s5+$0x0], $0xffff  }
0xac: {  	v18 =	vld.idx.msk [tilespmem:v11+s8+$0x0], $0xffff  }
0xad: {  	s20 =	simm.s32 $0x2;
	v13 =	vld.idx.msk [tilespmem:v11+s6+$0x0], $0xffff  }
0xae: {  	v7 =	vmov s20;
	v14 =	vld.idx.msk [tilespmem:v11+s7+$0x0], $0xffff  }
0xaf: {  	v21 =	vld.idx.msk [tilespmem:v11+s9+$0x0], $0xffff;
	v8 =	vand.u32 $0x3F, v7  }
0xb0: {  	v16 =	vbroadcast v8, $0x0;
	v7 =	vld.idx.msk [tilespmem:v20+s4+$0x0], $0xffff  }
0xb1: {  	v10 =	vld.idx.msk [tilespmem:v20+s10+$0x0], $0xffff;
	v22 =	vmul.f32 v18, v15  }
0xb2: {  	v19 =	vor.u32 v1, v16;
	v11 =	vld.idx.msk [tilespmem:v20+s5+$0x0], $0xffff;
	v9 =	vmul.f32 v9, v15  }
0xb3: {  	v8 =	vimm.f32 $0.0e+00;
	v16 =	vld.idx.msk [tilespmem:v20+s6+$0x0], $0xffff;
	v17 =	vmul.f32 v12, v15;
	v13 =	vmul.f32 v13, v15  }
0xb4: {  	s20 =	simm.s32 $0x3;
	v14 =	vmul.f32 v14, v15;
	v18 =	vld.idx.msk [tilespmem:v20+s8+$0x0], $0xffff;
	v23 =	vmul.f32 v21, v15;
	v12 =	vadd.f32 v9, v8  }
0xb5: {  	v24 =	vmov s20;
	v9 =	vadd.f32 v17, v8;
	v17 =	vld.idx.msk [tilespmem:v20+s7+$0x0], $0xffff;
	v15 =	vadd.f32 v22, v8;
	v22 =	vmovc v19  }
0xb6: {  	s19 =	simm.s32 $0x4;
	v24 =	vand.u32 $0x3F, v24;
	v21 =	vmovc v19;
	v13 =	vadd.f32 v13, v8;
	v14 =	vadd.f32 v14, v8;
	v20 =	vld.idx.msk [tilespmem:v20+s9+$0x0], $0xffff  }
.LBB2_4:
0xb7: {  	p0 =	sne.s32 s19, $0x3F;
	v24 =	vbroadcast v24, $0x0;
	v25 =	vld.idx.msk [tilespmem:v19+s4+$0x0], $0xffff;
	v26 =	vmul.f32 v10, v7;
	v8 =	vadd.f32 v23, v8  }
0xb8: {  	v23 =	vmul.f32 v11, v7;
	v10 =	vld.idx.msk [tilespmem:v19+s10+$0x0], $0xffff  }
.Ltmp1:
0xb9: {  	v11 =	vld.idx.msk [tilespmem:v19+s5+$0x0], $0xffff;
	v19 =	vor.u32 v1, v24;
	v24 =	vmul.f32 v16, v7;
	v12 =	vadd.f32 v26, v12;
	(pc) =	sbr.rel @p0 .LBB2_4-.Ltmp1, $4  }
0xba: {  	v9 =	vadd.f32 v23, v9;
	v23 =	vmul.f32 v17, v7;
	v16 =	vld.idx.msk [tilespmem:v22+s6+$0x0], $0xffff;
	v22 =	vmov v19  }
0xbb: {  	v26 =	vmul.f32 v18, v7;
	v17 =	vld.idx.msk [tilespmem:v21+s7+$0x0], $0xffff;
	v13 =	vadd.f32 v24, v13  }
0xbc: {  	v24 =	vmov s19;
	v14 =	vadd.f32 v23, v14;
	v23 =	vmul.f32 v20, v7;
	v18 =	vld.idx.msk [tilespmem:v21+s8+$0x0], $0xffff  }
0xbd: {  	s19 =	sadd.s32 $0x1, s19;
	v24 =	vand.u32 $0x3F, v24;
	v15 =	vadd.f32 v26, v15;
	v7 =	vmovc v25;
	v20 =	vld.idx.msk [tilespmem:v21+s9+$0x0], $0xffff;
	v21 =	vmov v19  }
0xbe: {  	_ =	sdelay $0x3  }
0xbf: {  	v24 =	vbroadcast v24, $0x0;
	v25 =	vld.idx.msk [tilespmem:v19+s4+$0x0], $0xffff  }
0xc0: {  	v26 =	vld.idx.msk [tilespmem:v19+s10+$0x0], $0xffff  }
0xc1: {  	v19 =	vld.idx.msk [tilespmem:v19+s5+$0x0], $0xffff;
	v24 =	vor.u32 v1, v24  }
0xc2: {  	v22 =	vld.idx.msk [tilespmem:v22+s6+$0x0], $0xffff  }
0xc3: {  	v27 =	vld.idx.msk [tilespmem:v21+s7+$0x0], $0xffff;
	v10 =	vmul.f32 v10, v7  }
0xc4: {  	v28 =	vld.idx.msk [tilespmem:v21+s8+$0x0], $0xffff;
	v11 =	vmul.f32 v11, v7;
	v16 =	vmul.f32 v16, v7  }
0xc5: {  	v21 =	vld.idx.msk [tilespmem:v21+s9+$0x0], $0xffff;
	v8 =	vadd.f32 v23, v8;
	v10 =	vadd.f32 v10, v12;
	v12 =	vmul.f32 v17, v7  }
0xc6: {  	v9 =	vadd.f32 v11, v9;
	v11 =	vadd.f32 v16, v13;
	v13 =	vmul.f32 v18, v7;
	v17 =	vld.idx.msk [tilespmem:v24+s4+$0x0], $0xffff  }
0xc7: {  	v12 =	vadd.f32 v12, v14;
	v7 =	vmul.f32 v20, v7;
	v14 =	vmul.f32 v26, v25;
	v16 =	vld.idx.msk [tilespmem:v24+s5+$0x0], $0xffff  }
0xc8: {  	v13 =	vadd.f32 v13, v15;
	v15 =	vmul.f32 v19, v25;
	v19 =	vmul.f32 v22, v25;
	v18 =	vld.idx.msk [tilespmem:v24+s6+$0x0], $0xffff  }
0xc9: {  	v7 =	vadd.f32 v7, v8;
	v8 =	vadd.f32 v14, v10;
	v10 =	vmul.f32 v27, v25;
	v14 =	vld.idx.msk [tilespmem:v24+s8+$0x0], $0xffff  }
0xca: {  	v9 =	vadd.f32 v15, v9;
	v11 =	vadd.f32 v19, v11;
	v15 =	vmul.f32 v28, v25;
	v19 =	vld.idx.msk [tilespmem:v24+s9+$0x0], $0xffff  }
0xcb: {  	v20 =	vld.idx.msk [tilespmem:v24+s7+$0x0], $0xffff;
	v10 =	vadd.f32 v10, v12;
	v12 =	vmul.f32 v21, v25  }
0xcc: {  	s19 =	simm.s32 $0x0;
	v22 =	vld.idx.msk [tilespmem:v24+s10+$0x0], $0xffff;
	v13 =	vadd.f32 v15, v13;
	v16 =	vmul.f32 v16, v17  }
0xcd: {  	v7 =	vadd.f32 v12, v7;
	v15 =	vmul.f32 v18, v17;
	v18 =	vmov s19  }
0xce: {  	v14 =	vmul.f32 v14, v17;
	v18 =	vand.u32 $0x3F, v18;
	v9 =	vadd.f32 v16, v9  }
0xcf: {  	v12 =	vmul.f32 v19, v17;
	v11 =	vadd.f32 v15, v11;
	v15 =	vbroadcast v18, $0x0  }
0xd0: {  	v16 =	vmul.f32 v20, v17;
	v13 =	vadd.f32 v14, v13;
	[tilespmem:$0xE390] =	vst v9  }
0xd1: {  	v7 =	vadd.f32 v12, v7;
	v9 =	vmul.f32 v22, v17;
	[tilespmem:$0xE410] =	vst v11;
	v11 =	vor.u32 v2, v15  }
0xd2: {  	v10 =	vadd.f32 v16, v10;
	[tilespmem:$0xE510] =	vst v13  }
0xd3: {  	s20 =	simm.s32 $0x1;
	[tilespmem:$0xE590] =	vst v7;
	v8 =	vadd.f32 v9, v8  }
0xd4: {  	v7 =	vmov s20;
	[tilespmem:$0xE490] =	vst v10  }
0xd5: {  	v7 =	vand.u32 $0x3F, v7;
	[tilespmem:$0xE610] =	vst v8  }
0xd6: {  	v7 =	vbroadcast v7, $0x0;
	v15 =	vld.idx.msk [tilespmem:v11+s4+$0x0], $0xffff  }
0xd7: {  	v9 =	vld.idx.msk [tilespmem:v11+s10+$0x0], $0xffff  }
0xd8: {  	v20 =	vor.u32 v2, v7;
	v12 =	vld.idx.msk [tilespmem:v11+s5+$0x0], $0xffff  }
0xd9: {  	v18 =	vld.idx.msk [tilespmem:v11+s8+$0x0], $0xffff  }
0xda: {  	s20 =	simm.s32 $0x2;
	v13 =	vld.idx.msk [tilespmem:v11+s6+$0x0], $0xffff  }
0xdb: {  	v7 =	vmov s20;
	v14 =	vld.idx.msk [tilespmem:v11+s7+$0x0], $0xffff  }
0xdc: {  	v21 =	vld.idx.msk [tilespmem:v11+s9+$0x0], $0xffff;
	v8 =	vand.u32 $0x3F, v7  }
0xdd: {  	v16 =	vbroadcast v8, $0x0;
	v7 =	vld.idx.msk [tilespmem:v20+s4+$0x0], $0xffff  }
0xde: {  	v10 =	vld.idx.msk [tilespmem:v20+s10+$0x0], $0xffff;
	v22 =	vmul.f32 v18, v15  }
0xdf: {  	v19 =	vor.u32 v2, v16;
	v11 =	vld.idx.msk [tilespmem:v20+s5+$0x0], $0xffff;
	v9 =	vmul.f32 v9, v15  }
0xe0: {  	v8 =	vimm.f32 $0.0e+00;
	v16 =	vld.idx.msk [tilespmem:v20+s6+$0x0], $0xffff;
	v17 =	vmul.f32 v12, v15;
	v13 =	vmul.f32 v13, v15  }
0xe1: {  	s20 =	simm.s32 $0x3;
	v14 =	vmul.f32 v14, v15;
	v18 =	vld.idx.msk [tilespmem:v20+s8+$0x0], $0xffff;
	v23 =	vmul.f32 v21, v15;
	v12 =	vadd.f32 v9, v8  }
0xe2: {  	v24 =	vmov s20;
	v9 =	vadd.f32 v17, v8;
	v17 =	vld.idx.msk [tilespmem:v20+s7+$0x0], $0xffff;
	v15 =	vadd.f32 v22, v8;
	v22 =	vmovc v19  }
0xe3: {  	s19 =	simm.s32 $0x4;
	v24 =	vand.u32 $0x3F, v24;
	v21 =	vmovc v19;
	v13 =	vadd.f32 v13, v8;
	v14 =	vadd.f32 v14, v8;
	v20 =	vld.idx.msk [tilespmem:v20+s9+$0x0], $0xffff  }
.LBB2_6:
0xe4: {  	p0 =	sne.s32 s19, $0x3F;
	v24 =	vbroadcast v24, $0x0;
	v25 =	vld.idx.msk [tilespmem:v19+s4+$0x0], $0xffff;
	v26 =	vmul.f32 v10, v7;
	v8 =	vadd.f32 v23, v8  }
0xe5: {  	v23 =	vmul.f32 v11, v7;
	v10 =	vld.idx.msk [tilespmem:v19+s10+$0x0], $0xffff  }
.Ltmp2:
0xe6: {  	v11 =	vld.idx.msk [tilespmem:v19+s5+$0x0], $0xffff;
	v19 =	vor.u32 v2, v24;
	v24 =	vmul.f32 v16, v7;
	v12 =	vadd.f32 v26, v12;
	(pc) =	sbr.rel @p0 .LBB2_6-.Ltmp2, $4  }
0xe7: {  	v9 =	vadd.f32 v23, v9;
	v23 =	vmul.f32 v17, v7;
	v16 =	vld.idx.msk [tilespmem:v22+s6+$0x0], $0xffff;
	v22 =	vmov v19  }
0xe8: {  	v26 =	vmul.f32 v18, v7;
	v17 =	vld.idx.msk [tilespmem:v21+s7+$0x0], $0xffff;
	v13 =	vadd.f32 v24, v13  }
0xe9: {  	v24 =	vmov s19;
	v14 =	vadd.f32 v23, v14;
	v23 =	vmul.f32 v20, v7;
	v18 =	vld.idx.msk [tilespmem:v21+s8+$0x0], $0xffff  }
0xea: {  	s19 =	sadd.s32 $0x1, s19;
	v24 =	vand.u32 $0x3F, v24;
	v15 =	vadd.f32 v26, v15;
	v7 =	vmovc v25;
	v20 =	vld.idx.msk [tilespmem:v21+s9+$0x0], $0xffff;
	v21 =	vmov v19  }
0xeb: {  	_ =	sdelay $0x3  }
0xec: {  	v24 =	vbroadcast v24, $0x0;
	v25 =	vld.idx.msk [tilespmem:v19+s4+$0x0], $0xffff  }
0xed: {  	v26 =	vld.idx.msk [tilespmem:v19+s10+$0x0], $0xffff  }
0xee: {  	v19 =	vld.idx.msk [tilespmem:v19+s5+$0x0], $0xffff;
	v24 =	vor.u32 v2, v24  }
0xef: {  	v22 =	vld.idx.msk [tilespmem:v22+s6+$0x0], $0xffff  }
0xf0: {  	v27 =	vld.idx.msk [tilespmem:v21+s7+$0x0], $0xffff;
	v10 =	vmul.f32 v10, v7  }
0xf1: {  	v28 =	vld.idx.msk [tilespmem:v21+s8+$0x0], $0xffff;
	v11 =	vmul.f32 v11, v7;
	v16 =	vmul.f32 v16, v7  }
0xf2: {  	v21 =	vld.idx.msk [tilespmem:v21+s9+$0x0], $0xffff;
	v8 =	vadd.f32 v23, v8;
	v10 =	vadd.f32 v10, v12;
	v12 =	vmul.f32 v17, v7  }
0xf3: {  	v9 =	vadd.f32 v11, v9;
	v11 =	vadd.f32 v16, v13;
	v13 =	vmul.f32 v18, v7;
	v17 =	vld.idx.msk [tilespmem:v24+s4+$0x0], $0xffff  }
0xf4: {  	v12 =	vadd.f32 v12, v14;
	v7 =	vmul.f32 v20, v7;
	v14 =	vmul.f32 v26, v25;
	v16 =	vld.idx.msk [tilespmem:v24+s5+$0x0], $0xffff  }
0xf5: {  	v13 =	vadd.f32 v13, v15;
	v15 =	vmul.f32 v19, v25;
	v19 =	vmul.f32 v22, v25;
	v18 =	vld.idx.msk [tilespmem:v24+s6+$0x0], $0xffff  }
0xf6: {  	v7 =	vadd.f32 v7, v8;
	v8 =	vadd.f32 v14, v10;
	v10 =	vmul.f32 v27, v25;
	v14 =	vld.idx.msk [tilespmem:v24+s8+$0x0], $0xffff  }
0xf7: {  	v9 =	vadd.f32 v15, v9;
	v11 =	vadd.f32 v19, v11;
	v15 =	vmul.f32 v28, v25;
	v19 =	vld.idx.msk [tilespmem:v24+s9+$0x0], $0xffff  }
0xf8: {  	v20 =	vld.idx.msk [tilespmem:v24+s7+$0x0], $0xffff;
	v10 =	vadd.f32 v10, v12;
	v12 =	vmul.f32 v21, v25  }
0xf9: {  	s19 =	simm.s32 $0x0;
	v22 =	vld.idx.msk [tilespmem:v24+s10+$0x0], $0xffff;
	v13 =	vadd.f32 v15, v13;
	v16 =	vmul.f32 v16, v17  }
0xfa: {  	v7 =	vadd.f32 v12, v7;
	v15 =	vmul.f32 v18, v17;
	v18 =	vmov s19  }
0xfb: {  	v14 =	vmul.f32 v14, v17;
	v18 =	vand.u32 $0x3F, v18;
	v9 =	vadd.f32 v16, v9  }
0xfc: {  	v12 =	vmul.f32 v19, v17;
	v11 =	vadd.f32 v15, v11;
	v15 =	vbroadcast v18, $0x0  }
0xfd: {  	v16 =	vmul.f32 v20, v17;
	v13 =	vadd.f32 v14, v13;
	[tilespmem:$0xE3A0] =	vst v9  }
0xfe: {  	v7 =	vadd.f32 v12, v7;
	v9 =	vmul.f32 v22, v17;
	[tilespmem:$0xE420] =	vst v11;
	v11 =	vor.u32 v3, v15  }
0xff: {  	v10 =	vadd.f32 v16, v10;
	[tilespmem:$0xE520] =	vst v13  }
0x100: {  	s20 =	simm.s32 $0x1;
	[tilespmem:$0xE5A0] =	vst v7;
	v8 =	vadd.f32 v9, v8  }
0x101: {  	v7 =	vmov s20;
	[tilespmem:$0xE4A0] =	vst v10  }
0x102: {  	v7 =	vand.u32 $0x3F, v7;
	[tilespmem:$0xE620] =	vst v8  }
0x103: {  	v7 =	vbroadcast v7, $0x0;
	v15 =	vld.idx.msk [tilespmem:v11+s4+$0x0], $0xffff  }
0x104: {  	v9 =	vld.idx.msk [tilespmem:v11+s10+$0x0], $0xffff  }
0x105: {  	v20 =	vor.u32 v3, v7;
	v12 =	vld.idx.msk [tilespmem:v11+s5+$0x0], $0xffff  }
0x106: {  	v18 =	vld.idx.msk [tilespmem:v11+s8+$0x0], $0xffff  }
0x107: {  	s20 =	simm.s32 $0x2;
	v13 =	vld.idx.msk [tilespmem:v11+s6+$0x0], $0xffff  }
0x108: {  	v7 =	vmov s20;
	v14 =	vld.idx.msk [tilespmem:v11+s7+$0x0], $0xffff  }
0x109: {  	v21 =	vld.idx.msk [tilespmem:v11+s9+$0x0], $0xffff;
	v8 =	vand.u32 $0x3F, v7  }
0x10a: {  	v16 =	vbroadcast v8, $0x0;
	v7 =	vld.idx.msk [tilespmem:v20+s4+$0x0], $0xffff  }
0x10b: {  	v10 =	vld.idx.msk [tilespmem:v20+s10+$0x0], $0xffff;
	v22 =	vmul.f32 v18, v15  }
0x10c: {  	v19 =	vor.u32 v3, v16;
	v11 =	vld.idx.msk [tilespmem:v20+s5+$0x0], $0xffff;
	v9 =	vmul.f32 v9, v15  }
0x10d: {  	v8 =	vimm.f32 $0.0e+00;
	v16 =	vld.idx.msk [tilespmem:v20+s6+$0x0], $0xffff;
	v17 =	vmul.f32 v12, v15;
	v13 =	vmul.f32 v13, v15  }
0x10e: {  	s20 =	simm.s32 $0x3;
	v14 =	vmul.f32 v14, v15;
	v18 =	vld.idx.msk [tilespmem:v20+s8+$0x0], $0xffff;
	v23 =	vmul.f32 v21, v15;
	v12 =	vadd.f32 v9, v8  }
0x10f: {  	v24 =	vmov s20;
	v9 =	vadd.f32 v17, v8;
	v17 =	vld.idx.msk [tilespmem:v20+s7+$0x0], $0xffff;
	v15 =	vadd.f32 v22, v8;
	v22 =	vmovc v19  }
0x110: {  	s19 =	simm.s32 $0x4;
	v24 =	vand.u32 $0x3F, v24;
	v21 =	vmovc v19;
	v13 =	vadd.f32 v13, v8;
	v14 =	vadd.f32 v14, v8;
	v20 =	vld.idx.msk [tilespmem:v20+s9+$0x0], $0xffff  }
.LBB2_8:
0x111: {  	p0 =	sne.s32 s19, $0x3F;
	v24 =	vbroadcast v24, $0x0;
	v25 =	vld.idx.msk [tilespmem:v19+s4+$0x0], $0xffff;
	v26 =	vmul.f32 v10, v7;
	v8 =	vadd.f32 v23, v8  }
0x112: {  	v23 =	vmul.f32 v11, v7;
	v10 =	vld.idx.msk [tilespmem:v19+s10+$0x0], $0xffff  }
.Ltmp3:
0x113: {  	v11 =	vld.idx.msk [tilespmem:v19+s5+$0x0], $0xffff;
	v19 =	vor.u32 v3, v24;
	v24 =	vmul.f32 v16, v7;
	v12 =	vadd.f32 v26, v12;
	(pc) =	sbr.rel @p0 .LBB2_8-.Ltmp3, $4  }
0x114: {  	v9 =	vadd.f32 v23, v9;
	v23 =	vmul.f32 v17, v7;
	v16 =	vld.idx.msk [tilespmem:v22+s6+$0x0], $0xffff;
	v22 =	vmov v19  }
0x115: {  	v26 =	vmul.f32 v18, v7;
	v17 =	vld.idx.msk [tilespmem:v21+s7+$0x0], $0xffff;
	v13 =	vadd.f32 v24, v13  }
0x116: {  	v24 =	vmov s19;
	v14 =	vadd.f32 v23, v14;
	v23 =	vmul.f32 v20, v7;
	v18 =	vld.idx.msk [tilespmem:v21+s8+$0x0], $0xffff  }
0x117: {  	s19 =	sadd.s32 $0x1, s19;
	v24 =	vand.u32 $0x3F, v24;
	v15 =	vadd.f32 v26, v15;
	v7 =	vmovc v25;
	v20 =	vld.idx.msk [tilespmem:v21+s9+$0x0], $0xffff;
	v21 =	vmov v19  }
0x118: {  	_ =	sdelay $0x3  }
0x119: {  	v24 =	vbroadcast v24, $0x0;
	v25 =	vld.idx.msk [tilespmem:v19+s4+$0x0], $0xffff  }
0x11a: {  	v26 =	vld.idx.msk [tilespmem:v19+s10+$0x0], $0xffff  }
0x11b: {  	v19 =	vld.idx.msk [tilespmem:v19+s5+$0x0], $0xffff;
	v24 =	vor.u32 v3, v24  }
0x11c: {  	v22 =	vld.idx.msk [tilespmem:v22+s6+$0x0], $0xffff  }
0x11d: {  	v27 =	vld.idx.msk [tilespmem:v21+s7+$0x0], $0xffff;
	v10 =	vmul.f32 v10, v7  }
0x11e: {  	v28 =	vld.idx.msk [tilespmem:v21+s8+$0x0], $0xffff;
	v11 =	vmul.f32 v11, v7;
	v16 =	vmul.f32 v16, v7  }
0x11f: {  	v21 =	vld.idx.msk [tilespmem:v21+s9+$0x0], $0xffff;
	v8 =	vadd.f32 v23, v8;
	v10 =	vadd.f32 v10, v12;
	v12 =	vmul.f32 v17, v7  }
0x120: {  	v9 =	vadd.f32 v11, v9;
	v11 =	vadd.f32 v16, v13;
	v13 =	vmul.f32 v18, v7;
	v17 =	vld.idx.msk [tilespmem:v24+s4+$0x0], $0xffff  }
0x121: {  	v12 =	vadd.f32 v12, v14;
	v7 =	vmul.f32 v20, v7;
	v14 =	vmul.f32 v26, v25;
	v16 =	vld.idx.msk [tilespmem:v24+s5+$0x0], $0xffff  }
0x122: {  	v13 =	vadd.f32 v13, v15;
	v15 =	vmul.f32 v19, v25;
	v19 =	vmul.f32 v22, v25;
	v18 =	vld.idx.msk [tilespmem:v24+s6+$0x0], $0xffff  }
0x123: {  	v7 =	vadd.f32 v7, v8;
	v8 =	vadd.f32 v14, v10;
	v10 =	vmul.f32 v27, v25;
	v14 =	vld.idx.msk [tilespmem:v24+s8+$0x0], $0xffff  }
0x124: {  	v9 =	vadd.f32 v15, v9;
	v11 =	vadd.f32 v19, v11;
	v15 =	vmul.f32 v28, v25;
	v19 =	vld.idx.msk [tilespmem:v24+s9+$0x0], $0xffff  }
0x125: {  	v20 =	vld.idx.msk [tilespmem:v24+s7+$0x0], $0xffff;
	v10 =	vadd.f32 v10, v12;
	v12 =	vmul.f32 v21, v25  }
0x126: {  	s19 =	simm.s32 $0x0;
	v22 =	vld.idx.msk [tilespmem:v24+s10+$0x0], $0xffff;
	v13 =	vadd.f32 v15, v13;
	v16 =	vmul.f32 v16, v17  }
0x127: {  	v7 =	vadd.f32 v12, v7;
	v15 =	vmul.f32 v18, v17;
	v18 =	vmov s19  }
0x128: {  	v14 =	vmul.f32 v14, v17;
	v18 =	vand.u32 $0x3F, v18;
	v9 =	vadd.f32 v16, v9  }
0x129: {  	v12 =	vmul.f32 v19, v17;
	v11 =	vadd.f32 v15, v11;
	v15 =	vbroadcast v18, $0x0  }
0x12a: {  	v16 =	vmul.f32 v20, v17;
	v13 =	vadd.f32 v14, v13;
	[tilespmem:$0xE3B0] =	vst v9  }
0x12b: {  	v7 =	vadd.f32 v12, v7;
	v9 =	vmul.f32 v22, v17;
	[tilespmem:$0xE430] =	vst v11;
	v11 =	vor.u32 v4, v15  }
0x12c: {  	v10 =	vadd.f32 v16, v10;
	[tilespmem:$0xE530] =	vst v13  }
0x12d: {  	s20 =	simm.s32 $0x1;
	[tilespmem:$0xE5B0] =	vst v7;
	v8 =	vadd.f32 v9, v8  }
0x12e: {  	v7 =	vmov s20;
	[tilespmem:$0xE4B0] =	vst v10  }
0x12f: {  	v7 =	vand.u32 $0x3F, v7;
	[tilespmem:$0xE630] =	vst v8  }
0x130: {  	v7 =	vbroadcast v7, $0x0;
	v15 =	vld.idx.msk [tilespmem:v11+s4+$0x0], $0xffff  }
0x131: {  	v9 =	vld.idx.msk [tilespmem:v11+s10+$0x0], $0xffff  }
0x132: {  	v20 =	vor.u32 v4, v7;
	v12 =	vld.idx.msk [tilespmem:v11+s5+$0x0], $0xffff  }
0x133: {  	v18 =	vld.idx.msk [tilespmem:v11+s8+$0x0], $0xffff  }
0x134: {  	s20 =	simm.s32 $0x2;
	v13 =	vld.idx.msk [tilespmem:v11+s6+$0x0], $0xffff  }
0x135: {  	v7 =	vmov s20;
	v14 =	vld.idx.msk [tilespmem:v11+s7+$0x0], $0xffff  }
0x136: {  	v21 =	vld.idx.msk [tilespmem:v11+s9+$0x0], $0xffff;
	v8 =	vand.u32 $0x3F, v7  }
0x137: {  	v16 =	vbroadcast v8, $0x0;
	v7 =	vld.idx.msk [tilespmem:v20+s4+$0x0], $0xffff  }
0x138: {  	v10 =	vld.idx.msk [tilespmem:v20+s10+$0x0], $0xffff;
	v22 =	vmul.f32 v18, v15  }
0x139: {  	v19 =	vor.u32 v4, v16;
	v11 =	vld.idx.msk [tilespmem:v20+s5+$0x0], $0xffff;
	v9 =	vmul.f32 v9, v15  }
0x13a: {  	v8 =	vimm.f32 $0.0e+00;
	v16 =	vld.idx.msk [tilespmem:v20+s6+$0x0], $0xffff;
	v17 =	vmul.f32 v12, v15;
	v13 =	vmul.f32 v13, v15  }
0x13b: {  	s20 =	simm.s32 $0x3;
	v14 =	vmul.f32 v14, v15;
	v18 =	vld.idx.msk [tilespmem:v20+s8+$0x0], $0xffff;
	v23 =	vmul.f32 v21, v15;
	v12 =	vadd.f32 v9, v8  }
0x13c: {  	v24 =	vmov s20;
	v9 =	vadd.f32 v17, v8;
	v17 =	vld.idx.msk [tilespmem:v20+s7+$0x0], $0xffff;
	v15 =	vadd.f32 v22, v8;
	v22 =	vmovc v19  }
0x13d: {  	s19 =	simm.s32 $0x4;
	v24 =	vand.u32 $0x3F, v24;
	v21 =	vmovc v19;
	v13 =	vadd.f32 v13, v8;
	v14 =	vadd.f32 v14, v8;
	v20 =	vld.idx.msk [tilespmem:v20+s9+$0x0], $0xffff  }
.LBB2_10:
0x13e: {  	p0 =	sne.s32 s19, $0x3F;
	v24 =	vbroadcast v24, $0x0;
	v25 =	vld.idx.msk [tilespmem:v19+s4+$0x0], $0xffff;
	v26 =	vmul.f32 v10, v7;
	v8 =	vadd.f32 v23, v8  }
0x13f: {  	v23 =	vmul.f32 v11, v7;
	v10 =	vld.idx.msk [tilespmem:v19+s10+$0x0], $0xffff  }
.Ltmp4:
0x140: {  	v11 =	vld.idx.msk [tilespmem:v19+s5+$0x0], $0xffff;
	v19 =	vor.u32 v4, v24;
	v24 =	vmul.f32 v16, v7;
	v12 =	vadd.f32 v26, v12;
	(pc) =	sbr.rel @p0 .LBB2_10-.Ltmp4, $4  }
0x141: {  	v9 =	vadd.f32 v23, v9;
	v23 =	vmul.f32 v17, v7;
	v16 =	vld.idx.msk [tilespmem:v22+s6+$0x0], $0xffff;
	v22 =	vmov v19  }
0x142: {  	v26 =	vmul.f32 v18, v7;
	v17 =	vld.idx.msk [tilespmem:v21+s7+$0x0], $0xffff;
	v13 =	vadd.f32 v24, v13  }
0x143: {  	v24 =	vmov s19;
	v14 =	vadd.f32 v23, v14;
	v23 =	vmul.f32 v20, v7;
	v18 =	vld.idx.msk [tilespmem:v21+s8+$0x0], $0xffff  }
0x144: {  	s19 =	sadd.s32 $0x1, s19;
	v24 =	vand.u32 $0x3F, v24;
	v15 =	vadd.f32 v26, v15;
	v7 =	vmovc v25;
	v20 =	vld.idx.msk [tilespmem:v21+s9+$0x0], $0xffff;
	v21 =	vmov v19  }
0x145: {  	_ =	sdelay $0x3  }
0x146: {  	v24 =	vbroadcast v24, $0x0;
	v25 =	vld.idx.msk [tilespmem:v19+s4+$0x0], $0xffff  }
0x147: {  	v26 =	vld.idx.msk [tilespmem:v19+s10+$0x0], $0xffff  }
0x148: {  	v19 =	vld.idx.msk [tilespmem:v19+s5+$0x0], $0xffff;
	v24 =	vor.u32 v4, v24  }
0x149: {  	v22 =	vld.idx.msk [tilespmem:v22+s6+$0x0], $0xffff  }
0x14a: {  	v27 =	vld.idx.msk [tilespmem:v21+s7+$0x0], $0xffff;
	v10 =	vmul.f32 v10, v7  }
0x14b: {  	v28 =	vld.idx.msk [tilespmem:v21+s8+$0x0], $0xffff;
	v11 =	vmul.f32 v11, v7;
	v16 =	vmul.f32 v16, v7  }
0x14c: {  	v21 =	vld.idx.msk [tilespmem:v21+s9+$0x0], $0xffff;
	v8 =	vadd.f32 v23, v8;
	v10 =	vadd.f32 v10, v12;
	v12 =	vmul.f32 v17, v7  }
0x14d: {  	v9 =	vadd.f32 v11, v9;
	v11 =	vadd.f32 v16, v13;
	v13 =	vmul.f32 v18, v7;
	v17 =	vld.idx.msk [tilespmem:v24+s4+$0x0], $0xffff  }
0x14e: {  	v12 =	vadd.f32 v12, v14;
	v7 =	vmul.f32 v20, v7;
	v14 =	vmul.f32 v26, v25;
	v16 =	vld.idx.msk [tilespmem:v24+s5+$0x0], $0xffff  }
0x14f: {  	v13 =	vadd.f32 v13, v15;
	v15 =	vmul.f32 v19, v25;
	v19 =	vmul.f32 v22, v25;
	v18 =	vld.idx.msk [tilespmem:v24+s6+$0x0], $0xffff  }
0x150: {  	v7 =	vadd.f32 v7, v8;
	v8 =	vadd.f32 v14, v10;
	v10 =	vmul.f32 v27, v25;
	v14 =	vld.idx.msk [tilespmem:v24+s8+$0x0], $0xffff  }
0x151: {  	v9 =	vadd.f32 v15, v9;
	v11 =	vadd.f32 v19, v11;
	v15 =	vmul.f32 v28, v25;
	v19 =	vld.idx.msk [tilespmem:v24+s9+$0x0], $0xffff  }
0x152: {  	v20 =	vld.idx.msk [tilespmem:v24+s7+$0x0], $0xffff;
	v10 =	vadd.f32 v10, v12;
	v12 =	vmul.f32 v21, v25  }
0x153: {  	s19 =	simm.s32 $0x0;
	v22 =	vld.idx.msk [tilespmem:v24+s10+$0x0], $0xffff;
	v13 =	vadd.f32 v15, v13;
	v16 =	vmul.f32 v16, v17  }
0x154: {  	v7 =	vadd.f32 v12, v7;
	v15 =	vmul.f32 v18, v17;
	v18 =	vmov s19  }
0x155: {  	v14 =	vmul.f32 v14, v17;
	v18 =	vand.u32 $0x3F, v18;
	v9 =	vadd.f32 v16, v9  }
0x156: {  	v12 =	vmul.f32 v19, v17;
	v11 =	vadd.f32 v15, v11;
	v15 =	vbroadcast v18, $0x0  }
0x157: {  	v16 =	vmul.f32 v20, v17;
	v13 =	vadd.f32 v14, v13;
	[tilespmem:$0xE3C0] =	vst v9  }
0x158: {  	v7 =	vadd.f32 v12, v7;
	v9 =	vmul.f32 v22, v17;
	[tilespmem:$0xE440] =	vst v11;
	v11 =	vor.u32 v5, v15  }
0x159: {  	v10 =	vadd.f32 v16, v10;
	[tilespmem:$0xE540] =	vst v13  }
0x15a: {  	s20 =	simm.s32 $0x1;
	[tilespmem:$0xE5C0] =	vst v7;
	v8 =	vadd.f32 v9, v8  }
0x15b: {  	v7 =	vmov s20;
	[tilespmem:$0xE4C0] =	vst v10  }
0x15c: {  	v7 =	vand.u32 $0x3F, v7;
	[tilespmem:$0xE640] =	vst v8  }
0x15d: {  	v7 =	vbroadcast v7, $0x0;
	v15 =	vld.idx.msk [tilespmem:v11+s4+$0x0], $0xffff  }
0x15e: {  	v9 =	vld.idx.msk [tilespmem:v11+s10+$0x0], $0xffff  }
0x15f: {  	v20 =	vor.u32 v5, v7;
	v12 =	vld.idx.msk [tilespmem:v11+s5+$0x0], $0xffff  }
0x160: {  	v18 =	vld.idx.msk [tilespmem:v11+s8+$0x0], $0xffff  }
0x161: {  	s20 =	simm.s32 $0x2;
	v13 =	vld.idx.msk [tilespmem:v11+s6+$0x0], $0xffff  }
0x162: {  	v7 =	vmov s20;
	v14 =	vld.idx.msk [tilespmem:v11+s7+$0x0], $0xffff  }
0x163: {  	v21 =	vld.idx.msk [tilespmem:v11+s9+$0x0], $0xffff;
	v8 =	vand.u32 $0x3F, v7  }
0x164: {  	v16 =	vbroadcast v8, $0x0;
	v7 =	vld.idx.msk [tilespmem:v20+s4+$0x0], $0xffff  }
0x165: {  	v10 =	vld.idx.msk [tilespmem:v20+s10+$0x0], $0xffff;
	v22 =	vmul.f32 v18, v15  }
0x166: {  	v19 =	vor.u32 v5, v16;
	v11 =	vld.idx.msk [tilespmem:v20+s5+$0x0], $0xffff;
	v9 =	vmul.f32 v9, v15  }
0x167: {  	v8 =	vimm.f32 $0.0e+00;
	v16 =	vld.idx.msk [tilespmem:v20+s6+$0x0], $0xffff;
	v17 =	vmul.f32 v12, v15;
	v13 =	vmul.f32 v13, v15  }
0x168: {  	s20 =	simm.s32 $0x3;
	v14 =	vmul.f32 v14, v15;
	v18 =	vld.idx.msk [tilespmem:v20+s8+$0x0], $0xffff;
	v23 =	vmul.f32 v21, v15;
	v12 =	vadd.f32 v9, v8  }
0x169: {  	v24 =	vmov s20;
	v9 =	vadd.f32 v17, v8;
	v17 =	vld.idx.msk [tilespmem:v20+s7+$0x0], $0xffff;
	v15 =	vadd.f32 v22, v8;
	v22 =	vmovc v19  }
0x16a: {  	s19 =	simm.s32 $0x4;
	v24 =	vand.u32 $0x3F, v24;
	v21 =	vmovc v19;
	v13 =	vadd.f32 v13, v8;
	v14 =	vadd.f32 v14, v8;
	v20 =	vld.idx.msk [tilespmem:v20+s9+$0x0], $0xffff  }
.LBB2_12:
0x16b: {  	p0 =	sne.s32 s19, $0x3F;
	v24 =	vbroadcast v24, $0x0;
	v25 =	vld.idx.msk [tilespmem:v19+s4+$0x0], $0xffff;
	v26 =	vmul.f32 v10, v7;
	v8 =	vadd.f32 v23, v8  }
0x16c: {  	v23 =	vmul.f32 v11, v7;
	v10 =	vld.idx.msk [tilespmem:v19+s10+$0x0], $0xffff  }
.Ltmp5:
0x16d: {  	v11 =	vld.idx.msk [tilespmem:v19+s5+$0x0], $0xffff;
	v19 =	vor.u32 v5, v24;
	v24 =	vmul.f32 v16, v7;
	v12 =	vadd.f32 v26, v12;
	(pc) =	sbr.rel @p0 .LBB2_12-.Ltmp5, $4  }
0x16e: {  	v9 =	vadd.f32 v23, v9;
	v23 =	vmul.f32 v17, v7;
	v16 =	vld.idx.msk [tilespmem:v22+s6+$0x0], $0xffff;
	v22 =	vmov v19  }
0x16f: {  	v26 =	vmul.f32 v18, v7;
	v17 =	vld.idx.msk [tilespmem:v21+s7+$0x0], $0xffff;
	v13 =	vadd.f32 v24, v13  }
0x170: {  	v24 =	vmov s19;
	v14 =	vadd.f32 v23, v14;
	v23 =	vmul.f32 v20, v7;
	v18 =	vld.idx.msk [tilespmem:v21+s8+$0x0], $0xffff  }
0x171: {  	s19 =	sadd.s32 $0x1, s19;
	v24 =	vand.u32 $0x3F, v24;
	v15 =	vadd.f32 v26, v15;
	v7 =	vmovc v25;
	v20 =	vld.idx.msk [tilespmem:v21+s9+$0x0], $0xffff;
	v21 =	vmov v19  }
0x172: {  	_ =	sdelay $0x3  }
0x173: {  	v24 =	vbroadcast v24, $0x0;
	v25 =	vld.idx.msk [tilespmem:v19+s4+$0x0], $0xffff  }
0x174: {  	v26 =	vld.idx.msk [tilespmem:v19+s10+$0x0], $0xffff  }
0x175: {  	v19 =	vld.idx.msk [tilespmem:v19+s5+$0x0], $0xffff;
	v24 =	vor.u32 v5, v24  }
0x176: {  	v22 =	vld.idx.msk [tilespmem:v22+s6+$0x0], $0xffff  }
0x177: {  	v27 =	vld.idx.msk [tilespmem:v21+s7+$0x0], $0xffff;
	v10 =	vmul.f32 v10, v7  }
0x178: {  	v28 =	vld.idx.msk [tilespmem:v21+s8+$0x0], $0xffff;
	v11 =	vmul.f32 v11, v7;
	v16 =	vmul.f32 v16, v7  }
0x179: {  	v21 =	vld.idx.msk [tilespmem:v21+s9+$0x0], $0xffff;
	v8 =	vadd.f32 v23, v8;
	v10 =	vadd.f32 v10, v12;
	v12 =	vmul.f32 v17, v7  }
0x17a: {  	v9 =	vadd.f32 v11, v9;
	v11 =	vadd.f32 v16, v13;
	v13 =	vmul.f32 v18, v7;
	v17 =	vld.idx.msk [tilespmem:v24+s4+$0x0], $0xffff  }
0x17b: {  	v12 =	vadd.f32 v12, v14;
	v7 =	vmul.f32 v20, v7;
	v14 =	vmul.f32 v26, v25;
	v16 =	vld.idx.msk [tilespmem:v24+s5+$0x0], $0xffff  }
0x17c: {  	v13 =	vadd.f32 v13, v15;
	v15 =	vmul.f32 v19, v25;
	v19 =	vmul.f32 v22, v25;
	v18 =	vld.idx.msk [tilespmem:v24+s6+$0x0], $0xffff  }
0x17d: {  	v7 =	vadd.f32 v7, v8;
	v8 =	vadd.f32 v14, v10;
	v10 =	vmul.f32 v27, v25;
	v14 =	vld.idx.msk [tilespmem:v24+s8+$0x0], $0xffff  }
0x17e: {  	v9 =	vadd.f32 v15, v9;
	v11 =	vadd.f32 v19, v11;
	v15 =	vmul.f32 v28, v25;
	v19 =	vld.idx.msk [tilespmem:v24+s9+$0x0], $0xffff  }
0x17f: {  	v20 =	vld.idx.msk [tilespmem:v24+s7+$0x0], $0xffff;
	v10 =	vadd.f32 v10, v12;
	v12 =	vmul.f32 v21, v25  }
0x180: {  	s19 =	simm.s32 $0x0;
	v22 =	vld.idx.msk [tilespmem:v24+s10+$0x0], $0xffff;
	v13 =	vadd.f32 v15, v13;
	v16 =	vmul.f32 v16, v17  }
0x181: {  	v7 =	vadd.f32 v12, v7;
	v15 =	vmul.f32 v18, v17;
	v18 =	vmov s19  }
0x182: {  	v14 =	vmul.f32 v14, v17;
	v18 =	vand.u32 $0x3F, v18;
	v9 =	vadd.f32 v16, v9  }
0x183: {  	v12 =	vmul.f32 v19, v17;
	v11 =	vadd.f32 v15, v11;
	v15 =	vbroadcast v18, $0x0  }
0x184: {  	v16 =	vmul.f32 v20, v17;
	v13 =	vadd.f32 v14, v13;
	[tilespmem:$0xE3D0] =	vst v9  }
0x185: {  	v7 =	vadd.f32 v12, v7;
	v9 =	vmul.f32 v22, v17;
	[tilespmem:$0xE450] =	vst v11;
	v11 =	vor.u32 v6, v15  }
0x186: {  	v10 =	vadd.f32 v16, v10;
	[tilespmem:$0xE550] =	vst v13  }
0x187: {  	s20 =	simm.s32 $0x1;
	[tilespmem:$0xE5D0] =	vst v7;
	v8 =	vadd.f32 v9, v8  }
0x188: {  	v7 =	vmov s20;
	[tilespmem:$0xE4D0] =	vst v10  }
0x189: {  	v7 =	vand.u32 $0x3F, v7;
	[tilespmem:$0xE650] =	vst v8  }
0x18a: {  	v7 =	vbroadcast v7, $0x0;
	v16 =	vld.idx.msk [tilespmem:v11+s4+$0x0], $0xffff  }
0x18b: {  	v9 =	vld.idx.msk [tilespmem:v11+s10+$0x0], $0xffff  }
0x18c: {  	v20 =	vor.u32 v6, v7;
	v12 =	vld.idx.msk [tilespmem:v11+s5+$0x0], $0xffff  }
0x18d: {  	v13 =	vld.idx.msk [tilespmem:v11+s6+$0x0], $0xffff  }
0x18e: {  	v14 =	vld.idx.msk [tilespmem:v11+s7+$0x0], $0xffff  }
0x18f: {  	s20 =	simm.s32 $0x2;
	v19 =	vld.idx.msk [tilespmem:v11+s8+$0x0], $0xffff  }
0x190: {  	v7 =	vmov s20;
	v21 =	vld.idx.msk [tilespmem:v11+s9+$0x0], $0xffff  }
0x191: {  	v8 =	vand.u32 $0x3F, v7;
	v7 =	vld.idx.msk [tilespmem:v20+s4+$0x0], $0xffff  }
0x192: {  	v15 =	vbroadcast v8, $0x0;
	v10 =	vld.idx.msk [tilespmem:v20+s10+$0x0], $0xffff  }
0x193: {  	v11 =	vld.idx.msk [tilespmem:v20+s5+$0x0], $0xffff;
	v22 =	vmul.f32 v14, v16  }
0x194: {  	s20 =	simm.s32 $0x3;
	v18 =	vor.u32 v6, v15;
	v15 =	vld.idx.msk [tilespmem:v20+s6+$0x0], $0xffff;
	v9 =	vmul.f32 v9, v16;
	v12 =	vmul.f32 v12, v16  }
0x195: {  	v24 =	vmov s20;
	v8 =	vimm.f32 $0.0e+00;
	v17 =	vld.idx.msk [tilespmem:v20+s7+$0x0], $0xffff;
	v13 =	vmul.f32 v13, v16  }
0x196: {  	v25 =	vmul.f32 v19, v16;
	v19 =	vld.idx.msk [tilespmem:v20+s8+$0x0], $0xffff;
	v14 =	vadd.f32 v9, v8;
	v9 =	vadd.f32 v12, v8  }
0x197: {  	v23 =	vmul.f32 v21, v16;
	v12 =	vadd.f32 v13, v8;
	v13 =	vadd.f32 v22, v8;
	v22 =	vmovc v18  }
0x198: {  	s19 =	simm.s32 $0x4;
	v24 =	vand.u32 $0x3F, v24;
	v20 =	vld.idx.msk [tilespmem:v20+s9+$0x0], $0xffff;
	v21 =	vmov v18;
	v16 =	vadd.f32 v25, v8  }
.LBB2_14:
0x199: {  	p0 =	sne.s32 s19, $0x3F;
	v24 =	vbroadcast v24, $0x0;
	v25 =	vld.idx.msk [tilespmem:v18+s4+$0x0], $0xffff;
	v26 =	vmul.f32 v10, v7;
	v8 =	vadd.f32 v23, v8  }
0x19a: {  	v23 =	vmul.f32 v11, v7;
	v10 =	vld.idx.msk [tilespmem:v18+s10+$0x0], $0xffff  }
.Ltmp6:
0x19b: {  	v11 =	vld.idx.msk [tilespmem:v18+s5+$0x0], $0xffff;
	v18 =	vor.u32 v6, v24;
	v24 =	vmul.f32 v15, v7;
	v14 =	vadd.f32 v26, v14;
	(pc) =	sbr.rel @p0 .LBB2_14-.Ltmp6, $4  }
0x19c: {  	v9 =	vadd.f32 v23, v9;
	v23 =	vmul.f32 v17, v7;
	v15 =	vld.idx.msk [tilespmem:v22+s6+$0x0], $0xffff;
	v22 =	vmov v18  }
0x19d: {  	v26 =	vmul.f32 v19, v7;
	v17 =	vld.idx.msk [tilespmem:v21+s7+$0x0], $0xffff;
	v12 =	vadd.f32 v24, v12  }
0x19e: {  	v24 =	vmov s19;
	v13 =	vadd.f32 v23, v13;
	v23 =	vmul.f32 v20, v7;
	v19 =	vld.idx.msk [tilespmem:v21+s8+$0x0], $0xffff  }
0x19f: {  	s19 =	sadd.s32 $0x1, s19;
	v24 =	vand.u32 $0x3F, v24;
	v16 =	vadd.f32 v26, v16;
	v7 =	vmovc v25;
	v20 =	vld.idx.msk [tilespmem:v21+s9+$0x0], $0xffff;
	v21 =	vmov v18  }
0x1a0: {  	_ =	sdelay $0x3  }
0x1a1: {  	v24 =	vbroadcast v24, $0x0;
	v25 =	vld.idx.msk [tilespmem:v18+s4+$0x0], $0xffff  }
0x1a2: {  	v26 =	vld.idx.msk [tilespmem:v18+s10+$0x0], $0xffff  }
0x1a3: {  	v18 =	vld.idx.msk [tilespmem:v18+s5+$0x0], $0xffff;
	v24 =	vor.u32 v6, v24  }
0x1a4: {  	v22 =	vld.idx.msk [tilespmem:v22+s6+$0x0], $0xffff  }
0x1a5: {  	v27 =	vld.idx.msk [tilespmem:v21+s7+$0x0], $0xffff  }
0x1a6: {  	v10 =	vmul.f32 v10, v7;
	v28 =	vld.idx.msk [tilespmem:v21+s8+$0x0], $0xffff  }
0x1a7: {  	v8 =	vadd.f32 v23, v8;
	v11 =	vmul.f32 v11, v7;
	v21 =	vld.idx.msk [tilespmem:v21+s9+$0x0], $0xffff;
	v15 =	vmul.f32 v15, v7  }
0x1a8: {  	v10 =	vadd.f32 v10, v14;
	v14 =	vmul.f32 v17, v7;
	v17 =	vmul.f32 v19, v7;
	v19 =	vld.idx.msk [tilespmem:v24+s4+$0x0], $0xffff  }
0x1a9: {  	v9 =	vadd.f32 v11, v9;
	v11 =	vadd.f32 v15, v12;
	v7 =	vmul.f32 v20, v7;
	v12 =	vld.idx.msk [tilespmem:v24+s5+$0x0], $0xffff  }
0x1aa: {  	v13 =	vadd.f32 v14, v13;
	v14 =	vadd.f32 v17, v16;
	v15 =	vmul.f32 v26, v25;
	v16 =	vld.idx.msk [tilespmem:v24+s6+$0x0], $0xffff  }
0x1ab: {  	v20 =	vmul.f32 v28, v25;
	v7 =	vadd.f32 v7, v8;
	v8 =	vmul.f32 v18, v25;
	v18 =	vld.idx.msk [tilespmem:v24+s7+$0x0], $0xffff  }
0x1ac: {  	v17 =	vmul.f32 v22, v25;
	v22 =	vld.idx.msk [tilespmem:v24+s8+$0x0], $0xffff  }
0x1ad: {  	v10 =	vadd.f32 v15, v10;
	v15 =	vmul.f32 v27, v25;
	v14 =	vadd.f32 v20, v14  }
0x1ae: {  	s19 =	simm.s32 $0x0;
	v8 =	vadd.f32 v8, v9;
	v9 =	vadd.f32 v17, v11;
	v11 =	vmul.f32 v21, v25;
	v17 =	vld.idx.msk [tilespmem:v24+s9+$0x0], $0xffff  }
0x1af: {  	v21 =	vld.idx.msk [tilespmem:v24+s10+$0x0], $0xffff;
	v13 =	vadd.f32 v15, v13;
	v15 =	vmov s19;
	v12 =	vmul.f32 v12, v19  }
0x1b0: {  	v11 =	vadd.f32 v11, v7;
	v15 =	vand.u32 $0x3F, v15;
	v7 =	vmul.f32 v16, v19  }
0x1b1: {  	v16 =	vmul.f32 v22, v19;
	v8 =	vadd.f32 v12, v8;
	v12 =	vmul.f32 v18, v19  }
0x1b2: {  	v15 =	vbroadcast v15, $0x0;
	v9 =	vadd.f32 v7, v9;
	v7 =	vor.u32 $0x1C00, v0  }
0x1b3: {  	v14 =	vadd.f32 v16, v14;
	v12 =	vadd.f32 v12, v13;
	v13 =	vmul.f32 v17, v19;
	[tilespmem:$0xE3E0] =	vst v8  }
0x1b4: {  	v8 =	vmul.f32 v21, v19;
	[tilespmem:$0xE460] =	vst v9;
	v9 =	vor.u32 v7, v15  }
0x1b5: {  	[tilespmem:$0xE560] =	vst v14;
	v11 =	vadd.f32 v13, v11  }
0x1b6: {  	[tilespmem:$0xE4E0] =	vst v12;
	v8 =	vadd.f32 v8, v10  }
0x1b7: {  	s20 =	simm.s32 $0x1;
	[tilespmem:$0xE5E0] =	vst v11  }
0x1b8: {  	v10 =	vmov s20;
	[tilespmem:$0xE660] =	vst v8  }
0x1b9: {  	v8 =	vand.u32 $0x3F, v10;
	v17 =	vld.idx.msk [tilespmem:v9+s4+$0x0], $0xffff  }
0x1ba: {  	v8 =	vbroadcast v8, $0x0;
	v10 =	vld.idx.msk [tilespmem:v9+s10+$0x0], $0xffff  }
0x1bb: {  	v11 =	vld.idx.msk [tilespmem:v9+s5+$0x0], $0xffff  }
0x1bc: {  	v13 =	vld.idx.msk [tilespmem:v9+s6+$0x0], $0xffff;
	v21 =	vor.u32 v7, v8  }
0x1bd: {  	s20 =	simm.s32 $0x2;
	v15 =	vld.idx.msk [tilespmem:v9+s7+$0x0], $0xffff  }
0x1be: {  	v19 =	vld.idx.msk [tilespmem:v9+s8+$0x0], $0xffff;
	v8 =	vmov s20  }
0x1bf: {  	v22 =	vld.idx.msk [tilespmem:v9+s9+$0x0], $0xffff;
	v9 =	vand.u32 $0x3F, v8  }
0x1c0: {  	v16 =	vbroadcast v9, $0x0  }
0x1c1: {  	v11 =	vmul.f32 v11, v17;
	v23 =	vmul.f32 v13, v17;
	v8 =	vld.idx.msk [tilespmem:v21+s4+$0x0], $0xffff  }
0x1c2: {  	s20 =	simm.s32 $0x3;
	v9 =	vimm.f32 $0.0e+00;
	v10 =	vmul.f32 v10, v17;
	v20 =	vor.u32 v7, v16;
	v12 =	vld.idx.msk [tilespmem:v21+s10+$0x0], $0xffff  }
0x1c3: {  	v14 =	vld.idx.msk [tilespmem:v21+s5+$0x0], $0xffff;
	v13 =	vadd.f32 v11, v9;
	v11 =	vadd.f32 v23, v9;
	v23 =	vmov s20  }
0x1c4: {  	v24 =	vmul.f32 v15, v17;
	v16 =	vld.idx.msk [tilespmem:v21+s6+$0x0], $0xffff  }
0x1c5: {  	v26 =	vmul.f32 v19, v17;
	v15 =	vadd.f32 v10, v9;
	v18 =	vld.idx.msk [tilespmem:v21+s7+$0x0], $0xffff  }
0x1c6: {  	v19 =	vld.idx.msk [tilespmem:v21+s8+$0x0], $0xffff;
	v10 =	vadd.f32 v24, v9;
	v24 =	vmul.f32 v22, v17;
	v25 =	vand.u32 $0x3F, v23;
	v23 =	vmovc v20  }
0x1c7: {  	s19 =	simm.s32 $0x4;
	v21 =	vld.idx.msk [tilespmem:v21+s9+$0x0], $0xffff;
	v17 =	vadd.f32 v26, v9;
	v22 =	vmov v20  }
.LBB2_16:
0x1c8: {  	p0 =	sne.s32 s19, $0x3F;
	v25 =	vbroadcast v25, $0x0;
	v26 =	vld.idx.msk [tilespmem:v20+s4+$0x0], $0xffff;
	v27 =	vmul.f32 v12, v8;
	v9 =	vadd.f32 v24, v9  }
0x1c9: {  	v24 =	vmul.f32 v14, v8;
	v12 =	vld.idx.msk [tilespmem:v20+s10+$0x0], $0xffff  }
.Ltmp7:
0x1ca: {  	v14 =	vld.idx.msk [tilespmem:v20+s5+$0x0], $0xffff;
	v20 =	vor.u32 v7, v25;
	v25 =	vmul.f32 v16, v8;
	v15 =	vadd.f32 v27, v15;
	(pc) =	sbr.rel @p0 .LBB2_16-.Ltmp7, $4  }
0x1cb: {  	v13 =	vadd.f32 v24, v13;
	v24 =	vmul.f32 v18, v8;
	v16 =	vld.idx.msk [tilespmem:v23+s6+$0x0], $0xffff;
	v23 =	vmov v20  }
0x1cc: {  	v27 =	vmul.f32 v19, v8;
	v18 =	vld.idx.msk [tilespmem:v22+s7+$0x0], $0xffff;
	v11 =	vadd.f32 v25, v11  }
0x1cd: {  	v25 =	vmov s19;
	v10 =	vadd.f32 v24, v10;
	v24 =	vmul.f32 v21, v8;
	v19 =	vld.idx.msk [tilespmem:v22+s8+$0x0], $0xffff  }
0x1ce: {  	s19 =	sadd.s32 $0x1, s19;
	v25 =	vand.u32 $0x3F, v25;
	v17 =	vadd.f32 v27, v17;
	v8 =	vmovc v26;
	v21 =	vld.idx.msk [tilespmem:v22+s9+$0x0], $0xffff;
	v22 =	vmov v20  }
0x1cf: {  	_ =	sdelay $0x3  }
0x1d0: {  	v25 =	vbroadcast v25, $0x0;
	v26 =	vld.idx.msk [tilespmem:v20+s4+$0x0], $0xffff  }
0x1d1: {  	v27 =	vld.idx.msk [tilespmem:v20+s10+$0x0], $0xffff  }
0x1d2: {  	v20 =	vld.idx.msk [tilespmem:v20+s5+$0x0], $0xffff;
	v25 =	vor.u32 v7, v25  }
0x1d3: {  	v23 =	vld.idx.msk [tilespmem:v23+s6+$0x0], $0xffff  }
0x1d4: {  	v28 =	vld.idx.msk [tilespmem:v22+s7+$0x0], $0xffff  }
0x1d5: {  	v29 =	vld.idx.msk [tilespmem:v22+s8+$0x0], $0xffff  }
0x1d6: {  	v12 =	vmul.f32 v12, v8;
	v22 =	vld.idx.msk [tilespmem:v22+s9+$0x0], $0xffff  }
0x1d7: {  	v14 =	vmul.f32 v14, v8;
	v30 =	vld.idx.msk [tilespmem:v25+s4+$0x0], $0xffff  }
0x1d8: {  	v9 =	vadd.f32 v24, v9;
	v16 =	vmul.f32 v16, v8;
	v12 =	vadd.f32 v12, v15;
	v15 =	vld.idx.msk [tilespmem:v25+s5+$0x0], $0xffff  }
0x1d9: {  	v13 =	vadd.f32 v14, v13;
	v14 =	vmul.f32 v18, v8;
	v18 =	vmul.f32 v19, v8;
	v19 =	vld.idx.msk [tilespmem:v25+s6+$0x0], $0xffff  }
0x1da: {  	v11 =	vadd.f32 v16, v11;
	v8 =	vmul.f32 v21, v8;
	v16 =	vmul.f32 v20, v26;
	v20 =	vld.idx.msk [tilespmem:v25+s7+$0x0], $0xffff  }
0x1db: {  	v10 =	vadd.f32 v14, v10;
	v14 =	vadd.f32 v18, v17;
	v17 =	vmul.f32 v23, v26;
	v18 =	vld.idx.msk [tilespmem:v25+s8+$0x0], $0xffff  }
0x1dc: {  	v8 =	vadd.f32 v8, v9;
	v9 =	vadd.f32 v16, v13;
	v13 =	vmul.f32 v28, v26;
	v16 =	vld.idx.msk [tilespmem:v25+s9+$0x0], $0xffff  }
0x1dd: {  	v21 =	vmul.f32 v27, v26;
	v23 =	vld.idx.msk [tilespmem:v25+s10+$0x0], $0xffff;
	v11 =	vadd.f32 v17, v11;
	v15 =	vmul.f32 v15, v30  }
0x1de: {  	v17 =	vmul.f32 v29, v26;
	v10 =	vadd.f32 v13, v10;
	v13 =	vmul.f32 v19, v30  }
0x1df: {  	v19 =	vmul.f32 v22, v26;
	v9 =	vadd.f32 v15, v9;
	v15 =	vmul.f32 v20, v30  }
0x1e0: {  	v14 =	vadd.f32 v17, v14;
	v11 =	vadd.f32 v13, v11;
	v13 =	vmul.f32 v18, v30  }
0x1e1: {  	v8 =	vadd.f32 v19, v8;
	v10 =	vadd.f32 v15, v10;
	v15 =	vmul.f32 v16, v30;
	[tilespmem:$0xE3F0] =	vst v9  }
0x1e2: {  	v9 =	vadd.f32 v21, v12;
	v12 =	vmul.f32 v23, v30;
	v13 =	vadd.f32 v13, v14;
	[tilespmem:$0xE470] =	vst v11  }
0x1e3: {  	v8 =	vadd.f32 v15, v8;
	[tilespmem:$0xE4F0] =	vst v10  }
0x1e4: {  	s20 =	sld [smem:$0x7F4];
	v9 =	vadd.f32 v12, v9;
	[tilespmem:$0xE570] =	vst v13  }
0x1e5: {  	[tilespmem:$0xE5F0] =	vst v8  }
0x1e6: {  	s19 =	simm.s32 $0x0;
	[tilespmem:$0xE670] =	vst v9  }
0x1e7: {  	[hbm4b:s20+s19] =	stream.linear.scatter [tilespmem:s12], [sflag:$0x2], $0x80, $0x38;
	[tilespmem:$0xE680] =	vst v63  }
0x1e8: {  	_ =	swait.ge [sflag:s28], $0x80  }
0x1e9: {  	s20 =	sld [smem:$0x7F5]  }
0x1ea: {  	[sflag:s28] =	ssyncset.done $0x0  }
0x1eb: {  	[sflag:s28] =	ssyncadd.s32 $0xFFFFFF80  }
0x1ec: {  	[hbm4b:s20+s19] =	stream.linear.scatter [tilespmem:s13], [sflag:$0x2], $0x80, $0x38;
	[tilespmem:$0xE680] =	vst v63  }
0x1ed: {  	_ =	swait.ge [sflag:s28], $0x80  }
0x1ee: {  	[sflag:s28] =	ssyncset.done $0x0  }
0x1ef: {  	s20 =	rddreg [dreg:$0x8];
	[sflag:s28] =	ssyncadd.s32 $0xFFFFFF80  }
0x1f0: {  	[hbm4b:s20+s19] =	stream.linear.scatter [tilespmem:s14], [sflag:$0x2], $0x80, $0x38;
	[tilespmem:$0xE680] =	vst v63  }
0x1f1: {  	_ =	swait.ge [sflag:s28], $0x80  }
0x1f2: {  	[sflag:s28] =	ssyncset.done $0x0  }
0x1f3: {  	s20 =	rddreg [dreg:$0x9];
	[sflag:s28] =	ssyncadd.s32 $0xFFFFFF80  }
0x1f4: {  	[hbm4b:s20+s19] =	stream.linear.scatter [tilespmem:s15], [sflag:$0x2], $0x80, $0x38;
	[tilespmem:$0xE680] =	vst v63  }
0x1f5: {  	_ =	swait.ge [sflag:s28], $0x80  }
0x1f6: {  	[sflag:s28] =	ssyncset.done $0x0  }
0x1f7: {  	s20 =	rddreg [dreg:$0xa];
	[sflag:s28] =	ssyncadd.s32 $0xFFFFFF80  }
0x1f8: {  	[hbm4b:s20+s19] =	stream.linear.scatter [tilespmem:s16], [sflag:$0x2], $0x80, $0x38;
	[tilespmem:$0xE680] =	vst v63  }
0x1f9: {  	_ =	swait.ge [sflag:s28], $0x80  }
0x1fa: {  	[sflag:s28] =	ssyncset.done $0x0  }
0x1fb: {  	s20 =	rddreg [dreg:$0xb];
	[sflag:s28] =	ssyncadd.s32 $0xFFFFFF80  }
0x1fc: {  	[hbm4b:s20+s19] =	stream.linear.scatter [tilespmem:s17], [sflag:$0x2], $0x80, $0x38;
	[tilespmem:$0xE680] =	vst v63  }
0x1fd: {  	_ =	swait.ge [sflag:s28], $0x80  }
0x1fe: {  	[sflag:s28] =	ssyncset.done $0x0  }
0x1ff: {  	s20 =	rddreg [dreg:$0xc];
	[sflag:s28] =	ssyncadd.s32 $0xFFFFFF80  }
0x200: {  	[tilespmem:s19], [sflag:$0x2] =	stream.linear.gather [hbm4b:s20+s19], $0x80, $0x38;
	[tilespmem:$0xE680] =	vst v63  }
0x201: {  	_ =	swait.ge [sflag:s28], $0x80  }
0x202: {  	[sflag:s28] =	ssyncset.done $0x0  }
0x203: {  	s20 =	rddreg [dreg:$0xd];
	[sflag:s28] =	ssyncadd.s32 $0xFFFFFF80  }
0x204: {  	[tilespmem:s29], [sflag:$0x2] =	stream.linear.gather [hbm4b:s20+s19], $0x80, $0x38;
	[tilespmem:$0xE680] =	vst v63  }
0x205: {  	_ =	swait.ge [sflag:s28], $0x80  }
0x206: {  	[sflag:s28] =	ssyncset.done $0x0  }
0x207: {  	s20 =	rddreg [dreg:$0xe];
	[sflag:s28] =	ssyncadd.s32 $0xFFFFFF80  }
0x208: {  	[tilespmem:s30], [sflag:$0x2] =	stream.linear.gather [hbm4b:s20+s19], $0x80, $0x38;
	[tilespmem:$0xE680] =	vst v63  }
0x209: {  	_ =	swait.ge [sflag:s28], $0x80  }
0x20a: {  	[sflag:s28] =	ssyncset.done $0x0  }
0x20b: {  	s20 =	rddreg [dreg:$0xf];
	[sflag:s28] =	ssyncadd.s32 $0xFFFFFF80  }
0x20c: {  	[tilespmem:s31], [sflag:$0x2] =	stream.linear.gather [hbm4b:s20+s19], $0x80, $0x38;
	[tilespmem:$0xE680] =	vst v63  }
0x20d: {  	_ =	swait.ge [sflag:s28], $0x80  }
0x20e: {  	[sflag:s28] =	ssyncset.done $0x0  }
0x20f: {  	s20 =	rddreg [dreg:$0x13];
	[sflag:s28] =	ssyncadd.s32 $0xFFFFFF80  }
0x210: {  	[tilespmem:s0], [sflag:$0x2] =	stream.linear.gather [hbm4b:s20+s19], $0x80, $0x38;
	[tilespmem:$0xE680] =	vst v63  }
0x211: {  	_ =	swait.ge [sflag:s28], $0x80  }
0x212: {  	[sflag:s28] =	ssyncset.done $0x0  }
0x213: {  	s20 =	rddreg [dreg:$0x15];
	[sflag:s28] =	ssyncadd.s32 $0xFFFFFF80  }
0x214: {  	[tilespmem:s2], [sflag:$0x2] =	stream.linear.gather [hbm4b:s20+s19], $0x80, $0x38;
	[tilespmem:$0xE680] =	vst v63  }
0x215: {  	_ =	swait.ge [sflag:s28], $0x80  }
0x216: {  	[sflag:s28] =	ssyncset.done $0x0  }
0x217: {  	s20 =	rddreg [dreg:$0x17];
	[sflag:s28] =	ssyncadd.s32 $0xFFFFFF80  }
0x218: {  	[tilespmem:s3], [sflag:$0x2] =	stream.linear.gather [hbm4b:s20+s19], $0x80, $0x38;
	[tilespmem:$0xE680] =	vst v63  }
0x219: {  	_ =	swait.ge [sflag:s28], $0x80  }
0x21a: {  	[sflag:s28] =	ssyncset.done $0x0  }
0x21b: {  	[sflag:s28] =	ssyncadd.s32 $0xFFFFFF80  }
0x21c: {  	[tilespmem:s4], [sflag:$0x1] =	stream.indirect.gather [hbm4b:s24+s29], $0x40, s19, s29, $0xb8;
	[tilespmem:$0xE680] =	vst v63  }
0x21d: {  	_ = 	snop  }
0x21e: {  	[tilespmem:s5], [sflag:$0x1] =	stream.indirect.gather [hbm4b:s25+s29], $0x40, s29, s29, $0xb8;
	[tilespmem:$0xE680] =	vst v63  }
0x21f: {  	_ = 	snop  }
0x220: {  	[tilespmem:s6], [sflag:$0x1] =	stream.indirect.gather [hbm4b:s25+s29], $0x40, s30, s29, $0xb8;
	[tilespmem:$0xE680] =	vst v63  }
0x221: {  	_ = 	snop  }
0x222: {  	[tilespmem:s7], [sflag:$0x1] =	stream.indirect.gather [hbm4b:s25+s29], $0x40, s31, s29, $0xb8;
	[tilespmem:$0xE680] =	vst v63  }
0x223: {  	_ = 	snop  }
0x224: {  	[tilespmem:s8], [sflag:$0x1] =	stream.indirect.gather [hbm4b:s25+s29], $0x40, s0, s29, $0xb8;
	[tilespmem:$0xE680] =	vst v63  }
0x225: {  	_ = 	snop  }
0x226: {  	[tilespmem:s9], [sflag:$0x1] =	stream.indirect.gather [hbm4b:s25+s29], $0x40, s2, s29, $0xb8;
	[tilespmem:$0xE680] =	vst v63  }
0x227: {  	_ = 	snop  }
0x228: {  	[tilespmem:s10], [sflag:$0x1] =	stream.indirect.gather [hbm4b:s25+s29], $0x40, s3, s29, $0xb8;
	[tilespmem:$0xE680] =	vst v63  }
0x229: {  	_ =	swait.ge [sflag:s11], $0x2000  }
0x22a: {  	[sflag:s11] =	ssyncset.done $0x0  }
0x22b: {  	[sflag:s11] =	ssyncadd.s32 $0xFFFFE000  }
0x22c: {  	_ =	swait.ge [sflag:s11], $0x2000  }
0x22d: {  	[sflag:s11] =	ssyncset.done $0x0  }
0x22e: {  	[sflag:s11] =	ssyncadd.s32 $0xFFFFE000  }
0x22f: {  	_ =	swait.ge [sflag:s11], $0x2000  }
0x230: {  	[sflag:s11] =	ssyncset.done $0x0  }
0x231: {  	[sflag:s11] =	ssyncadd.s32 $0xFFFFE000  }
0x232: {  	_ =	swait.ge [sflag:s11], $0x2000  }
0x233: {  	[sflag:s11] =	ssyncset.done $0x0  }
0x234: {  	[sflag:s11] =	ssyncadd.s32 $0xFFFFE000  }
0x235: {  	v8 =	vmov s19;
	_ =	swait.ge [sflag:s11], $0x2000  }
0x236: {  	v8 =	vand.u32 $0x3F, v8;
	[sflag:s11] =	ssyncset.done $0x0  }
0x237: {  	v8 =	vbroadcast v8, $0x0;
	[sflag:s11] =	ssyncadd.s32 $0xFFFFE000  }
0x238: {  	_ =	swait.ge [sflag:s11], $0x2000  }
0x239: {  	v8 =	vor.u32 v0, v8;
	[sflag:s11] =	ssyncset.done $0x0  }
0x23a: {  	[sflag:s11] =	ssyncadd.s32 $0xFFFFE000  }
0x23b: {  	s20 =	simm.s32 $0x1;
	_ =	swait.ge [sflag:s11], $0x2000  }
0x23c: {  	v9 =	vmov s20;
	[sflag:s11] =	ssyncset.done $0x0  }
0x23d: {  	v9 =	vand.u32 $0x3F, v9;
	[sflag:s11] =	ssyncadd.s32 $0xFFFFE000  }
0x23e: {  	v9 =	vbroadcast v9, $0x0;
	v16 =	vld.idx.msk [tilespmem:v8+s4+$0x0], $0xffff  }
0x23f: {  	v10 =	vld.idx.msk [tilespmem:v8+s10+$0x0], $0xffff  }
0x240: {  	v21 =	vor.u32 v0, v9;
	v12 =	vld.idx.msk [tilespmem:v8+s5+$0x0], $0xffff  }
0x241: {  	v14 =	vld.idx.msk [tilespmem:v8+s7+$0x0], $0xffff  }
0x242: {  	s20 =	simm.s32 $0x2;
	v13 =	vld.idx.msk [tilespmem:v8+s6+$0x0], $0xffff  }
0x243: {  	v9 =	vmov s20;
	v15 =	vld.idx.msk [tilespmem:v8+s8+$0x0], $0xffff  }
0x244: {  	v9 =	vand.u32 $0x3F, v9;
	v22 =	vld.idx.msk [tilespmem:v8+s9+$0x0], $0xffff  }
0x245: {  	v17 =	vbroadcast v9, $0x0;
	v8 =	vld.idx.msk [tilespmem:v21+s4+$0x0], $0xffff  }
0x246: {  	v11 =	vld.idx.msk [tilespmem:v21+s10+$0x0], $0xffff;
	v23 =	vmul.f32 v14, v16  }
0x247: {  	v20 =	vor.u32 v0, v17;
	v17 =	vld.idx.msk [tilespmem:v21+s6+$0x0], $0xffff;
	v10 =	vmul.f32 v10, v16;
	v18 =	vmul.f32 v12, v16  }
0x248: {  	v9 =	vimm.f32 $0.0e+00;
	v12 =	vld.idx.msk [tilespmem:v21+s5+$0x0], $0xffff;
	v19 =	vmul.f32 v13, v16;
	v26 =	vmul.f32 v15, v16  }
0x249: {  	s20 =	simm.s32 $0x3;
	v24 =	vmul.f32 v22, v16;
	v13 =	vadd.f32 v10, v9;
	v10 =	vadd.f32 v18, v9;
	v18 =	vld.idx.msk [tilespmem:v21+s7+$0x0], $0xffff  }
0x24a: {  	v25 =	vmov s20;
	v14 =	vadd.f32 v19, v9;
	v19 =	vld.idx.msk [tilespmem:v21+s8+$0x0], $0xffff;
	v15 =	vadd.f32 v23, v9;
	v23 =	vmovc v20  }
0x24b: {  	s19 =	simm.s32 $0x4;
	v25 =	vand.u32 $0x3F, v25;
	v22 =	vmov v20;
	v21 =	vld.idx.msk [tilespmem:v21+s9+$0x0], $0xffff;
	v16 =	vadd.f32 v26, v9  }
.LBB2_18:
0x24c: {  	p0 =	sne.s32 s19, $0x3F;
	v25 =	vbroadcast v25, $0x0;
	v26 =	vld.idx.msk [tilespmem:v20+s4+$0x0], $0xffff;
	v27 =	vmul.f32 v11, v8;
	v9 =	vadd.f32 v24, v9  }
0x24d: {  	v24 =	vmul.f32 v12, v8;
	v11 =	vld.idx.msk [tilespmem:v20+s10+$0x0], $0xffff  }
.Ltmp8:
0x24e: {  	v12 =	vld.idx.msk [tilespmem:v20+s5+$0x0], $0xffff;
	v20 =	vor.u32 v0, v25;
	v25 =	vmul.f32 v17, v8;
	v13 =	vadd.f32 v27, v13;
	(pc) =	sbr.rel @p0 .LBB2_18-.Ltmp8, $4  }
0x24f: {  	v10 =	vadd.f32 v24, v10;
	v24 =	vmul.f32 v18, v8;
	v17 =	vld.idx.msk [tilespmem:v23+s6+$0x0], $0xffff;
	v23 =	vmov v20  }
0x250: {  	v27 =	vmul.f32 v19, v8;
	v18 =	vld.idx.msk [tilespmem:v22+s7+$0x0], $0xffff;
	v14 =	vadd.f32 v25, v14  }
0x251: {  	v25 =	vmov s19;
	v15 =	vadd.f32 v24, v15;
	v24 =	vmul.f32 v21, v8;
	v19 =	vld.idx.msk [tilespmem:v22+s8+$0x0], $0xffff  }
0x252: {  	s19 =	sadd.s32 $0x1, s19;
	v25 =	vand.u32 $0x3F, v25;
	v16 =	vadd.f32 v27, v16;
	v8 =	vmovc v26;
	v21 =	vld.idx.msk [tilespmem:v22+s9+$0x0], $0xffff;
	v22 =	vmov v20  }
0x253: {  	_ =	sdelay $0x3  }
0x254: {  	v25 =	vbroadcast v25, $0x0;
	v26 =	vld.idx.msk [tilespmem:v20+s4+$0x0], $0xffff  }
0x255: {  	v27 =	vld.idx.msk [tilespmem:v20+s10+$0x0], $0xffff  }
0x256: {  	v20 =	vld.idx.msk [tilespmem:v20+s5+$0x0], $0xffff;
	v25 =	vor.u32 v0, v25  }
0x257: {  	v23 =	vld.idx.msk [tilespmem:v23+s6+$0x0], $0xffff  }
0x258: {  	v28 =	vld.idx.msk [tilespmem:v22+s7+$0x0], $0xffff;
	v11 =	vmul.f32 v11, v8  }
0x259: {  	v29 =	vld.idx.msk [tilespmem:v22+s8+$0x0], $0xffff;
	v12 =	vmul.f32 v12, v8;
	v17 =	vmul.f32 v17, v8  }
0x25a: {  	v22 =	vld.idx.msk [tilespmem:v22+s9+$0x0], $0xffff;
	v9 =	vadd.f32 v24, v9;
	v11 =	vadd.f32 v11, v13;
	v13 =	vmul.f32 v18, v8  }
0x25b: {  	v10 =	vadd.f32 v12, v10;
	v12 =	vadd.f32 v17, v14;
	v14 =	vmul.f32 v19, v8;
	v18 =	vld.idx.msk [tilespmem:v25+s4+$0x0], $0xffff  }
0x25c: {  	v13 =	vadd.f32 v13, v15;
	v8 =	vmul.f32 v21, v8;
	v15 =	vmul.f32 v27, v26;
	v17 =	vld.idx.msk [tilespmem:v25+s5+$0x0], $0xffff  }
0x25d: {  	v14 =	vadd.f32 v14, v16;
	v16 =	vmul.f32 v20, v26;
	v20 =	vmul.f32 v23, v26;
	v19 =	vld.idx.msk [tilespmem:v25+s6+$0x0], $0xffff  }
0x25e: {  	v8 =	vadd.f32 v8, v9;
	v9 =	vadd.f32 v15, v11;
	v11 =	vmul.f32 v28, v26;
	v15 =	vld.idx.msk [tilespmem:v25+s8+$0x0], $0xffff  }
0x25f: {  	v10 =	vadd.f32 v16, v10;
	v12 =	vadd.f32 v20, v12;
	v16 =	vmul.f32 v29, v26;
	v20 =	vld.idx.msk [tilespmem:v25+s9+$0x0], $0xffff  }
0x260: {  	v21 =	vld.idx.msk [tilespmem:v25+s7+$0x0], $0xffff;
	v11 =	vadd.f32 v11, v13;
	v13 =	vmul.f32 v22, v26  }
0x261: {  	s19 =	simm.s32 $0x0;
	v23 =	vld.idx.msk [tilespmem:v25+s10+$0x0], $0xffff;
	v14 =	vadd.f32 v16, v14;
	v17 =	vmul.f32 v17, v18  }
0x262: {  	v8 =	vadd.f32 v13, v8;
	v16 =	vmul.f32 v19, v18;
	v19 =	vmov s19  }
0x263: {  	v15 =	vmul.f32 v15, v18;
	v19 =	vand.u32 $0x3F, v19;
	v10 =	vadd.f32 v17, v10  }
0x264: {  	v13 =	vmul.f32 v20, v18;
	v12 =	vadd.f32 v16, v12;
	v16 =	vbroadcast v19, $0x0  }
0x265: {  	v17 =	vmul.f32 v21, v18;
	v14 =	vadd.f32 v15, v14;
	[tilespmem:$0xE380] =	vst v10  }
0x266: {  	v8 =	vadd.f32 v13, v8;
	v10 =	vmul.f32 v23, v18;
	[tilespmem:$0xE400] =	vst v12;
	v12 =	vor.u32 v1, v16  }
0x267: {  	v11 =	vadd.f32 v17, v11;
	[tilespmem:$0xE500] =	vst v14  }
0x268: {  	s20 =	simm.s32 $0x1;
	[tilespmem:$0xE580] =	vst v8;
	v9 =	vadd.f32 v10, v9  }
0x269: {  	v8 =	vmov s20;
	[tilespmem:$0xE480] =	vst v11  }
0x26a: {  	v8 =	vand.u32 $0x3F, v8;
	[tilespmem:$0xE600] =	vst v9  }
0x26b: {  	v8 =	vbroadcast v8, $0x0;
	v16 =	vld.idx.msk [tilespmem:v12+s4+$0x0], $0xffff  }
0x26c: {  	v10 =	vld.idx.msk [tilespmem:v12+s10+$0x0], $0xffff  }
0x26d: {  	v21 =	vor.u32 v1, v8;
	v13 =	vld.idx.msk [tilespmem:v12+s5+$0x0], $0xffff  }
0x26e: {  	v19 =	vld.idx.msk [tilespmem:v12+s8+$0x0], $0xffff  }
0x26f: {  	s20 =	simm.s32 $0x2;
	v14 =	vld.idx.msk [tilespmem:v12+s6+$0x0], $0xffff  }
0x270: {  	v8 =	vmov s20;
	v15 =	vld.idx.msk [tilespmem:v12+s7+$0x0], $0xffff  }
0x271: {  	v22 =	vld.idx.msk [tilespmem:v12+s9+$0x0], $0xffff;
	v9 =	vand.u32 $0x3F, v8  }
0x272: {  	v17 =	vbroadcast v9, $0x0;
	v8 =	vld.idx.msk [tilespmem:v21+s4+$0x0], $0xffff  }
0x273: {  	v11 =	vld.idx.msk [tilespmem:v21+s10+$0x0], $0xffff;
	v23 =	vmul.f32 v19, v16  }
0x274: {  	v20 =	vor.u32 v1, v17;
	v12 =	vld.idx.msk [tilespmem:v21+s5+$0x0], $0xffff;
	v10 =	vmul.f32 v10, v16  }
0x275: {  	v9 =	vimm.f32 $0.0e+00;
	v17 =	vld.idx.msk [tilespmem:v21+s6+$0x0], $0xffff;
	v18 =	vmul.f32 v13, v16;
	v14 =	vmul.f32 v14, v16  }
0x276: {  	s20 =	simm.s32 $0x3;
	v15 =	vmul.f32 v15, v16;
	v19 =	vld.idx.msk [tilespmem:v21+s8+$0x0], $0xffff;
	v24 =	vmul.f32 v22, v16;
	v13 =	vadd.f32 v10, v9  }
0x277: {  	v25 =	vmov s20;
	v10 =	vadd.f32 v18, v9;
	v18 =	vld.idx.msk [tilespmem:v21+s7+$0x0], $0xffff;
	v16 =	vadd.f32 v23, v9;
	v23 =	vmovc v20  }
0x278: {  	s19 =	simm.s32 $0x4;
	v25 =	vand.u32 $0x3F, v25;
	v22 =	vmovc v20;
	v14 =	vadd.f32 v14, v9;
	v15 =	vadd.f32 v15, v9;
	v21 =	vld.idx.msk [tilespmem:v21+s9+$0x0], $0xffff  }
.LBB2_20:
0x279: {  	p0 =	sne.s32 s19, $0x3F;
	v25 =	vbroadcast v25, $0x0;
	v26 =	vld.idx.msk [tilespmem:v20+s4+$0x0], $0xffff;
	v27 =	vmul.f32 v11, v8;
	v9 =	vadd.f32 v24, v9  }
0x27a: {  	v24 =	vmul.f32 v12, v8;
	v11 =	vld.idx.msk [tilespmem:v20+s10+$0x0], $0xffff  }
.Ltmp9:
0x27b: {  	v12 =	vld.idx.msk [tilespmem:v20+s5+$0x0], $0xffff;
	v20 =	vor.u32 v1, v25;
	v25 =	vmul.f32 v17, v8;
	v13 =	vadd.f32 v27, v13;
	(pc) =	sbr.rel @p0 .LBB2_20-.Ltmp9, $4  }
0x27c: {  	v10 =	vadd.f32 v24, v10;
	v24 =	vmul.f32 v18, v8;
	v17 =	vld.idx.msk [tilespmem:v23+s6+$0x0], $0xffff;
	v23 =	vmov v20  }
0x27d: {  	v27 =	vmul.f32 v19, v8;
	v18 =	vld.idx.msk [tilespmem:v22+s7+$0x0], $0xffff;
	v14 =	vadd.f32 v25, v14  }
0x27e: {  	v25 =	vmov s19;
	v15 =	vadd.f32 v24, v15;
	v24 =	vmul.f32 v21, v8;
	v19 =	vld.idx.msk [tilespmem:v22+s8+$0x0], $0xffff  }
0x27f: {  	s19 =	sadd.s32 $0x1, s19;
	v25 =	vand.u32 $0x3F, v25;
	v16 =	vadd.f32 v27, v16;
	v8 =	vmovc v26;
	v21 =	vld.idx.msk [tilespmem:v22+s9+$0x0], $0xffff;
	v22 =	vmov v20  }
0x280: {  	_ =	sdelay $0x3  }
0x281: {  	v25 =	vbroadcast v25, $0x0;
	v26 =	vld.idx.msk [tilespmem:v20+s4+$0x0], $0xffff  }
0x282: {  	v27 =	vld.idx.msk [tilespmem:v20+s10+$0x0], $0xffff  }
0x283: {  	v20 =	vld.idx.msk [tilespmem:v20+s5+$0x0], $0xffff;
	v25 =	vor.u32 v1, v25  }
0x284: {  	v23 =	vld.idx.msk [tilespmem:v23+s6+$0x0], $0xffff  }
0x285: {  	v28 =	vld.idx.msk [tilespmem:v22+s7+$0x0], $0xffff;
	v11 =	vmul.f32 v11, v8  }
0x286: {  	v29 =	vld.idx.msk [tilespmem:v22+s8+$0x0], $0xffff;
	v12 =	vmul.f32 v12, v8;
	v17 =	vmul.f32 v17, v8  }
0x287: {  	v22 =	vld.idx.msk [tilespmem:v22+s9+$0x0], $0xffff;
	v9 =	vadd.f32 v24, v9;
	v11 =	vadd.f32 v11, v13;
	v13 =	vmul.f32 v18, v8  }
0x288: {  	v10 =	vadd.f32 v12, v10;
	v12 =	vadd.f32 v17, v14;
	v14 =	vmul.f32 v19, v8;
	v18 =	vld.idx.msk [tilespmem:v25+s4+$0x0], $0xffff  }
0x289: {  	v13 =	vadd.f32 v13, v15;
	v8 =	vmul.f32 v21, v8;
	v15 =	vmul.f32 v27, v26;
	v17 =	vld.idx.msk [tilespmem:v25+s5+$0x0], $0xffff  }
0x28a: {  	v14 =	vadd.f32 v14, v16;
	v16 =	vmul.f32 v20, v26;
	v20 =	vmul.f32 v23, v26;
	v19 =	vld.idx.msk [tilespmem:v25+s6+$0x0], $0xffff  }
0x28b: {  	v8 =	vadd.f32 v8, v9;
	v9 =	vadd.f32 v15, v11;
	v11 =	vmul.f32 v28, v26;
	v15 =	vld.idx.msk [tilespmem:v25+s8+$0x0], $0xffff  }
0x28c: {  	v10 =	vadd.f32 v16, v10;
	v12 =	vadd.f32 v20, v12;
	v16 =	vmul.f32 v29, v26;
	v20 =	vld.idx.msk [tilespmem:v25+s9+$0x0], $0xffff  }
0x28d: {  	v21 =	vld.idx.msk [tilespmem:v25+s7+$0x0], $0xffff;
	v11 =	vadd.f32 v11, v13;
	v13 =	vmul.f32 v22, v26  }
0x28e: {  	s19 =	simm.s32 $0x0;
	v23 =	vld.idx.msk [tilespmem:v25+s10+$0x0], $0xffff;
	v14 =	vadd.f32 v16, v14;
	v17 =	vmul.f32 v17, v18  }
0x28f: {  	v8 =	vadd.f32 v13, v8;
	v16 =	vmul.f32 v19, v18;
	v19 =	vmov s19  }
0x290: {  	v15 =	vmul.f32 v15, v18;
	v19 =	vand.u32 $0x3F, v19;
	v10 =	vadd.f32 v17, v10  }
0x291: {  	v13 =	vmul.f32 v20, v18;
	v12 =	vadd.f32 v16, v12;
	v16 =	vbroadcast v19, $0x0  }
0x292: {  	v17 =	vmul.f32 v21, v18;
	v14 =	vadd.f32 v15, v14;
	[tilespmem:$0xE390] =	vst v10  }
0x293: {  	v8 =	vadd.f32 v13, v8;
	v10 =	vmul.f32 v23, v18;
	[tilespmem:$0xE410] =	vst v12;
	v12 =	vor.u32 v2, v16  }
0x294: {  	v11 =	vadd.f32 v17, v11;
	[tilespmem:$0xE510] =	vst v14  }
0x295: {  	s20 =	simm.s32 $0x1;
	[tilespmem:$0xE590] =	vst v8;
	v9 =	vadd.f32 v10, v9  }
0x296: {  	v8 =	vmov s20;
	[tilespmem:$0xE490] =	vst v11  }
0x297: {  	v8 =	vand.u32 $0x3F, v8;
	[tilespmem:$0xE610] =	vst v9  }
0x298: {  	v8 =	vbroadcast v8, $0x0;
	v16 =	vld.idx.msk [tilespmem:v12+s4+$0x0], $0xffff  }
0x299: {  	v10 =	vld.idx.msk [tilespmem:v12+s10+$0x0], $0xffff  }
0x29a: {  	v21 =	vor.u32 v2, v8;
	v13 =	vld.idx.msk [tilespmem:v12+s5+$0x0], $0xffff  }
0x29b: {  	v19 =	vld.idx.msk [tilespmem:v12+s8+$0x0], $0xffff  }
0x29c: {  	s20 =	simm.s32 $0x2;
	v14 =	vld.idx.msk [tilespmem:v12+s6+$0x0], $0xffff  }
0x29d: {  	v8 =	vmov s20;
	v15 =	vld.idx.msk [tilespmem:v12+s7+$0x0], $0xffff  }
0x29e: {  	v22 =	vld.idx.msk [tilespmem:v12+s9+$0x0], $0xffff;
	v9 =	vand.u32 $0x3F, v8  }
0x29f: {  	v17 =	vbroadcast v9, $0x0;
	v8 =	vld.idx.msk [tilespmem:v21+s4+$0x0], $0xffff  }
0x2a0: {  	v11 =	vld.idx.msk [tilespmem:v21+s10+$0x0], $0xffff;
	v23 =	vmul.f32 v19, v16  }
0x2a1: {  	v20 =	vor.u32 v2, v17;
	v12 =	vld.idx.msk [tilespmem:v21+s5+$0x0], $0xffff;
	v10 =	vmul.f32 v10, v16  }
0x2a2: {  	v9 =	vimm.f32 $0.0e+00;
	v17 =	vld.idx.msk [tilespmem:v21+s6+$0x0], $0xffff;
	v18 =	vmul.f32 v13, v16;
	v14 =	vmul.f32 v14, v16  }
0x2a3: {  	s20 =	simm.s32 $0x3;
	v15 =	vmul.f32 v15, v16;
	v19 =	vld.idx.msk [tilespmem:v21+s8+$0x0], $0xffff;
	v24 =	vmul.f32 v22, v16;
	v13 =	vadd.f32 v10, v9  }
0x2a4: {  	v25 =	vmov s20;
	v10 =	vadd.f32 v18, v9;
	v18 =	vld.idx.msk [tilespmem:v21+s7+$0x0], $0xffff;
	v16 =	vadd.f32 v23, v9;
	v23 =	vmovc v20  }
0x2a5: {  	s19 =	simm.s32 $0x4;
	v25 =	vand.u32 $0x3F, v25;
	v22 =	vmovc v20;
	v14 =	vadd.f32 v14, v9;
	v15 =	vadd.f32 v15, v9;
	v21 =	vld.idx.msk [tilespmem:v21+s9+$0x0], $0xffff  }
.LBB2_22:
0x2a6: {  	p0 =	sne.s32 s19, $0x3F;
	v25 =	vbroadcast v25, $0x0;
	v26 =	vld.idx.msk [tilespmem:v20+s4+$0x0], $0xffff;
	v27 =	vmul.f32 v11, v8;
	v9 =	vadd.f32 v24, v9  }
0x2a7: {  	v24 =	vmul.f32 v12, v8;
	v11 =	vld.idx.msk [tilespmem:v20+s10+$0x0], $0xffff  }
.Ltmp10:
0x2a8: {  	v12 =	vld.idx.msk [tilespmem:v20+s5+$0x0], $0xffff;
	v20 =	vor.u32 v2, v25;
	v25 =	vmul.f32 v17, v8;
	v13 =	vadd.f32 v27, v13;
	(pc) =	sbr.rel @p0 .LBB2_22-.Ltmp10, $4  }
0x2a9: {  	v10 =	vadd.f32 v24, v10;
	v24 =	vmul.f32 v18, v8;
	v17 =	vld.idx.msk [tilespmem:v23+s6+$0x0], $0xffff;
	v23 =	vmov v20  }
0x2aa: {  	v27 =	vmul.f32 v19, v8;
	v18 =	vld.idx.msk [tilespmem:v22+s7+$0x0], $0xffff;
	v14 =	vadd.f32 v25, v14  }
0x2ab: {  	v25 =	vmov s19;
	v15 =	vadd.f32 v24, v15;
	v24 =	vmul.f32 v21, v8;
	v19 =	vld.idx.msk [tilespmem:v22+s8+$0x0], $0xffff  }
0x2ac: {  	s19 =	sadd.s32 $0x1, s19;
	v25 =	vand.u32 $0x3F, v25;
	v16 =	vadd.f32 v27, v16;
	v8 =	vmovc v26;
	v21 =	vld.idx.msk [tilespmem:v22+s9+$0x0], $0xffff;
	v22 =	vmov v20  }
0x2ad: {  	_ =	sdelay $0x3  }
0x2ae: {  	v25 =	vbroadcast v25, $0x0;
	v26 =	vld.idx.msk [tilespmem:v20+s4+$0x0], $0xffff  }
0x2af: {  	v27 =	vld.idx.msk [tilespmem:v20+s10+$0x0], $0xffff  }
0x2b0: {  	v20 =	vld.idx.msk [tilespmem:v20+s5+$0x0], $0xffff;
	v25 =	vor.u32 v2, v25  }
0x2b1: {  	v23 =	vld.idx.msk [tilespmem:v23+s6+$0x0], $0xffff  }
0x2b2: {  	v28 =	vld.idx.msk [tilespmem:v22+s7+$0x0], $0xffff;
	v11 =	vmul.f32 v11, v8  }
0x2b3: {  	v29 =	vld.idx.msk [tilespmem:v22+s8+$0x0], $0xffff;
	v12 =	vmul.f32 v12, v8;
	v17 =	vmul.f32 v17, v8  }
0x2b4: {  	v22 =	vld.idx.msk [tilespmem:v22+s9+$0x0], $0xffff;
	v9 =	vadd.f32 v24, v9;
	v11 =	vadd.f32 v11, v13;
	v13 =	vmul.f32 v18, v8  }
0x2b5: {  	v10 =	vadd.f32 v12, v10;
	v12 =	vadd.f32 v17, v14;
	v14 =	vmul.f32 v19, v8;
	v18 =	vld.idx.msk [tilespmem:v25+s4+$0x0], $0xffff  }
0x2b6: {  	v13 =	vadd.f32 v13, v15;
	v8 =	vmul.f32 v21, v8;
	v15 =	vmul.f32 v27, v26;
	v17 =	vld.idx.msk [tilespmem:v25+s5+$0x0], $0xffff  }
0x2b7: {  	v14 =	vadd.f32 v14, v16;
	v16 =	vmul.f32 v20, v26;
	v20 =	vmul.f32 v23, v26;
	v19 =	vld.idx.msk [tilespmem:v25+s6+$0x0], $0xffff  }
0x2b8: {  	v8 =	vadd.f32 v8, v9;
	v9 =	vadd.f32 v15, v11;
	v11 =	vmul.f32 v28, v26;
	v15 =	vld.idx.msk [tilespmem:v25+s8+$0x0], $0xffff  }
0x2b9: {  	v10 =	vadd.f32 v16, v10;
	v12 =	vadd.f32 v20, v12;
	v16 =	vmul.f32 v29, v26;
	v20 =	vld.idx.msk [tilespmem:v25+s9+$0x0], $0xffff  }
0x2ba: {  	v21 =	vld.idx.msk [tilespmem:v25+s7+$0x0], $0xffff;
	v11 =	vadd.f32 v11, v13;
	v13 =	vmul.f32 v22, v26  }
0x2bb: {  	s19 =	simm.s32 $0x0;
	v23 =	vld.idx.msk [tilespmem:v25+s10+$0x0], $0xffff;
	v14 =	vadd.f32 v16, v14;
	v17 =	vmul.f32 v17, v18  }
0x2bc: {  	v8 =	vadd.f32 v13, v8;
	v16 =	vmul.f32 v19, v18;
	v19 =	vmov s19  }
0x2bd: {  	v15 =	vmul.f32 v15, v18;
	v19 =	vand.u32 $0x3F, v19;
	v10 =	vadd.f32 v17, v10  }
0x2be: {  	v13 =	vmul.f32 v20, v18;
	v12 =	vadd.f32 v16, v12;
	v16 =	vbroadcast v19, $0x0  }
0x2bf: {  	v17 =	vmul.f32 v21, v18;
	v14 =	vadd.f32 v15, v14;
	[tilespmem:$0xE3A0] =	vst v10  }
0x2c0: {  	v8 =	vadd.f32 v13, v8;
	v10 =	vmul.f32 v23, v18;
	[tilespmem:$0xE420] =	vst v12;
	v12 =	vor.u32 v3, v16  }
0x2c1: {  	v11 =	vadd.f32 v17, v11;
	[tilespmem:$0xE520] =	vst v14  }
0x2c2: {  	s20 =	simm.s32 $0x1;
	[tilespmem:$0xE5A0] =	vst v8;
	v9 =	vadd.f32 v10, v9  }
0x2c3: {  	v8 =	vmov s20;
	[tilespmem:$0xE4A0] =	vst v11  }
0x2c4: {  	v8 =	vand.u32 $0x3F, v8;
	[tilespmem:$0xE620] =	vst v9  }
0x2c5: {  	v8 =	vbroadcast v8, $0x0;
	v16 =	vld.idx.msk [tilespmem:v12+s4+$0x0], $0xffff  }
0x2c6: {  	v10 =	vld.idx.msk [tilespmem:v12+s10+$0x0], $0xffff  }
0x2c7: {  	v21 =	vor.u32 v3, v8;
	v13 =	vld.idx.msk [tilespmem:v12+s5+$0x0], $0xffff  }
0x2c8: {  	v19 =	vld.idx.msk [tilespmem:v12+s8+$0x0], $0xffff  }
0x2c9: {  	s20 =	simm.s32 $0x2;
	v14 =	vld.idx.msk [tilespmem:v12+s6+$0x0], $0xffff  }
0x2ca: {  	v8 =	vmov s20;
	v15 =	vld.idx.msk [tilespmem:v12+s7+$0x0], $0xffff  }
0x2cb: {  	v22 =	vld.idx.msk [tilespmem:v12+s9+$0x0], $0xffff;
	v9 =	vand.u32 $0x3F, v8  }
0x2cc: {  	v17 =	vbroadcast v9, $0x0;
	v8 =	vld.idx.msk [tilespmem:v21+s4+$0x0], $0xffff  }
0x2cd: {  	v11 =	vld.idx.msk [tilespmem:v21+s10+$0x0], $0xffff;
	v23 =	vmul.f32 v19, v16  }
0x2ce: {  	v20 =	vor.u32 v3, v17;
	v12 =	vld.idx.msk [tilespmem:v21+s5+$0x0], $0xffff;
	v10 =	vmul.f32 v10, v16  }
0x2cf: {  	v9 =	vimm.f32 $0.0e+00;
	v17 =	vld.idx.msk [tilespmem:v21+s6+$0x0], $0xffff;
	v18 =	vmul.f32 v13, v16;
	v14 =	vmul.f32 v14, v16  }
0x2d0: {  	s20 =	simm.s32 $0x3;
	v15 =	vmul.f32 v15, v16;
	v19 =	vld.idx.msk [tilespmem:v21+s8+$0x0], $0xffff;
	v24 =	vmul.f32 v22, v16;
	v13 =	vadd.f32 v10, v9  }
0x2d1: {  	v25 =	vmov s20;
	v10 =	vadd.f32 v18, v9;
	v18 =	vld.idx.msk [tilespmem:v21+s7+$0x0], $0xffff;
	v16 =	vadd.f32 v23, v9;
	v23 =	vmovc v20  }
0x2d2: {  	s19 =	simm.s32 $0x4;
	v25 =	vand.u32 $0x3F, v25;
	v22 =	vmovc v20;
	v14 =	vadd.f32 v14, v9;
	v15 =	vadd.f32 v15, v9;
	v21 =	vld.idx.msk [tilespmem:v21+s9+$0x0], $0xffff  }
.LBB2_24:
0x2d3: {  	p0 =	sne.s32 s19, $0x3F;
	v25 =	vbroadcast v25, $0x0;
	v26 =	vld.idx.msk [tilespmem:v20+s4+$0x0], $0xffff;
	v27 =	vmul.f32 v11, v8;
	v9 =	vadd.f32 v24, v9  }
0x2d4: {  	v24 =	vmul.f32 v12, v8;
	v11 =	vld.idx.msk [tilespmem:v20+s10+$0x0], $0xffff  }
.Ltmp11:
0x2d5: {  	v12 =	vld.idx.msk [tilespmem:v20+s5+$0x0], $0xffff;
	v20 =	vor.u32 v3, v25;
	v25 =	vmul.f32 v17, v8;
	v13 =	vadd.f32 v27, v13;
	(pc) =	sbr.rel @p0 .LBB2_24-.Ltmp11, $4  }
0x2d6: {  	v10 =	vadd.f32 v24, v10;
	v24 =	vmul.f32 v18, v8;
	v17 =	vld.idx.msk [tilespmem:v23+s6+$0x0], $0xffff;
	v23 =	vmov v20  }
0x2d7: {  	v27 =	vmul.f32 v19, v8;
	v18 =	vld.idx.msk [tilespmem:v22+s7+$0x0], $0xffff;
	v14 =	vadd.f32 v25, v14  }
0x2d8: {  	v25 =	vmov s19;
	v15 =	vadd.f32 v24, v15;
	v24 =	vmul.f32 v21, v8;
	v19 =	vld.idx.msk [tilespmem:v22+s8+$0x0], $0xffff  }
0x2d9: {  	s19 =	sadd.s32 $0x1, s19;
	v25 =	vand.u32 $0x3F, v25;
	v16 =	vadd.f32 v27, v16;
	v8 =	vmovc v26;
	v21 =	vld.idx.msk [tilespmem:v22+s9+$0x0], $0xffff;
	v22 =	vmov v20  }
0x2da: {  	_ =	sdelay $0x3  }
0x2db: {  	v25 =	vbroadcast v25, $0x0;
	v26 =	vld.idx.msk [tilespmem:v20+s4+$0x0], $0xffff  }
0x2dc: {  	v27 =	vld.idx.msk [tilespmem:v20+s10+$0x0], $0xffff  }
0x2dd: {  	v20 =	vld.idx.msk [tilespmem:v20+s5+$0x0], $0xffff;
	v25 =	vor.u32 v3, v25  }
0x2de: {  	v23 =	vld.idx.msk [tilespmem:v23+s6+$0x0], $0xffff  }
0x2df: {  	v28 =	vld.idx.msk [tilespmem:v22+s7+$0x0], $0xffff;
	v11 =	vmul.f32 v11, v8  }
0x2e0: {  	v29 =	vld.idx.msk [tilespmem:v22+s8+$0x0], $0xffff;
	v12 =	vmul.f32 v12, v8;
	v17 =	vmul.f32 v17, v8  }
0x2e1: {  	v22 =	vld.idx.msk [tilespmem:v22+s9+$0x0], $0xffff;
	v9 =	vadd.f32 v24, v9;
	v11 =	vadd.f32 v11, v13;
	v13 =	vmul.f32 v18, v8  }
0x2e2: {  	v10 =	vadd.f32 v12, v10;
	v12 =	vadd.f32 v17, v14;
	v14 =	vmul.f32 v19, v8;
	v18 =	vld.idx.msk [tilespmem:v25+s4+$0x0], $0xffff  }
0x2e3: {  	v13 =	vadd.f32 v13, v15;
	v8 =	vmul.f32 v21, v8;
	v15 =	vmul.f32 v27, v26;
	v17 =	vld.idx.msk [tilespmem:v25+s5+$0x0], $0xffff  }
0x2e4: {  	v14 =	vadd.f32 v14, v16;
	v16 =	vmul.f32 v20, v26;
	v20 =	vmul.f32 v23, v26;
	v19 =	vld.idx.msk [tilespmem:v25+s6+$0x0], $0xffff  }
0x2e5: {  	v8 =	vadd.f32 v8, v9;
	v9 =	vadd.f32 v15, v11;
	v11 =	vmul.f32 v28, v26;
	v15 =	vld.idx.msk [tilespmem:v25+s8+$0x0], $0xffff  }
0x2e6: {  	v10 =	vadd.f32 v16, v10;
	v12 =	vadd.f32 v20, v12;
	v16 =	vmul.f32 v29, v26;
	v20 =	vld.idx.msk [tilespmem:v25+s9+$0x0], $0xffff  }
0x2e7: {  	v21 =	vld.idx.msk [tilespmem:v25+s7+$0x0], $0xffff;
	v11 =	vadd.f32 v11, v13;
	v13 =	vmul.f32 v22, v26  }
0x2e8: {  	s19 =	simm.s32 $0x0;
	v23 =	vld.idx.msk [tilespmem:v25+s10+$0x0], $0xffff;
	v14 =	vadd.f32 v16, v14;
	v17 =	vmul.f32 v17, v18  }
0x2e9: {  	v8 =	vadd.f32 v13, v8;
	v16 =	vmul.f32 v19, v18;
	v19 =	vmov s19  }
0x2ea: {  	v15 =	vmul.f32 v15, v18;
	v19 =	vand.u32 $0x3F, v19;
	v10 =	vadd.f32 v17, v10  }
0x2eb: {  	v13 =	vmul.f32 v20, v18;
	v12 =	vadd.f32 v16, v12;
	v16 =	vbroadcast v19, $0x0  }
0x2ec: {  	v17 =	vmul.f32 v21, v18;
	v14 =	vadd.f32 v15, v14;
	[tilespmem:$0xE3B0] =	vst v10  }
0x2ed: {  	v8 =	vadd.f32 v13, v8;
	v10 =	vmul.f32 v23, v18;
	[tilespmem:$0xE430] =	vst v12;
	v12 =	vor.u32 v4, v16  }
0x2ee: {  	v11 =	vadd.f32 v17, v11;
	[tilespmem:$0xE530] =	vst v14  }
0x2ef: {  	s20 =	simm.s32 $0x1;
	[tilespmem:$0xE5B0] =	vst v8;
	v9 =	vadd.f32 v10, v9  }
0x2f0: {  	v8 =	vmov s20;
	[tilespmem:$0xE4B0] =	vst v11  }
0x2f1: {  	v8 =	vand.u32 $0x3F, v8;
	[tilespmem:$0xE630] =	vst v9  }
0x2f2: {  	v8 =	vbroadcast v8, $0x0;
	v16 =	vld.idx.msk [tilespmem:v12+s4+$0x0], $0xffff  }
0x2f3: {  	v10 =	vld.idx.msk [tilespmem:v12+s10+$0x0], $0xffff  }
0x2f4: {  	v21 =	vor.u32 v4, v8;
	v13 =	vld.idx.msk [tilespmem:v12+s5+$0x0], $0xffff  }
0x2f5: {  	v19 =	vld.idx.msk [tilespmem:v12+s8+$0x0], $0xffff  }
0x2f6: {  	s20 =	simm.s32 $0x2;
	v14 =	vld.idx.msk [tilespmem:v12+s6+$0x0], $0xffff  }
0x2f7: {  	v8 =	vmov s20;
	v15 =	vld.idx.msk [tilespmem:v12+s7+$0x0], $0xffff  }
0x2f8: {  	v22 =	vld.idx.msk [tilespmem:v12+s9+$0x0], $0xffff;
	v9 =	vand.u32 $0x3F, v8  }
0x2f9: {  	v17 =	vbroadcast v9, $0x0;
	v8 =	vld.idx.msk [tilespmem:v21+s4+$0x0], $0xffff  }
0x2fa: {  	v11 =	vld.idx.msk [tilespmem:v21+s10+$0x0], $0xffff;
	v23 =	vmul.f32 v19, v16  }
0x2fb: {  	v20 =	vor.u32 v4, v17;
	v12 =	vld.idx.msk [tilespmem:v21+s5+$0x0], $0xffff;
	v10 =	vmul.f32 v10, v16  }
0x2fc: {  	v9 =	vimm.f32 $0.0e+00;
	v17 =	vld.idx.msk [tilespmem:v21+s6+$0x0], $0xffff;
	v18 =	vmul.f32 v13, v16;
	v14 =	vmul.f32 v14, v16  }
0x2fd: {  	s20 =	simm.s32 $0x3;
	v15 =	vmul.f32 v15, v16;
	v19 =	vld.idx.msk [tilespmem:v21+s8+$0x0], $0xffff;
	v24 =	vmul.f32 v22, v16;
	v13 =	vadd.f32 v10, v9  }
0x2fe: {  	v25 =	vmov s20;
	v10 =	vadd.f32 v18, v9;
	v18 =	vld.idx.msk [tilespmem:v21+s7+$0x0], $0xffff;
	v16 =	vadd.f32 v23, v9;
	v23 =	vmovc v20  }
0x2ff: {  	s19 =	simm.s32 $0x4;
	v25 =	vand.u32 $0x3F, v25;
	v22 =	vmovc v20;
	v14 =	vadd.f32 v14, v9;
	v15 =	vadd.f32 v15, v9;
	v21 =	vld.idx.msk [tilespmem:v21+s9+$0x0], $0xffff  }
.LBB2_26:
0x300: {  	p0 =	sne.s32 s19, $0x3F;
	v25 =	vbroadcast v25, $0x0;
	v26 =	vld.idx.msk [tilespmem:v20+s4+$0x0], $0xffff;
	v27 =	vmul.f32 v11, v8;
	v9 =	vadd.f32 v24, v9  }
0x301: {  	v24 =	vmul.f32 v12, v8;
	v11 =	vld.idx.msk [tilespmem:v20+s10+$0x0], $0xffff  }
.Ltmp12:
0x302: {  	v12 =	vld.idx.msk [tilespmem:v20+s5+$0x0], $0xffff;
	v20 =	vor.u32 v4, v25;
	v25 =	vmul.f32 v17, v8;
	v13 =	vadd.f32 v27, v13;
	(pc) =	sbr.rel @p0 .LBB2_26-.Ltmp12, $4  }
0x303: {  	v10 =	vadd.f32 v24, v10;
	v24 =	vmul.f32 v18, v8;
	v17 =	vld.idx.msk [tilespmem:v23+s6+$0x0], $0xffff;
	v23 =	vmov v20  }
0x304: {  	v27 =	vmul.f32 v19, v8;
	v18 =	vld.idx.msk [tilespmem:v22+s7+$0x0], $0xffff;
	v14 =	vadd.f32 v25, v14  }
0x305: {  	v25 =	vmov s19;
	v15 =	vadd.f32 v24, v15;
	v24 =	vmul.f32 v21, v8;
	v19 =	vld.idx.msk [tilespmem:v22+s8+$0x0], $0xffff  }
0x306: {  	s19 =	sadd.s32 $0x1, s19;
	v25 =	vand.u32 $0x3F, v25;
	v16 =	vadd.f32 v27, v16;
	v8 =	vmovc v26;
	v21 =	vld.idx.msk [tilespmem:v22+s9+$0x0], $0xffff;
	v22 =	vmov v20  }
0x307: {  	_ =	sdelay $0x3  }
0x308: {  	v25 =	vbroadcast v25, $0x0;
	v26 =	vld.idx.msk [tilespmem:v20+s4+$0x0], $0xffff  }
0x309: {  	v27 =	vld.idx.msk [tilespmem:v20+s10+$0x0], $0xffff  }
0x30a: {  	v20 =	vld.idx.msk [tilespmem:v20+s5+$0x0], $0xffff;
	v25 =	vor.u32 v4, v25  }
0x30b: {  	v23 =	vld.idx.msk [tilespmem:v23+s6+$0x0], $0xffff  }
0x30c: {  	v28 =	vld.idx.msk [tilespmem:v22+s7+$0x0], $0xffff;
	v11 =	vmul.f32 v11, v8  }
0x30d: {  	v29 =	vld.idx.msk [tilespmem:v22+s8+$0x0], $0xffff;
	v12 =	vmul.f32 v12, v8;
	v17 =	vmul.f32 v17, v8  }
0x30e: {  	v22 =	vld.idx.msk [tilespmem:v22+s9+$0x0], $0xffff;
	v9 =	vadd.f32 v24, v9;
	v11 =	vadd.f32 v11, v13;
	v13 =	vmul.f32 v18, v8  }
0x30f: {  	v10 =	vadd.f32 v12, v10;
	v12 =	vadd.f32 v17, v14;
	v14 =	vmul.f32 v19, v8;
	v18 =	vld.idx.msk [tilespmem:v25+s4+$0x0], $0xffff  }
0x310: {  	v13 =	vadd.f32 v13, v15;
	v8 =	vmul.f32 v21, v8;
	v15 =	vmul.f32 v27, v26;
	v17 =	vld.idx.msk [tilespmem:v25+s5+$0x0], $0xffff  }
0x311: {  	v14 =	vadd.f32 v14, v16;
	v16 =	vmul.f32 v20, v26;
	v20 =	vmul.f32 v23, v26;
	v19 =	vld.idx.msk [tilespmem:v25+s6+$0x0], $0xffff  }
0x312: {  	v8 =	vadd.f32 v8, v9;
	v9 =	vadd.f32 v15, v11;
	v11 =	vmul.f32 v28, v26;
	v15 =	vld.idx.msk [tilespmem:v25+s8+$0x0], $0xffff  }
0x313: {  	v10 =	vadd.f32 v16, v10;
	v12 =	vadd.f32 v20, v12;
	v16 =	vmul.f32 v29, v26;
	v20 =	vld.idx.msk [tilespmem:v25+s9+$0x0], $0xffff  }
0x314: {  	v21 =	vld.idx.msk [tilespmem:v25+s7+$0x0], $0xffff;
	v11 =	vadd.f32 v11, v13;
	v13 =	vmul.f32 v22, v26  }
0x315: {  	s19 =	simm.s32 $0x0;
	v23 =	vld.idx.msk [tilespmem:v25+s10+$0x0], $0xffff;
	v14 =	vadd.f32 v16, v14;
	v17 =	vmul.f32 v17, v18  }
0x316: {  	v8 =	vadd.f32 v13, v8;
	v16 =	vmul.f32 v19, v18;
	v19 =	vmov s19  }
0x317: {  	v15 =	vmul.f32 v15, v18;
	v19 =	vand.u32 $0x3F, v19;
	v10 =	vadd.f32 v17, v10  }
0x318: {  	v13 =	vmul.f32 v20, v18;
	v12 =	vadd.f32 v16, v12;
	v16 =	vbroadcast v19, $0x0  }
0x319: {  	v17 =	vmul.f32 v21, v18;
	v14 =	vadd.f32 v15, v14;
	[tilespmem:$0xE3C0] =	vst v10  }
0x31a: {  	v8 =	vadd.f32 v13, v8;
	v10 =	vmul.f32 v23, v18;
	[tilespmem:$0xE440] =	vst v12;
	v12 =	vor.u32 v5, v16  }
0x31b: {  	v11 =	vadd.f32 v17, v11;
	[tilespmem:$0xE540] =	vst v14  }
0x31c: {  	s20 =	simm.s32 $0x1;
	[tilespmem:$0xE5C0] =	vst v8;
	v9 =	vadd.f32 v10, v9  }
0x31d: {  	v8 =	vmov s20;
	[tilespmem:$0xE4C0] =	vst v11  }
0x31e: {  	v8 =	vand.u32 $0x3F, v8;
	[tilespmem:$0xE640] =	vst v9  }
0x31f: {  	v8 =	vbroadcast v8, $0x0;
	v16 =	vld.idx.msk [tilespmem:v12+s4+$0x0], $0xffff  }
0x320: {  	v10 =	vld.idx.msk [tilespmem:v12+s10+$0x0], $0xffff  }
0x321: {  	v21 =	vor.u32 v5, v8;
	v13 =	vld.idx.msk [tilespmem:v12+s5+$0x0], $0xffff  }
0x322: {  	v19 =	vld.idx.msk [tilespmem:v12+s8+$0x0], $0xffff  }
0x323: {  	s20 =	simm.s32 $0x2;
	v14 =	vld.idx.msk [tilespmem:v12+s6+$0x0], $0xffff  }
0x324: {  	v8 =	vmov s20;
	v15 =	vld.idx.msk [tilespmem:v12+s7+$0x0], $0xffff  }
0x325: {  	v22 =	vld.idx.msk [tilespmem:v12+s9+$0x0], $0xffff;
	v9 =	vand.u32 $0x3F, v8  }
0x326: {  	v17 =	vbroadcast v9, $0x0;
	v8 =	vld.idx.msk [tilespmem:v21+s4+$0x0], $0xffff  }
0x327: {  	v11 =	vld.idx.msk [tilespmem:v21+s10+$0x0], $0xffff;
	v23 =	vmul.f32 v19, v16  }
0x328: {  	v20 =	vor.u32 v5, v17;
	v12 =	vld.idx.msk [tilespmem:v21+s5+$0x0], $0xffff;
	v10 =	vmul.f32 v10, v16  }
0x329: {  	v9 =	vimm.f32 $0.0e+00;
	v17 =	vld.idx.msk [tilespmem:v21+s6+$0x0], $0xffff;
	v18 =	vmul.f32 v13, v16;
	v14 =	vmul.f32 v14, v16  }
0x32a: {  	s20 =	simm.s32 $0x3;
	v15 =	vmul.f32 v15, v16;
	v19 =	vld.idx.msk [tilespmem:v21+s8+$0x0], $0xffff;
	v24 =	vmul.f32 v22, v16;
	v13 =	vadd.f32 v10, v9  }
0x32b: {  	v25 =	vmov s20;
	v10 =	vadd.f32 v18, v9;
	v18 =	vld.idx.msk [tilespmem:v21+s7+$0x0], $0xffff;
	v16 =	vadd.f32 v23, v9;
	v23 =	vmovc v20  }
0x32c: {  	s19 =	simm.s32 $0x4;
	v25 =	vand.u32 $0x3F, v25;
	v22 =	vmovc v20;
	v14 =	vadd.f32 v14, v9;
	v15 =	vadd.f32 v15, v9;
	v21 =	vld.idx.msk [tilespmem:v21+s9+$0x0], $0xffff  }
.LBB2_28:
0x32d: {  	p0 =	sne.s32 s19, $0x3F;
	v25 =	vbroadcast v25, $0x0;
	v26 =	vld.idx.msk [tilespmem:v20+s4+$0x0], $0xffff;
	v27 =	vmul.f32 v11, v8;
	v9 =	vadd.f32 v24, v9  }
0x32e: {  	v24 =	vmul.f32 v12, v8;
	v11 =	vld.idx.msk [tilespmem:v20+s10+$0x0], $0xffff  }
.Ltmp13:
0x32f: {  	v12 =	vld.idx.msk [tilespmem:v20+s5+$0x0], $0xffff;
	v20 =	vor.u32 v5, v25;
	v25 =	vmul.f32 v17, v8;
	v13 =	vadd.f32 v27, v13;
	(pc) =	sbr.rel @p0 .LBB2_28-.Ltmp13, $4  }
0x330: {  	v10 =	vadd.f32 v24, v10;
	v24 =	vmul.f32 v18, v8;
	v17 =	vld.idx.msk [tilespmem:v23+s6+$0x0], $0xffff;
	v23 =	vmov v20  }
0x331: {  	v27 =	vmul.f32 v19, v8;
	v18 =	vld.idx.msk [tilespmem:v22+s7+$0x0], $0xffff;
	v14 =	vadd.f32 v25, v14  }
0x332: {  	v25 =	vmov s19;
	v15 =	vadd.f32 v24, v15;
	v24 =	vmul.f32 v21, v8;
	v19 =	vld.idx.msk [tilespmem:v22+s8+$0x0], $0xffff  }
0x333: {  	s19 =	sadd.s32 $0x1, s19;
	v25 =	vand.u32 $0x3F, v25;
	v16 =	vadd.f32 v27, v16;
	v8 =	vmovc v26;
	v21 =	vld.idx.msk [tilespmem:v22+s9+$0x0], $0xffff;
	v22 =	vmov v20  }
0x334: {  	_ =	sdelay $0x3  }
0x335: {  	v25 =	vbroadcast v25, $0x0;
	v26 =	vld.idx.msk [tilespmem:v20+s4+$0x0], $0xffff  }
0x336: {  	v27 =	vld.idx.msk [tilespmem:v20+s10+$0x0], $0xffff  }
0x337: {  	v20 =	vld.idx.msk [tilespmem:v20+s5+$0x0], $0xffff;
	v25 =	vor.u32 v5, v25  }
0x338: {  	v23 =	vld.idx.msk [tilespmem:v23+s6+$0x0], $0xffff  }
0x339: {  	v28 =	vld.idx.msk [tilespmem:v22+s7+$0x0], $0xffff;
	v11 =	vmul.f32 v11, v8  }
0x33a: {  	v29 =	vld.idx.msk [tilespmem:v22+s8+$0x0], $0xffff;
	v12 =	vmul.f32 v12, v8;
	v17 =	vmul.f32 v17, v8  }
0x33b: {  	v22 =	vld.idx.msk [tilespmem:v22+s9+$0x0], $0xffff;
	v9 =	vadd.f32 v24, v9;
	v11 =	vadd.f32 v11, v13;
	v13 =	vmul.f32 v18, v8  }
0x33c: {  	v10 =	vadd.f32 v12, v10;
	v12 =	vadd.f32 v17, v14;
	v14 =	vmul.f32 v19, v8;
	v18 =	vld.idx.msk [tilespmem:v25+s4+$0x0], $0xffff  }
0x33d: {  	v13 =	vadd.f32 v13, v15;
	v8 =	vmul.f32 v21, v8;
	v15 =	vmul.f32 v27, v26;
	v17 =	vld.idx.msk [tilespmem:v25+s5+$0x0], $0xffff  }
0x33e: {  	v14 =	vadd.f32 v14, v16;
	v16 =	vmul.f32 v20, v26;
	v20 =	vmul.f32 v23, v26;
	v19 =	vld.idx.msk [tilespmem:v25+s6+$0x0], $0xffff  }
0x33f: {  	v8 =	vadd.f32 v8, v9;
	v9 =	vadd.f32 v15, v11;
	v11 =	vmul.f32 v28, v26;
	v15 =	vld.idx.msk [tilespmem:v25+s8+$0x0], $0xffff  }
0x340: {  	v10 =	vadd.f32 v16, v10;
	v12 =	vadd.f32 v20, v12;
	v16 =	vmul.f32 v29, v26;
	v20 =	vld.idx.msk [tilespmem:v25+s9+$0x0], $0xffff  }
0x341: {  	v21 =	vld.idx.msk [tilespmem:v25+s7+$0x0], $0xffff;
	v11 =	vadd.f32 v11, v13;
	v13 =	vmul.f32 v22, v26  }
0x342: {  	s19 =	simm.s32 $0x0;
	v23 =	vld.idx.msk [tilespmem:v25+s10+$0x0], $0xffff;
	v14 =	vadd.f32 v16, v14;
	v17 =	vmul.f32 v17, v18  }
0x343: {  	v8 =	vadd.f32 v13, v8;
	v16 =	vmul.f32 v19, v18;
	v19 =	vmov s19  }
0x344: {  	v15 =	vmul.f32 v15, v18;
	v19 =	vand.u32 $0x3F, v19;
	v10 =	vadd.f32 v17, v10  }
0x345: {  	v13 =	vmul.f32 v20, v18;
	v12 =	vadd.f32 v16, v12;
	v16 =	vbroadcast v19, $0x0  }
0x346: {  	v17 =	vmul.f32 v21, v18;
	v14 =	vadd.f32 v15, v14;
	[tilespmem:$0xE3D0] =	vst v10  }
0x347: {  	v8 =	vadd.f32 v13, v8;
	v10 =	vmul.f32 v23, v18;
	[tilespmem:$0xE450] =	vst v12;
	v12 =	vor.u32 v6, v16  }
0x348: {  	v11 =	vadd.f32 v17, v11;
	[tilespmem:$0xE550] =	vst v14  }
0x349: {  	s20 =	simm.s32 $0x1;
	[tilespmem:$0xE5D0] =	vst v8;
	v9 =	vadd.f32 v10, v9  }
0x34a: {  	v8 =	vmov s20;
	[tilespmem:$0xE4D0] =	vst v11  }
0x34b: {  	v8 =	vand.u32 $0x3F, v8;
	[tilespmem:$0xE650] =	vst v9  }
0x34c: {  	v8 =	vbroadcast v8, $0x0;
	v16 =	vld.idx.msk [tilespmem:v12+s4+$0x0], $0xffff  }
0x34d: {  	v10 =	vld.idx.msk [tilespmem:v12+s10+$0x0], $0xffff  }
0x34e: {  	v21 =	vor.u32 v6, v8;
	v13 =	vld.idx.msk [tilespmem:v12+s5+$0x0], $0xffff  }
0x34f: {  	v19 =	vld.idx.msk [tilespmem:v12+s8+$0x0], $0xffff  }
0x350: {  	s20 =	simm.s32 $0x2;
	v14 =	vld.idx.msk [tilespmem:v12+s6+$0x0], $0xffff  }
0x351: {  	v8 =	vmov s20;
	v15 =	vld.idx.msk [tilespmem:v12+s7+$0x0], $0xffff  }
0x352: {  	v22 =	vld.idx.msk [tilespmem:v12+s9+$0x0], $0xffff;
	v9 =	vand.u32 $0x3F, v8  }
0x353: {  	v17 =	vbroadcast v9, $0x0;
	v8 =	vld.idx.msk [tilespmem:v21+s4+$0x0], $0xffff  }
0x354: {  	v11 =	vld.idx.msk [tilespmem:v21+s10+$0x0], $0xffff;
	v23 =	vmul.f32 v19, v16  }
0x355: {  	v20 =	vor.u32 v6, v17;
	v12 =	vld.idx.msk [tilespmem:v21+s5+$0x0], $0xffff;
	v10 =	vmul.f32 v10, v16  }
0x356: {  	v9 =	vimm.f32 $0.0e+00;
	v17 =	vld.idx.msk [tilespmem:v21+s6+$0x0], $0xffff;
	v18 =	vmul.f32 v13, v16;
	v14 =	vmul.f32 v14, v16  }
0x357: {  	s20 =	simm.s32 $0x3;
	v15 =	vmul.f32 v15, v16;
	v19 =	vld.idx.msk [tilespmem:v21+s8+$0x0], $0xffff;
	v24 =	vmul.f32 v22, v16;
	v13 =	vadd.f32 v10, v9  }
0x358: {  	v25 =	vmov s20;
	v10 =	vadd.f32 v18, v9;
	v18 =	vld.idx.msk [tilespmem:v21+s7+$0x0], $0xffff;
	v16 =	vadd.f32 v23, v9;
	v23 =	vmovc v20  }
0x359: {  	s19 =	simm.s32 $0x4;
	v25 =	vand.u32 $0x3F, v25;
	v22 =	vmovc v20;
	v14 =	vadd.f32 v14, v9;
	v15 =	vadd.f32 v15, v9;
	v21 =	vld.idx.msk [tilespmem:v21+s9+$0x0], $0xffff  }
.LBB2_30:
0x35a: {  	p0 =	sne.s32 s19, $0x3F;
	v25 =	vbroadcast v25, $0x0;
	v26 =	vld.idx.msk [tilespmem:v20+s4+$0x0], $0xffff;
	v27 =	vmul.f32 v11, v8;
	v9 =	vadd.f32 v24, v9  }
0x35b: {  	v24 =	vmul.f32 v12, v8;
	v11 =	vld.idx.msk [tilespmem:v20+s10+$0x0], $0xffff  }
.Ltmp14:
0x35c: {  	v12 =	vld.idx.msk [tilespmem:v20+s5+$0x0], $0xffff;
	v20 =	vor.u32 v6, v25;
	v25 =	vmul.f32 v17, v8;
	v13 =	vadd.f32 v27, v13;
	(pc) =	sbr.rel @p0 .LBB2_30-.Ltmp14, $4  }
0x35d: {  	v10 =	vadd.f32 v24, v10;
	v24 =	vmul.f32 v18, v8;
	v17 =	vld.idx.msk [tilespmem:v23+s6+$0x0], $0xffff;
	v23 =	vmov v20  }
0x35e: {  	v27 =	vmul.f32 v19, v8;
	v18 =	vld.idx.msk [tilespmem:v22+s7+$0x0], $0xffff;
	v14 =	vadd.f32 v25, v14  }
0x35f: {  	v25 =	vmov s19;
	v15 =	vadd.f32 v24, v15;
	v24 =	vmul.f32 v21, v8;
	v19 =	vld.idx.msk [tilespmem:v22+s8+$0x0], $0xffff  }
0x360: {  	s19 =	sadd.s32 $0x1, s19;
	v25 =	vand.u32 $0x3F, v25;
	v16 =	vadd.f32 v27, v16;
	v8 =	vmovc v26;
	v21 =	vld.idx.msk [tilespmem:v22+s9+$0x0], $0xffff;
	v22 =	vmov v20  }
0x361: {  	_ =	sdelay $0x3  }
0x362: {  	v25 =	vbroadcast v25, $0x0;
	v26 =	vld.idx.msk [tilespmem:v20+s4+$0x0], $0xffff  }
0x363: {  	v27 =	vld.idx.msk [tilespmem:v20+s10+$0x0], $0xffff  }
0x364: {  	v20 =	vld.idx.msk [tilespmem:v20+s5+$0x0], $0xffff;
	v25 =	vor.u32 v6, v25  }
0x365: {  	v23 =	vld.idx.msk [tilespmem:v23+s6+$0x0], $0xffff  }
0x366: {  	v28 =	vld.idx.msk [tilespmem:v22+s7+$0x0], $0xffff;
	v11 =	vmul.f32 v11, v8  }
0x367: {  	v29 =	vld.idx.msk [tilespmem:v22+s8+$0x0], $0xffff;
	v12 =	vmul.f32 v12, v8;
	v17 =	vmul.f32 v17, v8  }
0x368: {  	v22 =	vld.idx.msk [tilespmem:v22+s9+$0x0], $0xffff;
	v9 =	vadd.f32 v24, v9;
	v11 =	vadd.f32 v11, v13;
	v13 =	vmul.f32 v18, v8  }
0x369: {  	v10 =	vadd.f32 v12, v10;
	v12 =	vadd.f32 v17, v14;
	v14 =	vmul.f32 v19, v8;
	v18 =	vld.idx.msk [tilespmem:v25+s4+$0x0], $0xffff  }
0x36a: {  	v13 =	vadd.f32 v13, v15;
	v8 =	vmul.f32 v21, v8;
	v15 =	vmul.f32 v27, v26;
	v17 =	vld.idx.msk [tilespmem:v25+s5+$0x0], $0xffff  }
0x36b: {  	v14 =	vadd.f32 v14, v16;
	v16 =	vmul.f32 v20, v26;
	v20 =	vmul.f32 v23, v26;
	v19 =	vld.idx.msk [tilespmem:v25+s6+$0x0], $0xffff  }
0x36c: {  	v8 =	vadd.f32 v8, v9;
	v9 =	vadd.f32 v15, v11;
	v11 =	vmul.f32 v28, v26;
	v15 =	vld.idx.msk [tilespmem:v25+s8+$0x0], $0xffff  }
0x36d: {  	v10 =	vadd.f32 v16, v10;
	v12 =	vadd.f32 v20, v12;
	v16 =	vmul.f32 v29, v26;
	v20 =	vld.idx.msk [tilespmem:v25+s9+$0x0], $0xffff  }
0x36e: {  	v21 =	vld.idx.msk [tilespmem:v25+s7+$0x0], $0xffff;
	v11 =	vadd.f32 v11, v13;
	v13 =	vmul.f32 v22, v26  }
0x36f: {  	s19 =	simm.s32 $0x0;
	v23 =	vld.idx.msk [tilespmem:v25+s10+$0x0], $0xffff;
	v14 =	vadd.f32 v16, v14;
	v17 =	vmul.f32 v17, v18  }
0x370: {  	v8 =	vadd.f32 v13, v8;
	v16 =	vmul.f32 v19, v18;
	v19 =	vmov s19  }
0x371: {  	v15 =	vmul.f32 v15, v18;
	v19 =	vand.u32 $0x3F, v19;
	v10 =	vadd.f32 v17, v10  }
0x372: {  	v13 =	vmul.f32 v20, v18;
	v12 =	vadd.f32 v16, v12;
	v16 =	vbroadcast v19, $0x0  }
0x373: {  	v17 =	vmul.f32 v21, v18;
	v14 =	vadd.f32 v15, v14;
	[tilespmem:$0xE3E0] =	vst v10  }
0x374: {  	v8 =	vadd.f32 v13, v8;
	v10 =	vmul.f32 v23, v18;
	[tilespmem:$0xE460] =	vst v12;
	v12 =	vor.u32 v7, v16  }
0x375: {  	v11 =	vadd.f32 v17, v11;
	[tilespmem:$0xE560] =	vst v14  }
0x376: {  	s20 =	simm.s32 $0x1;
	[tilespmem:$0xE5E0] =	vst v8;
	v9 =	vadd.f32 v10, v9  }
0x377: {  	v8 =	vmov s20;
	[tilespmem:$0xE4E0] =	vst v11  }
0x378: {  	v8 =	vand.u32 $0x3F, v8;
	[tilespmem:$0xE660] =	vst v9  }
0x379: {  	v8 =	vbroadcast v8, $0x0;
	v17 =	vld.idx.msk [tilespmem:v12+s4+$0x0], $0xffff  }
0x37a: {  	v11 =	vld.idx.msk [tilespmem:v12+s5+$0x0], $0xffff  }
0x37b: {  	v21 =	vor.u32 v7, v8;
	v13 =	vld.idx.msk [tilespmem:v12+s6+$0x0], $0xffff  }
0x37c: {  	s20 =	simm.s32 $0x2;
	v10 =	vld.idx.msk [tilespmem:v12+s10+$0x0], $0xffff  }
0x37d: {  	v8 =	vmov s20;
	v15 =	vld.idx.msk [tilespmem:v12+s7+$0x0], $0xffff  }
0x37e: {  	v19 =	vld.idx.msk [tilespmem:v12+s8+$0x0], $0xffff;
	v9 =	vand.u32 $0x3F, v8  }
0x37f: {  	v22 =	vld.idx.msk [tilespmem:v12+s9+$0x0], $0xffff;
	v16 =	vbroadcast v9, $0x0  }
0x380: {  	v8 =	vld.idx.msk [tilespmem:v21+s4+$0x0], $0xffff;
	v11 =	vmul.f32 v11, v17;
	v23 =	vmul.f32 v13, v17  }
0x381: {  	s20 =	simm.s32 $0x3;
	v9 =	vimm.f32 $0.0e+00;
	v20 =	vor.u32 v7, v16;
	v12 =	vld.idx.msk [tilespmem:v21+s10+$0x0], $0xffff;
	v10 =	vmul.f32 v10, v17  }
0x382: {  	v14 =	vld.idx.msk [tilespmem:v21+s5+$0x0], $0xffff;
	v13 =	vadd.f32 v11, v9;
	v11 =	vadd.f32 v23, v9;
	v23 =	vmov s20  }
0x383: {  	v16 =	vld.idx.msk [tilespmem:v21+s6+$0x0], $0xffff;
	v24 =	vmul.f32 v15, v17  }
0x384: {  	v18 =	vld.idx.msk [tilespmem:v21+s7+$0x0], $0xffff;
	v26 =	vmul.f32 v19, v17;
	v15 =	vadd.f32 v10, v9  }
0x385: {  	v19 =	vld.idx.msk [tilespmem:v21+s8+$0x0], $0xffff;
	v10 =	vadd.f32 v24, v9;
	v24 =	vmul.f32 v22, v17;
	v25 =	vand.u32 $0x3F, v23;
	v23 =	vmovc v20  }
0x386: {  	s19 =	simm.s32 $0x4;
	v21 =	vld.idx.msk [tilespmem:v21+s9+$0x0], $0xffff;
	v17 =	vadd.f32 v26, v9;
	v22 =	vmov v20  }
.LBB2_32:
0x387: {  	p0 =	sne.s32 s19, $0x3F;
	v25 =	vbroadcast v25, $0x0;
	v26 =	vld.idx.msk [tilespmem:v20+s4+$0x0], $0xffff;
	v27 =	vmul.f32 v12, v8;
	v9 =	vadd.f32 v24, v9  }
0x388: {  	v24 =	vmul.f32 v14, v8;
	v12 =	vld.idx.msk [tilespmem:v20+s10+$0x0], $0xffff  }
.Ltmp15:
0x389: {  	v14 =	vld.idx.msk [tilespmem:v20+s5+$0x0], $0xffff;
	v20 =	vor.u32 v7, v25;
	v25 =	vmul.f32 v16, v8;
	v15 =	vadd.f32 v27, v15;
	(pc) =	sbr.rel @p0 .LBB2_32-.Ltmp15, $4  }
0x38a: {  	v13 =	vadd.f32 v24, v13;
	v24 =	vmul.f32 v18, v8;
	v16 =	vld.idx.msk [tilespmem:v23+s6+$0x0], $0xffff;
	v23 =	vmov v20  }
0x38b: {  	v27 =	vmul.f32 v19, v8;
	v18 =	vld.idx.msk [tilespmem:v22+s7+$0x0], $0xffff;
	v11 =	vadd.f32 v25, v11  }
0x38c: {  	v25 =	vmov s19;
	v10 =	vadd.f32 v24, v10;
	v24 =	vmul.f32 v21, v8;
	v19 =	vld.idx.msk [tilespmem:v22+s8+$0x0], $0xffff  }
0x38d: {  	s19 =	sadd.s32 $0x1, s19;
	v25 =	vand.u32 $0x3F, v25;
	v17 =	vadd.f32 v27, v17;
	v8 =	vmovc v26;
	v21 =	vld.idx.msk [tilespmem:v22+s9+$0x0], $0xffff;
	v22 =	vmov v20  }
0x38e: {  	_ =	sdelay $0x3  }
0x38f: {  	v25 =	vbroadcast v25, $0x0;
	v26 =	vld.idx.msk [tilespmem:v20+s4+$0x0], $0xffff  }
0x390: {  	v27 =	vld.idx.msk [tilespmem:v20+s10+$0x0], $0xffff  }
0x391: {  	v20 =	vld.idx.msk [tilespmem:v20+s5+$0x0], $0xffff;
	v25 =	vor.u32 v7, v25  }
0x392: {  	v23 =	vld.idx.msk [tilespmem:v23+s6+$0x0], $0xffff  }
0x393: {  	v28 =	vld.idx.msk [tilespmem:v22+s7+$0x0], $0xffff  }
0x394: {  	v29 =	vld.idx.msk [tilespmem:v22+s8+$0x0], $0xffff  }
0x395: {  	v12 =	vmul.f32 v12, v8;
	v22 =	vld.idx.msk [tilespmem:v22+s9+$0x0], $0xffff  }
0x396: {  	v14 =	vmul.f32 v14, v8;
	v30 =	vld.idx.msk [tilespmem:v25+s4+$0x0], $0xffff  }
0x397: {  	v9 =	vadd.f32 v24, v9;
	v16 =	vmul.f32 v16, v8;
	v12 =	vadd.f32 v12, v15;
	v15 =	vld.idx.msk [tilespmem:v25+s5+$0x0], $0xffff  }
0x398: {  	v13 =	vadd.f32 v14, v13;
	v14 =	vmul.f32 v18, v8;
	v18 =	vmul.f32 v19, v8;
	v19 =	vld.idx.msk [tilespmem:v25+s6+$0x0], $0xffff  }
0x399: {  	v11 =	vadd.f32 v16, v11;
	v8 =	vmul.f32 v21, v8;
	v16 =	vmul.f32 v20, v26;
	v20 =	vld.idx.msk [tilespmem:v25+s7+$0x0], $0xffff  }
0x39a: {  	v10 =	vadd.f32 v14, v10;
	v14 =	vadd.f32 v18, v17;
	v17 =	vmul.f32 v23, v26;
	v18 =	vld.idx.msk [tilespmem:v25+s8+$0x0], $0xffff  }
0x39b: {  	v8 =	vadd.f32 v8, v9;
	v9 =	vadd.f32 v16, v13;
	v13 =	vmul.f32 v28, v26;
	v16 =	vld.idx.msk [tilespmem:v25+s9+$0x0], $0xffff  }
0x39c: {  	v21 =	vmul.f32 v27, v26;
	v23 =	vld.idx.msk [tilespmem:v25+s10+$0x0], $0xffff;
	v11 =	vadd.f32 v17, v11;
	v15 =	vmul.f32 v15, v30  }
0x39d: {  	v17 =	vmul.f32 v29, v26;
	v10 =	vadd.f32 v13, v10;
	v13 =	vmul.f32 v19, v30  }
0x39e: {  	v19 =	vmul.f32 v22, v26;
	v9 =	vadd.f32 v15, v9;
	v15 =	vmul.f32 v20, v30  }
0x39f: {  	v14 =	vadd.f32 v17, v14;
	v11 =	vadd.f32 v13, v11;
	v13 =	vmul.f32 v18, v30  }
0x3a0: {  	v8 =	vadd.f32 v19, v8;
	v10 =	vadd.f32 v15, v10;
	v15 =	vmul.f32 v16, v30;
	[tilespmem:$0xE3F0] =	vst v9  }
0x3a1: {  	v9 =	vadd.f32 v21, v12;
	v12 =	vmul.f32 v23, v30;
	v13 =	vadd.f32 v13, v14;
	[tilespmem:$0xE470] =	vst v11  }
0x3a2: {  	v8 =	vadd.f32 v15, v8;
	[tilespmem:$0xE4F0] =	vst v10  }
0x3a3: {  	v9 =	vadd.f32 v12, v9;
	[tilespmem:$0xE570] =	vst v13  }
0x3a4: {  	[tilespmem:$0xE5F0] =	vst v8  }
0x3a5: {  	s19 =	simm.s32 $0x0;
	s20 =	rddreg [dreg:$0x10];
	[tilespmem:$0xE670] =	vst v9  }
0x3a6: {  	[hbm4b:s20+s19] =	stream.linear.scatter [tilespmem:s12], [sflag:$0x2], $0x80, $0x38;
	[tilespmem:$0xE680] =	vst v63  }
0x3a7: {  	_ =	swait.ge [sflag:s28], $0x80  }
0x3a8: {  	[sflag:s28] =	ssyncset.done $0x0  }
0x3a9: {  	s20 =	rddreg [dreg:$0x11];
	[sflag:s28] =	ssyncadd.s32 $0xFFFFFF80  }
0x3aa: {  	[hbm4b:s20+s19] =	stream.linear.scatter [tilespmem:s13], [sflag:$0x2], $0x80, $0x38;
	[tilespmem:$0xE680] =	vst v63  }
0x3ab: {  	_ =	swait.ge [sflag:s28], $0x80  }
0x3ac: {  	[sflag:s28] =	ssyncset.done $0x0  }
0x3ad: {  	s20 =	rddreg [dreg:$0x12];
	[sflag:s28] =	ssyncadd.s32 $0xFFFFFF80  }
0x3ae: {  	[hbm4b:s20+s19] =	stream.linear.scatter [tilespmem:s14], [sflag:$0x2], $0x80, $0x38;
	[tilespmem:$0xE680] =	vst v63  }
0x3af: {  	_ =	swait.ge [sflag:s28], $0x80  }
0x3b0: {  	[sflag:s28] =	ssyncset.done $0x0  }
0x3b1: {  	s20 =	rddreg [dreg:$0x14];
	[sflag:s28] =	ssyncadd.s32 $0xFFFFFF80  }
0x3b2: {  	[hbm4b:s20+s19] =	stream.linear.scatter [tilespmem:s15], [sflag:$0x2], $0x80, $0x38;
	[tilespmem:$0xE680] =	vst v63  }
0x3b3: {  	_ =	swait.ge [sflag:s28], $0x80  }
0x3b4: {  	[sflag:s28] =	ssyncset.done $0x0  }
0x3b5: {  	s20 =	rddreg [dreg:$0x16];
	[sflag:s28] =	ssyncadd.s32 $0xFFFFFF80  }
0x3b6: {  	[hbm4b:s20+s19] =	stream.linear.scatter [tilespmem:s16], [sflag:$0x2], $0x80, $0x38;
	[tilespmem:$0xE680] =	vst v63  }
0x3b7: {  	_ =	swait.ge [sflag:s28], $0x80  }
0x3b8: {  	[sflag:s28] =	ssyncset.done $0x0  }
0x3b9: {  	s20 =	rddreg [dreg:$0x18];
	[sflag:s28] =	ssyncadd.s32 $0xFFFFFF80  }
0x3ba: {  	[hbm4b:s20+s19] =	stream.linear.scatter [tilespmem:s17], [sflag:$0x2], $0x80, $0x38;
	[tilespmem:$0xE680] =	vst v63  }
0x3bb: {  	_ =	swait.ge [sflag:s28], $0x80  }
0x3bc: {  	[sflag:s28] =	ssyncset.done $0x0  }
0x3bd: {  	s20 =	rddreg [dreg:$0x19];
	[sflag:s28] =	ssyncadd.s32 $0xFFFFFF80  }
0x3be: {  	[tilespmem:s19], [sflag:$0x2] =	stream.linear.gather [hbm4b:s20+s19], $0x80, $0x38;
	[tilespmem:$0xE680] =	vst v63  }
0x3bf: {  	_ =	swait.ge [sflag:s28], $0x80  }
0x3c0: {  	[sflag:s28] =	ssyncset.done $0x0  }
0x3c1: {  	s20 =	rddreg [dreg:$0x1a];
	[sflag:s28] =	ssyncadd.s32 $0xFFFFFF80  }
0x3c2: {  	[tilespmem:s29], [sflag:$0x2] =	stream.linear.gather [hbm4b:s20+s19], $0x80, $0x38;
	[tilespmem:$0xE680] =	vst v63  }
0x3c3: {  	_ =	swait.ge [sflag:s28], $0x80  }
0x3c4: {  	[sflag:s28] =	ssyncset.done $0x0  }
0x3c5: {  	s20 =	rddreg [dreg:$0x1b];
	[sflag:s28] =	ssyncadd.s32 $0xFFFFFF80  }
0x3c6: {  	[tilespmem:s30], [sflag:$0x2] =	stream.linear.gather [hbm4b:s20+s19], $0x80, $0x38;
	[tilespmem:$0xE680] =	vst v63  }
0x3c7: {  	_ =	swait.ge [sflag:s28], $0x80  }
0x3c8: {  	[sflag:s28] =	ssyncset.done $0x0  }
0x3c9: {  	s20 =	rddreg [dreg:$0x1e];
	[sflag:s28] =	ssyncadd.s32 $0xFFFFFF80  }
0x3ca: {  	[tilespmem:s31], [sflag:$0x2] =	stream.linear.gather [hbm4b:s20+s19], $0x80, $0x38;
	[tilespmem:$0xE680] =	vst v63  }
0x3cb: {  	_ =	swait.ge [sflag:s28], $0x80  }
0x3cc: {  	s20 =	sld [smem:$0x7E9]  }
0x3cd: {  	[sflag:s28] =	ssyncset.done $0x0  }
0x3ce: {  	[sflag:s28] =	ssyncadd.s32 $0xFFFFFF80  }
0x3cf: {  	[tilespmem:s0], [sflag:$0x2] =	stream.linear.gather [hbm4b:s20+s19], $0x80, $0x38;
	[tilespmem:$0xE680] =	vst v63  }
0x3d0: {  	_ =	swait.ge [sflag:s28], $0x80  }
0x3d1: {  	s20 =	sld [smem:$0x7EB]  }
0x3d2: {  	[sflag:s28] =	ssyncset.done $0x0  }
0x3d3: {  	[sflag:s28] =	ssyncadd.s32 $0xFFFFFF80  }
0x3d4: {  	[tilespmem:s2], [sflag:$0x2] =	stream.linear.gather [hbm4b:s20+s19], $0x80, $0x38;
	[tilespmem:$0xE680] =	vst v63  }
0x3d5: {  	_ =	swait.ge [sflag:s28], $0x80  }
0x3d6: {  	s20 =	sld [smem:$0x7ED]  }
0x3d7: {  	[sflag:s28] =	ssyncset.done $0x0  }
0x3d8: {  	[sflag:s28] =	ssyncadd.s32 $0xFFFFFF80  }
0x3d9: {  	[tilespmem:s3], [sflag:$0x2] =	stream.linear.gather [hbm4b:s20+s19], $0x80, $0x38;
	[tilespmem:$0xE680] =	vst v63  }
0x3da: {  	_ =	swait.ge [sflag:s28], $0x80  }
0x3db: {  	[sflag:s28] =	ssyncset.done $0x0  }
0x3dc: {  	[sflag:s28] =	ssyncadd.s32 $0xFFFFFF80  }
0x3dd: {  	[tilespmem:s4], [sflag:$0x1] =	stream.indirect.gather [hbm4b:s24+s29], $0x40, s19, s29, $0xb8;
	[tilespmem:$0xE680] =	vst v63  }
0x3de: {  	_ = 	snop  }
0x3df: {  	[tilespmem:s5], [sflag:$0x1] =	stream.indirect.gather [hbm4b:s25+s29], $0x40, s29, s29, $0xb8;
	[tilespmem:$0xE680] =	vst v63  }
0x3e0: {  	_ = 	snop  }
0x3e1: {  	[tilespmem:s6], [sflag:$0x1] =	stream.indirect.gather [hbm4b:s25+s29], $0x40, s30, s29, $0xb8;
	[tilespmem:$0xE680] =	vst v63  }
0x3e2: {  	_ = 	snop  }
0x3e3: {  	[tilespmem:s7], [sflag:$0x1] =	stream.indirect.gather [hbm4b:s25+s29], $0x40, s31, s29, $0xb8;
	[tilespmem:$0xE680] =	vst v63  }
0x3e4: {  	_ = 	snop  }
0x3e5: {  	[tilespmem:s8], [sflag:$0x1] =	stream.indirect.gather [hbm4b:s25+s29], $0x40, s0, s29, $0xb8;
	[tilespmem:$0xE680] =	vst v63  }
0x3e6: {  	_ = 	snop  }
0x3e7: {  	[tilespmem:s9], [sflag:$0x1] =	stream.indirect.gather [hbm4b:s25+s29], $0x40, s2, s29, $0xb8;
	[tilespmem:$0xE680] =	vst v63  }
0x3e8: {  	_ = 	snop  }
0x3e9: {  	[tilespmem:s10], [sflag:$0x1] =	stream.indirect.gather [hbm4b:s25+s29], $0x40, s3, s29, $0xb8;
	[tilespmem:$0xE680] =	vst v63  }
0x3ea: {  	_ =	swait.ge [sflag:s11], $0x2000  }
0x3eb: {  	[sflag:s11] =	ssyncset.done $0x0  }
0x3ec: {  	[sflag:s11] =	ssyncadd.s32 $0xFFFFE000  }
0x3ed: {  	_ =	swait.ge [sflag:s11], $0x2000  }
0x3ee: {  	[sflag:s11] =	ssyncset.done $0x0  }
0x3ef: {  	[sflag:s11] =	ssyncadd.s32 $0xFFFFE000  }
0x3f0: {  	_ =	swait.ge [sflag:s11], $0x2000  }
0x3f1: {  	[sflag:s11] =	ssyncset.done $0x0  }
0x3f2: {  	[sflag:s11] =	ssyncadd.s32 $0xFFFFE000  }
0x3f3: {  	_ =	swait.ge [sflag:s11], $0x2000  }
0x3f4: {  	[sflag:s11] =	ssyncset.done $0x0  }
0x3f5: {  	[sflag:s11] =	ssyncadd.s32 $0xFFFFE000  }
0x3f6: {  	v8 =	vmov s19;
	_ =	swait.ge [sflag:s11], $0x2000  }
0x3f7: {  	v8 =	vand.u32 $0x3F, v8;
	[sflag:s11] =	ssyncset.done $0x0  }
0x3f8: {  	v8 =	vbroadcast v8, $0x0;
	[sflag:s11] =	ssyncadd.s32 $0xFFFFE000  }
0x3f9: {  	_ =	swait.ge [sflag:s11], $0x2000  }
0x3fa: {  	v8 =	vor.u32 v0, v8;
	[sflag:s11] =	ssyncset.done $0x0  }
0x3fb: {  	[sflag:s11] =	ssyncadd.s32 $0xFFFFE000  }
0x3fc: {  	s20 =	simm.s32 $0x1;
	_ =	swait.ge [sflag:s11], $0x2000  }
0x3fd: {  	v9 =	vmov s20;
	[sflag:s11] =	ssyncset.done $0x0  }
0x3fe: {  	v9 =	vand.u32 $0x3F, v9;
	[sflag:s11] =	ssyncadd.s32 $0xFFFFE000  }
0x3ff: {  	v9 =	vbroadcast v9, $0x0;
	v16 =	vld.idx.msk [tilespmem:v8+s4+$0x0], $0xffff  }
0x400: {  	v10 =	vld.idx.msk [tilespmem:v8+s10+$0x0], $0xffff  }
0x401: {  	v21 =	vor.u32 v0, v9;
	v12 =	vld.idx.msk [tilespmem:v8+s5+$0x0], $0xffff  }
0x402: {  	v14 =	vld.idx.msk [tilespmem:v8+s7+$0x0], $0xffff  }
0x403: {  	s20 =	simm.s32 $0x2;
	v13 =	vld.idx.msk [tilespmem:v8+s6+$0x0], $0xffff  }
0x404: {  	v9 =	vmov s20;
	v15 =	vld.idx.msk [tilespmem:v8+s8+$0x0], $0xffff  }
0x405: {  	v9 =	vand.u32 $0x3F, v9;
	v22 =	vld.idx.msk [tilespmem:v8+s9+$0x0], $0xffff  }
0x406: {  	v17 =	vbroadcast v9, $0x0;
	v8 =	vld.idx.msk [tilespmem:v21+s4+$0x0], $0xffff  }
0x407: {  	v11 =	vld.idx.msk [tilespmem:v21+s10+$0x0], $0xffff;
	v23 =	vmul.f32 v14, v16  }
0x408: {  	v20 =	vor.u32 v0, v17;
	v17 =	vld.idx.msk [tilespmem:v21+s6+$0x0], $0xffff;
	v10 =	vmul.f32 v10, v16;
	v18 =	vmul.f32 v12, v16  }
0x409: {  	v9 =	vimm.f32 $0.0e+00;
	v12 =	vld.idx.msk [tilespmem:v21+s5+$0x0], $0xffff;
	v19 =	vmul.f32 v13, v16;
	v26 =	vmul.f32 v15, v16  }
0x40a: {  	s20 =	simm.s32 $0x3;
	v24 =	vmul.f32 v22, v16;
	v13 =	vadd.f32 v10, v9;
	v10 =	vadd.f32 v18, v9;
	v18 =	vld.idx.msk [tilespmem:v21+s7+$0x0], $0xffff  }
0x40b: {  	v25 =	vmov s20;
	v14 =	vadd.f32 v19, v9;
	v19 =	vld.idx.msk [tilespmem:v21+s8+$0x0], $0xffff;
	v15 =	vadd.f32 v23, v9;
	v23 =	vmovc v20  }
0x40c: {  	s19 =	simm.s32 $0x4;
	v25 =	vand.u32 $0x3F, v25;
	v22 =	vmov v20;
	v21 =	vld.idx.msk [tilespmem:v21+s9+$0x0], $0xffff;
	v16 =	vadd.f32 v26, v9  }
.LBB2_34:
0x40d: {  	p0 =	sne.s32 s19, $0x3F;
	v25 =	vbroadcast v25, $0x0;
	v26 =	vld.idx.msk [tilespmem:v20+s4+$0x0], $0xffff;
	v27 =	vmul.f32 v11, v8;
	v9 =	vadd.f32 v24, v9  }
0x40e: {  	v24 =	vmul.f32 v12, v8;
	v11 =	vld.idx.msk [tilespmem:v20+s10+$0x0], $0xffff  }
.Ltmp16:
0x40f: {  	v12 =	vld.idx.msk [tilespmem:v20+s5+$0x0], $0xffff;
	v20 =	vor.u32 v0, v25;
	v25 =	vmul.f32 v17, v8;
	v13 =	vadd.f32 v27, v13;
	(pc) =	sbr.rel @p0 .LBB2_34-.Ltmp16, $4  }
0x410: {  	v10 =	vadd.f32 v24, v10;
	v24 =	vmul.f32 v18, v8;
	v17 =	vld.idx.msk [tilespmem:v23+s6+$0x0], $0xffff;
	v23 =	vmov v20  }
0x411: {  	v27 =	vmul.f32 v19, v8;
	v18 =	vld.idx.msk [tilespmem:v22+s7+$0x0], $0xffff;
	v14 =	vadd.f32 v25, v14  }
0x412: {  	v25 =	vmov s19;
	v15 =	vadd.f32 v24, v15;
	v24 =	vmul.f32 v21, v8;
	v19 =	vld.idx.msk [tilespmem:v22+s8+$0x0], $0xffff  }
0x413: {  	s19 =	sadd.s32 $0x1, s19;
	v25 =	vand.u32 $0x3F, v25;
	v16 =	vadd.f32 v27, v16;
	v8 =	vmovc v26;
	v21 =	vld.idx.msk [tilespmem:v22+s9+$0x0], $0xffff;
	v22 =	vmov v20  }
0x414: {  	_ =	sdelay $0x3  }
0x415: {  	v25 =	vbroadcast v25, $0x0;
	v26 =	vld.idx.msk [tilespmem:v20+s4+$0x0], $0xffff  }
0x416: {  	v27 =	vld.idx.msk [tilespmem:v20+s10+$0x0], $0xffff  }
0x417: {  	v20 =	vld.idx.msk [tilespmem:v20+s5+$0x0], $0xffff;
	v25 =	vor.u32 v0, v25  }
0x418: {  	v23 =	vld.idx.msk [tilespmem:v23+s6+$0x0], $0xffff  }
0x419: {  	v28 =	vld.idx.msk [tilespmem:v22+s7+$0x0], $0xffff;
	v11 =	vmul.f32 v11, v8  }
0x41a: {  	v29 =	vld.idx.msk [tilespmem:v22+s8+$0x0], $0xffff;
	v12 =	vmul.f32 v12, v8;
	v17 =	vmul.f32 v17, v8  }
0x41b: {  	v22 =	vld.idx.msk [tilespmem:v22+s9+$0x0], $0xffff;
	v9 =	vadd.f32 v24, v9;
	v11 =	vadd.f32 v11, v13;
	v13 =	vmul.f32 v18, v8  }
0x41c: {  	v10 =	vadd.f32 v12, v10;
	v12 =	vadd.f32 v17, v14;
	v14 =	vmul.f32 v19, v8;
	v18 =	vld.idx.msk [tilespmem:v25+s4+$0x0], $0xffff  }
0x41d: {  	v13 =	vadd.f32 v13, v15;
	v8 =	vmul.f32 v21, v8;
	v15 =	vmul.f32 v27, v26;
	v17 =	vld.idx.msk [tilespmem:v25+s5+$0x0], $0xffff  }
0x41e: {  	v14 =	vadd.f32 v14, v16;
	v16 =	vmul.f32 v20, v26;
	v20 =	vmul.f32 v23, v26;
	v19 =	vld.idx.msk [tilespmem:v25+s6+$0x0], $0xffff  }
0x41f: {  	v8 =	vadd.f32 v8, v9;
	v9 =	vadd.f32 v15, v11;
	v11 =	vmul.f32 v28, v26;
	v15 =	vld.idx.msk [tilespmem:v25+s8+$0x0], $0xffff  }
0x420: {  	v10 =	vadd.f32 v16, v10;
	v12 =	vadd.f32 v20, v12;
	v16 =	vmul.f32 v29, v26;
	v20 =	vld.idx.msk [tilespmem:v25+s9+$0x0], $0xffff  }
0x421: {  	v21 =	vld.idx.msk [tilespmem:v25+s7+$0x0], $0xffff;
	v11 =	vadd.f32 v11, v13;
	v13 =	vmul.f32 v22, v26  }
0x422: {  	s19 =	simm.s32 $0x0;
	v23 =	vld.idx.msk [tilespmem:v25+s10+$0x0], $0xffff;
	v14 =	vadd.f32 v16, v14;
	v17 =	vmul.f32 v17, v18  }
0x423: {  	v8 =	vadd.f32 v13, v8;
	v16 =	vmul.f32 v19, v18;
	v19 =	vmov s19  }
0x424: {  	v15 =	vmul.f32 v15, v18;
	v19 =	vand.u32 $0x3F, v19;
	v10 =	vadd.f32 v17, v10  }
0x425: {  	v13 =	vmul.f32 v20, v18;
	v12 =	vadd.f32 v16, v12;
	v16 =	vbroadcast v19, $0x0  }
0x426: {  	v17 =	vmul.f32 v21, v18;
	v14 =	vadd.f32 v15, v14;
	[tilespmem:$0xE380] =	vst v10  }
0x427: {  	v8 =	vadd.f32 v13, v8;
	v10 =	vmul.f32 v23, v18;
	[tilespmem:$0xE400] =	vst v12;
	v12 =	vor.u32 v1, v16  }
0x428: {  	v11 =	vadd.f32 v17, v11;
	[tilespmem:$0xE500] =	vst v14  }
0x429: {  	s20 =	simm.s32 $0x1;
	[tilespmem:$0xE580] =	vst v8;
	v9 =	vadd.f32 v10, v9  }
0x42a: {  	v8 =	vmov s20;
	[tilespmem:$0xE480] =	vst v11  }
0x42b: {  	v8 =	vand.u32 $0x3F, v8;
	[tilespmem:$0xE600] =	vst v9  }
0x42c: {  	v8 =	vbroadcast v8, $0x0;
	v16 =	vld.idx.msk [tilespmem:v12+s4+$0x0], $0xffff  }
0x42d: {  	v10 =	vld.idx.msk [tilespmem:v12+s10+$0x0], $0xffff  }
0x42e: {  	v21 =	vor.u32 v1, v8;
	v13 =	vld.idx.msk [tilespmem:v12+s5+$0x0], $0xffff  }
0x42f: {  	v19 =	vld.idx.msk [tilespmem:v12+s8+$0x0], $0xffff  }
0x430: {  	s20 =	simm.s32 $0x2;
	v14 =	vld.idx.msk [tilespmem:v12+s6+$0x0], $0xffff  }
0x431: {  	v8 =	vmov s20;
	v15 =	vld.idx.msk [tilespmem:v12+s7+$0x0], $0xffff  }
0x432: {  	v22 =	vld.idx.msk [tilespmem:v12+s9+$0x0], $0xffff;
	v9 =	vand.u32 $0x3F, v8  }
0x433: {  	v17 =	vbroadcast v9, $0x0;
	v8 =	vld.idx.msk [tilespmem:v21+s4+$0x0], $0xffff  }
0x434: {  	v11 =	vld.idx.msk [tilespmem:v21+s10+$0x0], $0xffff;
	v23 =	vmul.f32 v19, v16  }
0x435: {  	v20 =	vor.u32 v1, v17;
	v12 =	vld.idx.msk [tilespmem:v21+s5+$0x0], $0xffff;
	v10 =	vmul.f32 v10, v16  }
0x436: {  	v9 =	vimm.f32 $0.0e+00;
	v17 =	vld.idx.msk [tilespmem:v21+s6+$0x0], $0xffff;
	v18 =	vmul.f32 v13, v16;
	v14 =	vmul.f32 v14, v16  }
0x437: {  	s20 =	simm.s32 $0x3;
	v15 =	vmul.f32 v15, v16;
	v19 =	vld.idx.msk [tilespmem:v21+s8+$0x0], $0xffff;
	v24 =	vmul.f32 v22, v16;
	v13 =	vadd.f32 v10, v9  }
0x438: {  	v25 =	vmov s20;
	v10 =	vadd.f32 v18, v9;
	v18 =	vld.idx.msk [tilespmem:v21+s7+$0x0], $0xffff;
	v16 =	vadd.f32 v23, v9;
	v23 =	vmovc v20  }
0x439: {  	s19 =	simm.s32 $0x4;
	v25 =	vand.u32 $0x3F, v25;
	v22 =	vmovc v20;
	v14 =	vadd.f32 v14, v9;
	v15 =	vadd.f32 v15, v9;
	v21 =	vld.idx.msk [tilespmem:v21+s9+$0x0], $0xffff  }
.LBB2_36:
0x43a: {  	p0 =	sne.s32 s19, $0x3F;
	v25 =	vbroadcast v25, $0x0;
	v26 =	vld.idx.msk [tilespmem:v20+s4+$0x0], $0xffff;
	v27 =	vmul.f32 v11, v8;
	v9 =	vadd.f32 v24, v9  }
0x43b: {  	v24 =	vmul.f32 v12, v8;
	v11 =	vld.idx.msk [tilespmem:v20+s10+$0x0], $0xffff  }
.Ltmp17:
0x43c: {  	v12 =	vld.idx.msk [tilespmem:v20+s5+$0x0], $0xffff;
	v20 =	vor.u32 v1, v25;
	v25 =	vmul.f32 v17, v8;
	v13 =	vadd.f32 v27, v13;
	(pc) =	sbr.rel @p0 .LBB2_36-.Ltmp17, $4  }
0x43d: {  	v10 =	vadd.f32 v24, v10;
	v24 =	vmul.f32 v18, v8;
	v17 =	vld.idx.msk [tilespmem:v23+s6+$0x0], $0xffff;
	v23 =	vmov v20  }
0x43e: {  	v27 =	vmul.f32 v19, v8;
	v18 =	vld.idx.msk [tilespmem:v22+s7+$0x0], $0xffff;
	v14 =	vadd.f32 v25, v14  }
0x43f: {  	v25 =	vmov s19;
	v15 =	vadd.f32 v24, v15;
	v24 =	vmul.f32 v21, v8;
	v19 =	vld.idx.msk [tilespmem:v22+s8+$0x0], $0xffff  }
0x440: {  	s19 =	sadd.s32 $0x1, s19;
	v25 =	vand.u32 $0x3F, v25;
	v16 =	vadd.f32 v27, v16;
	v8 =	vmovc v26;
	v21 =	vld.idx.msk [tilespmem:v22+s9+$0x0], $0xffff;
	v22 =	vmov v20  }
0x441: {  	_ =	sdelay $0x3  }
0x442: {  	v25 =	vbroadcast v25, $0x0;
	v26 =	vld.idx.msk [tilespmem:v20+s4+$0x0], $0xffff  }
0x443: {  	v27 =	vld.idx.msk [tilespmem:v20+s10+$0x0], $0xffff  }
0x444: {  	v20 =	vld.idx.msk [tilespmem:v20+s5+$0x0], $0xffff;
	v25 =	vor.u32 v1, v25  }
0x445: {  	v23 =	vld.idx.msk [tilespmem:v23+s6+$0x0], $0xffff  }
0x446: {  	v28 =	vld.idx.msk [tilespmem:v22+s7+$0x0], $0xffff;
	v11 =	vmul.f32 v11, v8  }
0x447: {  	v29 =	vld.idx.msk [tilespmem:v22+s8+$0x0], $0xffff;
	v12 =	vmul.f32 v12, v8;
	v17 =	vmul.f32 v17, v8  }
0x448: {  	v22 =	vld.idx.msk [tilespmem:v22+s9+$0x0], $0xffff;
	v9 =	vadd.f32 v24, v9;
	v11 =	vadd.f32 v11, v13;
	v13 =	vmul.f32 v18, v8  }
0x449: {  	v10 =	vadd.f32 v12, v10;
	v12 =	vadd.f32 v17, v14;
	v14 =	vmul.f32 v19, v8;
	v18 =	vld.idx.msk [tilespmem:v25+s4+$0x0], $0xffff  }
0x44a: {  	v13 =	vadd.f32 v13, v15;
	v8 =	vmul.f32 v21, v8;
	v15 =	vmul.f32 v27, v26;
	v17 =	vld.idx.msk [tilespmem:v25+s5+$0x0], $0xffff  }
0x44b: {  	v14 =	vadd.f32 v14, v16;
	v16 =	vmul.f32 v20, v26;
	v20 =	vmul.f32 v23, v26;
	v19 =	vld.idx.msk [tilespmem:v25+s6+$0x0], $0xffff  }
0x44c: {  	v8 =	vadd.f32 v8, v9;
	v9 =	vadd.f32 v15, v11;
	v11 =	vmul.f32 v28, v26;
	v15 =	vld.idx.msk [tilespmem:v25+s8+$0x0], $0xffff  }
0x44d: {  	v10 =	vadd.f32 v16, v10;
	v12 =	vadd.f32 v20, v12;
	v16 =	vmul.f32 v29, v26;
	v20 =	vld.idx.msk [tilespmem:v25+s9+$0x0], $0xffff  }
0x44e: {  	v21 =	vld.idx.msk [tilespmem:v25+s7+$0x0], $0xffff;
	v11 =	vadd.f32 v11, v13;
	v13 =	vmul.f32 v22, v26  }
0x44f: {  	s19 =	simm.s32 $0x0;
	v23 =	vld.idx.msk [tilespmem:v25+s10+$0x0], $0xffff;
	v14 =	vadd.f32 v16, v14;
	v17 =	vmul.f32 v17, v18  }
0x450: {  	v8 =	vadd.f32 v13, v8;
	v16 =	vmul.f32 v19, v18;
	v19 =	vmov s19  }
0x451: {  	v15 =	vmul.f32 v15, v18;
	v19 =	vand.u32 $0x3F, v19;
	v10 =	vadd.f32 v17, v10  }
0x452: {  	v13 =	vmul.f32 v20, v18;
	v12 =	vadd.f32 v16, v12;
	v16 =	vbroadcast v19, $0x0  }
0x453: {  	v17 =	vmul.f32 v21, v18;
	v14 =	vadd.f32 v15, v14;
	[tilespmem:$0xE390] =	vst v10  }
0x454: {  	v8 =	vadd.f32 v13, v8;
	v10 =	vmul.f32 v23, v18;
	[tilespmem:$0xE410] =	vst v12;
	v12 =	vor.u32 v2, v16  }
0x455: {  	v11 =	vadd.f32 v17, v11;
	[tilespmem:$0xE510] =	vst v14  }
0x456: {  	s20 =	simm.s32 $0x1;
	[tilespmem:$0xE590] =	vst v8;
	v9 =	vadd.f32 v10, v9  }
0x457: {  	v8 =	vmov s20;
	[tilespmem:$0xE490] =	vst v11  }
0x458: {  	v8 =	vand.u32 $0x3F, v8;
	[tilespmem:$0xE610] =	vst v9  }
0x459: {  	v8 =	vbroadcast v8, $0x0;
	v16 =	vld.idx.msk [tilespmem:v12+s4+$0x0], $0xffff  }
0x45a: {  	v10 =	vld.idx.msk [tilespmem:v12+s10+$0x0], $0xffff  }
0x45b: {  	v21 =	vor.u32 v2, v8;
	v13 =	vld.idx.msk [tilespmem:v12+s5+$0x0], $0xffff  }
0x45c: {  	v19 =	vld.idx.msk [tilespmem:v12+s8+$0x0], $0xffff  }
0x45d: {  	s20 =	simm.s32 $0x2;
	v14 =	vld.idx.msk [tilespmem:v12+s6+$0x0], $0xffff  }
0x45e: {  	v8 =	vmov s20;
	v15 =	vld.idx.msk [tilespmem:v12+s7+$0x0], $0xffff  }
0x45f: {  	v22 =	vld.idx.msk [tilespmem:v12+s9+$0x0], $0xffff;
	v9 =	vand.u32 $0x3F, v8  }
0x460: {  	v17 =	vbroadcast v9, $0x0;
	v8 =	vld.idx.msk [tilespmem:v21+s4+$0x0], $0xffff  }
0x461: {  	v11 =	vld.idx.msk [tilespmem:v21+s10+$0x0], $0xffff;
	v23 =	vmul.f32 v19, v16  }
0x462: {  	v20 =	vor.u32 v2, v17;
	v12 =	vld.idx.msk [tilespmem:v21+s5+$0x0], $0xffff;
	v10 =	vmul.f32 v10, v16  }
0x463: {  	v9 =	vimm.f32 $0.0e+00;
	v17 =	vld.idx.msk [tilespmem:v21+s6+$0x0], $0xffff;
	v18 =	vmul.f32 v13, v16;
	v14 =	vmul.f32 v14, v16  }
0x464: {  	s20 =	simm.s32 $0x3;
	v15 =	vmul.f32 v15, v16;
	v19 =	vld.idx.msk [tilespmem:v21+s8+$0x0], $0xffff;
	v24 =	vmul.f32 v22, v16;
	v13 =	vadd.f32 v10, v9  }
0x465: {  	v25 =	vmov s20;
	v10 =	vadd.f32 v18, v9;
	v18 =	vld.idx.msk [tilespmem:v21+s7+$0x0], $0xffff;
	v16 =	vadd.f32 v23, v9;
	v23 =	vmovc v20  }
0x466: {  	s19 =	simm.s32 $0x4;
	v25 =	vand.u32 $0x3F, v25;
	v22 =	vmovc v20;
	v14 =	vadd.f32 v14, v9;
	v15 =	vadd.f32 v15, v9;
	v21 =	vld.idx.msk [tilespmem:v21+s9+$0x0], $0xffff  }
.LBB2_38:
0x467: {  	p0 =	sne.s32 s19, $0x3F;
	v25 =	vbroadcast v25, $0x0;
	v26 =	vld.idx.msk [tilespmem:v20+s4+$0x0], $0xffff;
	v27 =	vmul.f32 v11, v8;
	v9 =	vadd.f32 v24, v9  }
0x468: {  	v24 =	vmul.f32 v12, v8;
	v11 =	vld.idx.msk [tilespmem:v20+s10+$0x0], $0xffff  }
.Ltmp18:
0x469: {  	v12 =	vld.idx.msk [tilespmem:v20+s5+$0x0], $0xffff;
	v20 =	vor.u32 v2, v25;
	v25 =	vmul.f32 v17, v8;
	v13 =	vadd.f32 v27, v13;
	(pc) =	sbr.rel @p0 .LBB2_38-.Ltmp18, $4  }
0x46a: {  	v10 =	vadd.f32 v24, v10;
	v24 =	vmul.f32 v18, v8;
	v17 =	vld.idx.msk [tilespmem:v23+s6+$0x0], $0xffff;
	v23 =	vmov v20  }
0x46b: {  	v27 =	vmul.f32 v19, v8;
	v18 =	vld.idx.msk [tilespmem:v22+s7+$0x0], $0xffff;
	v14 =	vadd.f32 v25, v14  }
0x46c: {  	v25 =	vmov s19;
	v15 =	vadd.f32 v24, v15;
	v24 =	vmul.f32 v21, v8;
	v19 =	vld.idx.msk [tilespmem:v22+s8+$0x0], $0xffff  }
0x46d: {  	s19 =	sadd.s32 $0x1, s19;
	v25 =	vand.u32 $0x3F, v25;
	v16 =	vadd.f32 v27, v16;
	v8 =	vmovc v26;
	v21 =	vld.idx.msk [tilespmem:v22+s9+$0x0], $0xffff;
	v22 =	vmov v20  }
0x46e: {  	_ =	sdelay $0x3  }
0x46f: {  	v25 =	vbroadcast v25, $0x0;
	v26 =	vld.idx.msk [tilespmem:v20+s4+$0x0], $0xffff  }
0x470: {  	v27 =	vld.idx.msk [tilespmem:v20+s10+$0x0], $0xffff  }
0x471: {  	v20 =	vld.idx.msk [tilespmem:v20+s5+$0x0], $0xffff;
	v25 =	vor.u32 v2, v25  }
0x472: {  	v23 =	vld.idx.msk [tilespmem:v23+s6+$0x0], $0xffff  }
0x473: {  	v28 =	vld.idx.msk [tilespmem:v22+s7+$0x0], $0xffff;
	v11 =	vmul.f32 v11, v8  }
0x474: {  	v29 =	vld.idx.msk [tilespmem:v22+s8+$0x0], $0xffff;
	v12 =	vmul.f32 v12, v8;
	v17 =	vmul.f32 v17, v8  }
0x475: {  	v22 =	vld.idx.msk [tilespmem:v22+s9+$0x0], $0xffff;
	v9 =	vadd.f32 v24, v9;
	v11 =	vadd.f32 v11, v13;
	v13 =	vmul.f32 v18, v8  }
0x476: {  	v10 =	vadd.f32 v12, v10;
	v12 =	vadd.f32 v17, v14;
	v14 =	vmul.f32 v19, v8;
	v18 =	vld.idx.msk [tilespmem:v25+s4+$0x0], $0xffff  }
0x477: {  	v13 =	vadd.f32 v13, v15;
	v8 =	vmul.f32 v21, v8;
	v15 =	vmul.f32 v27, v26;
	v17 =	vld.idx.msk [tilespmem:v25+s5+$0x0], $0xffff  }
0x478: {  	v14 =	vadd.f32 v14, v16;
	v16 =	vmul.f32 v20, v26;
	v20 =	vmul.f32 v23, v26;
	v19 =	vld.idx.msk [tilespmem:v25+s6+$0x0], $0xffff  }
0x479: {  	v8 =	vadd.f32 v8, v9;
	v9 =	vadd.f32 v15, v11;
	v11 =	vmul.f32 v28, v26;
	v15 =	vld.idx.msk [tilespmem:v25+s8+$0x0], $0xffff  }
0x47a: {  	v10 =	vadd.f32 v16, v10;
	v12 =	vadd.f32 v20, v12;
	v16 =	vmul.f32 v29, v26;
	v20 =	vld.idx.msk [tilespmem:v25+s9+$0x0], $0xffff  }
0x47b: {  	v21 =	vld.idx.msk [tilespmem:v25+s7+$0x0], $0xffff;
	v11 =	vadd.f32 v11, v13;
	v13 =	vmul.f32 v22, v26  }
0x47c: {  	s19 =	simm.s32 $0x0;
	v23 =	vld.idx.msk [tilespmem:v25+s10+$0x0], $0xffff;
	v14 =	vadd.f32 v16, v14;
	v17 =	vmul.f32 v17, v18  }
0x47d: {  	v8 =	vadd.f32 v13, v8;
	v16 =	vmul.f32 v19, v18;
	v19 =	vmov s19  }
0x47e: {  	v15 =	vmul.f32 v15, v18;
	v19 =	vand.u32 $0x3F, v19;
	v10 =	vadd.f32 v17, v10  }
0x47f: {  	v13 =	vmul.f32 v20, v18;
	v12 =	vadd.f32 v16, v12;
	v16 =	vbroadcast v19, $0x0  }
0x480: {  	v17 =	vmul.f32 v21, v18;
	v14 =	vadd.f32 v15, v14;
	[tilespmem:$0xE3A0] =	vst v10  }
0x481: {  	v8 =	vadd.f32 v13, v8;
	v10 =	vmul.f32 v23, v18;
	[tilespmem:$0xE420] =	vst v12;
	v12 =	vor.u32 v3, v16  }
0x482: {  	v11 =	vadd.f32 v17, v11;
	[tilespmem:$0xE520] =	vst v14  }
0x483: {  	s20 =	simm.s32 $0x1;
	[tilespmem:$0xE5A0] =	vst v8;
	v9 =	vadd.f32 v10, v9  }
0x484: {  	v8 =	vmov s20;
	[tilespmem:$0xE4A0] =	vst v11  }
0x485: {  	v8 =	vand.u32 $0x3F, v8;
	[tilespmem:$0xE620] =	vst v9  }
0x486: {  	v8 =	vbroadcast v8, $0x0;
	v16 =	vld.idx.msk [tilespmem:v12+s4+$0x0], $0xffff  }
0x487: {  	v10 =	vld.idx.msk [tilespmem:v12+s10+$0x0], $0xffff  }
0x488: {  	v21 =	vor.u32 v3, v8;
	v13 =	vld.idx.msk [tilespmem:v12+s5+$0x0], $0xffff  }
0x489: {  	v19 =	vld.idx.msk [tilespmem:v12+s8+$0x0], $0xffff  }
0x48a: {  	s20 =	simm.s32 $0x2;
	v14 =	vld.idx.msk [tilespmem:v12+s6+$0x0], $0xffff  }
0x48b: {  	v8 =	vmov s20;
	v15 =	vld.idx.msk [tilespmem:v12+s7+$0x0], $0xffff  }
0x48c: {  	v22 =	vld.idx.msk [tilespmem:v12+s9+$0x0], $0xffff;
	v9 =	vand.u32 $0x3F, v8  }
0x48d: {  	v17 =	vbroadcast v9, $0x0;
	v8 =	vld.idx.msk [tilespmem:v21+s4+$0x0], $0xffff  }
0x48e: {  	v11 =	vld.idx.msk [tilespmem:v21+s10+$0x0], $0xffff;
	v23 =	vmul.f32 v19, v16  }
0x48f: {  	v20 =	vor.u32 v3, v17;
	v12 =	vld.idx.msk [tilespmem:v21+s5+$0x0], $0xffff;
	v10 =	vmul.f32 v10, v16  }
0x490: {  	v9 =	vimm.f32 $0.0e+00;
	v17 =	vld.idx.msk [tilespmem:v21+s6+$0x0], $0xffff;
	v18 =	vmul.f32 v13, v16;
	v14 =	vmul.f32 v14, v16  }
0x491: {  	s20 =	simm.s32 $0x3;
	v15 =	vmul.f32 v15, v16;
	v19 =	vld.idx.msk [tilespmem:v21+s8+$0x0], $0xffff;
	v24 =	vmul.f32 v22, v16;
	v13 =	vadd.f32 v10, v9  }
0x492: {  	v25 =	vmov s20;
	v10 =	vadd.f32 v18, v9;
	v18 =	vld.idx.msk [tilespmem:v21+s7+$0x0], $0xffff;
	v16 =	vadd.f32 v23, v9;
	v23 =	vmovc v20  }
0x493: {  	s19 =	simm.s32 $0x4;
	v25 =	vand.u32 $0x3F, v25;
	v22 =	vmovc v20;
	v14 =	vadd.f32 v14, v9;
	v15 =	vadd.f32 v15, v9;
	v21 =	vld.idx.msk [tilespmem:v21+s9+$0x0], $0xffff  }
.LBB2_40:
0x494: {  	p0 =	sne.s32 s19, $0x3F;
	v25 =	vbroadcast v25, $0x0;
	v26 =	vld.idx.msk [tilespmem:v20+s4+$0x0], $0xffff;
	v27 =	vmul.f32 v11, v8;
	v9 =	vadd.f32 v24, v9  }
0x495: {  	v24 =	vmul.f32 v12, v8;
	v11 =	vld.idx.msk [tilespmem:v20+s10+$0x0], $0xffff  }
.Ltmp19:
0x496: {  	v12 =	vld.idx.msk [tilespmem:v20+s5+$0x0], $0xffff;
	v20 =	vor.u32 v3, v25;
	v25 =	vmul.f32 v17, v8;
	v13 =	vadd.f32 v27, v13;
	(pc) =	sbr.rel @p0 .LBB2_40-.Ltmp19, $4  }
0x497: {  	v10 =	vadd.f32 v24, v10;
	v24 =	vmul.f32 v18, v8;
	v17 =	vld.idx.msk [tilespmem:v23+s6+$0x0], $0xffff;
	v23 =	vmov v20  }
0x498: {  	v27 =	vmul.f32 v19, v8;
	v18 =	vld.idx.msk [tilespmem:v22+s7+$0x0], $0xffff;
	v14 =	vadd.f32 v25, v14  }
0x499: {  	v25 =	vmov s19;
	v15 =	vadd.f32 v24, v15;
	v24 =	vmul.f32 v21, v8;
	v19 =	vld.idx.msk [tilespmem:v22+s8+$0x0], $0xffff  }
0x49a: {  	s19 =	sadd.s32 $0x1, s19;
	v25 =	vand.u32 $0x3F, v25;
	v16 =	vadd.f32 v27, v16;
	v8 =	vmovc v26;
	v21 =	vld.idx.msk [tilespmem:v22+s9+$0x0], $0xffff;
	v22 =	vmov v20  }
0x49b: {  	_ =	sdelay $0x3  }
0x49c: {  	v25 =	vbroadcast v25, $0x0;
	v26 =	vld.idx.msk [tilespmem:v20+s4+$0x0], $0xffff  }
0x49d: {  	v27 =	vld.idx.msk [tilespmem:v20+s10+$0x0], $0xffff  }
0x49e: {  	v20 =	vld.idx.msk [tilespmem:v20+s5+$0x0], $0xffff;
	v25 =	vor.u32 v3, v25  }
0x49f: {  	v23 =	vld.idx.msk [tilespmem:v23+s6+$0x0], $0xffff  }
0x4a0: {  	v28 =	vld.idx.msk [tilespmem:v22+s7+$0x0], $0xffff;
	v11 =	vmul.f32 v11, v8  }
0x4a1: {  	v29 =	vld.idx.msk [tilespmem:v22+s8+$0x0], $0xffff;
	v12 =	vmul.f32 v12, v8;
	v17 =	vmul.f32 v17, v8  }
0x4a2: {  	v22 =	vld.idx.msk [tilespmem:v22+s9+$0x0], $0xffff;
	v9 =	vadd.f32 v24, v9;
	v11 =	vadd.f32 v11, v13;
	v13 =	vmul.f32 v18, v8  }
0x4a3: {  	v10 =	vadd.f32 v12, v10;
	v12 =	vadd.f32 v17, v14;
	v14 =	vmul.f32 v19, v8;
	v18 =	vld.idx.msk [tilespmem:v25+s4+$0x0], $0xffff  }
0x4a4: {  	v13 =	vadd.f32 v13, v15;
	v8 =	vmul.f32 v21, v8;
	v15 =	vmul.f32 v27, v26;
	v17 =	vld.idx.msk [tilespmem:v25+s5+$0x0], $0xffff  }
0x4a5: {  	v14 =	vadd.f32 v14, v16;
	v16 =	vmul.f32 v20, v26;
	v20 =	vmul.f32 v23, v26;
	v19 =	vld.idx.msk [tilespmem:v25+s6+$0x0], $0xffff  }
0x4a6: {  	v8 =	vadd.f32 v8, v9;
	v9 =	vadd.f32 v15, v11;
	v11 =	vmul.f32 v28, v26;
	v15 =	vld.idx.msk [tilespmem:v25+s8+$0x0], $0xffff  }
0x4a7: {  	v10 =	vadd.f32 v16, v10;
	v12 =	vadd.f32 v20, v12;
	v16 =	vmul.f32 v29, v26;
	v20 =	vld.idx.msk [tilespmem:v25+s9+$0x0], $0xffff  }
0x4a8: {  	v21 =	vld.idx.msk [tilespmem:v25+s7+$0x0], $0xffff;
	v11 =	vadd.f32 v11, v13;
	v13 =	vmul.f32 v22, v26  }
0x4a9: {  	s19 =	simm.s32 $0x0;
	v23 =	vld.idx.msk [tilespmem:v25+s10+$0x0], $0xffff;
	v14 =	vadd.f32 v16, v14;
	v17 =	vmul.f32 v17, v18  }
0x4aa: {  	v8 =	vadd.f32 v13, v8;
	v16 =	vmul.f32 v19, v18;
	v19 =	vmov s19  }
0x4ab: {  	v15 =	vmul.f32 v15, v18;
	v19 =	vand.u32 $0x3F, v19;
	v10 =	vadd.f32 v17, v10  }
0x4ac: {  	v13 =	vmul.f32 v20, v18;
	v12 =	vadd.f32 v16, v12;
	v16 =	vbroadcast v19, $0x0  }
0x4ad: {  	v17 =	vmul.f32 v21, v18;
	v14 =	vadd.f32 v15, v14;
	[tilespmem:$0xE3B0] =	vst v10  }
0x4ae: {  	v8 =	vadd.f32 v13, v8;
	v10 =	vmul.f32 v23, v18;
	[tilespmem:$0xE430] =	vst v12;
	v12 =	vor.u32 v4, v16  }
0x4af: {  	v11 =	vadd.f32 v17, v11;
	[tilespmem:$0xE530] =	vst v14  }
0x4b0: {  	s20 =	simm.s32 $0x1;
	[tilespmem:$0xE5B0] =	vst v8;
	v9 =	vadd.f32 v10, v9  }
0x4b1: {  	v8 =	vmov s20;
	[tilespmem:$0xE4B0] =	vst v11  }
0x4b2: {  	v8 =	vand.u32 $0x3F, v8;
	[tilespmem:$0xE630] =	vst v9  }
0x4b3: {  	v8 =	vbroadcast v8, $0x0;
	v16 =	vld.idx.msk [tilespmem:v12+s4+$0x0], $0xffff  }
0x4b4: {  	v10 =	vld.idx.msk [tilespmem:v12+s10+$0x0], $0xffff  }
0x4b5: {  	v21 =	vor.u32 v4, v8;
	v13 =	vld.idx.msk [tilespmem:v12+s5+$0x0], $0xffff  }
0x4b6: {  	v19 =	vld.idx.msk [tilespmem:v12+s8+$0x0], $0xffff  }
0x4b7: {  	s20 =	simm.s32 $0x2;
	v14 =	vld.idx.msk [tilespmem:v12+s6+$0x0], $0xffff  }
0x4b8: {  	v8 =	vmov s20;
	v15 =	vld.idx.msk [tilespmem:v12+s7+$0x0], $0xffff  }
0x4b9: {  	v22 =	vld.idx.msk [tilespmem:v12+s9+$0x0], $0xffff;
	v9 =	vand.u32 $0x3F, v8  }
0x4ba: {  	v17 =	vbroadcast v9, $0x0;
	v8 =	vld.idx.msk [tilespmem:v21+s4+$0x0], $0xffff  }
0x4bb: {  	v11 =	vld.idx.msk [tilespmem:v21+s10+$0x0], $0xffff;
	v23 =	vmul.f32 v19, v16  }
0x4bc: {  	v20 =	vor.u32 v4, v17;
	v12 =	vld.idx.msk [tilespmem:v21+s5+$0x0], $0xffff;
	v10 =	vmul.f32 v10, v16  }
0x4bd: {  	v9 =	vimm.f32 $0.0e+00;
	v17 =	vld.idx.msk [tilespmem:v21+s6+$0x0], $0xffff;
	v18 =	vmul.f32 v13, v16;
	v14 =	vmul.f32 v14, v16  }
0x4be: {  	s20 =	simm.s32 $0x3;
	v15 =	vmul.f32 v15, v16;
	v19 =	vld.idx.msk [tilespmem:v21+s8+$0x0], $0xffff;
	v24 =	vmul.f32 v22, v16;
	v13 =	vadd.f32 v10, v9  }
0x4bf: {  	v25 =	vmov s20;
	v10 =	vadd.f32 v18, v9;
	v18 =	vld.idx.msk [tilespmem:v21+s7+$0x0], $0xffff;
	v16 =	vadd.f32 v23, v9;
	v23 =	vmovc v20  }
0x4c0: {  	s19 =	simm.s32 $0x4;
	v25 =	vand.u32 $0x3F, v25;
	v22 =	vmovc v20;
	v14 =	vadd.f32 v14, v9;
	v15 =	vadd.f32 v15, v9;
	v21 =	vld.idx.msk [tilespmem:v21+s9+$0x0], $0xffff  }
.LBB2_42:
0x4c1: {  	p0 =	sne.s32 s19, $0x3F;
	v25 =	vbroadcast v25, $0x0;
	v26 =	vld.idx.msk [tilespmem:v20+s4+$0x0], $0xffff;
	v27 =	vmul.f32 v11, v8;
	v9 =	vadd.f32 v24, v9  }
0x4c2: {  	v24 =	vmul.f32 v12, v8;
	v11 =	vld.idx.msk [tilespmem:v20+s10+$0x0], $0xffff  }
.Ltmp20:
0x4c3: {  	v12 =	vld.idx.msk [tilespmem:v20+s5+$0x0], $0xffff;
	v20 =	vor.u32 v4, v25;
	v25 =	vmul.f32 v17, v8;
	v13 =	vadd.f32 v27, v13;
	(pc) =	sbr.rel @p0 .LBB2_42-.Ltmp20, $4  }
0x4c4: {  	v10 =	vadd.f32 v24, v10;
	v24 =	vmul.f32 v18, v8;
	v17 =	vld.idx.msk [tilespmem:v23+s6+$0x0], $0xffff;
	v23 =	vmov v20  }
0x4c5: {  	v27 =	vmul.f32 v19, v8;
	v18 =	vld.idx.msk [tilespmem:v22+s7+$0x0], $0xffff;
	v14 =	vadd.f32 v25, v14  }
0x4c6: {  	v25 =	vmov s19;
	v15 =	vadd.f32 v24, v15;
	v24 =	vmul.f32 v21, v8;
	v19 =	vld.idx.msk [tilespmem:v22+s8+$0x0], $0xffff  }
0x4c7: {  	s19 =	sadd.s32 $0x1, s19;
	v25 =	vand.u32 $0x3F, v25;
	v16 =	vadd.f32 v27, v16;
	v8 =	vmovc v26;
	v21 =	vld.idx.msk [tilespmem:v22+s9+$0x0], $0xffff;
	v22 =	vmov v20  }
0x4c8: {  	_ =	sdelay $0x3  }
0x4c9: {  	v25 =	vbroadcast v25, $0x0;
	v26 =	vld.idx.msk [tilespmem:v20+s4+$0x0], $0xffff  }
0x4ca: {  	v27 =	vld.idx.msk [tilespmem:v20+s10+$0x0], $0xffff  }
0x4cb: {  	v20 =	vld.idx.msk [tilespmem:v20+s5+$0x0], $0xffff;
	v25 =	vor.u32 v4, v25  }
0x4cc: {  	v23 =	vld.idx.msk [tilespmem:v23+s6+$0x0], $0xffff  }
0x4cd: {  	v28 =	vld.idx.msk [tilespmem:v22+s7+$0x0], $0xffff;
	v11 =	vmul.f32 v11, v8  }
0x4ce: {  	v29 =	vld.idx.msk [tilespmem:v22+s8+$0x0], $0xffff;
	v12 =	vmul.f32 v12, v8;
	v17 =	vmul.f32 v17, v8  }
0x4cf: {  	v22 =	vld.idx.msk [tilespmem:v22+s9+$0x0], $0xffff;
	v9 =	vadd.f32 v24, v9;
	v11 =	vadd.f32 v11, v13;
	v13 =	vmul.f32 v18, v8  }
0x4d0: {  	v10 =	vadd.f32 v12, v10;
	v12 =	vadd.f32 v17, v14;
	v14 =	vmul.f32 v19, v8;
	v18 =	vld.idx.msk [tilespmem:v25+s4+$0x0], $0xffff  }
0x4d1: {  	v13 =	vadd.f32 v13, v15;
	v8 =	vmul.f32 v21, v8;
	v15 =	vmul.f32 v27, v26;
	v17 =	vld.idx.msk [tilespmem:v25+s5+$0x0], $0xffff  }
0x4d2: {  	v14 =	vadd.f32 v14, v16;
	v16 =	vmul.f32 v20, v26;
	v20 =	vmul.f32 v23, v26;
	v19 =	vld.idx.msk [tilespmem:v25+s6+$0x0], $0xffff  }
0x4d3: {  	v8 =	vadd.f32 v8, v9;
	v9 =	vadd.f32 v15, v11;
	v11 =	vmul.f32 v28, v26;
	v15 =	vld.idx.msk [tilespmem:v25+s8+$0x0], $0xffff  }
0x4d4: {  	v10 =	vadd.f32 v16, v10;
	v12 =	vadd.f32 v20, v12;
	v16 =	vmul.f32 v29, v26;
	v20 =	vld.idx.msk [tilespmem:v25+s9+$0x0], $0xffff  }
0x4d5: {  	v21 =	vld.idx.msk [tilespmem:v25+s7+$0x0], $0xffff;
	v11 =	vadd.f32 v11, v13;
	v13 =	vmul.f32 v22, v26  }
0x4d6: {  	s19 =	simm.s32 $0x0;
	v23 =	vld.idx.msk [tilespmem:v25+s10+$0x0], $0xffff;
	v14 =	vadd.f32 v16, v14;
	v17 =	vmul.f32 v17, v18  }
0x4d7: {  	v8 =	vadd.f32 v13, v8;
	v16 =	vmul.f32 v19, v18;
	v19 =	vmov s19  }
0x4d8: {  	v15 =	vmul.f32 v15, v18;
	v19 =	vand.u32 $0x3F, v19;
	v10 =	vadd.f32 v17, v10  }
0x4d9: {  	v13 =	vmul.f32 v20, v18;
	v12 =	vadd.f32 v16, v12;
	v16 =	vbroadcast v19, $0x0  }
0x4da: {  	v17 =	vmul.f32 v21, v18;
	v14 =	vadd.f32 v15, v14;
	[tilespmem:$0xE3C0] =	vst v10  }
0x4db: {  	v8 =	vadd.f32 v13, v8;
	v10 =	vmul.f32 v23, v18;
	[tilespmem:$0xE440] =	vst v12;
	v12 =	vor.u32 v5, v16  }
0x4dc: {  	v11 =	vadd.f32 v17, v11;
	[tilespmem:$0xE540] =	vst v14  }
0x4dd: {  	s20 =	simm.s32 $0x1;
	[tilespmem:$0xE5C0] =	vst v8;
	v9 =	vadd.f32 v10, v9  }
0x4de: {  	v8 =	vmov s20;
	[tilespmem:$0xE4C0] =	vst v11  }
0x4df: {  	v8 =	vand.u32 $0x3F, v8;
	[tilespmem:$0xE640] =	vst v9  }
0x4e0: {  	v8 =	vbroadcast v8, $0x0;
	v16 =	vld.idx.msk [tilespmem:v12+s4+$0x0], $0xffff  }
0x4e1: {  	v10 =	vld.idx.msk [tilespmem:v12+s10+$0x0], $0xffff  }
0x4e2: {  	v21 =	vor.u32 v5, v8;
	v13 =	vld.idx.msk [tilespmem:v12+s5+$0x0], $0xffff  }
0x4e3: {  	v19 =	vld.idx.msk [tilespmem:v12+s8+$0x0], $0xffff  }
0x4e4: {  	s20 =	simm.s32 $0x2;
	v14 =	vld.idx.msk [tilespmem:v12+s6+$0x0], $0xffff  }
0x4e5: {  	v8 =	vmov s20;
	v15 =	vld.idx.msk [tilespmem:v12+s7+$0x0], $0xffff  }
0x4e6: {  	v22 =	vld.idx.msk [tilespmem:v12+s9+$0x0], $0xffff;
	v9 =	vand.u32 $0x3F, v8  }
0x4e7: {  	v17 =	vbroadcast v9, $0x0;
	v8 =	vld.idx.msk [tilespmem:v21+s4+$0x0], $0xffff  }
0x4e8: {  	v11 =	vld.idx.msk [tilespmem:v21+s10+$0x0], $0xffff;
	v23 =	vmul.f32 v19, v16  }
0x4e9: {  	v20 =	vor.u32 v5, v17;
	v12 =	vld.idx.msk [tilespmem:v21+s5+$0x0], $0xffff;
	v10 =	vmul.f32 v10, v16  }
0x4ea: {  	v9 =	vimm.f32 $0.0e+00;
	v17 =	vld.idx.msk [tilespmem:v21+s6+$0x0], $0xffff;
	v18 =	vmul.f32 v13, v16;
	v14 =	vmul.f32 v14, v16  }
0x4eb: {  	s20 =	simm.s32 $0x3;
	v15 =	vmul.f32 v15, v16;
	v19 =	vld.idx.msk [tilespmem:v21+s8+$0x0], $0xffff;
	v24 =	vmul.f32 v22, v16;
	v13 =	vadd.f32 v10, v9  }
0x4ec: {  	v25 =	vmov s20;
	v10 =	vadd.f32 v18, v9;
	v18 =	vld.idx.msk [tilespmem:v21+s7+$0x0], $0xffff;
	v16 =	vadd.f32 v23, v9;
	v23 =	vmovc v20  }
0x4ed: {  	s19 =	simm.s32 $0x4;
	v25 =	vand.u32 $0x3F, v25;
	v22 =	vmovc v20;
	v14 =	vadd.f32 v14, v9;
	v15 =	vadd.f32 v15, v9;
	v21 =	vld.idx.msk [tilespmem:v21+s9+$0x0], $0xffff  }
.LBB2_44:
0x4ee: {  	p0 =	sne.s32 s19, $0x3F;
	v25 =	vbroadcast v25, $0x0;
	v26 =	vld.idx.msk [tilespmem:v20+s4+$0x0], $0xffff;
	v27 =	vmul.f32 v11, v8;
	v9 =	vadd.f32 v24, v9  }
0x4ef: {  	v24 =	vmul.f32 v12, v8;
	v11 =	vld.idx.msk [tilespmem:v20+s10+$0x0], $0xffff  }
.Ltmp21:
0x4f0: {  	v12 =	vld.idx.msk [tilespmem:v20+s5+$0x0], $0xffff;
	v20 =	vor.u32 v5, v25;
	v25 =	vmul.f32 v17, v8;
	v13 =	vadd.f32 v27, v13;
	(pc) =	sbr.rel @p0 .LBB2_44-.Ltmp21, $4  }
0x4f1: {  	v10 =	vadd.f32 v24, v10;
	v24 =	vmul.f32 v18, v8;
	v17 =	vld.idx.msk [tilespmem:v23+s6+$0x0], $0xffff;
	v23 =	vmov v20  }
0x4f2: {  	v27 =	vmul.f32 v19, v8;
	v18 =	vld.idx.msk [tilespmem:v22+s7+$0x0], $0xffff;
	v14 =	vadd.f32 v25, v14  }
0x4f3: {  	v25 =	vmov s19;
	v15 =	vadd.f32 v24, v15;
	v24 =	vmul.f32 v21, v8;
	v19 =	vld.idx.msk [tilespmem:v22+s8+$0x0], $0xffff  }
0x4f4: {  	s19 =	sadd.s32 $0x1, s19;
	v25 =	vand.u32 $0x3F, v25;
	v16 =	vadd.f32 v27, v16;
	v8 =	vmovc v26;
	v21 =	vld.idx.msk [tilespmem:v22+s9+$0x0], $0xffff;
	v22 =	vmov v20  }
0x4f5: {  	_ =	sdelay $0x3  }
0x4f6: {  	v25 =	vbroadcast v25, $0x0;
	v26 =	vld.idx.msk [tilespmem:v20+s4+$0x0], $0xffff  }
0x4f7: {  	v27 =	vld.idx.msk [tilespmem:v20+s10+$0x0], $0xffff  }
0x4f8: {  	v20 =	vld.idx.msk [tilespmem:v20+s5+$0x0], $0xffff;
	v25 =	vor.u32 v5, v25  }
0x4f9: {  	v23 =	vld.idx.msk [tilespmem:v23+s6+$0x0], $0xffff  }
0x4fa: {  	v28 =	vld.idx.msk [tilespmem:v22+s7+$0x0], $0xffff;
	v11 =	vmul.f32 v11, v8  }
0x4fb: {  	v29 =	vld.idx.msk [tilespmem:v22+s8+$0x0], $0xffff;
	v12 =	vmul.f32 v12, v8;
	v17 =	vmul.f32 v17, v8  }
0x4fc: {  	v22 =	vld.idx.msk [tilespmem:v22+s9+$0x0], $0xffff;
	v9 =	vadd.f32 v24, v9;
	v11 =	vadd.f32 v11, v13;
	v13 =	vmul.f32 v18, v8  }
0x4fd: {  	v10 =	vadd.f32 v12, v10;
	v12 =	vadd.f32 v17, v14;
	v14 =	vmul.f32 v19, v8;
	v18 =	vld.idx.msk [tilespmem:v25+s4+$0x0], $0xffff  }
0x4fe: {  	v13 =	vadd.f32 v13, v15;
	v8 =	vmul.f32 v21, v8;
	v15 =	vmul.f32 v27, v26;
	v17 =	vld.idx.msk [tilespmem:v25+s5+$0x0], $0xffff  }
0x4ff: {  	v14 =	vadd.f32 v14, v16;
	v16 =	vmul.f32 v20, v26;
	v20 =	vmul.f32 v23, v26;
	v19 =	vld.idx.msk [tilespmem:v25+s6+$0x0], $0xffff  }
0x500: {  	v8 =	vadd.f32 v8, v9;
	v9 =	vadd.f32 v15, v11;
	v11 =	vmul.f32 v28, v26;
	v15 =	vld.idx.msk [tilespmem:v25+s8+$0x0], $0xffff  }
0x501: {  	v10 =	vadd.f32 v16, v10;
	v12 =	vadd.f32 v20, v12;
	v16 =	vmul.f32 v29, v26;
	v20 =	vld.idx.msk [tilespmem:v25+s9+$0x0], $0xffff  }
0x502: {  	v21 =	vld.idx.msk [tilespmem:v25+s7+$0x0], $0xffff;
	v11 =	vadd.f32 v11, v13;
	v13 =	vmul.f32 v22, v26  }
0x503: {  	s19 =	simm.s32 $0x0;
	v23 =	vld.idx.msk [tilespmem:v25+s10+$0x0], $0xffff;
	v14 =	vadd.f32 v16, v14;
	v17 =	vmul.f32 v17, v18  }
0x504: {  	v8 =	vadd.f32 v13, v8;
	v16 =	vmul.f32 v19, v18;
	v19 =	vmov s19  }
0x505: {  	v15 =	vmul.f32 v15, v18;
	v19 =	vand.u32 $0x3F, v19;
	v10 =	vadd.f32 v17, v10  }
0x506: {  	v13 =	vmul.f32 v20, v18;
	v12 =	vadd.f32 v16, v12;
	v16 =	vbroadcast v19, $0x0  }
0x507: {  	v17 =	vmul.f32 v21, v18;
	v14 =	vadd.f32 v15, v14;
	[tilespmem:$0xE3D0] =	vst v10  }
0x508: {  	v8 =	vadd.f32 v13, v8;
	v10 =	vmul.f32 v23, v18;
	[tilespmem:$0xE450] =	vst v12;
	v12 =	vor.u32 v6, v16  }
0x509: {  	v11 =	vadd.f32 v17, v11;
	[tilespmem:$0xE550] =	vst v14  }
0x50a: {  	s20 =	simm.s32 $0x1;
	[tilespmem:$0xE5D0] =	vst v8;
	v9 =	vadd.f32 v10, v9  }
0x50b: {  	v8 =	vmov s20;
	[tilespmem:$0xE4D0] =	vst v11  }
0x50c: {  	v8 =	vand.u32 $0x3F, v8;
	[tilespmem:$0xE650] =	vst v9  }
0x50d: {  	v8 =	vbroadcast v8, $0x0;
	v16 =	vld.idx.msk [tilespmem:v12+s4+$0x0], $0xffff  }
0x50e: {  	v10 =	vld.idx.msk [tilespmem:v12+s10+$0x0], $0xffff  }
0x50f: {  	v21 =	vor.u32 v6, v8;
	v13 =	vld.idx.msk [tilespmem:v12+s5+$0x0], $0xffff  }
0x510: {  	v19 =	vld.idx.msk [tilespmem:v12+s8+$0x0], $0xffff  }
0x511: {  	s20 =	simm.s32 $0x2;
	v14 =	vld.idx.msk [tilespmem:v12+s6+$0x0], $0xffff  }
0x512: {  	v8 =	vmov s20;
	v15 =	vld.idx.msk [tilespmem:v12+s7+$0x0], $0xffff  }
0x513: {  	v22 =	vld.idx.msk [tilespmem:v12+s9+$0x0], $0xffff;
	v9 =	vand.u32 $0x3F, v8  }
0x514: {  	v17 =	vbroadcast v9, $0x0;
	v8 =	vld.idx.msk [tilespmem:v21+s4+$0x0], $0xffff  }
0x515: {  	v11 =	vld.idx.msk [tilespmem:v21+s10+$0x0], $0xffff;
	v23 =	vmul.f32 v19, v16  }
0x516: {  	v20 =	vor.u32 v6, v17;
	v12 =	vld.idx.msk [tilespmem:v21+s5+$0x0], $0xffff;
	v10 =	vmul.f32 v10, v16  }
0x517: {  	v9 =	vimm.f32 $0.0e+00;
	v17 =	vld.idx.msk [tilespmem:v21+s6+$0x0], $0xffff;
	v18 =	vmul.f32 v13, v16;
	v14 =	vmul.f32 v14, v16  }
0x518: {  	s20 =	simm.s32 $0x3;
	v15 =	vmul.f32 v15, v16;
	v19 =	vld.idx.msk [tilespmem:v21+s8+$0x0], $0xffff;
	v24 =	vmul.f32 v22, v16;
	v13 =	vadd.f32 v10, v9  }
0x519: {  	v25 =	vmov s20;
	v10 =	vadd.f32 v18, v9;
	v18 =	vld.idx.msk [tilespmem:v21+s7+$0x0], $0xffff;
	v16 =	vadd.f32 v23, v9;
	v23 =	vmovc v20  }
0x51a: {  	s19 =	simm.s32 $0x4;
	v25 =	vand.u32 $0x3F, v25;
	v22 =	vmovc v20;
	v14 =	vadd.f32 v14, v9;
	v15 =	vadd.f32 v15, v9;
	v21 =	vld.idx.msk [tilespmem:v21+s9+$0x0], $0xffff  }
.LBB2_46:
0x51b: {  	p0 =	sne.s32 s19, $0x3F;
	v25 =	vbroadcast v25, $0x0;
	v26 =	vld.idx.msk [tilespmem:v20+s4+$0x0], $0xffff;
	v27 =	vmul.f32 v11, v8;
	v9 =	vadd.f32 v24, v9  }
0x51c: {  	v24 =	vmul.f32 v12, v8;
	v11 =	vld.idx.msk [tilespmem:v20+s10+$0x0], $0xffff  }
.Ltmp22:
0x51d: {  	v12 =	vld.idx.msk [tilespmem:v20+s5+$0x0], $0xffff;
	v20 =	vor.u32 v6, v25;
	v25 =	vmul.f32 v17, v8;
	v13 =	vadd.f32 v27, v13;
	(pc) =	sbr.rel @p0 .LBB2_46-.Ltmp22, $4  }
0x51e: {  	v10 =	vadd.f32 v24, v10;
	v24 =	vmul.f32 v18, v8;
	v17 =	vld.idx.msk [tilespmem:v23+s6+$0x0], $0xffff;
	v23 =	vmov v20  }
0x51f: {  	v27 =	vmul.f32 v19, v8;
	v18 =	vld.idx.msk [tilespmem:v22+s7+$0x0], $0xffff;
	v14 =	vadd.f32 v25, v14  }
0x520: {  	v25 =	vmov s19;
	v15 =	vadd.f32 v24, v15;
	v24 =	vmul.f32 v21, v8;
	v19 =	vld.idx.msk [tilespmem:v22+s8+$0x0], $0xffff  }
0x521: {  	s19 =	sadd.s32 $0x1, s19;
	v25 =	vand.u32 $0x3F, v25;
	v16 =	vadd.f32 v27, v16;
	v8 =	vmovc v26;
	v21 =	vld.idx.msk [tilespmem:v22+s9+$0x0], $0xffff;
	v22 =	vmov v20  }
0x522: {  	_ =	sdelay $0x3  }
0x523: {  	v25 =	vbroadcast v25, $0x0;
	v26 =	vld.idx.msk [tilespmem:v20+s4+$0x0], $0xffff  }
0x524: {  	v27 =	vld.idx.msk [tilespmem:v20+s10+$0x0], $0xffff  }
0x525: {  	v20 =	vld.idx.msk [tilespmem:v20+s5+$0x0], $0xffff;
	v25 =	vor.u32 v6, v25  }
0x526: {  	v23 =	vld.idx.msk [tilespmem:v23+s6+$0x0], $0xffff  }
0x527: {  	v28 =	vld.idx.msk [tilespmem:v22+s7+$0x0], $0xffff;
	v11 =	vmul.f32 v11, v8  }
0x528: {  	v29 =	vld.idx.msk [tilespmem:v22+s8+$0x0], $0xffff;
	v12 =	vmul.f32 v12, v8;
	v17 =	vmul.f32 v17, v8  }
0x529: {  	v22 =	vld.idx.msk [tilespmem:v22+s9+$0x0], $0xffff;
	v9 =	vadd.f32 v24, v9;
	v11 =	vadd.f32 v11, v13;
	v13 =	vmul.f32 v18, v8  }
0x52a: {  	v10 =	vadd.f32 v12, v10;
	v12 =	vadd.f32 v17, v14;
	v14 =	vmul.f32 v19, v8;
	v18 =	vld.idx.msk [tilespmem:v25+s4+$0x0], $0xffff  }
0x52b: {  	v13 =	vadd.f32 v13, v15;
	v8 =	vmul.f32 v21, v8;
	v15 =	vmul.f32 v27, v26;
	v17 =	vld.idx.msk [tilespmem:v25+s5+$0x0], $0xffff  }
0x52c: {  	v14 =	vadd.f32 v14, v16;
	v16 =	vmul.f32 v20, v26;
	v20 =	vmul.f32 v23, v26;
	v19 =	vld.idx.msk [tilespmem:v25+s6+$0x0], $0xffff  }
0x52d: {  	v8 =	vadd.f32 v8, v9;
	v9 =	vadd.f32 v15, v11;
	v11 =	vmul.f32 v28, v26;
	v15 =	vld.idx.msk [tilespmem:v25+s8+$0x0], $0xffff  }
0x52e: {  	v10 =	vadd.f32 v16, v10;
	v12 =	vadd.f32 v20, v12;
	v16 =	vmul.f32 v29, v26;
	v20 =	vld.idx.msk [tilespmem:v25+s9+$0x0], $0xffff  }
0x52f: {  	v21 =	vld.idx.msk [tilespmem:v25+s7+$0x0], $0xffff;
	v11 =	vadd.f32 v11, v13;
	v13 =	vmul.f32 v22, v26  }
0x530: {  	s19 =	simm.s32 $0x0;
	v23 =	vld.idx.msk [tilespmem:v25+s10+$0x0], $0xffff;
	v14 =	vadd.f32 v16, v14;
	v17 =	vmul.f32 v17, v18  }
0x531: {  	v8 =	vadd.f32 v13, v8;
	v16 =	vmul.f32 v19, v18;
	v19 =	vmov s19  }
0x532: {  	v15 =	vmul.f32 v15, v18;
	v19 =	vand.u32 $0x3F, v19;
	v10 =	vadd.f32 v17, v10  }
0x533: {  	v13 =	vmul.f32 v20, v18;
	v12 =	vadd.f32 v16, v12;
	v16 =	vbroadcast v19, $0x0  }
0x534: {  	v17 =	vmul.f32 v21, v18;
	v14 =	vadd.f32 v15, v14;
	[tilespmem:$0xE3E0] =	vst v10  }
0x535: {  	v8 =	vadd.f32 v13, v8;
	v10 =	vmul.f32 v23, v18;
	[tilespmem:$0xE460] =	vst v12;
	v12 =	vor.u32 v7, v16  }
0x536: {  	v11 =	vadd.f32 v17, v11;
	[tilespmem:$0xE560] =	vst v14  }
0x537: {  	s20 =	simm.s32 $0x1;
	[tilespmem:$0xE5E0] =	vst v8;
	v9 =	vadd.f32 v10, v9  }
0x538: {  	v8 =	vmov s20;
	[tilespmem:$0xE4E0] =	vst v11  }
0x539: {  	v8 =	vand.u32 $0x3F, v8;
	[tilespmem:$0xE660] =	vst v9  }
0x53a: {  	v8 =	vbroadcast v8, $0x0;
	v17 =	vld.idx.msk [tilespmem:v12+s4+$0x0], $0xffff  }
0x53b: {  	v11 =	vld.idx.msk [tilespmem:v12+s5+$0x0], $0xffff  }
0x53c: {  	v21 =	vor.u32 v7, v8;
	v13 =	vld.idx.msk [tilespmem:v12+s6+$0x0], $0xffff  }
0x53d: {  	s20 =	simm.s32 $0x2;
	v10 =	vld.idx.msk [tilespmem:v12+s10+$0x0], $0xffff  }
0x53e: {  	v8 =	vmov s20;
	v15 =	vld.idx.msk [tilespmem:v12+s7+$0x0], $0xffff  }
0x53f: {  	v19 =	vld.idx.msk [tilespmem:v12+s8+$0x0], $0xffff;
	v9 =	vand.u32 $0x3F, v8  }
0x540: {  	v22 =	vld.idx.msk [tilespmem:v12+s9+$0x0], $0xffff;
	v16 =	vbroadcast v9, $0x0  }
0x541: {  	v8 =	vld.idx.msk [tilespmem:v21+s4+$0x0], $0xffff;
	v11 =	vmul.f32 v11, v17;
	v23 =	vmul.f32 v13, v17  }
0x542: {  	s20 =	simm.s32 $0x3;
	v9 =	vimm.f32 $0.0e+00;
	v20 =	vor.u32 v7, v16;
	v12 =	vld.idx.msk [tilespmem:v21+s10+$0x0], $0xffff;
	v10 =	vmul.f32 v10, v17  }
0x543: {  	v14 =	vld.idx.msk [tilespmem:v21+s5+$0x0], $0xffff;
	v13 =	vadd.f32 v11, v9;
	v11 =	vadd.f32 v23, v9;
	v23 =	vmov s20  }
0x544: {  	v16 =	vld.idx.msk [tilespmem:v21+s6+$0x0], $0xffff;
	v24 =	vmul.f32 v15, v17  }
0x545: {  	v18 =	vld.idx.msk [tilespmem:v21+s7+$0x0], $0xffff;
	v26 =	vmul.f32 v19, v17;
	v15 =	vadd.f32 v10, v9  }
0x546: {  	v19 =	vld.idx.msk [tilespmem:v21+s8+$0x0], $0xffff;
	v10 =	vadd.f32 v24, v9;
	v24 =	vmul.f32 v22, v17;
	v25 =	vand.u32 $0x3F, v23;
	v23 =	vmovc v20  }
0x547: {  	s19 =	simm.s32 $0x4;
	v21 =	vld.idx.msk [tilespmem:v21+s9+$0x0], $0xffff;
	v17 =	vadd.f32 v26, v9;
	v22 =	vmov v20  }
.LBB2_48:
0x548: {  	p0 =	sne.s32 s19, $0x3F;
	v25 =	vbroadcast v25, $0x0;
	v26 =	vld.idx.msk [tilespmem:v20+s4+$0x0], $0xffff;
	v27 =	vmul.f32 v12, v8;
	v9 =	vadd.f32 v24, v9  }
0x549: {  	v24 =	vmul.f32 v14, v8;
	v12 =	vld.idx.msk [tilespmem:v20+s10+$0x0], $0xffff  }
.Ltmp23:
0x54a: {  	v14 =	vld.idx.msk [tilespmem:v20+s5+$0x0], $0xffff;
	v20 =	vor.u32 v7, v25;
	v25 =	vmul.f32 v16, v8;
	v15 =	vadd.f32 v27, v15;
	(pc) =	sbr.rel @p0 .LBB2_48-.Ltmp23, $4  }
0x54b: {  	v13 =	vadd.f32 v24, v13;
	v24 =	vmul.f32 v18, v8;
	v16 =	vld.idx.msk [tilespmem:v23+s6+$0x0], $0xffff;
	v23 =	vmov v20  }
0x54c: {  	v27 =	vmul.f32 v19, v8;
	v18 =	vld.idx.msk [tilespmem:v22+s7+$0x0], $0xffff;
	v11 =	vadd.f32 v25, v11  }
0x54d: {  	v25 =	vmov s19;
	v10 =	vadd.f32 v24, v10;
	v24 =	vmul.f32 v21, v8;
	v19 =	vld.idx.msk [tilespmem:v22+s8+$0x0], $0xffff  }
0x54e: {  	s19 =	sadd.s32 $0x1, s19;
	v25 =	vand.u32 $0x3F, v25;
	v17 =	vadd.f32 v27, v17;
	v8 =	vmovc v26;
	v21 =	vld.idx.msk [tilespmem:v22+s9+$0x0], $0xffff;
	v22 =	vmov v20  }
0x54f: {  	_ =	sdelay $0x3  }
0x550: {  	v25 =	vbroadcast v25, $0x0;
	v26 =	vld.idx.msk [tilespmem:v20+s4+$0x0], $0xffff  }
0x551: {  	v27 =	vld.idx.msk [tilespmem:v20+s10+$0x0], $0xffff  }
0x552: {  	v20 =	vld.idx.msk [tilespmem:v20+s5+$0x0], $0xffff;
	v25 =	vor.u32 v7, v25  }
0x553: {  	v23 =	vld.idx.msk [tilespmem:v23+s6+$0x0], $0xffff  }
0x554: {  	v28 =	vld.idx.msk [tilespmem:v22+s7+$0x0], $0xffff  }
0x555: {  	v29 =	vld.idx.msk [tilespmem:v22+s8+$0x0], $0xffff  }
0x556: {  	v12 =	vmul.f32 v12, v8;
	v22 =	vld.idx.msk [tilespmem:v22+s9+$0x0], $0xffff  }
0x557: {  	v14 =	vmul.f32 v14, v8;
	v30 =	vld.idx.msk [tilespmem:v25+s4+$0x0], $0xffff  }
0x558: {  	v9 =	vadd.f32 v24, v9;
	v16 =	vmul.f32 v16, v8;
	v12 =	vadd.f32 v12, v15;
	v15 =	vld.idx.msk [tilespmem:v25+s5+$0x0], $0xffff  }
0x559: {  	v13 =	vadd.f32 v14, v13;
	v14 =	vmul.f32 v18, v8;
	v18 =	vmul.f32 v19, v8;
	v19 =	vld.idx.msk [tilespmem:v25+s6+$0x0], $0xffff  }
0x55a: {  	v11 =	vadd.f32 v16, v11;
	v8 =	vmul.f32 v21, v8;
	v16 =	vmul.f32 v20, v26;
	v20 =	vld.idx.msk [tilespmem:v25+s7+$0x0], $0xffff  }
0x55b: {  	v10 =	vadd.f32 v14, v10;
	v14 =	vadd.f32 v18, v17;
	v17 =	vmul.f32 v23, v26;
	v18 =	vld.idx.msk [tilespmem:v25+s8+$0x0], $0xffff  }
0x55c: {  	v8 =	vadd.f32 v8, v9;
	v9 =	vadd.f32 v16, v13;
	v13 =	vmul.f32 v28, v26;
	v16 =	vld.idx.msk [tilespmem:v25+s9+$0x0], $0xffff  }
0x55d: {  	v21 =	vmul.f32 v27, v26;
	v23 =	vld.idx.msk [tilespmem:v25+s10+$0x0], $0xffff;
	v11 =	vadd.f32 v17, v11;
	v15 =	vmul.f32 v15, v30  }
0x55e: {  	v17 =	vmul.f32 v29, v26;
	v10 =	vadd.f32 v13, v10;
	v13 =	vmul.f32 v19, v30  }
0x55f: {  	v19 =	vmul.f32 v22, v26;
	v9 =	vadd.f32 v15, v9;
	v15 =	vmul.f32 v20, v30  }
0x560: {  	v14 =	vadd.f32 v17, v14;
	v11 =	vadd.f32 v13, v11;
	v13 =	vmul.f32 v18, v30  }
0x561: {  	v8 =	vadd.f32 v19, v8;
	v10 =	vadd.f32 v15, v10;
	v15 =	vmul.f32 v16, v30;
	[tilespmem:$0xE3F0] =	vst v9  }
0x562: {  	v9 =	vadd.f32 v21, v12;
	v12 =	vmul.f32 v23, v30;
	v13 =	vadd.f32 v13, v14;
	[tilespmem:$0xE470] =	vst v11  }
0x563: {  	v8 =	vadd.f32 v15, v8;
	[tilespmem:$0xE4F0] =	vst v10  }
0x564: {  	v9 =	vadd.f32 v12, v9;
	[tilespmem:$0xE570] =	vst v13  }
0x565: {  	[tilespmem:$0xE5F0] =	vst v8  }
0x566: {  	s19 =	simm.s32 $0x0;
	s20 =	rddreg [dreg:$0x1c];
	[tilespmem:$0xE670] =	vst v9  }
0x567: {  	[hbm4b:s20+s19] =	stream.linear.scatter [tilespmem:s12], [sflag:$0x2], $0x80, $0x38;
	[tilespmem:$0xE680] =	vst v63  }
0x568: {  	_ =	swait.ge [sflag:s28], $0x80  }
0x569: {  	[sflag:s28] =	ssyncset.done $0x0  }
0x56a: {  	s20 =	rddreg [dreg:$0x1d];
	[sflag:s28] =	ssyncadd.s32 $0xFFFFFF80  }
0x56b: {  	[hbm4b:s20+s19] =	stream.linear.scatter [tilespmem:s13], [sflag:$0x2], $0x80, $0x38;
	[tilespmem:$0xE680] =	vst v63  }
0x56c: {  	_ =	swait.ge [sflag:s28], $0x80  }
0x56d: {  	[sflag:s28] =	ssyncset.done $0x0  }
0x56e: {  	s20 =	rddreg [dreg:$0x1f];
	[sflag:s28] =	ssyncadd.s32 $0xFFFFFF80  }
0x56f: {  	[hbm4b:s20+s19] =	stream.linear.scatter [tilespmem:s14], [sflag:$0x2], $0x80, $0x38;
	[tilespmem:$0xE680] =	vst v63  }
0x570: {  	_ =	swait.ge [sflag:s28], $0x80  }
0x571: {  	s20 =	sld [smem:$0x7EA]  }
0x572: {  	[sflag:s28] =	ssyncset.done $0x0  }
0x573: {  	[sflag:s28] =	ssyncadd.s32 $0xFFFFFF80  }
0x574: {  	[hbm4b:s20+s19] =	stream.linear.scatter [tilespmem:s15], [sflag:$0x2], $0x80, $0x38;
	[tilespmem:$0xE680] =	vst v63  }
0x575: {  	_ =	swait.ge [sflag:s28], $0x80  }
0x576: {  	s20 =	sld [smem:$0x7EC]  }
0x577: {  	[sflag:s28] =	ssyncset.done $0x0  }
0x578: {  	[sflag:s28] =	ssyncadd.s32 $0xFFFFFF80  }
0x579: {  	[hbm4b:s20+s19] =	stream.linear.scatter [tilespmem:s16], [sflag:$0x2], $0x80, $0x38;
	[tilespmem:$0xE680] =	vst v63  }
0x57a: {  	_ =	swait.ge [sflag:s28], $0x80  }
0x57b: {  	s20 =	sld [smem:$0x7EE]  }
0x57c: {  	[sflag:s28] =	ssyncset.done $0x0  }
0x57d: {  	[sflag:s28] =	ssyncadd.s32 $0xFFFFFF80  }
0x57e: {  	[hbm4b:s20+s19] =	stream.linear.scatter [tilespmem:s17], [sflag:$0x2], $0x80, $0x38;
	[tilespmem:$0xE680] =	vst v63  }
0x57f: {  	_ =	swait.ge [sflag:s28], $0x80  }
0x580: {  	s20 =	sld [smem:$0x7F0]  }
0x581: {  	[sflag:s28] =	ssyncset.done $0x0  }
0x582: {  	[sflag:s28] =	ssyncadd.s32 $0xFFFFFF80  }
0x583: {  	[tilespmem:s19], [sflag:$0x2] =	stream.linear.gather [hbm4b:s20+s19], $0x80, $0x38;
	[tilespmem:$0xE680] =	vst v63  }
0x584: {  	_ =	swait.ge [sflag:s28], $0x80  }
0x585: {  	s20 =	sld [smem:$0x7F2]  }
0x586: {  	[sflag:s28] =	ssyncset.done $0x0  }
0x587: {  	[sflag:s28] =	ssyncadd.s32 $0xFFFFFF80  }
0x588: {  	[tilespmem:s29], [sflag:$0x2] =	stream.linear.gather [hbm4b:s20+s19], $0x80, $0x38;
	[tilespmem:$0xE680] =	vst v63  }
0x589: {  	_ =	swait.ge [sflag:s28], $0x80  }
0x58a: {  	s20 =	sld [smem:$0x7F6]  }
0x58b: {  	[sflag:s28] =	ssyncset.done $0x0  }
0x58c: {  	[sflag:s28] =	ssyncadd.s32 $0xFFFFFF80  }
0x58d: {  	[tilespmem:s30], [sflag:$0x2] =	stream.linear.gather [hbm4b:s20+s19], $0x80, $0x38;
	[tilespmem:$0xE680] =	vst v63  }
0x58e: {  	_ =	swait.ge [sflag:s28], $0x80  }
0x58f: {  	s20 =	sld [smem:$0x7F7]  }
0x590: {  	[sflag:s28] =	ssyncset.done $0x0  }
0x591: {  	[sflag:s28] =	ssyncadd.s32 $0xFFFFFF80  }
0x592: {  	[tilespmem:s31], [sflag:$0x2] =	stream.linear.gather [hbm4b:s20+s19], $0x80, $0x38;
	[tilespmem:$0xE680] =	vst v63  }
0x593: {  	_ =	swait.ge [sflag:s28], $0x80  }
0x594: {  	s20 =	sld [smem:$0x7F8]  }
0x595: {  	[sflag:s28] =	ssyncset.done $0x0  }
0x596: {  	[sflag:s28] =	ssyncadd.s32 $0xFFFFFF80  }
0x597: {  	[tilespmem:s0], [sflag:$0x2] =	stream.linear.gather [hbm4b:s20+s19], $0x80, $0x38;
	[tilespmem:$0xE680] =	vst v63  }
0x598: {  	_ =	swait.ge [sflag:s28], $0x80  }
0x599: {  	s20 =	sld [smem:$0x7F9]  }
0x59a: {  	[sflag:s28] =	ssyncset.done $0x0  }
0x59b: {  	[sflag:s28] =	ssyncadd.s32 $0xFFFFFF80  }
0x59c: {  	[tilespmem:s2], [sflag:$0x2] =	stream.linear.gather [hbm4b:s20+s19], $0x80, $0x38;
	[tilespmem:$0xE680] =	vst v63  }
0x59d: {  	_ =	swait.ge [sflag:s28], $0x80  }
0x59e: {  	s20 =	sld [smem:$0x7FA]  }
0x59f: {  	[sflag:s28] =	ssyncset.done $0x0  }
0x5a0: {  	[sflag:s28] =	ssyncadd.s32 $0xFFFFFF80  }
0x5a1: {  	[tilespmem:s3], [sflag:$0x2] =	stream.linear.gather [hbm4b:s20+s19], $0x80, $0x38;
	[tilespmem:$0xE680] =	vst v63  }
0x5a2: {  	_ =	swait.ge [sflag:s28], $0x80  }
0x5a3: {  	[sflag:s28] =	ssyncset.done $0x0  }
0x5a4: {  	[sflag:s28] =	ssyncadd.s32 $0xFFFFFF80  }
0x5a5: {  	[tilespmem:s4], [sflag:$0x1] =	stream.indirect.gather [hbm4b:s24+s29], $0x40, s19, s29, $0xb8;
	[tilespmem:$0xE680] =	vst v63  }
0x5a6: {  	_ = 	snop  }
0x5a7: {  	[tilespmem:s5], [sflag:$0x1] =	stream.indirect.gather [hbm4b:s25+s29], $0x40, s29, s29, $0xb8;
	[tilespmem:$0xE680] =	vst v63  }
0x5a8: {  	_ = 	snop  }
0x5a9: {  	[tilespmem:s6], [sflag:$0x1] =	stream.indirect.gather [hbm4b:s25+s29], $0x40, s30, s29, $0xb8;
	[tilespmem:$0xE680] =	vst v63  }
0x5aa: {  	_ = 	snop  }
0x5ab: {  	[tilespmem:s7], [sflag:$0x1] =	stream.indirect.gather [hbm4b:s25+s29], $0x40, s31, s29, $0xb8;
	[tilespmem:$0xE680] =	vst v63  }
0x5ac: {  	_ = 	snop  }
0x5ad: {  	[tilespmem:s8], [sflag:$0x1] =	stream.indirect.gather [hbm4b:s25+s29], $0x40, s0, s29, $0xb8;
	[tilespmem:$0xE680] =	vst v63  }
0x5ae: {  	_ = 	snop  }
0x5af: {  	[tilespmem:s9], [sflag:$0x1] =	stream.indirect.gather [hbm4b:s25+s29], $0x40, s2, s29, $0xb8;
	[tilespmem:$0xE680] =	vst v63  }
0x5b0: {  	_ = 	snop  }
0x5b1: {  	[tilespmem:s10], [sflag:$0x1] =	stream.indirect.gather [hbm4b:s25+s29], $0x40, s3, s29, $0xb8;
	[tilespmem:$0xE680] =	vst v63  }
0x5b2: {  	_ =	swait.ge [sflag:s11], $0x2000  }
0x5b3: {  	[sflag:s11] =	ssyncset.done $0x0  }
0x5b4: {  	[sflag:s11] =	ssyncadd.s32 $0xFFFFE000  }
0x5b5: {  	_ =	swait.ge [sflag:s11], $0x2000  }
0x5b6: {  	[sflag:s11] =	ssyncset.done $0x0  }
0x5b7: {  	[sflag:s11] =	ssyncadd.s32 $0xFFFFE000  }
0x5b8: {  	_ =	swait.ge [sflag:s11], $0x2000  }
0x5b9: {  	[sflag:s11] =	ssyncset.done $0x0  }
0x5ba: {  	[sflag:s11] =	ssyncadd.s32 $0xFFFFE000  }
0x5bb: {  	_ =	swait.ge [sflag:s11], $0x2000  }
0x5bc: {  	[sflag:s11] =	ssyncset.done $0x0  }
0x5bd: {  	[sflag:s11] =	ssyncadd.s32 $0xFFFFE000  }
0x5be: {  	v8 =	vmov s19;
	_ =	swait.ge [sflag:s11], $0x2000  }
0x5bf: {  	v8 =	vand.u32 $0x3F, v8;
	[sflag:s11] =	ssyncset.done $0x0  }
0x5c0: {  	v8 =	vbroadcast v8, $0x0;
	[sflag:s11] =	ssyncadd.s32 $0xFFFFE000  }
0x5c1: {  	_ =	swait.ge [sflag:s11], $0x2000  }
0x5c2: {  	v8 =	vor.u32 v0, v8;
	[sflag:s11] =	ssyncset.done $0x0  }
0x5c3: {  	[sflag:s11] =	ssyncadd.s32 $0xFFFFE000  }
0x5c4: {  	s20 =	simm.s32 $0x1;
	_ =	swait.ge [sflag:s11], $0x2000  }
0x5c5: {  	v9 =	vmov s20;
	[sflag:s11] =	ssyncset.done $0x0  }
0x5c6: {  	v9 =	vand.u32 $0x3F, v9;
	[sflag:s11] =	ssyncadd.s32 $0xFFFFE000  }
0x5c7: {  	v9 =	vbroadcast v9, $0x0;
	v16 =	vld.idx.msk [tilespmem:v8+s4+$0x0], $0xffff  }
0x5c8: {  	v10 =	vld.idx.msk [tilespmem:v8+s10+$0x0], $0xffff  }
0x5c9: {  	v21 =	vor.u32 v0, v9;
	v12 =	vld.idx.msk [tilespmem:v8+s5+$0x0], $0xffff  }
0x5ca: {  	v14 =	vld.idx.msk [tilespmem:v8+s7+$0x0], $0xffff  }
0x5cb: {  	s20 =	simm.s32 $0x2;
	v13 =	vld.idx.msk [tilespmem:v8+s6+$0x0], $0xffff  }
0x5cc: {  	v9 =	vmov s20;
	v15 =	vld.idx.msk [tilespmem:v8+s8+$0x0], $0xffff  }
0x5cd: {  	v9 =	vand.u32 $0x3F, v9;
	v22 =	vld.idx.msk [tilespmem:v8+s9+$0x0], $0xffff  }
0x5ce: {  	v17 =	vbroadcast v9, $0x0;
	v8 =	vld.idx.msk [tilespmem:v21+s4+$0x0], $0xffff  }
0x5cf: {  	v11 =	vld.idx.msk [tilespmem:v21+s10+$0x0], $0xffff;
	v23 =	vmul.f32 v14, v16  }
0x5d0: {  	v20 =	vor.u32 v0, v17;
	v17 =	vld.idx.msk [tilespmem:v21+s6+$0x0], $0xffff;
	v10 =	vmul.f32 v10, v16;
	v18 =	vmul.f32 v12, v16  }
0x5d1: {  	v9 =	vimm.f32 $0.0e+00;
	v12 =	vld.idx.msk [tilespmem:v21+s5+$0x0], $0xffff;
	v19 =	vmul.f32 v13, v16;
	v26 =	vmul.f32 v15, v16  }
0x5d2: {  	s20 =	simm.s32 $0x3;
	v24 =	vmul.f32 v22, v16;
	v13 =	vadd.f32 v10, v9;
	v10 =	vadd.f32 v18, v9;
	v18 =	vld.idx.msk [tilespmem:v21+s7+$0x0], $0xffff  }
0x5d3: {  	v25 =	vmov s20;
	v14 =	vadd.f32 v19, v9;
	v19 =	vld.idx.msk [tilespmem:v21+s8+$0x0], $0xffff;
	v15 =	vadd.f32 v23, v9;
	v23 =	vmovc v20  }
0x5d4: {  	s19 =	simm.s32 $0x4;
	v25 =	vand.u32 $0x3F, v25;
	v22 =	vmov v20;
	v21 =	vld.idx.msk [tilespmem:v21+s9+$0x0], $0xffff;
	v16 =	vadd.f32 v26, v9  }
.LBB2_50:
0x5d5: {  	p0 =	sne.s32 s19, $0x3F;
	v25 =	vbroadcast v25, $0x0;
	v26 =	vld.idx.msk [tilespmem:v20+s4+$0x0], $0xffff;
	v27 =	vmul.f32 v11, v8;
	v9 =	vadd.f32 v24, v9  }
0x5d6: {  	v24 =	vmul.f32 v12, v8;
	v11 =	vld.idx.msk [tilespmem:v20+s10+$0x0], $0xffff  }
.Ltmp24:
0x5d7: {  	v12 =	vld.idx.msk [tilespmem:v20+s5+$0x0], $0xffff;
	v20 =	vor.u32 v0, v25;
	v25 =	vmul.f32 v17, v8;
	v13 =	vadd.f32 v27, v13;
	(pc) =	sbr.rel @p0 .LBB2_50-.Ltmp24, $4  }
0x5d8: {  	v10 =	vadd.f32 v24, v10;
	v24 =	vmul.f32 v18, v8;
	v17 =	vld.idx.msk [tilespmem:v23+s6+$0x0], $0xffff;
	v23 =	vmov v20  }
0x5d9: {  	v27 =	vmul.f32 v19, v8;
	v18 =	vld.idx.msk [tilespmem:v22+s7+$0x0], $0xffff;
	v14 =	vadd.f32 v25, v14  }
0x5da: {  	v25 =	vmov s19;
	v15 =	vadd.f32 v24, v15;
	v24 =	vmul.f32 v21, v8;
	v19 =	vld.idx.msk [tilespmem:v22+s8+$0x0], $0xffff  }
0x5db: {  	s19 =	sadd.s32 $0x1, s19;
	v25 =	vand.u32 $0x3F, v25;
	v16 =	vadd.f32 v27, v16;
	v8 =	vmovc v26;
	v21 =	vld.idx.msk [tilespmem:v22+s9+$0x0], $0xffff;
	v22 =	vmov v20  }
0x5dc: {  	_ =	sdelay $0x3  }
0x5dd: {  	v25 =	vbroadcast v25, $0x0;
	v26 =	vld.idx.msk [tilespmem:v20+s4+$0x0], $0xffff  }
0x5de: {  	v27 =	vld.idx.msk [tilespmem:v20+s10+$0x0], $0xffff  }
0x5df: {  	v20 =	vld.idx.msk [tilespmem:v20+s5+$0x0], $0xffff;
	v25 =	vor.u32 v0, v25  }
0x5e0: {  	v23 =	vld.idx.msk [tilespmem:v23+s6+$0x0], $0xffff  }
0x5e1: {  	v28 =	vld.idx.msk [tilespmem:v22+s7+$0x0], $0xffff;
	v11 =	vmul.f32 v11, v8  }
0x5e2: {  	v29 =	vld.idx.msk [tilespmem:v22+s8+$0x0], $0xffff;
	v12 =	vmul.f32 v12, v8;
	v17 =	vmul.f32 v17, v8  }
0x5e3: {  	v22 =	vld.idx.msk [tilespmem:v22+s9+$0x0], $0xffff;
	v9 =	vadd.f32 v24, v9;
	v11 =	vadd.f32 v11, v13;
	v13 =	vmul.f32 v18, v8  }
0x5e4: {  	v10 =	vadd.f32 v12, v10;
	v12 =	vadd.f32 v17, v14;
	v14 =	vmul.f32 v19, v8;
	v18 =	vld.idx.msk [tilespmem:v25+s4+$0x0], $0xffff  }
0x5e5: {  	v13 =	vadd.f32 v13, v15;
	v8 =	vmul.f32 v21, v8;
	v15 =	vmul.f32 v27, v26;
	v17 =	vld.idx.msk [tilespmem:v25+s5+$0x0], $0xffff  }
0x5e6: {  	v14 =	vadd.f32 v14, v16;
	v16 =	vmul.f32 v20, v26;
	v20 =	vmul.f32 v23, v26;
	v19 =	vld.idx.msk [tilespmem:v25+s6+$0x0], $0xffff  }
0x5e7: {  	v8 =	vadd.f32 v8, v9;
	v9 =	vadd.f32 v15, v11;
	v11 =	vmul.f32 v28, v26;
	v15 =	vld.idx.msk [tilespmem:v25+s8+$0x0], $0xffff  }
0x5e8: {  	v10 =	vadd.f32 v16, v10;
	v12 =	vadd.f32 v20, v12;
	v16 =	vmul.f32 v29, v26;
	v20 =	vld.idx.msk [tilespmem:v25+s9+$0x0], $0xffff  }
0x5e9: {  	v21 =	vld.idx.msk [tilespmem:v25+s7+$0x0], $0xffff;
	v11 =	vadd.f32 v11, v13;
	v13 =	vmul.f32 v22, v26  }
0x5ea: {  	s19 =	simm.s32 $0x0;
	v23 =	vld.idx.msk [tilespmem:v25+s10+$0x0], $0xffff;
	v14 =	vadd.f32 v16, v14;
	v17 =	vmul.f32 v17, v18  }
0x5eb: {  	v8 =	vadd.f32 v13, v8;
	v16 =	vmul.f32 v19, v18;
	v19 =	vmov s19  }
0x5ec: {  	v15 =	vmul.f32 v15, v18;
	v19 =	vand.u32 $0x3F, v19;
	v10 =	vadd.f32 v17, v10  }
0x5ed: {  	v13 =	vmul.f32 v20, v18;
	v12 =	vadd.f32 v16, v12;
	v16 =	vbroadcast v19, $0x0  }
0x5ee: {  	v17 =	vmul.f32 v21, v18;
	v14 =	vadd.f32 v15, v14;
	[tilespmem:$0xE380] =	vst v10  }
0x5ef: {  	v8 =	vadd.f32 v13, v8;
	v10 =	vmul.f32 v23, v18;
	[tilespmem:$0xE400] =	vst v12;
	v12 =	vor.u32 v1, v16  }
0x5f0: {  	v11 =	vadd.f32 v17, v11;
	[tilespmem:$0xE500] =	vst v14  }
0x5f1: {  	s20 =	simm.s32 $0x1;
	[tilespmem:$0xE580] =	vst v8;
	v9 =	vadd.f32 v10, v9  }
0x5f2: {  	v8 =	vmov s20;
	[tilespmem:$0xE480] =	vst v11  }
0x5f3: {  	v8 =	vand.u32 $0x3F, v8;
	[tilespmem:$0xE600] =	vst v9  }
0x5f4: {  	v8 =	vbroadcast v8, $0x0;
	v16 =	vld.idx.msk [tilespmem:v12+s4+$0x0], $0xffff  }
0x5f5: {  	v10 =	vld.idx.msk [tilespmem:v12+s10+$0x0], $0xffff  }
0x5f6: {  	v21 =	vor.u32 v1, v8;
	v13 =	vld.idx.msk [tilespmem:v12+s5+$0x0], $0xffff  }
0x5f7: {  	v19 =	vld.idx.msk [tilespmem:v12+s8+$0x0], $0xffff  }
0x5f8: {  	s20 =	simm.s32 $0x2;
	v14 =	vld.idx.msk [tilespmem:v12+s6+$0x0], $0xffff  }
0x5f9: {  	v8 =	vmov s20;
	v15 =	vld.idx.msk [tilespmem:v12+s7+$0x0], $0xffff  }
0x5fa: {  	v22 =	vld.idx.msk [tilespmem:v12+s9+$0x0], $0xffff;
	v9 =	vand.u32 $0x3F, v8  }
0x5fb: {  	v17 =	vbroadcast v9, $0x0;
	v8 =	vld.idx.msk [tilespmem:v21+s4+$0x0], $0xffff  }
0x5fc: {  	v11 =	vld.idx.msk [tilespmem:v21+s10+$0x0], $0xffff;
	v23 =	vmul.f32 v19, v16  }
0x5fd: {  	v20 =	vor.u32 v1, v17;
	v12 =	vld.idx.msk [tilespmem:v21+s5+$0x0], $0xffff;
	v10 =	vmul.f32 v10, v16  }
0x5fe: {  	v9 =	vimm.f32 $0.0e+00;
	v17 =	vld.idx.msk [tilespmem:v21+s6+$0x0], $0xffff;
	v18 =	vmul.f32 v13, v16;
	v14 =	vmul.f32 v14, v16  }
0x5ff: {  	s20 =	simm.s32 $0x3;
	v15 =	vmul.f32 v15, v16;
	v19 =	vld.idx.msk [tilespmem:v21+s8+$0x0], $0xffff;
	v24 =	vmul.f32 v22, v16;
	v13 =	vadd.f32 v10, v9  }
0x600: {  	v25 =	vmov s20;
	v10 =	vadd.f32 v18, v9;
	v18 =	vld.idx.msk [tilespmem:v21+s7+$0x0], $0xffff;
	v16 =	vadd.f32 v23, v9;
	v23 =	vmovc v20  }
0x601: {  	s19 =	simm.s32 $0x4;
	v25 =	vand.u32 $0x3F, v25;
	v22 =	vmovc v20;
	v14 =	vadd.f32 v14, v9;
	v15 =	vadd.f32 v15, v9;
	v21 =	vld.idx.msk [tilespmem:v21+s9+$0x0], $0xffff  }
.LBB2_52:
0x602: {  	p0 =	sne.s32 s19, $0x3F;
	v25 =	vbroadcast v25, $0x0;
	v26 =	vld.idx.msk [tilespmem:v20+s4+$0x0], $0xffff;
	v27 =	vmul.f32 v11, v8;
	v9 =	vadd.f32 v24, v9  }
0x603: {  	v24 =	vmul.f32 v12, v8;
	v11 =	vld.idx.msk [tilespmem:v20+s10+$0x0], $0xffff  }
.Ltmp25:
0x604: {  	v12 =	vld.idx.msk [tilespmem:v20+s5+$0x0], $0xffff;
	v20 =	vor.u32 v1, v25;
	v25 =	vmul.f32 v17, v8;
	v13 =	vadd.f32 v27, v13;
	(pc) =	sbr.rel @p0 .LBB2_52-.Ltmp25, $4  }
0x605: {  	v10 =	vadd.f32 v24, v10;
	v24 =	vmul.f32 v18, v8;
	v17 =	vld.idx.msk [tilespmem:v23+s6+$0x0], $0xffff;
	v23 =	vmov v20  }
0x606: {  	v27 =	vmul.f32 v19, v8;
	v18 =	vld.idx.msk [tilespmem:v22+s7+$0x0], $0xffff;
	v14 =	vadd.f32 v25, v14  }
0x607: {  	v25 =	vmov s19;
	v15 =	vadd.f32 v24, v15;
	v24 =	vmul.f32 v21, v8;
	v19 =	vld.idx.msk [tilespmem:v22+s8+$0x0], $0xffff  }
0x608: {  	s19 =	sadd.s32 $0x1, s19;
	v25 =	vand.u32 $0x3F, v25;
	v16 =	vadd.f32 v27, v16;
	v8 =	vmovc v26;
	v21 =	vld.idx.msk [tilespmem:v22+s9+$0x0], $0xffff;
	v22 =	vmov v20  }
0x609: {  	_ =	sdelay $0x3  }
0x60a: {  	v25 =	vbroadcast v25, $0x0;
	v26 =	vld.idx.msk [tilespmem:v20+s4+$0x0], $0xffff  }
0x60b: {  	v27 =	vld.idx.msk [tilespmem:v20+s10+$0x0], $0xffff  }
0x60c: {  	v20 =	vld.idx.msk [tilespmem:v20+s5+$0x0], $0xffff;
	v25 =	vor.u32 v1, v25  }
0x60d: {  	v23 =	vld.idx.msk [tilespmem:v23+s6+$0x0], $0xffff  }
0x60e: {  	v28 =	vld.idx.msk [tilespmem:v22+s7+$0x0], $0xffff;
	v11 =	vmul.f32 v11, v8  }
0x60f: {  	v29 =	vld.idx.msk [tilespmem:v22+s8+$0x0], $0xffff;
	v12 =	vmul.f32 v12, v8;
	v17 =	vmul.f32 v17, v8  }
0x610: {  	v22 =	vld.idx.msk [tilespmem:v22+s9+$0x0], $0xffff;
	v9 =	vadd.f32 v24, v9;
	v11 =	vadd.f32 v11, v13;
	v13 =	vmul.f32 v18, v8  }
0x611: {  	v10 =	vadd.f32 v12, v10;
	v12 =	vadd.f32 v17, v14;
	v14 =	vmul.f32 v19, v8;
	v18 =	vld.idx.msk [tilespmem:v25+s4+$0x0], $0xffff  }
0x612: {  	v13 =	vadd.f32 v13, v15;
	v8 =	vmul.f32 v21, v8;
	v15 =	vmul.f32 v27, v26;
	v17 =	vld.idx.msk [tilespmem:v25+s5+$0x0], $0xffff  }
0x613: {  	v14 =	vadd.f32 v14, v16;
	v16 =	vmul.f32 v20, v26;
	v20 =	vmul.f32 v23, v26;
	v19 =	vld.idx.msk [tilespmem:v25+s6+$0x0], $0xffff  }
0x614: {  	v8 =	vadd.f32 v8, v9;
	v9 =	vadd.f32 v15, v11;
	v11 =	vmul.f32 v28, v26;
	v15 =	vld.idx.msk [tilespmem:v25+s8+$0x0], $0xffff  }
0x615: {  	v10 =	vadd.f32 v16, v10;
	v12 =	vadd.f32 v20, v12;
	v16 =	vmul.f32 v29, v26;
	v20 =	vld.idx.msk [tilespmem:v25+s9+$0x0], $0xffff  }
0x616: {  	v21 =	vld.idx.msk [tilespmem:v25+s7+$0x0], $0xffff;
	v11 =	vadd.f32 v11, v13;
	v13 =	vmul.f32 v22, v26  }
0x617: {  	s19 =	simm.s32 $0x0;
	v23 =	vld.idx.msk [tilespmem:v25+s10+$0x0], $0xffff;
	v14 =	vadd.f32 v16, v14;
	v17 =	vmul.f32 v17, v18  }
0x618: {  	v8 =	vadd.f32 v13, v8;
	v16 =	vmul.f32 v19, v18;
	v19 =	vmov s19  }
0x619: {  	v15 =	vmul.f32 v15, v18;
	v19 =	vand.u32 $0x3F, v19;
	v10 =	vadd.f32 v17, v10  }
0x61a: {  	v13 =	vmul.f32 v20, v18;
	v12 =	vadd.f32 v16, v12;
	v16 =	vbroadcast v19, $0x0  }
0x61b: {  	v17 =	vmul.f32 v21, v18;
	v14 =	vadd.f32 v15, v14;
	[tilespmem:$0xE390] =	vst v10  }
0x61c: {  	v8 =	vadd.f32 v13, v8;
	v10 =	vmul.f32 v23, v18;
	[tilespmem:$0xE410] =	vst v12;
	v12 =	vor.u32 v2, v16  }
0x61d: {  	v11 =	vadd.f32 v17, v11;
	[tilespmem:$0xE510] =	vst v14  }
0x61e: {  	s20 =	simm.s32 $0x1;
	[tilespmem:$0xE590] =	vst v8;
	v9 =	vadd.f32 v10, v9  }
0x61f: {  	v8 =	vmov s20;
	[tilespmem:$0xE490] =	vst v11  }
0x620: {  	v8 =	vand.u32 $0x3F, v8;
	[tilespmem:$0xE610] =	vst v9  }
0x621: {  	v8 =	vbroadcast v8, $0x0;
	v16 =	vld.idx.msk [tilespmem:v12+s4+$0x0], $0xffff  }
0x622: {  	v10 =	vld.idx.msk [tilespmem:v12+s10+$0x0], $0xffff  }
0x623: {  	v21 =	vor.u32 v2, v8;
	v13 =	vld.idx.msk [tilespmem:v12+s5+$0x0], $0xffff  }
0x624: {  	v19 =	vld.idx.msk [tilespmem:v12+s8+$0x0], $0xffff  }
0x625: {  	s20 =	simm.s32 $0x2;
	v14 =	vld.idx.msk [tilespmem:v12+s6+$0x0], $0xffff  }
0x626: {  	v8 =	vmov s20;
	v15 =	vld.idx.msk [tilespmem:v12+s7+$0x0], $0xffff  }
0x627: {  	v22 =	vld.idx.msk [tilespmem:v12+s9+$0x0], $0xffff;
	v9 =	vand.u32 $0x3F, v8  }
0x628: {  	v17 =	vbroadcast v9, $0x0;
	v8 =	vld.idx.msk [tilespmem:v21+s4+$0x0], $0xffff  }
0x629: {  	v11 =	vld.idx.msk [tilespmem:v21+s10+$0x0], $0xffff;
	v23 =	vmul.f32 v19, v16  }
0x62a: {  	v20 =	vor.u32 v2, v17;
	v12 =	vld.idx.msk [tilespmem:v21+s5+$0x0], $0xffff;
	v10 =	vmul.f32 v10, v16  }
0x62b: {  	v9 =	vimm.f32 $0.0e+00;
	v17 =	vld.idx.msk [tilespmem:v21+s6+$0x0], $0xffff;
	v18 =	vmul.f32 v13, v16;
	v14 =	vmul.f32 v14, v16  }
0x62c: {  	s20 =	simm.s32 $0x3;
	v15 =	vmul.f32 v15, v16;
	v19 =	vld.idx.msk [tilespmem:v21+s8+$0x0], $0xffff;
	v24 =	vmul.f32 v22, v16;
	v13 =	vadd.f32 v10, v9  }
0x62d: {  	v25 =	vmov s20;
	v10 =	vadd.f32 v18, v9;
	v18 =	vld.idx.msk [tilespmem:v21+s7+$0x0], $0xffff;
	v16 =	vadd.f32 v23, v9;
	v23 =	vmovc v20  }
0x62e: {  	s19 =	simm.s32 $0x4;
	v25 =	vand.u32 $0x3F, v25;
	v22 =	vmovc v20;
	v14 =	vadd.f32 v14, v9;
	v15 =	vadd.f32 v15, v9;
	v21 =	vld.idx.msk [tilespmem:v21+s9+$0x0], $0xffff  }
.LBB2_54:
0x62f: {  	p0 =	sne.s32 s19, $0x3F;
	v25 =	vbroadcast v25, $0x0;
	v26 =	vld.idx.msk [tilespmem:v20+s4+$0x0], $0xffff;
	v27 =	vmul.f32 v11, v8;
	v9 =	vadd.f32 v24, v9  }
0x630: {  	v24 =	vmul.f32 v12, v8;
	v11 =	vld.idx.msk [tilespmem:v20+s10+$0x0], $0xffff  }
.Ltmp26:
0x631: {  	v12 =	vld.idx.msk [tilespmem:v20+s5+$0x0], $0xffff;
	v20 =	vor.u32 v2, v25;
	v25 =	vmul.f32 v17, v8;
	v13 =	vadd.f32 v27, v13;
	(pc) =	sbr.rel @p0 .LBB2_54-.Ltmp26, $4  }
0x632: {  	v10 =	vadd.f32 v24, v10;
	v24 =	vmul.f32 v18, v8;
	v17 =	vld.idx.msk [tilespmem:v23+s6+$0x0], $0xffff;
	v23 =	vmov v20  }
0x633: {  	v27 =	vmul.f32 v19, v8;
	v18 =	vld.idx.msk [tilespmem:v22+s7+$0x0], $0xffff;
	v14 =	vadd.f32 v25, v14  }
0x634: {  	v25 =	vmov s19;
	v15 =	vadd.f32 v24, v15;
	v24 =	vmul.f32 v21, v8;
	v19 =	vld.idx.msk [tilespmem:v22+s8+$0x0], $0xffff  }
0x635: {  	s19 =	sadd.s32 $0x1, s19;
	v25 =	vand.u32 $0x3F, v25;
	v16 =	vadd.f32 v27, v16;
	v8 =	vmovc v26;
	v21 =	vld.idx.msk [tilespmem:v22+s9+$0x0], $0xffff;
	v22 =	vmov v20  }
0x636: {  	_ =	sdelay $0x3  }
0x637: {  	v25 =	vbroadcast v25, $0x0;
	v26 =	vld.idx.msk [tilespmem:v20+s4+$0x0], $0xffff  }
0x638: {  	v27 =	vld.idx.msk [tilespmem:v20+s10+$0x0], $0xffff  }
0x639: {  	v20 =	vld.idx.msk [tilespmem:v20+s5+$0x0], $0xffff;
	v25 =	vor.u32 v2, v25  }
0x63a: {  	v23 =	vld.idx.msk [tilespmem:v23+s6+$0x0], $0xffff  }
0x63b: {  	v28 =	vld.idx.msk [tilespmem:v22+s7+$0x0], $0xffff;
	v11 =	vmul.f32 v11, v8  }
0x63c: {  	v29 =	vld.idx.msk [tilespmem:v22+s8+$0x0], $0xffff;
	v12 =	vmul.f32 v12, v8;
	v17 =	vmul.f32 v17, v8  }
0x63d: {  	v22 =	vld.idx.msk [tilespmem:v22+s9+$0x0], $0xffff;
	v9 =	vadd.f32 v24, v9;
	v11 =	vadd.f32 v11, v13;
	v13 =	vmul.f32 v18, v8  }
0x63e: {  	v10 =	vadd.f32 v12, v10;
	v12 =	vadd.f32 v17, v14;
	v14 =	vmul.f32 v19, v8;
	v18 =	vld.idx.msk [tilespmem:v25+s4+$0x0], $0xffff  }
0x63f: {  	v13 =	vadd.f32 v13, v15;
	v8 =	vmul.f32 v21, v8;
	v15 =	vmul.f32 v27, v26;
	v17 =	vld.idx.msk [tilespmem:v25+s5+$0x0], $0xffff  }
0x640: {  	v14 =	vadd.f32 v14, v16;
	v16 =	vmul.f32 v20, v26;
	v20 =	vmul.f32 v23, v26;
	v19 =	vld.idx.msk [tilespmem:v25+s6+$0x0], $0xffff  }
0x641: {  	v8 =	vadd.f32 v8, v9;
	v9 =	vadd.f32 v15, v11;
	v11 =	vmul.f32 v28, v26;
	v15 =	vld.idx.msk [tilespmem:v25+s8+$0x0], $0xffff  }
0x642: {  	v10 =	vadd.f32 v16, v10;
	v12 =	vadd.f32 v20, v12;
	v16 =	vmul.f32 v29, v26;
	v20 =	vld.idx.msk [tilespmem:v25+s9+$0x0], $0xffff  }
0x643: {  	v21 =	vld.idx.msk [tilespmem:v25+s7+$0x0], $0xffff;
	v11 =	vadd.f32 v11, v13;
	v13 =	vmul.f32 v22, v26  }
0x644: {  	s19 =	simm.s32 $0x0;
	v23 =	vld.idx.msk [tilespmem:v25+s10+$0x0], $0xffff;
	v14 =	vadd.f32 v16, v14;
	v17 =	vmul.f32 v17, v18  }
0x645: {  	v8 =	vadd.f32 v13, v8;
	v16 =	vmul.f32 v19, v18;
	v19 =	vmov s19  }
0x646: {  	v15 =	vmul.f32 v15, v18;
	v19 =	vand.u32 $0x3F, v19;
	v10 =	vadd.f32 v17, v10  }
0x647: {  	v13 =	vmul.f32 v20, v18;
	v12 =	vadd.f32 v16, v12;
	v16 =	vbroadcast v19, $0x0  }
0x648: {  	v17 =	vmul.f32 v21, v18;
	v14 =	vadd.f32 v15, v14;
	[tilespmem:$0xE3A0] =	vst v10  }
0x649: {  	v8 =	vadd.f32 v13, v8;
	v10 =	vmul.f32 v23, v18;
	[tilespmem:$0xE420] =	vst v12;
	v12 =	vor.u32 v3, v16  }
0x64a: {  	v11 =	vadd.f32 v17, v11;
	[tilespmem:$0xE520] =	vst v14  }
0x64b: {  	s20 =	simm.s32 $0x1;
	[tilespmem:$0xE5A0] =	vst v8;
	v9 =	vadd.f32 v10, v9  }
0x64c: {  	v8 =	vmov s20;
	[tilespmem:$0xE4A0] =	vst v11  }
0x64d: {  	v8 =	vand.u32 $0x3F, v8;
	[tilespmem:$0xE620] =	vst v9  }
0x64e: {  	v8 =	vbroadcast v8, $0x0;
	v16 =	vld.idx.msk [tilespmem:v12+s4+$0x0], $0xffff  }
0x64f: {  	v10 =	vld.idx.msk [tilespmem:v12+s10+$0x0], $0xffff  }
0x650: {  	v21 =	vor.u32 v3, v8;
	v13 =	vld.idx.msk [tilespmem:v12+s5+$0x0], $0xffff  }
0x651: {  	v19 =	vld.idx.msk [tilespmem:v12+s8+$0x0], $0xffff  }
0x652: {  	s20 =	simm.s32 $0x2;
	v14 =	vld.idx.msk [tilespmem:v12+s6+$0x0], $0xffff  }
0x653: {  	v8 =	vmov s20;
	v15 =	vld.idx.msk [tilespmem:v12+s7+$0x0], $0xffff  }
0x654: {  	v22 =	vld.idx.msk [tilespmem:v12+s9+$0x0], $0xffff;
	v9 =	vand.u32 $0x3F, v8  }
0x655: {  	v17 =	vbroadcast v9, $0x0;
	v8 =	vld.idx.msk [tilespmem:v21+s4+$0x0], $0xffff  }
0x656: {  	v11 =	vld.idx.msk [tilespmem:v21+s10+$0x0], $0xffff;
	v23 =	vmul.f32 v19, v16  }
0x657: {  	v20 =	vor.u32 v3, v17;
	v12 =	vld.idx.msk [tilespmem:v21+s5+$0x0], $0xffff;
	v10 =	vmul.f32 v10, v16  }
0x658: {  	v9 =	vimm.f32 $0.0e+00;
	v17 =	vld.idx.msk [tilespmem:v21+s6+$0x0], $0xffff;
	v18 =	vmul.f32 v13, v16;
	v14 =	vmul.f32 v14, v16  }
0x659: {  	s20 =	simm.s32 $0x3;
	v15 =	vmul.f32 v15, v16;
	v19 =	vld.idx.msk [tilespmem:v21+s8+$0x0], $0xffff;
	v24 =	vmul.f32 v22, v16;
	v13 =	vadd.f32 v10, v9  }
0x65a: {  	v25 =	vmov s20;
	v10 =	vadd.f32 v18, v9;
	v18 =	vld.idx.msk [tilespmem:v21+s7+$0x0], $0xffff;
	v16 =	vadd.f32 v23, v9;
	v23 =	vmovc v20  }
0x65b: {  	s19 =	simm.s32 $0x4;
	v25 =	vand.u32 $0x3F, v25;
	v22 =	vmovc v20;
	v14 =	vadd.f32 v14, v9;
	v15 =	vadd.f32 v15, v9;
	v21 =	vld.idx.msk [tilespmem:v21+s9+$0x0], $0xffff  }
.LBB2_56:
0x65c: {  	p0 =	sne.s32 s19, $0x3F;
	v25 =	vbroadcast v25, $0x0;
	v26 =	vld.idx.msk [tilespmem:v20+s4+$0x0], $0xffff;
	v27 =	vmul.f32 v11, v8;
	v9 =	vadd.f32 v24, v9  }
0x65d: {  	v24 =	vmul.f32 v12, v8;
	v11 =	vld.idx.msk [tilespmem:v20+s10+$0x0], $0xffff  }
.Ltmp27:
0x65e: {  	v12 =	vld.idx.msk [tilespmem:v20+s5+$0x0], $0xffff;
	v20 =	vor.u32 v3, v25;
	v25 =	vmul.f32 v17, v8;
	v13 =	vadd.f32 v27, v13;
	(pc) =	sbr.rel @p0 .LBB2_56-.Ltmp27, $4  }
0x65f: {  	v10 =	vadd.f32 v24, v10;
	v24 =	vmul.f32 v18, v8;
	v17 =	vld.idx.msk [tilespmem:v23+s6+$0x0], $0xffff;
	v23 =	vmov v20  }
0x660: {  	v27 =	vmul.f32 v19, v8;
	v18 =	vld.idx.msk [tilespmem:v22+s7+$0x0], $0xffff;
	v14 =	vadd.f32 v25, v14  }
0x661: {  	v25 =	vmov s19;
	v15 =	vadd.f32 v24, v15;
	v24 =	vmul.f32 v21, v8;
	v19 =	vld.idx.msk [tilespmem:v22+s8+$0x0], $0xffff  }
0x662: {  	s19 =	sadd.s32 $0x1, s19;
	v25 =	vand.u32 $0x3F, v25;
	v16 =	vadd.f32 v27, v16;
	v8 =	vmovc v26;
	v21 =	vld.idx.msk [tilespmem:v22+s9+$0x0], $0xffff;
	v22 =	vmov v20  }
0x663: {  	_ =	sdelay $0x3  }
0x664: {  	v25 =	vbroadcast v25, $0x0;
	v26 =	vld.idx.msk [tilespmem:v20+s4+$0x0], $0xffff  }
0x665: {  	v27 =	vld.idx.msk [tilespmem:v20+s10+$0x0], $0xffff  }
0x666: {  	v20 =	vld.idx.msk [tilespmem:v20+s5+$0x0], $0xffff;
	v25 =	vor.u32 v3, v25  }
0x667: {  	v23 =	vld.idx.msk [tilespmem:v23+s6+$0x0], $0xffff  }
0x668: {  	v28 =	vld.idx.msk [tilespmem:v22+s7+$0x0], $0xffff;
	v11 =	vmul.f32 v11, v8  }
0x669: {  	v29 =	vld.idx.msk [tilespmem:v22+s8+$0x0], $0xffff;
	v12 =	vmul.f32 v12, v8;
	v17 =	vmul.f32 v17, v8  }
0x66a: {  	v22 =	vld.idx.msk [tilespmem:v22+s9+$0x0], $0xffff;
	v9 =	vadd.f32 v24, v9;
	v11 =	vadd.f32 v11, v13;
	v13 =	vmul.f32 v18, v8  }
0x66b: {  	v10 =	vadd.f32 v12, v10;
	v12 =	vadd.f32 v17, v14;
	v14 =	vmul.f32 v19, v8;
	v18 =	vld.idx.msk [tilespmem:v25+s4+$0x0], $0xffff  }
0x66c: {  	v13 =	vadd.f32 v13, v15;
	v8 =	vmul.f32 v21, v8;
	v15 =	vmul.f32 v27, v26;
	v17 =	vld.idx.msk [tilespmem:v25+s5+$0x0], $0xffff  }
0x66d: {  	v14 =	vadd.f32 v14, v16;
	v16 =	vmul.f32 v20, v26;
	v20 =	vmul.f32 v23, v26;
	v19 =	vld.idx.msk [tilespmem:v25+s6+$0x0], $0xffff  }
0x66e: {  	v8 =	vadd.f32 v8, v9;
	v9 =	vadd.f32 v15, v11;
	v11 =	vmul.f32 v28, v26;
	v15 =	vld.idx.msk [tilespmem:v25+s8+$0x0], $0xffff  }
0x66f: {  	v10 =	vadd.f32 v16, v10;
	v12 =	vadd.f32 v20, v12;
	v16 =	vmul.f32 v29, v26;
	v20 =	vld.idx.msk [tilespmem:v25+s9+$0x0], $0xffff  }
0x670: {  	v21 =	vld.idx.msk [tilespmem:v25+s7+$0x0], $0xffff;
	v11 =	vadd.f32 v11, v13;
	v13 =	vmul.f32 v22, v26  }
0x671: {  	s19 =	simm.s32 $0x0;
	v23 =	vld.idx.msk [tilespmem:v25+s10+$0x0], $0xffff;
	v14 =	vadd.f32 v16, v14;
	v17 =	vmul.f32 v17, v18  }
0x672: {  	v8 =	vadd.f32 v13, v8;
	v16 =	vmul.f32 v19, v18;
	v19 =	vmov s19  }
0x673: {  	v15 =	vmul.f32 v15, v18;
	v19 =	vand.u32 $0x3F, v19;
	v10 =	vadd.f32 v17, v10  }
0x674: {  	v13 =	vmul.f32 v20, v18;
	v12 =	vadd.f32 v16, v12;
	v16 =	vbroadcast v19, $0x0  }
0x675: {  	v17 =	vmul.f32 v21, v18;
	v14 =	vadd.f32 v15, v14;
	[tilespmem:$0xE3B0] =	vst v10  }
0x676: {  	v8 =	vadd.f32 v13, v8;
	v10 =	vmul.f32 v23, v18;
	[tilespmem:$0xE430] =	vst v12;
	v12 =	vor.u32 v4, v16  }
0x677: {  	v11 =	vadd.f32 v17, v11;
	[tilespmem:$0xE530] =	vst v14  }
0x678: {  	s20 =	simm.s32 $0x1;
	[tilespmem:$0xE5B0] =	vst v8;
	v9 =	vadd.f32 v10, v9  }
0x679: {  	v8 =	vmov s20;
	[tilespmem:$0xE4B0] =	vst v11  }
0x67a: {  	v8 =	vand.u32 $0x3F, v8;
	[tilespmem:$0xE630] =	vst v9  }
0x67b: {  	v8 =	vbroadcast v8, $0x0;
	v16 =	vld.idx.msk [tilespmem:v12+s4+$0x0], $0xffff  }
0x67c: {  	v10 =	vld.idx.msk [tilespmem:v12+s10+$0x0], $0xffff  }
0x67d: {  	v21 =	vor.u32 v4, v8;
	v13 =	vld.idx.msk [tilespmem:v12+s5+$0x0], $0xffff  }
0x67e: {  	v19 =	vld.idx.msk [tilespmem:v12+s8+$0x0], $0xffff  }
0x67f: {  	s20 =	simm.s32 $0x2;
	v14 =	vld.idx.msk [tilespmem:v12+s6+$0x0], $0xffff  }
0x680: {  	v8 =	vmov s20;
	v15 =	vld.idx.msk [tilespmem:v12+s7+$0x0], $0xffff  }
0x681: {  	v22 =	vld.idx.msk [tilespmem:v12+s9+$0x0], $0xffff;
	v9 =	vand.u32 $0x3F, v8  }
0x682: {  	v17 =	vbroadcast v9, $0x0;
	v8 =	vld.idx.msk [tilespmem:v21+s4+$0x0], $0xffff  }
0x683: {  	v11 =	vld.idx.msk [tilespmem:v21+s10+$0x0], $0xffff;
	v23 =	vmul.f32 v19, v16  }
0x684: {  	v20 =	vor.u32 v4, v17;
	v12 =	vld.idx.msk [tilespmem:v21+s5+$0x0], $0xffff;
	v10 =	vmul.f32 v10, v16  }
0x685: {  	v9 =	vimm.f32 $0.0e+00;
	v17 =	vld.idx.msk [tilespmem:v21+s6+$0x0], $0xffff;
	v18 =	vmul.f32 v13, v16;
	v14 =	vmul.f32 v14, v16  }
0x686: {  	s20 =	simm.s32 $0x3;
	v15 =	vmul.f32 v15, v16;
	v19 =	vld.idx.msk [tilespmem:v21+s8+$0x0], $0xffff;
	v24 =	vmul.f32 v22, v16;
	v13 =	vadd.f32 v10, v9  }
0x687: {  	v25 =	vmov s20;
	v10 =	vadd.f32 v18, v9;
	v18 =	vld.idx.msk [tilespmem:v21+s7+$0x0], $0xffff;
	v16 =	vadd.f32 v23, v9;
	v23 =	vmovc v20  }
0x688: {  	s19 =	simm.s32 $0x4;
	v25 =	vand.u32 $0x3F, v25;
	v22 =	vmovc v20;
	v14 =	vadd.f32 v14, v9;
	v15 =	vadd.f32 v15, v9;
	v21 =	vld.idx.msk [tilespmem:v21+s9+$0x0], $0xffff  }
.LBB2_58:
0x689: {  	p0 =	sne.s32 s19, $0x3F;
	v25 =	vbroadcast v25, $0x0;
	v26 =	vld.idx.msk [tilespmem:v20+s4+$0x0], $0xffff;
	v27 =	vmul.f32 v11, v8;
	v9 =	vadd.f32 v24, v9  }
0x68a: {  	v24 =	vmul.f32 v12, v8;
	v11 =	vld.idx.msk [tilespmem:v20+s10+$0x0], $0xffff  }
.Ltmp28:
0x68b: {  	v12 =	vld.idx.msk [tilespmem:v20+s5+$0x0], $0xffff;
	v20 =	vor.u32 v4, v25;
	v25 =	vmul.f32 v17, v8;
	v13 =	vadd.f32 v27, v13;
	(pc) =	sbr.rel @p0 .LBB2_58-.Ltmp28, $4  }
0x68c: {  	v10 =	vadd.f32 v24, v10;
	v24 =	vmul.f32 v18, v8;
	v17 =	vld.idx.msk [tilespmem:v23+s6+$0x0], $0xffff;
	v23 =	vmov v20  }
0x68d: {  	v27 =	vmul.f32 v19, v8;
	v18 =	vld.idx.msk [tilespmem:v22+s7+$0x0], $0xffff;
	v14 =	vadd.f32 v25, v14  }
0x68e: {  	v25 =	vmov s19;
	v15 =	vadd.f32 v24, v15;
	v24 =	vmul.f32 v21, v8;
	v19 =	vld.idx.msk [tilespmem:v22+s8+$0x0], $0xffff  }
0x68f: {  	s19 =	sadd.s32 $0x1, s19;
	v25 =	vand.u32 $0x3F, v25;
	v16 =	vadd.f32 v27, v16;
	v8 =	vmovc v26;
	v21 =	vld.idx.msk [tilespmem:v22+s9+$0x0], $0xffff;
	v22 =	vmov v20  }
0x690: {  	_ =	sdelay $0x3  }
0x691: {  	v25 =	vbroadcast v25, $0x0;
	v26 =	vld.idx.msk [tilespmem:v20+s4+$0x0], $0xffff  }
0x692: {  	v27 =	vld.idx.msk [tilespmem:v20+s10+$0x0], $0xffff  }
0x693: {  	v20 =	vld.idx.msk [tilespmem:v20+s5+$0x0], $0xffff;
	v25 =	vor.u32 v4, v25  }
0x694: {  	v23 =	vld.idx.msk [tilespmem:v23+s6+$0x0], $0xffff  }
0x695: {  	v28 =	vld.idx.msk [tilespmem:v22+s7+$0x0], $0xffff;
	v11 =	vmul.f32 v11, v8  }
0x696: {  	v29 =	vld.idx.msk [tilespmem:v22+s8+$0x0], $0xffff;
	v12 =	vmul.f32 v12, v8;
	v17 =	vmul.f32 v17, v8  }
0x697: {  	v22 =	vld.idx.msk [tilespmem:v22+s9+$0x0], $0xffff;
	v9 =	vadd.f32 v24, v9;
	v11 =	vadd.f32 v11, v13;
	v13 =	vmul.f32 v18, v8  }
0x698: {  	v10 =	vadd.f32 v12, v10;
	v12 =	vadd.f32 v17, v14;
	v14 =	vmul.f32 v19, v8;
	v18 =	vld.idx.msk [tilespmem:v25+s4+$0x0], $0xffff  }
0x699: {  	v13 =	vadd.f32 v13, v15;
	v8 =	vmul.f32 v21, v8;
	v15 =	vmul.f32 v27, v26;
	v17 =	vld.idx.msk [tilespmem:v25+s5+$0x0], $0xffff  }
0x69a: {  	v14 =	vadd.f32 v14, v16;
	v16 =	vmul.f32 v20, v26;
	v20 =	vmul.f32 v23, v26;
	v19 =	vld.idx.msk [tilespmem:v25+s6+$0x0], $0xffff  }
0x69b: {  	v8 =	vadd.f32 v8, v9;
	v9 =	vadd.f32 v15, v11;
	v11 =	vmul.f32 v28, v26;
	v15 =	vld.idx.msk [tilespmem:v25+s8+$0x0], $0xffff  }
0x69c: {  	v10 =	vadd.f32 v16, v10;
	v12 =	vadd.f32 v20, v12;
	v16 =	vmul.f32 v29, v26;
	v20 =	vld.idx.msk [tilespmem:v25+s9+$0x0], $0xffff  }
0x69d: {  	v21 =	vld.idx.msk [tilespmem:v25+s7+$0x0], $0xffff;
	v11 =	vadd.f32 v11, v13;
	v13 =	vmul.f32 v22, v26  }
0x69e: {  	s19 =	simm.s32 $0x0;
	v23 =	vld.idx.msk [tilespmem:v25+s10+$0x0], $0xffff;
	v14 =	vadd.f32 v16, v14;
	v17 =	vmul.f32 v17, v18  }
0x69f: {  	v8 =	vadd.f32 v13, v8;
	v16 =	vmul.f32 v19, v18;
	v19 =	vmov s19  }
0x6a0: {  	v15 =	vmul.f32 v15, v18;
	v19 =	vand.u32 $0x3F, v19;
	v10 =	vadd.f32 v17, v10  }
0x6a1: {  	v13 =	vmul.f32 v20, v18;
	v12 =	vadd.f32 v16, v12;
	v16 =	vbroadcast v19, $0x0  }
0x6a2: {  	v17 =	vmul.f32 v21, v18;
	v14 =	vadd.f32 v15, v14;
	[tilespmem:$0xE3C0] =	vst v10  }
0x6a3: {  	v8 =	vadd.f32 v13, v8;
	v10 =	vmul.f32 v23, v18;
	[tilespmem:$0xE440] =	vst v12;
	v12 =	vor.u32 v5, v16  }
0x6a4: {  	v11 =	vadd.f32 v17, v11;
	[tilespmem:$0xE540] =	vst v14  }
0x6a5: {  	s20 =	simm.s32 $0x1;
	[tilespmem:$0xE5C0] =	vst v8;
	v9 =	vadd.f32 v10, v9  }
0x6a6: {  	v8 =	vmov s20;
	[tilespmem:$0xE4C0] =	vst v11  }
0x6a7: {  	v8 =	vand.u32 $0x3F, v8;
	[tilespmem:$0xE640] =	vst v9  }
0x6a8: {  	v8 =	vbroadcast v8, $0x0;
	v16 =	vld.idx.msk [tilespmem:v12+s4+$0x0], $0xffff  }
0x6a9: {  	v10 =	vld.idx.msk [tilespmem:v12+s10+$0x0], $0xffff  }
0x6aa: {  	v21 =	vor.u32 v5, v8;
	v13 =	vld.idx.msk [tilespmem:v12+s5+$0x0], $0xffff  }
0x6ab: {  	v19 =	vld.idx.msk [tilespmem:v12+s8+$0x0], $0xffff  }
0x6ac: {  	s20 =	simm.s32 $0x2;
	v14 =	vld.idx.msk [tilespmem:v12+s6+$0x0], $0xffff  }
0x6ad: {  	v8 =	vmov s20;
	v15 =	vld.idx.msk [tilespmem:v12+s7+$0x0], $0xffff  }
0x6ae: {  	v22 =	vld.idx.msk [tilespmem:v12+s9+$0x0], $0xffff;
	v9 =	vand.u32 $0x3F, v8  }
0x6af: {  	v17 =	vbroadcast v9, $0x0;
	v8 =	vld.idx.msk [tilespmem:v21+s4+$0x0], $0xffff  }
0x6b0: {  	v11 =	vld.idx.msk [tilespmem:v21+s10+$0x0], $0xffff;
	v23 =	vmul.f32 v19, v16  }
0x6b1: {  	v20 =	vor.u32 v5, v17;
	v12 =	vld.idx.msk [tilespmem:v21+s5+$0x0], $0xffff;
	v10 =	vmul.f32 v10, v16  }
0x6b2: {  	v9 =	vimm.f32 $0.0e+00;
	v17 =	vld.idx.msk [tilespmem:v21+s6+$0x0], $0xffff;
	v18 =	vmul.f32 v13, v16;
	v14 =	vmul.f32 v14, v16  }
0x6b3: {  	s20 =	simm.s32 $0x3;
	v15 =	vmul.f32 v15, v16;
	v19 =	vld.idx.msk [tilespmem:v21+s8+$0x0], $0xffff;
	v24 =	vmul.f32 v22, v16;
	v13 =	vadd.f32 v10, v9  }
0x6b4: {  	v25 =	vmov s20;
	v10 =	vadd.f32 v18, v9;
	v18 =	vld.idx.msk [tilespmem:v21+s7+$0x0], $0xffff;
	v16 =	vadd.f32 v23, v9;
	v23 =	vmovc v20  }
0x6b5: {  	s19 =	simm.s32 $0x4;
	v25 =	vand.u32 $0x3F, v25;
	v22 =	vmovc v20;
	v14 =	vadd.f32 v14, v9;
	v15 =	vadd.f32 v15, v9;
	v21 =	vld.idx.msk [tilespmem:v21+s9+$0x0], $0xffff  }
.LBB2_60:
0x6b6: {  	p0 =	sne.s32 s19, $0x3F;
	v25 =	vbroadcast v25, $0x0;
	v26 =	vld.idx.msk [tilespmem:v20+s4+$0x0], $0xffff;
	v27 =	vmul.f32 v11, v8;
	v9 =	vadd.f32 v24, v9  }
0x6b7: {  	v24 =	vmul.f32 v12, v8;
	v11 =	vld.idx.msk [tilespmem:v20+s10+$0x0], $0xffff  }
.Ltmp29:
0x6b8: {  	v12 =	vld.idx.msk [tilespmem:v20+s5+$0x0], $0xffff;
	v20 =	vor.u32 v5, v25;
	v25 =	vmul.f32 v17, v8;
	v13 =	vadd.f32 v27, v13;
	(pc) =	sbr.rel @p0 .LBB2_60-.Ltmp29, $4  }
0x6b9: {  	v10 =	vadd.f32 v24, v10;
	v24 =	vmul.f32 v18, v8;
	v17 =	vld.idx.msk [tilespmem:v23+s6+$0x0], $0xffff;
	v23 =	vmov v20  }
0x6ba: {  	v27 =	vmul.f32 v19, v8;
	v18 =	vld.idx.msk [tilespmem:v22+s7+$0x0], $0xffff;
	v14 =	vadd.f32 v25, v14  }
0x6bb: {  	v25 =	vmov s19;
	v15 =	vadd.f32 v24, v15;
	v24 =	vmul.f32 v21, v8;
	v19 =	vld.idx.msk [tilespmem:v22+s8+$0x0], $0xffff  }
0x6bc: {  	s19 =	sadd.s32 $0x1, s19;
	v25 =	vand.u32 $0x3F, v25;
	v16 =	vadd.f32 v27, v16;
	v8 =	vmovc v26;
	v21 =	vld.idx.msk [tilespmem:v22+s9+$0x0], $0xffff;
	v22 =	vmov v20  }
0x6bd: {  	_ =	sdelay $0x3  }
0x6be: {  	v25 =	vbroadcast v25, $0x0;
	v26 =	vld.idx.msk [tilespmem:v20+s4+$0x0], $0xffff  }
0x6bf: {  	v27 =	vld.idx.msk [tilespmem:v20+s10+$0x0], $0xffff  }
0x6c0: {  	v20 =	vld.idx.msk [tilespmem:v20+s5+$0x0], $0xffff;
	v25 =	vor.u32 v5, v25  }
0x6c1: {  	v23 =	vld.idx.msk [tilespmem:v23+s6+$0x0], $0xffff  }
0x6c2: {  	v28 =	vld.idx.msk [tilespmem:v22+s7+$0x0], $0xffff;
	v11 =	vmul.f32 v11, v8  }
0x6c3: {  	v29 =	vld.idx.msk [tilespmem:v22+s8+$0x0], $0xffff;
	v12 =	vmul.f32 v12, v8;
	v17 =	vmul.f32 v17, v8  }
0x6c4: {  	v22 =	vld.idx.msk [tilespmem:v22+s9+$0x0], $0xffff;
	v9 =	vadd.f32 v24, v9;
	v11 =	vadd.f32 v11, v13;
	v13 =	vmul.f32 v18, v8  }
0x6c5: {  	v10 =	vadd.f32 v12, v10;
	v12 =	vadd.f32 v17, v14;
	v14 =	vmul.f32 v19, v8;
	v18 =	vld.idx.msk [tilespmem:v25+s4+$0x0], $0xffff  }
0x6c6: {  	v13 =	vadd.f32 v13, v15;
	v8 =	vmul.f32 v21, v8;
	v15 =	vmul.f32 v27, v26;
	v17 =	vld.idx.msk [tilespmem:v25+s5+$0x0], $0xffff  }
0x6c7: {  	v14 =	vadd.f32 v14, v16;
	v16 =	vmul.f32 v20, v26;
	v20 =	vmul.f32 v23, v26;
	v19 =	vld.idx.msk [tilespmem:v25+s6+$0x0], $0xffff  }
0x6c8: {  	v8 =	vadd.f32 v8, v9;
	v9 =	vadd.f32 v15, v11;
	v11 =	vmul.f32 v28, v26;
	v15 =	vld.idx.msk [tilespmem:v25+s8+$0x0], $0xffff  }
0x6c9: {  	v10 =	vadd.f32 v16, v10;
	v12 =	vadd.f32 v20, v12;
	v16 =	vmul.f32 v29, v26;
	v20 =	vld.idx.msk [tilespmem:v25+s9+$0x0], $0xffff  }
0x6ca: {  	v21 =	vld.idx.msk [tilespmem:v25+s7+$0x0], $0xffff;
	v11 =	vadd.f32 v11, v13;
	v13 =	vmul.f32 v22, v26  }
0x6cb: {  	s19 =	simm.s32 $0x0;
	v23 =	vld.idx.msk [tilespmem:v25+s10+$0x0], $0xffff;
	v14 =	vadd.f32 v16, v14;
	v17 =	vmul.f32 v17, v18  }
0x6cc: {  	v8 =	vadd.f32 v13, v8;
	v16 =	vmul.f32 v19, v18;
	v19 =	vmov s19  }
0x6cd: {  	v15 =	vmul.f32 v15, v18;
	v19 =	vand.u32 $0x3F, v19;
	v10 =	vadd.f32 v17, v10  }
0x6ce: {  	v13 =	vmul.f32 v20, v18;
	v12 =	vadd.f32 v16, v12;
	v16 =	vbroadcast v19, $0x0  }
0x6cf: {  	v17 =	vmul.f32 v21, v18;
	v14 =	vadd.f32 v15, v14;
	[tilespmem:$0xE3D0] =	vst v10  }
0x6d0: {  	v8 =	vadd.f32 v13, v8;
	v10 =	vmul.f32 v23, v18;
	[tilespmem:$0xE450] =	vst v12;
	v12 =	vor.u32 v6, v16  }
0x6d1: {  	v11 =	vadd.f32 v17, v11;
	[tilespmem:$0xE550] =	vst v14  }
0x6d2: {  	s20 =	simm.s32 $0x1;
	[tilespmem:$0xE5D0] =	vst v8;
	v9 =	vadd.f32 v10, v9  }
0x6d3: {  	v8 =	vmov s20;
	[tilespmem:$0xE4D0] =	vst v11  }
0x6d4: {  	v8 =	vand.u32 $0x3F, v8;
	[tilespmem:$0xE650] =	vst v9  }
0x6d5: {  	v8 =	vbroadcast v8, $0x0;
	v16 =	vld.idx.msk [tilespmem:v12+s4+$0x0], $0xffff  }
0x6d6: {  	v10 =	vld.idx.msk [tilespmem:v12+s10+$0x0], $0xffff  }
0x6d7: {  	v21 =	vor.u32 v6, v8;
	v13 =	vld.idx.msk [tilespmem:v12+s5+$0x0], $0xffff  }
0x6d8: {  	v19 =	vld.idx.msk [tilespmem:v12+s8+$0x0], $0xffff  }
0x6d9: {  	s20 =	simm.s32 $0x2;
	v14 =	vld.idx.msk [tilespmem:v12+s6+$0x0], $0xffff  }
0x6da: {  	v8 =	vmov s20;
	v15 =	vld.idx.msk [tilespmem:v12+s7+$0x0], $0xffff  }
0x6db: {  	v22 =	vld.idx.msk [tilespmem:v12+s9+$0x0], $0xffff;
	v9 =	vand.u32 $0x3F, v8  }
0x6dc: {  	v17 =	vbroadcast v9, $0x0;
	v8 =	vld.idx.msk [tilespmem:v21+s4+$0x0], $0xffff  }
0x6dd: {  	v11 =	vld.idx.msk [tilespmem:v21+s10+$0x0], $0xffff;
	v23 =	vmul.f32 v19, v16  }
0x6de: {  	v20 =	vor.u32 v6, v17;
	v12 =	vld.idx.msk [tilespmem:v21+s5+$0x0], $0xffff;
	v10 =	vmul.f32 v10, v16  }
0x6df: {  	v9 =	vimm.f32 $0.0e+00;
	v17 =	vld.idx.msk [tilespmem:v21+s6+$0x0], $0xffff;
	v18 =	vmul.f32 v13, v16;
	v14 =	vmul.f32 v14, v16  }
0x6e0: {  	s20 =	simm.s32 $0x3;
	v15 =	vmul.f32 v15, v16;
	v19 =	vld.idx.msk [tilespmem:v21+s8+$0x0], $0xffff;
	v24 =	vmul.f32 v22, v16;
	v13 =	vadd.f32 v10, v9  }
0x6e1: {  	v25 =	vmov s20;
	v10 =	vadd.f32 v18, v9;
	v18 =	vld.idx.msk [tilespmem:v21+s7+$0x0], $0xffff;
	v16 =	vadd.f32 v23, v9;
	v23 =	vmovc v20  }
0x6e2: {  	s19 =	simm.s32 $0x4;
	v25 =	vand.u32 $0x3F, v25;
	v22 =	vmovc v20;
	v14 =	vadd.f32 v14, v9;
	v15 =	vadd.f32 v15, v9;
	v21 =	vld.idx.msk [tilespmem:v21+s9+$0x0], $0xffff  }
.LBB2_62:
0x6e3: {  	p0 =	sne.s32 s19, $0x3F;
	v25 =	vbroadcast v25, $0x0;
	v26 =	vld.idx.msk [tilespmem:v20+s4+$0x0], $0xffff;
	v27 =	vmul.f32 v11, v8;
	v9 =	vadd.f32 v24, v9  }
0x6e4: {  	v24 =	vmul.f32 v12, v8;
	v11 =	vld.idx.msk [tilespmem:v20+s10+$0x0], $0xffff  }
.Ltmp30:
0x6e5: {  	v12 =	vld.idx.msk [tilespmem:v20+s5+$0x0], $0xffff;
	v20 =	vor.u32 v6, v25;
	v25 =	vmul.f32 v17, v8;
	v13 =	vadd.f32 v27, v13;
	(pc) =	sbr.rel @p0 .LBB2_62-.Ltmp30, $4  }
0x6e6: {  	v10 =	vadd.f32 v24, v10;
	v24 =	vmul.f32 v18, v8;
	v17 =	vld.idx.msk [tilespmem:v23+s6+$0x0], $0xffff;
	v23 =	vmov v20  }
0x6e7: {  	v27 =	vmul.f32 v19, v8;
	v18 =	vld.idx.msk [tilespmem:v22+s7+$0x0], $0xffff;
	v14 =	vadd.f32 v25, v14  }
0x6e8: {  	v25 =	vmov s19;
	v15 =	vadd.f32 v24, v15;
	v24 =	vmul.f32 v21, v8;
	v19 =	vld.idx.msk [tilespmem:v22+s8+$0x0], $0xffff  }
0x6e9: {  	s19 =	sadd.s32 $0x1, s19;
	v25 =	vand.u32 $0x3F, v25;
	v16 =	vadd.f32 v27, v16;
	v8 =	vmovc v26;
	v21 =	vld.idx.msk [tilespmem:v22+s9+$0x0], $0xffff;
	v22 =	vmov v20  }
0x6ea: {  	_ =	sdelay $0x3  }
0x6eb: {  	v25 =	vbroadcast v25, $0x0;
	v26 =	vld.idx.msk [tilespmem:v20+s4+$0x0], $0xffff  }
0x6ec: {  	v27 =	vld.idx.msk [tilespmem:v20+s10+$0x0], $0xffff  }
0x6ed: {  	v20 =	vld.idx.msk [tilespmem:v20+s5+$0x0], $0xffff;
	v25 =	vor.u32 v6, v25  }
0x6ee: {  	v23 =	vld.idx.msk [tilespmem:v23+s6+$0x0], $0xffff  }
0x6ef: {  	v28 =	vld.idx.msk [tilespmem:v22+s7+$0x0], $0xffff;
	v11 =	vmul.f32 v11, v8  }
0x6f0: {  	v29 =	vld.idx.msk [tilespmem:v22+s8+$0x0], $0xffff;
	v12 =	vmul.f32 v12, v8;
	v17 =	vmul.f32 v17, v8  }
0x6f1: {  	v22 =	vld.idx.msk [tilespmem:v22+s9+$0x0], $0xffff;
	v9 =	vadd.f32 v24, v9;
	v11 =	vadd.f32 v11, v13;
	v13 =	vmul.f32 v18, v8  }
0x6f2: {  	v10 =	vadd.f32 v12, v10;
	v12 =	vadd.f32 v17, v14;
	v14 =	vmul.f32 v19, v8;
	v18 =	vld.idx.msk [tilespmem:v25+s4+$0x0], $0xffff  }
0x6f3: {  	v13 =	vadd.f32 v13, v15;
	v8 =	vmul.f32 v21, v8;
	v15 =	vmul.f32 v27, v26;
	v17 =	vld.idx.msk [tilespmem:v25+s5+$0x0], $0xffff  }
0x6f4: {  	v14 =	vadd.f32 v14, v16;
	v16 =	vmul.f32 v20, v26;
	v20 =	vmul.f32 v23, v26;
	v19 =	vld.idx.msk [tilespmem:v25+s6+$0x0], $0xffff  }
0x6f5: {  	v8 =	vadd.f32 v8, v9;
	v9 =	vadd.f32 v15, v11;
	v11 =	vmul.f32 v28, v26;
	v15 =	vld.idx.msk [tilespmem:v25+s8+$0x0], $0xffff  }
0x6f6: {  	v10 =	vadd.f32 v16, v10;
	v12 =	vadd.f32 v20, v12;
	v16 =	vmul.f32 v29, v26;
	v20 =	vld.idx.msk [tilespmem:v25+s9+$0x0], $0xffff  }
0x6f7: {  	v21 =	vld.idx.msk [tilespmem:v25+s7+$0x0], $0xffff;
	v11 =	vadd.f32 v11, v13;
	v13 =	vmul.f32 v22, v26  }
0x6f8: {  	s19 =	simm.s32 $0x0;
	v23 =	vld.idx.msk [tilespmem:v25+s10+$0x0], $0xffff;
	v14 =	vadd.f32 v16, v14;
	v17 =	vmul.f32 v17, v18  }
0x6f9: {  	v8 =	vadd.f32 v13, v8;
	v16 =	vmul.f32 v19, v18;
	v19 =	vmov s19  }
0x6fa: {  	v15 =	vmul.f32 v15, v18;
	v19 =	vand.u32 $0x3F, v19;
	v10 =	vadd.f32 v17, v10  }
0x6fb: {  	v13 =	vmul.f32 v20, v18;
	v12 =	vadd.f32 v16, v12;
	v16 =	vbroadcast v19, $0x0  }
0x6fc: {  	v17 =	vmul.f32 v21, v18;
	v14 =	vadd.f32 v15, v14;
	[tilespmem:$0xE3E0] =	vst v10  }
0x6fd: {  	v8 =	vadd.f32 v13, v8;
	v10 =	vmul.f32 v23, v18;
	[tilespmem:$0xE460] =	vst v12;
	v12 =	vor.u32 v7, v16  }
0x6fe: {  	v11 =	vadd.f32 v17, v11;
	[tilespmem:$0xE560] =	vst v14  }
0x6ff: {  	s20 =	simm.s32 $0x1;
	[tilespmem:$0xE5E0] =	vst v8;
	v9 =	vadd.f32 v10, v9  }
0x700: {  	v8 =	vmov s20;
	[tilespmem:$0xE4E0] =	vst v11  }
0x701: {  	v8 =	vand.u32 $0x3F, v8;
	[tilespmem:$0xE660] =	vst v9  }
0x702: {  	v8 =	vbroadcast v8, $0x0;
	v17 =	vld.idx.msk [tilespmem:v12+s4+$0x0], $0xffff  }
0x703: {  	v11 =	vld.idx.msk [tilespmem:v12+s10+$0x0], $0xffff  }
0x704: {  	v21 =	vor.u32 v7, v8;
	v13 =	vld.idx.msk [tilespmem:v12+s5+$0x0], $0xffff  }
0x705: {  	v15 =	vld.idx.msk [tilespmem:v12+s6+$0x0], $0xffff  }
0x706: {  	v18 =	vld.idx.msk [tilespmem:v12+s7+$0x0], $0xffff  }
0x707: {  	s20 =	simm.s32 $0x2;
	v19 =	vld.idx.msk [tilespmem:v12+s8+$0x0], $0xffff  }
0x708: {  	v8 =	vmov s20;
	v22 =	vld.idx.msk [tilespmem:v12+s9+$0x0], $0xffff  }
0x709: {  	v9 =	vand.u32 $0x3F, v8;
	v8 =	vld.idx.msk [tilespmem:v21+s4+$0x0], $0xffff  }
0x70a: {  	v12 =	vbroadcast v9, $0x0;
	v10 =	vld.idx.msk [tilespmem:v21+s10+$0x0], $0xffff  }
0x70b: {  	v14 =	vld.idx.msk [tilespmem:v21+s5+$0x0], $0xffff;
	v23 =	vmul.f32 v18, v17  }
0x70c: {  	s20 =	simm.s32 $0x3;
	v20 =	vor.u32 v7, v12;
	v16 =	vld.idx.msk [tilespmem:v21+s6+$0x0], $0xffff;
	v13 =	vmul.f32 v13, v17  }
0x70d: {  	v25 =	vmov s20;
	v9 =	vimm.f32 $0.0e+00;
	v15 =	vmul.f32 v15, v17;
	v18 =	vld.idx.msk [tilespmem:v21+s7+$0x0], $0xffff  }
0x70e: {  	v11 =	vmul.f32 v11, v17;
	v26 =	vmul.f32 v19, v17;
	v19 =	vld.idx.msk [tilespmem:v21+s8+$0x0], $0xffff;
	v12 =	vadd.f32 v13, v9  }
0x70f: {  	v24 =	vmul.f32 v22, v17;
	v13 =	vadd.f32 v15, v9;
	v15 =	vadd.f32 v23, v9;
	v23 =	vmovc v20  }
0x710: {  	s19 =	simm.s32 $0x4;
	v25 =	vand.u32 $0x3F, v25;
	v21 =	vld.idx.msk [tilespmem:v21+s9+$0x0], $0xffff;
	v22 =	vmovc v20;
	v11 =	vadd.f32 v11, v9;
	v17 =	vadd.f32 v26, v9  }
.LBB2_64:
0x711: {  	p0 =	sne.s32 s19, $0x3F;
	v25 =	vbroadcast v25, $0x0;
	v26 =	vld.idx.msk [tilespmem:v20+s4+$0x0], $0xffff;
	v27 =	vmul.f32 v10, v8;
	v9 =	vadd.f32 v24, v9  }
0x712: {  	v24 =	vmul.f32 v14, v8;
	v10 =	vld.idx.msk [tilespmem:v20+s10+$0x0], $0xffff  }
.Ltmp31:
0x713: {  	v14 =	vld.idx.msk [tilespmem:v20+s5+$0x0], $0xffff;
	v20 =	vor.u32 v7, v25;
	v25 =	vmul.f32 v16, v8;
	v11 =	vadd.f32 v27, v11;
	(pc) =	sbr.rel @p0 .LBB2_64-.Ltmp31, $4  }
0x714: {  	v12 =	vadd.f32 v24, v12;
	v24 =	vmul.f32 v18, v8;
	v16 =	vld.idx.msk [tilespmem:v23+s6+$0x0], $0xffff;
	v23 =	vmov v20  }
0x715: {  	v27 =	vmul.f32 v19, v8;
	v18 =	vld.idx.msk [tilespmem:v22+s7+$0x0], $0xffff;
	v13 =	vadd.f32 v25, v13  }
0x716: {  	v25 =	vmov s19;
	v15 =	vadd.f32 v24, v15;
	v24 =	vmul.f32 v21, v8;
	v19 =	vld.idx.msk [tilespmem:v22+s8+$0x0], $0xffff  }
0x717: {  	s19 =	sadd.s32 $0x1, s19;
	v25 =	vand.u32 $0x3F, v25;
	v17 =	vadd.f32 v27, v17;
	v8 =	vmovc v26;
	v21 =	vld.idx.msk [tilespmem:v22+s9+$0x0], $0xffff;
	v22 =	vmov v20  }
0x718: {  	_ =	sdelay $0x3  }
0x719: {  	v25 =	vbroadcast v25, $0x0;
	v26 =	vld.idx.msk [tilespmem:v20+s4+$0x0], $0xffff  }
0x71a: {  	v27 =	vld.idx.msk [tilespmem:v20+s10+$0x0], $0xffff  }
0x71b: {  	v44 =	vld.idx.msk [tilespmem:v20+s5+$0x0], $0xffff;
	v7 =	vor.u32 v7, v25  }
0x71c: {  	v23 =	vld.idx.msk [tilespmem:v23+s6+$0x0], $0xffff  }
0x71d: {  	v45 =	vld.idx.msk [tilespmem:v22+s7+$0x0], $0xffff  }
0x71e: {  	v28 =	vld.idx.msk [tilespmem:v22+s8+$0x0], $0xffff  }
0x71f: {  	v46 =	vld.idx.msk [tilespmem:v22+s9+$0x0], $0xffff  }
0x720: {  	v10 =	vmul.f32 v10, v8;
	v14 =	vmul.f32 v14, v8;
	v29 =	vld.idx.msk [tilespmem:v7+s4+$0x0], $0xffff  }
0x721: {  	v9 =	vadd.f32 v24, v9;
	v16 =	vmul.f32 v16, v8;
	v18 =	vmul.f32 v18, v8;
	v47 =	vld.idx.msk [tilespmem:v7+s5+$0x0], $0xffff  }
0x722: {  	v10 =	vadd.f32 v10, v11;
	v48 =	vadd.f32 v14, v12;
	v49 =	vmul.f32 v19, v8;
	v50 =	vld.idx.msk [tilespmem:v7+s6+$0x0], $0xffff  }
0x723: {  	v13 =	vadd.f32 v16, v13;
	v8 =	vmul.f32 v21, v8;
	v52 =	vmul.f32 v44, v26;
	v51 =	vld.idx.msk [tilespmem:v7+s7+$0x0], $0xffff  }
0x724: {  	v15 =	vadd.f32 v18, v15;
	v53 =	vmul.f32 v23, v26;
	v55 =	vmul.f32 v27, v26;
	v54 =	vld.idx.msk [tilespmem:v7+s8+$0x0], $0xffff  }
0x725: {  	v12 =	vadd.f32 v49, v17;
	v56 =	vmul.f32 v45, v26;
	v59 =	vmul.f32 v28, v26;
	v57 =	vld.idx.msk [tilespmem:v7+s9+$0x0], $0xffff  }
0x726: {  	v60 =	vmul.f32 v46, v26;
	v7 =	vld.idx.msk [tilespmem:v7+s10+$0x0], $0xffff;
	v11 =	vadd.f32 v52, v48;
	v58 =	vmul.f32 v47, v29  }
0x727: {  	v8 =	vadd.f32 v8, v9;
	v13 =	vadd.f32 v53, v13;
	v14 =	vmul.f32 v50, v29  }
0x728: {  	v9 =	vadd.f32 v56, v15;
	v16 =	vmul.f32 v51, v29;
	v11 =	vadd.f32 v58, v11  }
0x729: {  	v12 =	vadd.f32 v59, v12;
	v61 =	vmul.f32 v54, v29;
	v13 =	vadd.f32 v14, v13  }
0x72a: {  	v8 =	vadd.f32 v60, v8;
	v62 =	vmul.f32 v57, v29;
	v9 =	vadd.f32 v16, v9;
	[tilespmem:$0xE3F0] =	vst v11  }
0x72b: {  	v10 =	vadd.f32 v55, v10;
	v7 =	vmul.f32 v7, v29;
	v63 =	vadd.f32 v61, v12;
	[tilespmem:$0xE470] =	vst v13  }
0x72c: {  	v8 =	vadd.f32 v62, v8;
	[tilespmem:$0xE4F0] =	vst v9  }
0x72d: {  	s19 =	sld [smem:$0x7FB];
	v7 =	vadd.f32 v7, v10;
	[tilespmem:$0xE570] =	vst v63  }
0x72e: {  	[tilespmem:$0xE5F0] =	vst v8  }
0x72f: {  	[tilespmem:$0xE670] =	vst v7  }
0x730: {  	[hbm4b:s19+s1] =	stream.linear.scatter [tilespmem:s12], [sflag:$0x2], $0x80, $0x38;
	[tilespmem:$0xE680] =	vst v63  }
0x731: {  	_ =	swait.ge [sflag:s28], $0x80  }
0x732: {  	s20 =	sld [smem:$0x7FC]  }
0x733: {  	[sflag:s28] =	ssyncset.done $0x0  }
0x734: {  	[sflag:s28] =	ssyncadd.s32 $0xFFFFFF80  }
0x735: {  	[hbm4b:s20+s1] =	stream.linear.scatter [tilespmem:s13], [sflag:$0x2], $0x80, $0x38;
	[tilespmem:$0xE680] =	vst v63  }
0x736: {  	_ =	swait.ge [sflag:s28], $0x80  }
0x737: {  	s20 =	sld [smem:$0x7FD]  }
0x738: {  	[sflag:s28] =	ssyncset.done $0x0  }
0x739: {  	[sflag:s28] =	ssyncadd.s32 $0xFFFFFF80  }
0x73a: {  	[hbm4b:s20+s1] =	stream.linear.scatter [tilespmem:s14], [sflag:$0x2], $0x80, $0x38;
	[tilespmem:$0xE680] =	vst v63  }
0x73b: {  	_ =	swait.ge [sflag:s28], $0x80  }
0x73c: {  	[sflag:s28] =	ssyncset.done $0x0  }
0x73d: {  	[sflag:s28] =	ssyncadd.s32 $0xFFFFFF80  }
0x73e: {  	[hbm4b:s21+s1] =	stream.linear.scatter [tilespmem:s15], [sflag:$0x2], $0x80, $0x38;
	[tilespmem:$0xE680] =	vst v63  }
0x73f: {  	_ =	swait.ge [sflag:s28], $0x80  }
0x740: {  	[sflag:s28] =	ssyncset.done $0x0  }
0x741: {  	[sflag:s28] =	ssyncadd.s32 $0xFFFFFF80  }
0x742: {  	[hbm4b:s22+s1] =	stream.linear.scatter [tilespmem:s16], [sflag:$0x2], $0x80, $0x38;
	[tilespmem:$0xE680] =	vst v63  }
0x743: {  	s18 =	sadd.s32 $0x1, s18;
	_ =	swait.ge [sflag:s28], $0x80  }
0x744: {  	p0 =	sne.s32 s18, s26;
	[sflag:s28] =	ssyncset.done $0x0  }
.Ltmp32:
0x745: {  	[sflag:s28] =	ssyncadd.s32 $0xFFFFFF80;
	(pc) =	sbr.rel @p0 .LBB2_1-.Ltmp32, $4  }
0x746: {  	[hbm4b:s23+s1] =	stream.linear.scatter [tilespmem:s17], [sflag:$0x2], $0x80, $0x38;
	[tilespmem:$0xE680] =	vst v63  }
0x747: {  	_ =	swait.ge [sflag:s28], $0x80  }
0x748: {  	[sflag:s28] =	ssyncset.done $0x0  }
0x749: {  	[sflag:s28] =	ssyncadd.s32 $0xFFFFFF80  }
0x74a: {  	_ =	sfence.sel $0x180000  }
0x74b: {  	[bflag:$0x0] =	sbarrier.arrive $0xFFFF  }
0x74c: {  	_ =	strace $0x90000047  }
0x74d: {  	s0 =	stileid.u32;
	[bflag:$0x2] =	sbarrier.arrive $0xFFFF  }
0x74e: {  	p0 =	sne.s32 s0, $0x0;
	s0 =	rddreg [dreg:$0x3]  }
0x74f: {  	s0 =	sadd.s32 @!p0 $0x100000, s0  }
0x750: {  	[sflag:s0] =	ssyncadd.tile.s32 @!p0 $0x1;
	_ =	shalt  }
.Lfunc_end2:
_tile_overlayer_lowered:
.L_overlay_start_2:
0x751: {  	(tag) =	ssettag $0x2  }
0x752: {  	s0 =	rddreg [dreg:$0x0];
	s2 =	stileid.u32  }
0x753: {  	s1 =	rddreg [dreg:$0x1];
	p0 =	sne.s32 s2, $0x0  }
0x754: {  	s3 =	rddreg [dreg:$0x2];
	[bflag:$0x3] =	sbarrier.arrive $0xFFFF;
	s2 =	simm.s32 @!p0 $0x1C02  }
0x755: {  	[timem:s3], [sflag:s2] =	dma.local @!p0 [hbm:s0], s1  }
0x756: {  	s0 =	simm.s32 @!p0 $0x2  }
0x757: {  	_ =	swait.ge @!p0 [sflag:s0], s1  }
0x758: {  	s1 =	ssub.s32 @!p0 $0x0, s1;
	[sflag:s0] =	ssyncset.done @!p0 $0x0  }
0x759: {  	[sflag:s0] =	ssyncadd.s32 @!p0 s1  }
0x75a: {  	[bflag:$0x3] =	sbarrier.arrive $0xFFFF  }
0x75b: {  	_ =	shalt  }

</sc_bundles>
